<compile_context>
chip_gen: v7x
topology: tpu7x:2x2x1
jax: 0.10.2.dev20260603
libtpu: 0.0.44.dev20260713+nightly
codegen_flags: <defaults>
</compile_context>

<pallas_src>
import functools

import jax
import jax.numpy as jnp
from jax import lax
from jax.experimental import pallas as pl
from jax.experimental.pallas import tpu as pltpu
from jax.experimental.pallas import tpu_sc as plsc

N = 10000
E = 320000
D = 128
EPS = 1e-5

NC = 2
NS = 16
NW = NC * NS

K = 64
CHUNKS_PER_W = 160
E_PAD = NW * K * CHUNKS_PER_W
N_PAD = 10240
ROWS_PER_TILE = N_PAD // NS
PAD_DST = N + 16


def _make_agg(with_counts: bool):
    mesh = plsc.VectorSubcoreMesh(core_axis_name="c", subcore_axis_name="s",
                                  num_cores=NC, num_subcores=NS)
    out_type = [jax.ShapeDtypeStruct((NC, N_PAD, D), jnp.float32)]
    if with_counts:
        out_type.append(jax.ShapeDtypeStruct((NC, N_PAD), jnp.float32))

    def body(table_hbm, src_hbm, dst_hbm, *rest):
        if with_counts:
            (acc_out, cnt_out, src_v, dst_v, rows_v, ones_v,
             acc_sh, cnt_sh, sg0, sg1, ss0, ss1, sc) = rest
        else:
            (acc_out, src_v, dst_v, rows_v, acc_sh,
             sg0, sg1, ss0, ss1, sc) = rest
        cid = lax.axis_index("c")
        sid = lax.axis_index("s")
        wid = sid * NC + cid
        gsems = (sg0, sg1)
        ssems = (ss0, ss1)

        def zrow(r, _):
            for c8 in range(D // 16):
                rows_v[0, r, pl.ds(c8 * 16, 16)] = jnp.zeros((16,), jnp.float32)
            return _
        lax.fori_loop(0, K, zrow, None)
        if with_counts:
            for c8 in range(K // 16):
                ones_v[pl.ds(c8 * 16, 16)] = jnp.ones((16,), jnp.float32)

        for k in range(ROWS_PER_TILE // K):
            pltpu.sync_copy(rows_v.at[0],
                            acc_sh.at[pl.ds(sid * ROWS_PER_TILE + k * K, K)])
        if with_counts:
            for k in range(ROWS_PER_TILE // D):
                pltpu.sync_copy(rows_v.at[0, 0],
                                cnt_sh.at[pl.ds(sid * ROWS_PER_TILE + k * D, D)])
        plsc.subcore_barrier()

        def gather(c, b):
            pltpu.async_copy(table_hbm.at[src_v.at[c]], rows_v.at[b], gsems[b])

        def gwait(b):
            pltpu.make_async_copy(table_hbm.at[src_v.at[0]], rows_v.at[b],
                                  gsems[b]).wait()

        def scatter(c, b):
            pltpu.async_copy(rows_v.at[b], acc_sh.at[dst_v.at[c]], ssems[b],
                             add=True)
            if with_counts:
                pltpu.async_copy(ones_v, cnt_sh.at[dst_v.at[c]], sc, add=True)

        def swait(b):
            pltpu.make_async_copy(rows_v.at[b], acc_sh.at[dst_v.at[0]],
                                  ssems[b]).wait()

        def cdrain():
            if with_counts:
                def cw(i, _):
                    pltpu.make_async_copy(ones_v, cnt_sh.at[dst_v.at[0]],
                                          sc).wait()
                    return _
                lax.fori_loop(0, CHUNKS_PER_W // 2, cw, None)

        CH = CHUNKS_PER_W // 2
        for half in range(2):
            row0 = wid * CHUNKS_PER_W + half * CH
            pltpu.sync_copy(src_hbm.at[pl.ds(row0, CH)], src_v)
            pltpu.sync_copy(dst_hbm.at[pl.ds(row0, CH)], dst_v)

            gather(0, 0)
            gather(1, 1)

            def step(u, _):
                c0 = 2 * u
                gwait(0)
                scatter(c0, 0)
                gwait(1)
                scatter(c0 + 1, 1)
                swait(0)
                gather(c0 + 2, 0)
                swait(1)
                gather(c0 + 3, 1)
                return _
            lax.fori_loop(0, (CH - 2) // 2, step, None)

            gwait(0)
            scatter(CH - 2, 0)
            gwait(1)
            scatter(CH - 1, 1)
            swait(0)
            swait(1)
            cdrain()
        plsc.subcore_barrier()

        pltpu.sync_copy(acc_sh.at[pl.ds(sid * ROWS_PER_TILE, ROWS_PER_TILE)],
                        acc_out.at[cid, pl.ds(sid * ROWS_PER_TILE, ROWS_PER_TILE)])
        if with_counts:
            pltpu.sync_copy(cnt_sh.at[pl.ds(sid * ROWS_PER_TILE, ROWS_PER_TILE)],
                            cnt_out.at[cid, pl.ds(sid * ROWS_PER_TILE, ROWS_PER_TILE)])

    scratch = [
        pltpu.VMEM((CHUNKS_PER_W // 2, K), jnp.int32),
        pltpu.VMEM((CHUNKS_PER_W // 2, K), jnp.int32),
        pltpu.VMEM((2, K, D), jnp.float32),
    ]
    if with_counts:
        scratch += [
            pltpu.VMEM((K,), jnp.float32),
            pltpu.VMEM_SHARED((N_PAD, D), jnp.float32),
            pltpu.VMEM_SHARED((N_PAD,), jnp.float32),
        ]
    else:
        scratch += [
            pltpu.VMEM_SHARED((N_PAD, D), jnp.float32),
        ]
    scratch += [pltpu.SemaphoreType.DMA] * 5

    return pl.kernel(body, out_type=tuple(out_type), mesh=mesh,
                     scratch_types=tuple(scratch))


@functools.lru_cache(maxsize=None)
def _get_agg(with_counts: bool):
    return _make_agg(with_counts)


def _tc_layer(residual: bool):
    def body(x_ref, parts_ref, cnt_ref, wl_ref, wr_ref, b_ref, g_ref,
             be_ref, *rest):
        if residual:
            res_ref, out_ref = rest
        else:
            (out_ref,) = rest
        s = parts_ref[0, pl.ds(0, N), :] + parts_ref[1, pl.ds(0, N), :]
        c = cnt_ref[0, pl.ds(0, N), :] + cnt_ref[1, pl.ds(0, N), :]
        mean = s * (1.0 / jnp.maximum(c, 1.0))
        h = (jnp.dot(mean, wl_ref[...], preferred_element_type=jnp.float32)
             + jnp.dot(x_ref[...], wr_ref[...], preferred_element_type=jnp.float32)
             + b_ref[...])
        mu = jnp.mean(h, axis=0, keepdims=True)
        var = jnp.mean((h - mu) ** 2, axis=0, keepdims=True)
        hn = g_ref[...] * (h - mu) * lax.rsqrt(var + EPS) + be_ref[...]
        if residual:
            hn = hn + res_ref[...]
        out_ref[...] = jnp.maximum(hn, 0.0)

    return pl.pallas_call(
        body, out_shape=jax.ShapeDtypeStruct((N, D), jnp.float32))


_tc1 = _tc_layer(False)
_tc2 = _tc_layer(True)


def kernel(x, edge_index, W1l, W1r, b1, g1, be1, W2l, W2r, b2, g2, be2):
    ei = edge_index.astype(jnp.int32)
    pad = E_PAD - E
    src = jnp.concatenate([ei[0], jnp.zeros((pad,), jnp.int32)]).reshape(-1, K)
    dst = jnp.concatenate([ei[1], jnp.full((pad,), PAD_DST, jnp.int32)]).reshape(-1, K)

    parts1, cnts = _get_agg(True)(x, src, dst)
    cnt3 = cnts.reshape(NC, N_PAD, 1)
    h1 = _tc1(x, parts1, cnt3, W1l.T, W1r.T, b1.reshape(1, D),
              g1.reshape(1, D), be1.reshape(1, D))
    (parts2,) = _get_agg(False)(h1, src, dst)
    out = _tc2(h1, parts2, cnt3, W2l.T, W2r.T, b2.reshape(1, D),
               g2.reshape(1, D), be2.reshape(1, D), x)
    return out

# --- scband reference (transcript-rebuilt; emitter-appended) ---
"""Pipeline reference for scband-graph-sageres-block-85899345920543 (READ-ONLY COPY).

The authoritative reference and input builder live on the scoring server;
editing this copy changes nothing except your own understanding.
"""

import jax, jax.numpy as jnp
import numpy as np

N_NODES = 10000
N_EDGES = 320000
D = 128
EPS = 1e-5


def sage_conv(x, edge_index, Wl, Wr, b):
    # PyG SAGEConv with mean aggregation:
    # out_i = Wl @ mean_{j in N(i)} x_j + b + Wr @ x_i
    src = edge_index[0]
    dst = edge_index[1]
    n = x.shape[0]
    msgs = jnp.take(x, src, axis=0)
    summed = jax.ops.segment_sum(msgs, dst, num_segments=n)
    cnt = jax.ops.segment_sum(jnp.ones((edge_index.shape[1],), dtype=x.dtype), dst, num_segments=n)
    mean = summed / jnp.clip(cnt, 1.0)[:, None]
    return mean @ Wl.T + b + x @ Wr.T


def batch_norm(h, gamma, beta):
    mu = jnp.mean(h, axis=0)
    var = jnp.var(h, axis=0)
    return gamma * (h - mu) / jnp.sqrt(var + EPS) + beta


def setup_inputs(seed: int = 0) -> dict:
    key = jax.random.key(seed)
    ks = jax.random.split(key, 12)
    x = jax.random.normal(ks[0], (N_NODES, D), dtype=jnp.float32)
    edge_index = jax.random.randint(ks[1], (2, N_EDGES), 0, N_NODES, dtype=jnp.int64)
    s = 1.0 / np.sqrt(D)
    W1l = jax.random.uniform(ks[2], (D, D), jnp.float32, -s, s)
    W1r = jax.random.uniform(ks[3], (D, D), jnp.float32, -s, s)
    b1 = jnp.zeros((D,), jnp.float32)
    g1 = jnp.ones((D,), jnp.float32)
    be1 = jnp.zeros((D,), jnp.float32)
    W2l = jax.random.uniform(ks[4], (D, D), jnp.float32, -s, s)
    W2r = jax.random.uniform(ks[5], (D, D), jnp.float32, -s, s)
    b2 = jnp.zeros((D,), jnp.float32)
    g2 = jnp.ones((D,), jnp.float32)
    be2 = jnp.zeros((D,), jnp.float32)
    return {"x": x, "edge_index": edge_index, "W1l": W1l, "W1r": W1r, "b1": b1,
            "g1": g1, "be1": be1, "W2l": W2l, "W2r": W2r, "b2": b2, "g2": g2, "be2": be2}


def reference(x, edge_index, W1l, W1r, b1, g1, be1, W2l, W2r, b2, g2, be2):
    # in_channels == out_channels -> no conv3 branch; dropout is identity (eval)
    h = sage_conv(x, edge_index, W1l, W1r, b1)
    h = batch_norm(h, g1, be1)
    h = jax.nn.relu(h)
    h = sage_conv(h, edge_index, W2l, W2r, b2)
    h = batch_norm(h, g2, be2)
    h = h + x
    h = jax.nn.relu(h)
    return h

if __name__ == "__main__":
    import jax
    _d = setup_inputs()
    print(jax.jit(kernel)(*tuple(_d.values())))

</pallas_src>

<mosaic_0001>
#map = affine_map<(d0, d1) -> (0, 0)>
#map1 = affine_map<(d0, d1) -> (0, 0, 0)>
module attributes {stable_mosaic.version = 14 : i64} {
  func.func @body(%arg0: i32, %arg1: i32, %arg2: memref<10000x128xf32, #tpu.memory_space<hbm>>, %arg3: memref<5120x64xi32, #tpu.memory_space<hbm>>, %arg4: memref<5120x64xi32, #tpu.memory_space<hbm>>, %arg5: memref<2x10240x128xf32, #tpu.memory_space<hbm>>, %arg6: memref<80x64xi32, #tpu.memory_space<vmem>>, %arg7: memref<80x64xi32, #tpu.memory_space<vmem>>, %arg8: memref<2x64x128xf32, #tpu.memory_space<vmem>>, %arg9: memref<10240x128xf32, #tpu.memory_space<vmem_shared>>, %arg10: memref<!tpu.dma_semaphore, #tpu.memory_space<semaphore_mem>>, %arg11: memref<!tpu.dma_semaphore, #tpu.memory_space<semaphore_mem>>, %arg12: memref<!tpu.dma_semaphore, #tpu.memory_space<semaphore_mem>>, %arg13: memref<!tpu.dma_semaphore, #tpu.memory_space<semaphore_mem>>, %arg14: memref<!tpu.dma_semaphore, #tpu.memory_space<semaphore_mem>>) attributes {dimension_semantics = [#tpu.dimension_semantics<core_parallel>, #tpu.dimension_semantics<subcore_parallel>], iteration_bounds = array<i64: 2, 16>, scalar_prefetch = 0 : i64, scratch_operands = 9 : i64, tpu.core_type = #tpu.core_type<sc_vector_subcore>, window_params = [{transform_indices = #map}, {transform_indices = #map}, {transform_indices = #map}, {transform_indices = #map1}]} {
    %mul3A = arith.constant 2 : i32
    %mul3A_0 = arith.muli %arg1, %mul3A : i32
    %add3A = arith.addi %mul3A_0, %arg0 : i32
    %scan3A = arith.constant 0 : i32
    %scan3A_1 = arith.constant 64 : i32
    %scan3A_2 = arith.addi %scan3A, %scan3A_1 : i32
    %scan3A_3 = arith.constant 1 : i32
    scf.for %scan3A_267 = %scan3A to %scan3A_2 step %scan3A_3  : i32 {
      %broadcast_in_dim3A = arith.constant 0.000000e+00 : f32
      %broadcast_in_dim3A_268 = vector.broadcast %broadcast_in_dim3A : f32 to vector<16xf32>
      %swap3A = arith.constant 0 : i32
      %swap3A_269 = arith.index_cast %swap3A : i32 to index
      %swap3A_270 = arith.index_cast %scan3A_267 : i32 to index
      %swap3A_271 = arith.constant 0 : index
      %swap3A_272 = tpu.vector_load %arg8[%swap3A_269, %swap3A_270, %swap3A_271] {strides = array<i32>} : memref<2x64x128xf32, #tpu.memory_space<vmem>>, vector<1x1x16xf32>,
      %swap3A_273 = vector.shape_cast %swap3A_272 : vector<1x1x16xf32> to vector<16xf32>
      %swap3A_274 = vector.shape_cast %broadcast_in_dim3A_268 : vector<16xf32> to vector<1x1x16xf32>
      tpu.vector_store %arg8[%swap3A_269, %swap3A_270, %swap3A_271], %swap3A_274 {strides = array<i32>} : memref<2x64x128xf32, #tpu.memory_space<vmem>>, vector<1x1x16xf32>,
      %broadcast_in_dim3A_275 = arith.constant 0.000000e+00 : f32
      %broadcast_in_dim3A_276 = vector.broadcast %broadcast_in_dim3A_275 : f32 to vector<16xf32>
      %swap3A_277 = arith.constant 0 : i32
      %swap3A_278 = arith.index_cast %swap3A_277 : i32 to index
      %swap3A_279 = arith.index_cast %scan3A_267 : i32 to index
      %swap3A_280 = arith.constant 16 : index
      %swap3A_281 = tpu.vector_load %arg8[%swap3A_278, %swap3A_279, %swap3A_280] {strides = array<i32>} : memref<2x64x128xf32, #tpu.memory_space<vmem>>, vector<1x1x16xf32>,
      %swap3A_282 = vector.shape_cast %swap3A_281 : vector<1x1x16xf32> to vector<16xf32>
      %swap3A_283 = vector.shape_cast %broadcast_in_dim3A_276 : vector<16xf32> to vector<1x1x16xf32>
      tpu.vector_store %arg8[%swap3A_278, %swap3A_279, %swap3A_280], %swap3A_283 {strides = array<i32>} : memref<2x64x128xf32, #tpu.memory_space<vmem>>, vector<1x1x16xf32>,
      %broadcast_in_dim3A_284 = arith.constant 0.000000e+00 : f32
      %broadcast_in_dim3A_285 = vector.broadcast %broadcast_in_dim3A_284 : f32 to vector<16xf32>
      %swap3A_286 = arith.constant 0 : i32
      %swap3A_287 = arith.index_cast %swap3A_286 : i32 to index
      %swap3A_288 = arith.index_cast %scan3A_267 : i32 to index
      %swap3A_289 = arith.constant 32 : index
      %swap3A_290 = tpu.vector_load %arg8[%swap3A_287, %swap3A_288, %swap3A_289] {strides = array<i32>} : memref<2x64x128xf32, #tpu.memory_space<vmem>>, vector<1x1x16xf32>,
      %swap3A_291 = vector.shape_cast %swap3A_290 : vector<1x1x16xf32> to vector<16xf32>
      %swap3A_292 = vector.shape_cast %broadcast_in_dim3A_285 : vector<16xf32> to vector<1x1x16xf32>
      tpu.vector_store %arg8[%swap3A_287, %swap3A_288, %swap3A_289], %swap3A_292 {strides = array<i32>} : memref<2x64x128xf32, #tpu.memory_space<vmem>>, vector<1x1x16xf32>,
      %broadcast_in_dim3A_293 = arith.constant 0.000000e+00 : f32
      %broadcast_in_dim3A_294 = vector.broadcast %broadcast_in_dim3A_293 : f32 to vector<16xf32>
      %swap3A_295 = arith.constant 0 : i32
      %swap3A_296 = arith.index_cast %swap3A_295 : i32 to index
      %swap3A_297 = arith.index_cast %scan3A_267 : i32 to index
      %swap3A_298 = arith.constant 48 : index
      %swap3A_299 = tpu.vector_load %arg8[%swap3A_296, %swap3A_297, %swap3A_298] {strides = array<i32>} : memref<2x64x128xf32, #tpu.memory_space<vmem>>, vector<1x1x16xf32>,
      %swap3A_300 = vector.shape_cast %swap3A_299 : vector<1x1x16xf32> to vector<16xf32>
      %swap3A_301 = vector.shape_cast %broadcast_in_dim3A_294 : vector<16xf32> to vector<1x1x16xf32>
      tpu.vector_store %arg8[%swap3A_296, %swap3A_297, %swap3A_298], %swap3A_301 {strides = array<i32>} : memref<2x64x128xf32, #tpu.memory_space<vmem>>, vector<1x1x16xf32>,
      %broadcast_in_dim3A_302 = arith.constant 0.000000e+00 : f32
      %broadcast_in_dim3A_303 = vector.broadcast %broadcast_in_dim3A_302 : f32 to vector<16xf32>
      %swap3A_304 = arith.constant 0 : i32
      %swap3A_305 = arith.index_cast %swap3A_304 : i32 to index
      %swap3A_306 = arith.index_cast %scan3A_267 : i32 to index
      %swap3A_307 = arith.constant 64 : index
      %swap3A_308 = tpu.vector_load %arg8[%swap3A_305, %swap3A_306, %swap3A_307] {strides = array<i32>} : memref<2x64x128xf32, #tpu.memory_space<vmem>>, vector<1x1x16xf32>,
      %swap3A_309 = vector.shape_cast %swap3A_308 : vector<1x1x16xf32> to vector<16xf32>
      %swap3A_310 = vector.shape_cast %broadcast_in_dim3A_303 : vector<16xf32> to vector<1x1x16xf32>
      tpu.vector_store %arg8[%swap3A_305, %swap3A_306, %swap3A_307], %swap3A_310 {strides = array<i32>} : memref<2x64x128xf32, #tpu.memory_space<vmem>>, vector<1x1x16xf32>,
      %broadcast_in_dim3A_311 = arith.constant 0.000000e+00 : f32
      %broadcast_in_dim3A_312 = vector.broadcast %broadcast_in_dim3A_311 : f32 to vector<16xf32>
      %swap3A_313 = arith.constant 0 : i32
      %swap3A_314 = arith.index_cast %swap3A_313 : i32 to index
      %swap3A_315 = arith.index_cast %scan3A_267 : i32 to index
      %swap3A_316 = arith.constant 80 : index
      %swap3A_317 = tpu.vector_load %arg8[%swap3A_314, %swap3A_315, %swap3A_316] {strides = array<i32>} : memref<2x64x128xf32, #tpu.memory_space<vmem>>, vector<1x1x16xf32>,
      %swap3A_318 = vector.shape_cast %swap3A_317 : vector<1x1x16xf32> to vector<16xf32>
      %swap3A_319 = vector.shape_cast %broadcast_in_dim3A_312 : vector<16xf32> to vector<1x1x16xf32>
      tpu.vector_store %arg8[%swap3A_314, %swap3A_315, %swap3A_316], %swap3A_319 {strides = array<i32>} : memref<2x64x128xf32, #tpu.memory_space<vmem>>, vector<1x1x16xf32>,
      %broadcast_in_dim3A_320 = arith.constant 0.000000e+00 : f32
      %broadcast_in_dim3A_321 = vector.broadcast %broadcast_in_dim3A_320 : f32 to vector<16xf32>
      %swap3A_322 = arith.constant 0 : i32
      %swap3A_323 = arith.index_cast %swap3A_322 : i32 to index
      %swap3A_324 = arith.index_cast %scan3A_267 : i32 to index
      %swap3A_325 = arith.constant 96 : index
      %swap3A_326 = tpu.vector_load %arg8[%swap3A_323, %swap3A_324, %swap3A_325] {strides = array<i32>} : memref<2x64x128xf32, #tpu.memory_space<vmem>>, vector<1x1x16xf32>,
      %swap3A_327 = vector.shape_cast %swap3A_326 : vector<1x1x16xf32> to vector<16xf32>
      %swap3A_328 = vector.shape_cast %broadcast_in_dim3A_321 : vector<16xf32> to vector<1x1x16xf32>
      tpu.vector_store %arg8[%swap3A_323, %swap3A_324, %swap3A_325], %swap3A_328 {strides = array<i32>} : memref<2x64x128xf32, #tpu.memory_space<vmem>>, vector<1x1x16xf32>,
      %broadcast_in_dim3A_329 = arith.constant 0.000000e+00 : f32
      %broadcast_in_dim3A_330 = vector.broadcast %broadcast_in_dim3A_329 : f32 to vector<16xf32>
      %swap3A_331 = arith.constant 0 : i32
      %swap3A_332 = arith.index_cast %swap3A_331 : i32 to index
      %swap3A_333 = arith.index_cast %scan3A_267 : i32 to index
      %swap3A_334 = arith.constant 112 : index
      %swap3A_335 = tpu.vector_load %arg8[%swap3A_332, %swap3A_333, %swap3A_334] {strides = array<i32>} : memref<2x64x128xf32, #tpu.memory_space<vmem>>, vector<1x1x16xf32>,
      %swap3A_336 = vector.shape_cast %swap3A_335 : vector<1x1x16xf32> to vector<16xf32>
      %swap3A_337 = vector.shape_cast %broadcast_in_dim3A_330 : vector<16xf32> to vector<1x1x16xf32>
      tpu.vector_store %arg8[%swap3A_332, %swap3A_333, %swap3A_334], %swap3A_337 {strides = array<i32>} : memref<2x64x128xf32, #tpu.memory_space<vmem>>, vector<1x1x16xf32>,
    }
    %scan3A_4 = arith.constant 64 : i32
    %mul3A_5 = arith.constant 640 : i32
    %mul3A_6 = arith.muli %arg1, %mul3A_5 : i32
    %add3A_7 = arith.constant 0 : i32
    %add3A_8 = arith.addi %mul3A_6, %add3A_7 : i32
    %run_scoped3A = arith.constant 0 : i32
    "tpu.region"() ({
      %run_scoped3A_267 = tpu.sem_alloc : memref<!tpu.dma_semaphore, #tpu.memory_space<semaphore_mem>>
      %dma_start3A_268 = arith.constant 0 : i32
      %dma_start3A_269 = arith.constant 0 : i32
      %dma_start3A_270 = tpu.memref_slice %arg8[%run_scoped3A, %dma_start3A_268, %dma_start3A_269] : memref<2x64x128xf32, #tpu.memory_space<vmem>> -> memref<1x64x128xf32, #tpu.memory_space<vmem>>
      %dma_start3A_271 = tpu.memref_squeeze %dma_start3A_270 : memref<1x64x128xf32, #tpu.memory_space<vmem>> -> memref<64x128xf32, #tpu.memory_space<vmem>>
      %dma_start3A_272 = arith.constant 0 : i32
      %dma_start3A_273 = tpu.memref_slice %arg9[%add3A_8, %dma_start3A_272] : memref<10240x128xf32, #tpu.memory_space<vmem_shared>> -> memref<64x128xf32, #tpu.memory_space<vmem_shared>>
      %dma_start3A_274 = arith.constant 0 : i32
      %dma_start3A_275 = tpu.memref_slice %arg9[%add3A_8, %dma_start3A_274] : memref<10240x128xf32, #tpu.memory_space<vmem_shared>> -> memref<64x128xf32, #tpu.memory_space<vmem_shared>>
      %dma_start3A_276 = arith.constant 0 : i32
      %dma_start3A_277 = arith.constant 0 : i32
      %dma_start3A_278 = tpu.memref_slice %arg8[%run_scoped3A, %dma_start3A_276, %dma_start3A_277] : memref<2x64x128xf32, #tpu.memory_space<vmem>> -> memref<1x64x128xf32, #tpu.memory_space<vmem>>
      %dma_start3A_279 = tpu.memref_squeeze %dma_start3A_278 : memref<1x64x128xf32, #tpu.memory_space<vmem>> -> memref<64x128xf32, #tpu.memory_space<vmem>>
      tpu.enqueue_dma source(%dma_start3A_279 : memref<64x128xf32, #tpu.memory_space<vmem>>) target(%dma_start3A_275 : memref<64x128xf32, #tpu.memory_space<vmem_shared>>) target_semaphore(%run_scoped3A_267 : memref<!tpu.dma_semaphore, #tpu.memory_space<semaphore_mem>>)
      %dma_wait3A_280 = arith.constant 0 : i32
      %dma_wait3A_281 = arith.constant 0 : i32
      %dma_wait3A_282 = tpu.memref_slice %arg8[%run_scoped3A, %dma_wait3A_280, %dma_wait3A_281] : memref<2x64x128xf32, #tpu.memory_space<vmem>> -> memref<1x64x128xf32, #tpu.memory_space<vmem>>
      %dma_wait3A_283 = tpu.memref_squeeze %dma_wait3A_282 : memref<1x64x128xf32, #tpu.memory_space<vmem>> -> memref<64x128xf32, #tpu.memory_space<vmem>>
      %dma_wait3A_284 = arith.constant 0 : i32
      %dma_wait3A_285 = tpu.memref_slice %arg9[%add3A_8, %dma_wait3A_284] : memref<10240x128xf32, #tpu.memory_space<vmem_shared>> -> memref<64x128xf32, #tpu.memory_space<vmem_shared>>
      %dma_wait3A_286 = arith.constant 0 : i32
      %dma_wait3A_287 = tpu.memref_slice %arg9[%add3A_8, %dma_wait3A_286] : memref<10240x128xf32, #tpu.memory_space<vmem_shared>> -> memref<64x128xf32, #tpu.memory_space<vmem_shared>>
      %dma_wait3A_288 = arith.constant 0 : i32
      %dma_wait3A_289 = arith.constant 0 : i32
      %dma_wait3A_290 = tpu.memref_slice %arg8[%run_scoped3A, %dma_wait3A_288, %dma_wait3A_289] : memref<2x64x128xf32, #tpu.memory_space<vmem>> -> memref<1x64x128xf32, #tpu.memory_space<vmem>>
      %dma_wait3A_291 = tpu.memref_squeeze %dma_wait3A_290 : memref<1x64x128xf32, #tpu.memory_space<vmem>> -> memref<64x128xf32, #tpu.memory_space<vmem>>
      tpu.wait_dma2 semaphore(%run_scoped3A_267 : memref<!tpu.dma_semaphore, #tpu.memory_space<semaphore_mem>>) src(%dma_wait3A_291 : memref<64x128xf32, #tpu.memory_space<vmem>>) dst(%dma_wait3A_287 : memref<64x128xf32, #tpu.memory_space<vmem_shared>>)
      tpu.yield
    }) : () -> ()
    %mul3A_9 = arith.constant 640 : i32
    %mul3A_10 = arith.muli %arg1, %mul3A_9 : i32
    %add3A_11 = arith.constant 64 : i32
    %add3A_12 = arith.addi %mul3A_10, %add3A_11 : i32
    %run_scoped3A_13 = arith.constant 0 : i32
    "tpu.region"() ({
      %run_scoped3A_267 = tpu.sem_alloc : memref<!tpu.dma_semaphore, #tpu.memory_space<semaphore_mem>>
      %dma_start3A_268 = arith.constant 0 : i32
      %dma_start3A_269 = arith.constant 0 : i32
      %dma_start3A_270 = tpu.memref_slice %arg8[%run_scoped3A_13, %dma_start3A_268, %dma_start3A_269] : memref<2x64x128xf32, #tpu.memory_space<vmem>> -> memref<1x64x128xf32, #tpu.memory_space<vmem>>
      %dma_start3A_271 = tpu.memref_squeeze %dma_start3A_270 : memref<1x64x128xf32, #tpu.memory_space<vmem>> -> memref<64x128xf32, #tpu.memory_space<vmem>>
      %dma_start3A_272 = arith.constant 0 : i32
      %dma_start3A_273 = tpu.memref_slice %arg9[%add3A_12, %dma_start3A_272] : memref<10240x128xf32, #tpu.memory_space<vmem_shared>> -> memref<64x128xf32, #tpu.memory_space<vmem_shared>>
      %dma_start3A_274 = arith.constant 0 : i32
      %dma_start3A_275 = tpu.memref_slice %arg9[%add3A_12, %dma_start3A_274] : memref<10240x128xf32, #tpu.memory_space<vmem_shared>> -> memref<64x128xf32, #tpu.memory_space<vmem_shared>>
      %dma_start3A_276 = arith.constant 0 : i32
      %dma_start3A_277 = arith.constant 0 : i32
      %dma_start3A_278 = tpu.memref_slice %arg8[%run_scoped3A_13, %dma_start3A_276, %dma_start3A_277] : memref<2x64x128xf32, #tpu.memory_space<vmem>> -> memref<1x64x128xf32, #tpu.memory_space<vmem>>
      %dma_start3A_279 = tpu.memref_squeeze %dma_start3A_278 : memref<1x64x128xf32, #tpu.memory_space<vmem>> -> memref<64x128xf32, #tpu.memory_space<vmem>>
      tpu.enqueue_dma source(%dma_start3A_279 : memref<64x128xf32, #tpu.memory_space<vmem>>) target(%dma_start3A_275 : memref<64x128xf32, #tpu.memory_space<vmem_shared>>) target_semaphore(%run_scoped3A_267 : memref<!tpu.dma_semaphore, #tpu.memory_space<semaphore_mem>>)
      %dma_wait3A_280 = arith.constant 0 : i32
      %dma_wait3A_281 = arith.constant 0 : i32
      %dma_wait3A_282 = tpu.memref_slice %arg8[%run_scoped3A_13, %dma_wait3A_280, %dma_wait3A_281] : memref<2x64x128xf32, #tpu.memory_space<vmem>> -> memref<1x64x128xf32, #tpu.memory_space<vmem>>
      %dma_wait3A_283 = tpu.memref_squeeze %dma_wait3A_282 : memref<1x64x128xf32, #tpu.memory_space<vmem>> -> memref<64x128xf32, #tpu.memory_space<vmem>>
      %dma_wait3A_284 = arith.constant 0 : i32
      %dma_wait3A_285 = tpu.memref_slice %arg9[%add3A_12, %dma_wait3A_284] : memref<10240x128xf32, #tpu.memory_space<vmem_shared>> -> memref<64x128xf32, #tpu.memory_space<vmem_shared>>
      %dma_wait3A_286 = arith.constant 0 : i32
      %dma_wait3A_287 = tpu.memref_slice %arg9[%add3A_12, %dma_wait3A_286] : memref<10240x128xf32, #tpu.memory_space<vmem_shared>> -> memref<64x128xf32, #tpu.memory_space<vmem_shared>>
      %dma_wait3A_288 = arith.constant 0 : i32
      %dma_wait3A_289 = arith.constant 0 : i32
      %dma_wait3A_290 = tpu.memref_slice %arg8[%run_scoped3A_13, %dma_wait3A_288, %dma_wait3A_289] : memref<2x64x128xf32, #tpu.memory_space<vmem>> -> memref<1x64x128xf32, #tpu.memory_space<vmem>>
      %dma_wait3A_291 = tpu.memref_squeeze %dma_wait3A_290 : memref<1x64x128xf32, #tpu.memory_space<vmem>> -> memref<64x128xf32, #tpu.memory_space<vmem>>
      tpu.wait_dma2 semaphore(%run_scoped3A_267 : memref<!tpu.dma_semaphore, #tpu.memory_space<semaphore_mem>>) src(%dma_wait3A_291 : memref<64x128xf32, #tpu.memory_space<vmem>>) dst(%dma_wait3A_287 : memref<64x128xf32, #tpu.memory_space<vmem_shared>>)
      tpu.yield
    }) : () -> ()
    %mul3A_14 = arith.constant 640 : i32
    %mul3A_15 = arith.muli %arg1, %mul3A_14 : i32
    %add3A_16 = arith.constant 128 : i32
    %add3A_17 = arith.addi %mul3A_15, %add3A_16 : i32
    %run_scoped3A_18 = arith.constant 0 : i32
    "tpu.region"() ({
      %run_scoped3A_267 = tpu.sem_alloc : memref<!tpu.dma_semaphore, #tpu.memory_space<semaphore_mem>>
      %dma_start3A_268 = arith.constant 0 : i32
      %dma_start3A_269 = arith.constant 0 : i32
      %dma_start3A_270 = tpu.memref_slice %arg8[%run_scoped3A_18, %dma_start3A_268, %dma_start3A_269] : memref<2x64x128xf32, #tpu.memory_space<vmem>> -> memref<1x64x128xf32, #tpu.memory_space<vmem>>
      %dma_start3A_271 = tpu.memref_squeeze %dma_start3A_270 : memref<1x64x128xf32, #tpu.memory_space<vmem>> -> memref<64x128xf32, #tpu.memory_space<vmem>>
      %dma_start3A_272 = arith.constant 0 : i32
      %dma_start3A_273 = tpu.memref_slice %arg9[%add3A_17, %dma_start3A_272] : memref<10240x128xf32, #tpu.memory_space<vmem_shared>> -> memref<64x128xf32, #tpu.memory_space<vmem_shared>>
      %dma_start3A_274 = arith.constant 0 : i32
      %dma_start3A_275 = tpu.memref_slice %arg9[%add3A_17, %dma_start3A_274] : memref<10240x128xf32, #tpu.memory_space<vmem_shared>> -> memref<64x128xf32, #tpu.memory_space<vmem_shared>>
      %dma_start3A_276 = arith.constant 0 : i32
      %dma_start3A_277 = arith.constant 0 : i32
      %dma_start3A_278 = tpu.memref_slice %arg8[%run_scoped3A_18, %dma_start3A_276, %dma_start3A_277] : memref<2x64x128xf32, #tpu.memory_space<vmem>> -> memref<1x64x128xf32, #tpu.memory_space<vmem>>
      %dma_start3A_279 = tpu.memref_squeeze %dma_start3A_278 : memref<1x64x128xf32, #tpu.memory_space<vmem>> -> memref<64x128xf32, #tpu.memory_space<vmem>>
      tpu.enqueue_dma source(%dma_start3A_279 : memref<64x128xf32, #tpu.memory_space<vmem>>) target(%dma_start3A_275 : memref<64x128xf32, #tpu.memory_space<vmem_shared>>) target_semaphore(%run_scoped3A_267 : memref<!tpu.dma_semaphore, #tpu.memory_space<semaphore_mem>>)
      %dma_wait3A_280 = arith.constant 0 : i32
      %dma_wait3A_281 = arith.constant 0 : i32
      %dma_wait3A_282 = tpu.memref_slice %arg8[%run_scoped3A_18, %dma_wait3A_280, %dma_wait3A_281] : memref<2x64x128xf32, #tpu.memory_space<vmem>> -> memref<1x64x128xf32, #tpu.memory_space<vmem>>
      %dma_wait3A_283 = tpu.memref_squeeze %dma_wait3A_282 : memref<1x64x128xf32, #tpu.memory_space<vmem>> -> memref<64x128xf32, #tpu.memory_space<vmem>>
      %dma_wait3A_284 = arith.constant 0 : i32
      %dma_wait3A_285 = tpu.memref_slice %arg9[%add3A_17, %dma_wait3A_284] : memref<10240x128xf32, #tpu.memory_space<vmem_shared>> -> memref<64x128xf32, #tpu.memory_space<vmem_shared>>
      %dma_wait3A_286 = arith.constant 0 : i32
      %dma_wait3A_287 = tpu.memref_slice %arg9[%add3A_17, %dma_wait3A_286] : memref<10240x128xf32, #tpu.memory_space<vmem_shared>> -> memref<64x128xf32, #tpu.memory_space<vmem_shared>>
      %dma_wait3A_288 = arith.constant 0 : i32
      %dma_wait3A_289 = arith.constant 0 : i32
      %dma_wait3A_290 = tpu.memref_slice %arg8[%run_scoped3A_18, %dma_wait3A_288, %dma_wait3A_289] : memref<2x64x128xf32, #tpu.memory_space<vmem>> -> memref<1x64x128xf32, #tpu.memory_space<vmem>>
      %dma_wait3A_291 = tpu.memref_squeeze %dma_wait3A_290 : memref<1x64x128xf32, #tpu.memory_space<vmem>> -> memref<64x128xf32, #tpu.memory_space<vmem>>
      tpu.wait_dma2 semaphore(%run_scoped3A_267 : memref<!tpu.dma_semaphore, #tpu.memory_space<semaphore_mem>>) src(%dma_wait3A_291 : memref<64x128xf32, #tpu.memory_space<vmem>>) dst(%dma_wait3A_287 : memref<64x128xf32, #tpu.memory_space<vmem_shared>>)
      tpu.yield
    }) : () -> ()
    %mul3A_19 = arith.constant 640 : i32
    %mul3A_20 = arith.muli %arg1, %mul3A_19 : i32
    %add3A_21 = arith.constant 192 : i32
    %add3A_22 = arith.addi %mul3A_20, %add3A_21 : i32
    %run_scoped3A_23 = arith.constant 0 : i32
    "tpu.region"() ({
      %run_scoped3A_267 = tpu.sem_alloc : memref<!tpu.dma_semaphore, #tpu.memory_space<semaphore_mem>>
      %dma_start3A_268 = arith.constant 0 : i32
      %dma_start3A_269 = arith.constant 0 : i32
      %dma_start3A_270 = tpu.memref_slice %arg8[%run_scoped3A_23, %dma_start3A_268, %dma_start3A_269] : memref<2x64x128xf32, #tpu.memory_space<vmem>> -> memref<1x64x128xf32, #tpu.memory_space<vmem>>
      %dma_start3A_271 = tpu.memref_squeeze %dma_start3A_270 : memref<1x64x128xf32, #tpu.memory_space<vmem>> -> memref<64x128xf32, #tpu.memory_space<vmem>>
      %dma_start3A_272 = arith.constant 0 : i32
      %dma_start3A_273 = tpu.memref_slice %arg9[%add3A_22, %dma_start3A_272] : memref<10240x128xf32, #tpu.memory_space<vmem_shared>> -> memref<64x128xf32, #tpu.memory_space<vmem_shared>>
      %dma_start3A_274 = arith.constant 0 : i32
      %dma_start3A_275 = tpu.memref_slice %arg9[%add3A_22, %dma_start3A_274] : memref<10240x128xf32, #tpu.memory_space<vmem_shared>> -> memref<64x128xf32, #tpu.memory_space<vmem_shared>>
      %dma_start3A_276 = arith.constant 0 : i32
      %dma_start3A_277 = arith.constant 0 : i32
      %dma_start3A_278 = tpu.memref_slice %arg8[%run_scoped3A_23, %dma_start3A_276, %dma_start3A_277] : memref<2x64x128xf32, #tpu.memory_space<vmem>> -> memref<1x64x128xf32, #tpu.memory_space<vmem>>
      %dma_start3A_279 = tpu.memref_squeeze %dma_start3A_278 : memref<1x64x128xf32, #tpu.memory_space<vmem>> -> memref<64x128xf32, #tpu.memory_space<vmem>>
      tpu.enqueue_dma source(%dma_start3A_279 : memref<64x128xf32, #tpu.memory_space<vmem>>) target(%dma_start3A_275 : memref<64x128xf32, #tpu.memory_space<vmem_shared>>) target_semaphore(%run_scoped3A_267 : memref<!tpu.dma_semaphore, #tpu.memory_space<semaphore_mem>>)
      %dma_wait3A_280 = arith.constant 0 : i32
      %dma_wait3A_281 = arith.constant 0 : i32
      %dma_wait3A_282 = tpu.memref_slice %arg8[%run_scoped3A_23, %dma_wait3A_280, %dma_wait3A_281] : memref<2x64x128xf32, #tpu.memory_space<vmem>> -> memref<1x64x128xf32, #tpu.memory_space<vmem>>
      %dma_wait3A_283 = tpu.memref_squeeze %dma_wait3A_282 : memref<1x64x128xf32, #tpu.memory_space<vmem>> -> memref<64x128xf32, #tpu.memory_space<vmem>>
      %dma_wait3A_284 = arith.constant 0 : i32
      %dma_wait3A_285 = tpu.memref_slice %arg9[%add3A_22, %dma_wait3A_284] : memref<10240x128xf32, #tpu.memory_space<vmem_shared>> -> memref<64x128xf32, #tpu.memory_space<vmem_shared>>
      %dma_wait3A_286 = arith.constant 0 : i32
      %dma_wait3A_287 = tpu.memref_slice %arg9[%add3A_22, %dma_wait3A_286] : memref<10240x128xf32, #tpu.memory_space<vmem_shared>> -> memref<64x128xf32, #tpu.memory_space<vmem_shared>>
      %dma_wait3A_288 = arith.constant 0 : i32
      %dma_wait3A_289 = arith.constant 0 : i32
      %dma_wait3A_290 = tpu.memref_slice %arg8[%run_scoped3A_23, %dma_wait3A_288, %dma_wait3A_289] : memref<2x64x128xf32, #tpu.memory_space<vmem>> -> memref<1x64x128xf32, #tpu.memory_space<vmem>>
      %dma_wait3A_291 = tpu.memref_squeeze %dma_wait3A_290 : memref<1x64x128xf32, #tpu.memory_space<vmem>> -> memref<64x128xf32, #tpu.memory_space<vmem>>
      tpu.wait_dma2 semaphore(%run_scoped3A_267 : memref<!tpu.dma_semaphore, #tpu.memory_space<semaphore_mem>>) src(%dma_wait3A_291 : memref<64x128xf32, #tpu.memory_space<vmem>>) dst(%dma_wait3A_287 : memref<64x128xf32, #tpu.memory_space<vmem_shared>>)
      tpu.yield
    }) : () -> ()
    %mul3A_24 = arith.constant 640 : i32
    %mul3A_25 = arith.muli %arg1, %mul3A_24 : i32
    %add3A_26 = arith.constant 256 : i32
    %add3A_27 = arith.addi %mul3A_25, %add3A_26 : i32
    %run_scoped3A_28 = arith.constant 0 : i32
    "tpu.region"() ({
      %run_scoped3A_267 = tpu.sem_alloc : memref<!tpu.dma_semaphore, #tpu.memory_space<semaphore_mem>>
      %dma_start3A_268 = arith.constant 0 : i32
      %dma_start3A_269 = arith.constant 0 : i32
      %dma_start3A_270 = tpu.memref_slice %arg8[%run_scoped3A_28, %dma_start3A_268, %dma_start3A_269] : memref<2x64x128xf32, #tpu.memory_space<vmem>> -> memref<1x64x128xf32, #tpu.memory_space<vmem>>
      %dma_start3A_271 = tpu.memref_squeeze %dma_start3A_270 : memref<1x64x128xf32, #tpu.memory_space<vmem>> -> memref<64x128xf32, #tpu.memory_space<vmem>>
      %dma_start3A_272 = arith.constant 0 : i32
      %dma_start3A_273 = tpu.memref_slice %arg9[%add3A_27, %dma_start3A_272] : memref<10240x128xf32, #tpu.memory_space<vmem_shared>> -> memref<64x128xf32, #tpu.memory_space<vmem_shared>>
      %dma_start3A_274 = arith.constant 0 : i32
      %dma_start3A_275 = tpu.memref_slice %arg9[%add3A_27, %dma_start3A_274] : memref<10240x128xf32, #tpu.memory_space<vmem_shared>> -> memref<64x128xf32, #tpu.memory_space<vmem_shared>>
      %dma_start3A_276 = arith.constant 0 : i32
      %dma_start3A_277 = arith.constant 0 : i32
      %dma_start3A_278 = tpu.memref_slice %arg8[%run_scoped3A_28, %dma_start3A_276, %dma_start3A_277] : memref<2x64x128xf32, #tpu.memory_space<vmem>> -> memref<1x64x128xf32, #tpu.memory_space<vmem>>
      %dma_start3A_279 = tpu.memref_squeeze %dma_start3A_278 : memref<1x64x128xf32, #tpu.memory_space<vmem>> -> memref<64x128xf32, #tpu.memory_space<vmem>>
      tpu.enqueue_dma source(%dma_start3A_279 : memref<64x128xf32, #tpu.memory_space<vmem>>) target(%dma_start3A_275 : memref<64x128xf32, #tpu.memory_space<vmem_shared>>) target_semaphore(%run_scoped3A_267 : memref<!tpu.dma_semaphore, #tpu.memory_space<semaphore_mem>>)
      %dma_wait3A_280 = arith.constant 0 : i32
      %dma_wait3A_281 = arith.constant 0 : i32
      %dma_wait3A_282 = tpu.memref_slice %arg8[%run_scoped3A_28, %dma_wait3A_280, %dma_wait3A_281] : memref<2x64x128xf32, #tpu.memory_space<vmem>> -> memref<1x64x128xf32, #tpu.memory_space<vmem>>
      %dma_wait3A_283 = tpu.memref_squeeze %dma_wait3A_282 : memref<1x64x128xf32, #tpu.memory_space<vmem>> -> memref<64x128xf32, #tpu.memory_space<vmem>>
      %dma_wait3A_284 = arith.constant 0 : i32
      %dma_wait3A_285 = tpu.memref_slice %arg9[%add3A_27, %dma_wait3A_284] : memref<10240x128xf32, #tpu.memory_space<vmem_shared>> -> memref<64x128xf32, #tpu.memory_space<vmem_shared>>
      %dma_wait3A_286 = arith.constant 0 : i32
      %dma_wait3A_287 = tpu.memref_slice %arg9[%add3A_27, %dma_wait3A_286] : memref<10240x128xf32, #tpu.memory_space<vmem_shared>> -> memref<64x128xf32, #tpu.memory_space<vmem_shared>>
      %dma_wait3A_288 = arith.constant 0 : i32
      %dma_wait3A_289 = arith.constant 0 : i32
      %dma_wait3A_290 = tpu.memref_slice %arg8[%run_scoped3A_28, %dma_wait3A_288, %dma_wait3A_289] : memref<2x64x128xf32, #tpu.memory_space<vmem>> -> memref<1x64x128xf32, #tpu.memory_space<vmem>>
      %dma_wait3A_291 = tpu.memref_squeeze %dma_wait3A_290 : memref<1x64x128xf32, #tpu.memory_space<vmem>> -> memref<64x128xf32, #tpu.memory_space<vmem>>
      tpu.wait_dma2 semaphore(%run_scoped3A_267 : memref<!tpu.dma_semaphore, #tpu.memory_space<semaphore_mem>>) src(%dma_wait3A_291 : memref<64x128xf32, #tpu.memory_space<vmem>>) dst(%dma_wait3A_287 : memref<64x128xf32, #tpu.memory_space<vmem_shared>>)
      tpu.yield
    }) : () -> ()
    %mul3A_29 = arith.constant 640 : i32
    %mul3A_30 = arith.muli %arg1, %mul3A_29 : i32
    %add3A_31 = arith.constant 320 : i32
    %add3A_32 = arith.addi %mul3A_30, %add3A_31 : i32
    %run_scoped3A_33 = arith.constant 0 : i32
    "tpu.region"() ({
      %run_scoped3A_267 = tpu.sem_alloc : memref<!tpu.dma_semaphore, #tpu.memory_space<semaphore_mem>>
      %dma_start3A_268 = arith.constant 0 : i32
      %dma_start3A_269 = arith.constant 0 : i32
      %dma_start3A_270 = tpu.memref_slice %arg8[%run_scoped3A_33, %dma_start3A_268, %dma_start3A_269] : memref<2x64x128xf32, #tpu.memory_space<vmem>> -> memref<1x64x128xf32, #tpu.memory_space<vmem>>
      %dma_start3A_271 = tpu.memref_squeeze %dma_start3A_270 : memref<1x64x128xf32, #tpu.memory_space<vmem>> -> memref<64x128xf32, #tpu.memory_space<vmem>>
      %dma_start3A_272 = arith.constant 0 : i32
      %dma_start3A_273 = tpu.memref_slice %arg9[%add3A_32, %dma_start3A_272] : memref<10240x128xf32, #tpu.memory_space<vmem_shared>> -> memref<64x128xf32, #tpu.memory_space<vmem_shared>>
      %dma_start3A_274 = arith.constant 0 : i32
      %dma_start3A_275 = tpu.memref_slice %arg9[%add3A_32, %dma_start3A_274] : memref<10240x128xf32, #tpu.memory_space<vmem_shared>> -> memref<64x128xf32, #tpu.memory_space<vmem_shared>>
      %dma_start3A_276 = arith.constant 0 : i32
      %dma_start3A_277 = arith.constant 0 : i32
      %dma_start3A_278 = tpu.memref_slice %arg8[%run_scoped3A_33, %dma_start3A_276, %dma_start3A_277] : memref<2x64x128xf32, #tpu.memory_space<vmem>> -> memref<1x64x128xf32, #tpu.memory_space<vmem>>
      %dma_start3A_279 = tpu.memref_squeeze %dma_start3A_278 : memref<1x64x128xf32, #tpu.memory_space<vmem>> -> memref<64x128xf32, #tpu.memory_space<vmem>>
      tpu.enqueue_dma source(%dma_start3A_279 : memref<64x128xf32, #tpu.memory_space<vmem>>) target(%dma_start3A_275 : memref<64x128xf32, #tpu.memory_space<vmem_shared>>) target_semaphore(%run_scoped3A_267 : memref<!tpu.dma_semaphore, #tpu.memory_space<semaphore_mem>>)
      %dma_wait3A_280 = arith.constant 0 : i32
      %dma_wait3A_281 = arith.constant 0 : i32
      %dma_wait3A_282 = tpu.memref_slice %arg8[%run_scoped3A_33, %dma_wait3A_280, %dma_wait3A_281] : memref<2x64x128xf32, #tpu.memory_space<vmem>> -> memref<1x64x128xf32, #tpu.memory_space<vmem>>
      %dma_wait3A_283 = tpu.memref_squeeze %dma_wait3A_282 : memref<1x64x128xf32, #tpu.memory_space<vmem>> -> memref<64x128xf32, #tpu.memory_space<vmem>>
      %dma_wait3A_284 = arith.constant 0 : i32
      %dma_wait3A_285 = tpu.memref_slice %arg9[%add3A_32, %dma_wait3A_284] : memref<10240x128xf32, #tpu.memory_space<vmem_shared>> -> memref<64x128xf32, #tpu.memory_space<vmem_shared>>
      %dma_wait3A_286 = arith.constant 0 : i32
      %dma_wait3A_287 = tpu.memref_slice %arg9[%add3A_32, %dma_wait3A_286] : memref<10240x128xf32, #tpu.memory_space<vmem_shared>> -> memref<64x128xf32, #tpu.memory_space<vmem_shared>>
      %dma_wait3A_288 = arith.constant 0 : i32
      %dma_wait3A_289 = arith.constant 0 : i32
      %dma_wait3A_290 = tpu.memref_slice %arg8[%run_scoped3A_33, %dma_wait3A_288, %dma_wait3A_289] : memref<2x64x128xf32, #tpu.memory_space<vmem>> -> memref<1x64x128xf32, #tpu.memory_space<vmem>>
      %dma_wait3A_291 = tpu.memref_squeeze %dma_wait3A_290 : memref<1x64x128xf32, #tpu.memory_space<vmem>> -> memref<64x128xf32, #tpu.memory_space<vmem>>
      tpu.wait_dma2 semaphore(%run_scoped3A_267 : memref<!tpu.dma_semaphore, #tpu.memory_space<semaphore_mem>>) src(%dma_wait3A_291 : memref<64x128xf32, #tpu.memory_space<vmem>>) dst(%dma_wait3A_287 : memref<64x128xf32, #tpu.memory_space<vmem_shared>>)
      tpu.yield
    }) : () -> ()
    %mul3A_34 = arith.constant 640 : i32
    %mul3A_35 = arith.muli %arg1, %mul3A_34 : i32
    %add3A_36 = arith.constant 384 : i32
    %add3A_37 = arith.addi %mul3A_35, %add3A_36 : i32
    %run_scoped3A_38 = arith.constant 0 : i32
    "tpu.region"() ({
      %run_scoped3A_267 = tpu.sem_alloc : memref<!tpu.dma_semaphore, #tpu.memory_space<semaphore_mem>>
      %dma_start3A_268 = arith.constant 0 : i32
      %dma_start3A_269 = arith.constant 0 : i32
      %dma_start3A_270 = tpu.memref_slice %arg8[%run_scoped3A_38, %dma_start3A_268, %dma_start3A_269] : memref<2x64x128xf32, #tpu.memory_space<vmem>> -> memref<1x64x128xf32, #tpu.memory_space<vmem>>
      %dma_start3A_271 = tpu.memref_squeeze %dma_start3A_270 : memref<1x64x128xf32, #tpu.memory_space<vmem>> -> memref<64x128xf32, #tpu.memory_space<vmem>>
      %dma_start3A_272 = arith.constant 0 : i32
      %dma_start3A_273 = tpu.memref_slice %arg9[%add3A_37, %dma_start3A_272] : memref<10240x128xf32, #tpu.memory_space<vmem_shared>> -> memref<64x128xf32, #tpu.memory_space<vmem_shared>>
      %dma_start3A_274 = arith.constant 0 : i32
      %dma_start3A_275 = tpu.memref_slice %arg9[%add3A_37, %dma_start3A_274] : memref<10240x128xf32, #tpu.memory_space<vmem_shared>> -> memref<64x128xf32, #tpu.memory_space<vmem_shared>>
      %dma_start3A_276 = arith.constant 0 : i32
      %dma_start3A_277 = arith.constant 0 : i32
      %dma_start3A_278 = tpu.memref_slice %arg8[%run_scoped3A_38, %dma_start3A_276, %dma_start3A_277] : memref<2x64x128xf32, #tpu.memory_space<vmem>> -> memref<1x64x128xf32, #tpu.memory_space<vmem>>
      %dma_start3A_279 = tpu.memref_squeeze %dma_start3A_278 : memref<1x64x128xf32, #tpu.memory_space<vmem>> -> memref<64x128xf32, #tpu.memory_space<vmem>>
      tpu.enqueue_dma source(%dma_start3A_279 : memref<64x128xf32, #tpu.memory_space<vmem>>) target(%dma_start3A_275 : memref<64x128xf32, #tpu.memory_space<vmem_shared>>) target_semaphore(%run_scoped3A_267 : memref<!tpu.dma_semaphore, #tpu.memory_space<semaphore_mem>>)
      %dma_wait3A_280 = arith.constant 0 : i32
      %dma_wait3A_281 = arith.constant 0 : i32
      %dma_wait3A_282 = tpu.memref_slice %arg8[%run_scoped3A_38, %dma_wait3A_280, %dma_wait3A_281] : memref<2x64x128xf32, #tpu.memory_space<vmem>> -> memref<1x64x128xf32, #tpu.memory_space<vmem>>
      %dma_wait3A_283 = tpu.memref_squeeze %dma_wait3A_282 : memref<1x64x128xf32, #tpu.memory_space<vmem>> -> memref<64x128xf32, #tpu.memory_space<vmem>>
      %dma_wait3A_284 = arith.constant 0 : i32
      %dma_wait3A_285 = tpu.memref_slice %arg9[%add3A_37, %dma_wait3A_284] : memref<10240x128xf32, #tpu.memory_space<vmem_shared>> -> memref<64x128xf32, #tpu.memory_space<vmem_shared>>
      %dma_wait3A_286 = arith.constant 0 : i32
      %dma_wait3A_287 = tpu.memref_slice %arg9[%add3A_37, %dma_wait3A_286] : memref<10240x128xf32, #tpu.memory_space<vmem_shared>> -> memref<64x128xf32, #tpu.memory_space<vmem_shared>>
      %dma_wait3A_288 = arith.constant 0 : i32
      %dma_wait3A_289 = arith.constant 0 : i32
      %dma_wait3A_290 = tpu.memref_slice %arg8[%run_scoped3A_38, %dma_wait3A_288, %dma_wait3A_289] : memref<2x64x128xf32, #tpu.memory_space<vmem>> -> memref<1x64x128xf32, #tpu.memory_space<vmem>>
      %dma_wait3A_291 = tpu.memref_squeeze %dma_wait3A_290 : memref<1x64x128xf32, #tpu.memory_space<vmem>> -> memref<64x128xf32, #tpu.memory_space<vmem>>
      tpu.wait_dma2 semaphore(%run_scoped3A_267 : memref<!tpu.dma_semaphore, #tpu.memory_space<semaphore_mem>>) src(%dma_wait3A_291 : memref<64x128xf32, #tpu.memory_space<vmem>>) dst(%dma_wait3A_287 : memref<64x128xf32, #tpu.memory_space<vmem_shared>>)
      tpu.yield
    }) : () -> ()
    %mul3A_39 = arith.constant 640 : i32
    %mul3A_40 = arith.muli %arg1, %mul3A_39 : i32
    %add3A_41 = arith.constant 448 : i32
    %add3A_42 = arith.addi %mul3A_40, %add3A_41 : i32
    %run_scoped3A_43 = arith.constant 0 : i32
    "tpu.region"() ({
      %run_scoped3A_267 = tpu.sem_alloc : memref<!tpu.dma_semaphore, #tpu.memory_space<semaphore_mem>>
      %dma_start3A_268 = arith.constant 0 : i32
      %dma_start3A_269 = arith.constant 0 : i32
      %dma_start3A_270 = tpu.memref_slice %arg8[%run_scoped3A_43, %dma_start3A_268, %dma_start3A_269] : memref<2x64x128xf32, #tpu.memory_space<vmem>> -> memref<1x64x128xf32, #tpu.memory_space<vmem>>
      %dma_start3A_271 = tpu.memref_squeeze %dma_start3A_270 : memref<1x64x128xf32, #tpu.memory_space<vmem>> -> memref<64x128xf32, #tpu.memory_space<vmem>>
      %dma_start3A_272 = arith.constant 0 : i32
      %dma_start3A_273 = tpu.memref_slice %arg9[%add3A_42, %dma_start3A_272] : memref<10240x128xf32, #tpu.memory_space<vmem_shared>> -> memref<64x128xf32, #tpu.memory_space<vmem_shared>>
      %dma_start3A_274 = arith.constant 0 : i32
      %dma_start3A_275 = tpu.memref_slice %arg9[%add3A_42, %dma_start3A_274] : memref<10240x128xf32, #tpu.memory_space<vmem_shared>> -> memref<64x128xf32, #tpu.memory_space<vmem_shared>>
      %dma_start3A_276 = arith.constant 0 : i32
      %dma_start3A_277 = arith.constant 0 : i32
      %dma_start3A_278 = tpu.memref_slice %arg8[%run_scoped3A_43, %dma_start3A_276, %dma_start3A_277] : memref<2x64x128xf32, #tpu.memory_space<vmem>> -> memref<1x64x128xf32, #tpu.memory_space<vmem>>
      %dma_start3A_279 = tpu.memref_squeeze %dma_start3A_278 : memref<1x64x128xf32, #tpu.memory_space<vmem>> -> memref<64x128xf32, #tpu.memory_space<vmem>>
      tpu.enqueue_dma source(%dma_start3A_279 : memref<64x128xf32, #tpu.memory_space<vmem>>) target(%dma_start3A_275 : memref<64x128xf32, #tpu.memory_space<vmem_shared>>) target_semaphore(%run_scoped3A_267 : memref<!tpu.dma_semaphore, #tpu.memory_space<semaphore_mem>>)
      %dma_wait3A_280 = arith.constant 0 : i32
      %dma_wait3A_281 = arith.constant 0 : i32
      %dma_wait3A_282 = tpu.memref_slice %arg8[%run_scoped3A_43, %dma_wait3A_280, %dma_wait3A_281] : memref<2x64x128xf32, #tpu.memory_space<vmem>> -> memref<1x64x128xf32, #tpu.memory_space<vmem>>
      %dma_wait3A_283 = tpu.memref_squeeze %dma_wait3A_282 : memref<1x64x128xf32, #tpu.memory_space<vmem>> -> memref<64x128xf32, #tpu.memory_space<vmem>>
      %dma_wait3A_284 = arith.constant 0 : i32
      %dma_wait3A_285 = tpu.memref_slice %arg9[%add3A_42, %dma_wait3A_284] : memref<10240x128xf32, #tpu.memory_space<vmem_shared>> -> memref<64x128xf32, #tpu.memory_space<vmem_shared>>
      %dma_wait3A_286 = arith.constant 0 : i32
      %dma_wait3A_287 = tpu.memref_slice %arg9[%add3A_42, %dma_wait3A_286] : memref<10240x128xf32, #tpu.memory_space<vmem_shared>> -> memref<64x128xf32, #tpu.memory_space<vmem_shared>>
      %dma_wait3A_288 = arith.constant 0 : i32
      %dma_wait3A_289 = arith.constant 0 : i32
      %dma_wait3A_290 = tpu.memref_slice %arg8[%run_scoped3A_43, %dma_wait3A_288, %dma_wait3A_289] : memref<2x64x128xf32, #tpu.memory_space<vmem>> -> memref<1x64x128xf32, #tpu.memory_space<vmem>>
      %dma_wait3A_291 = tpu.memref_squeeze %dma_wait3A_290 : memref<1x64x128xf32, #tpu.memory_space<vmem>> -> memref<64x128xf32, #tpu.memory_space<vmem>>
      tpu.wait_dma2 semaphore(%run_scoped3A_267 : memref<!tpu.dma_semaphore, #tpu.memory_space<semaphore_mem>>) src(%dma_wait3A_291 : memref<64x128xf32, #tpu.memory_space<vmem>>) dst(%dma_wait3A_287 : memref<64x128xf32, #tpu.memory_space<vmem_shared>>)
      tpu.yield
    }) : () -> ()
    %mul3A_44 = arith.constant 640 : i32
    %mul3A_45 = arith.muli %arg1, %mul3A_44 : i32
    %add3A_46 = arith.constant 512 : i32
    %add3A_47 = arith.addi %mul3A_45, %add3A_46 : i32
    %run_scoped3A_48 = arith.constant 0 : i32
    "tpu.region"() ({
      %run_scoped3A_267 = tpu.sem_alloc : memref<!tpu.dma_semaphore, #tpu.memory_space<semaphore_mem>>
      %dma_start3A_268 = arith.constant 0 : i32
      %dma_start3A_269 = arith.constant 0 : i32
      %dma_start3A_270 = tpu.memref_slice %arg8[%run_scoped3A_48, %dma_start3A_268, %dma_start3A_269] : memref<2x64x128xf32, #tpu.memory_space<vmem>> -> memref<1x64x128xf32, #tpu.memory_space<vmem>>
      %dma_start3A_271 = tpu.memref_squeeze %dma_start3A_270 : memref<1x64x128xf32, #tpu.memory_space<vmem>> -> memref<64x128xf32, #tpu.memory_space<vmem>>
      %dma_start3A_272 = arith.constant 0 : i32
      %dma_start3A_273 = tpu.memref_slice %arg9[%add3A_47, %dma_start3A_272] : memref<10240x128xf32, #tpu.memory_space<vmem_shared>> -> memref<64x128xf32, #tpu.memory_space<vmem_shared>>
      %dma_start3A_274 = arith.constant 0 : i32
      %dma_start3A_275 = tpu.memref_slice %arg9[%add3A_47, %dma_start3A_274] : memref<10240x128xf32, #tpu.memory_space<vmem_shared>> -> memref<64x128xf32, #tpu.memory_space<vmem_shared>>
      %dma_start3A_276 = arith.constant 0 : i32
      %dma_start3A_277 = arith.constant 0 : i32
      %dma_start3A_278 = tpu.memref_slice %arg8[%run_scoped3A_48, %dma_start3A_276, %dma_start3A_277] : memref<2x64x128xf32, #tpu.memory_space<vmem>> -> memref<1x64x128xf32, #tpu.memory_space<vmem>>
      %dma_start3A_279 = tpu.memref_squeeze %dma_start3A_278 : memref<1x64x128xf32, #tpu.memory_space<vmem>> -> memref<64x128xf32, #tpu.memory_space<vmem>>
      tpu.enqueue_dma source(%dma_start3A_279 : memref<64x128xf32, #tpu.memory_space<vmem>>) target(%dma_start3A_275 : memref<64x128xf32, #tpu.memory_space<vmem_shared>>) target_semaphore(%run_scoped3A_267 : memref<!tpu.dma_semaphore, #tpu.memory_space<semaphore_mem>>)
      %dma_wait3A_280 = arith.constant 0 : i32
      %dma_wait3A_281 = arith.constant 0 : i32
      %dma_wait3A_282 = tpu.memref_slice %arg8[%run_scoped3A_48, %dma_wait3A_280, %dma_wait3A_281] : memref<2x64x128xf32, #tpu.memory_space<vmem>> -> memref<1x64x128xf32, #tpu.memory_space<vmem>>
      %dma_wait3A_283 = tpu.memref_squeeze %dma_wait3A_282 : memref<1x64x128xf32, #tpu.memory_space<vmem>> -> memref<64x128xf32, #tpu.memory_space<vmem>>
      %dma_wait3A_284 = arith.constant 0 : i32
      %dma_wait3A_285 = tpu.memref_slice %arg9[%add3A_47, %dma_wait3A_284] : memref<10240x128xf32, #tpu.memory_space<vmem_shared>> -> memref<64x128xf32, #tpu.memory_space<vmem_shared>>
      %dma_wait3A_286 = arith.constant 0 : i32
      %dma_wait3A_287 = tpu.memref_slice %arg9[%add3A_47, %dma_wait3A_286] : memref<10240x128xf32, #tpu.memory_space<vmem_shared>> -> memref<64x128xf32, #tpu.memory_space<vmem_shared>>
      %dma_wait3A_288 = arith.constant 0 : i32
      %dma_wait3A_289 = arith.constant 0 : i32
      %dma_wait3A_290 = tpu.memref_slice %arg8[%run_scoped3A_48, %dma_wait3A_288, %dma_wait3A_289] : memref<2x64x128xf32, #tpu.memory_space<vmem>> -> memref<1x64x128xf32, #tpu.memory_space<vmem>>
      %dma_wait3A_291 = tpu.memref_squeeze %dma_wait3A_290 : memref<1x64x128xf32, #tpu.memory_space<vmem>> -> memref<64x128xf32, #tpu.memory_space<vmem>>
      tpu.wait_dma2 semaphore(%run_scoped3A_267 : memref<!tpu.dma_semaphore, #tpu.memory_space<semaphore_mem>>) src(%dma_wait3A_291 : memref<64x128xf32, #tpu.memory_space<vmem>>) dst(%dma_wait3A_287 : memref<64x128xf32, #tpu.memory_space<vmem_shared>>)
      tpu.yield
    }) : () -> ()
    %mul3A_49 = arith.constant 640 : i32
    %mul3A_50 = arith.muli %arg1, %mul3A_49 : i32
    %add3A_51 = arith.constant 576 : i32
    %add3A_52 = arith.addi %mul3A_50, %add3A_51 : i32
    %run_scoped3A_53 = arith.constant 0 : i32
    "tpu.region"() ({
      %run_scoped3A_267 = tpu.sem_alloc : memref<!tpu.dma_semaphore, #tpu.memory_space<semaphore_mem>>
      %dma_start3A_268 = arith.constant 0 : i32
      %dma_start3A_269 = arith.constant 0 : i32
      %dma_start3A_270 = tpu.memref_slice %arg8[%run_scoped3A_53, %dma_start3A_268, %dma_start3A_269] : memref<2x64x128xf32, #tpu.memory_space<vmem>> -> memref<1x64x128xf32, #tpu.memory_space<vmem>>
      %dma_start3A_271 = tpu.memref_squeeze %dma_start3A_270 : memref<1x64x128xf32, #tpu.memory_space<vmem>> -> memref<64x128xf32, #tpu.memory_space<vmem>>
      %dma_start3A_272 = arith.constant 0 : i32
      %dma_start3A_273 = tpu.memref_slice %arg9[%add3A_52, %dma_start3A_272] : memref<10240x128xf32, #tpu.memory_space<vmem_shared>> -> memref<64x128xf32, #tpu.memory_space<vmem_shared>>
      %dma_start3A_274 = arith.constant 0 : i32
      %dma_start3A_275 = tpu.memref_slice %arg9[%add3A_52, %dma_start3A_274] : memref<10240x128xf32, #tpu.memory_space<vmem_shared>> -> memref<64x128xf32, #tpu.memory_space<vmem_shared>>
      %dma_start3A_276 = arith.constant 0 : i32
      %dma_start3A_277 = arith.constant 0 : i32
      %dma_start3A_278 = tpu.memref_slice %arg8[%run_scoped3A_53, %dma_start3A_276, %dma_start3A_277] : memref<2x64x128xf32, #tpu.memory_space<vmem>> -> memref<1x64x128xf32, #tpu.memory_space<vmem>>
      %dma_start3A_279 = tpu.memref_squeeze %dma_start3A_278 : memref<1x64x128xf32, #tpu.memory_space<vmem>> -> memref<64x128xf32, #tpu.memory_space<vmem>>
      tpu.enqueue_dma source(%dma_start3A_279 : memref<64x128xf32, #tpu.memory_space<vmem>>) target(%dma_start3A_275 : memref<64x128xf32, #tpu.memory_space<vmem_shared>>) target_semaphore(%run_scoped3A_267 : memref<!tpu.dma_semaphore, #tpu.memory_space<semaphore_mem>>)
      %dma_wait3A_280 = arith.constant 0 : i32
      %dma_wait3A_281 = arith.constant 0 : i32
      %dma_wait3A_282 = tpu.memref_slice %arg8[%run_scoped3A_53, %dma_wait3A_280, %dma_wait3A_281] : memref<2x64x128xf32, #tpu.memory_space<vmem>> -> memref<1x64x128xf32, #tpu.memory_space<vmem>>
      %dma_wait3A_283 = tpu.memref_squeeze %dma_wait3A_282 : memref<1x64x128xf32, #tpu.memory_space<vmem>> -> memref<64x128xf32, #tpu.memory_space<vmem>>
      %dma_wait3A_284 = arith.constant 0 : i32
      %dma_wait3A_285 = tpu.memref_slice %arg9[%add3A_52, %dma_wait3A_284] : memref<10240x128xf32, #tpu.memory_space<vmem_shared>> -> memref<64x128xf32, #tpu.memory_space<vmem_shared>>
      %dma_wait3A_286 = arith.constant 0 : i32
      %dma_wait3A_287 = tpu.memref_slice %arg9[%add3A_52, %dma_wait3A_286] : memref<10240x128xf32, #tpu.memory_space<vmem_shared>> -> memref<64x128xf32, #tpu.memory_space<vmem_shared>>
      %dma_wait3A_288 = arith.constant 0 : i32
      %dma_wait3A_289 = arith.constant 0 : i32
      %dma_wait3A_290 = tpu.memref_slice %arg8[%run_scoped3A_53, %dma_wait3A_288, %dma_wait3A_289] : memref<2x64x128xf32, #tpu.memory_space<vmem>> -> memref<1x64x128xf32, #tpu.memory_space<vmem>>
      %dma_wait3A_291 = tpu.memref_squeeze %dma_wait3A_290 : memref<1x64x128xf32, #tpu.memory_space<vmem>> -> memref<64x128xf32, #tpu.memory_space<vmem>>
      tpu.wait_dma2 semaphore(%run_scoped3A_267 : memref<!tpu.dma_semaphore, #tpu.memory_space<semaphore_mem>>) src(%dma_wait3A_291 : memref<64x128xf32, #tpu.memory_space<vmem>>) dst(%dma_wait3A_287 : memref<64x128xf32, #tpu.memory_space<vmem_shared>>)
      tpu.yield
    }) : () -> ()
    %barrier3A = arith.constant 0 : index
    tpu.barrier barrier_id(%barrier3A)
    %mul3A_54 = arith.constant 160 : i32
    %mul3A_55 = arith.muli %add3A, %mul3A_54 : i32
    %add3A_56 = arith.constant 0 : i32
    %add3A_57 = arith.addi %mul3A_55, %add3A_56 : i32
    "tpu.region"() ({
      %run_scoped3A_267 = tpu.sem_alloc : memref<!tpu.dma_semaphore, #tpu.memory_space<semaphore_mem>>
      %dma_start3A_268 = arith.constant 0 : i32
      %dma_start3A_269 = tpu.memref_slice %arg3[%add3A_57, %dma_start3A_268] : memref<5120x64xi32, #tpu.memory_space<hbm>> -> memref<80x64xi32, #tpu.memory_space<hbm>>
      %dma_start3A_270 = arith.constant 0 : i32
      %dma_start3A_271 = tpu.memref_slice %arg3[%add3A_57, %dma_start3A_270] : memref<5120x64xi32, #tpu.memory_space<hbm>> -> memref<80x64xi32, #tpu.memory_space<hbm>>
      tpu.enqueue_dma source(%dma_start3A_271 : memref<80x64xi32, #tpu.memory_space<hbm>>) target(%arg6 : memref<80x64xi32, #tpu.memory_space<vmem>>) target_semaphore(%run_scoped3A_267 : memref<!tpu.dma_semaphore, #tpu.memory_space<semaphore_mem>>)
      %dma_wait3A_272 = arith.constant 0 : i32
      %dma_wait3A_273 = tpu.memref_slice %arg3[%add3A_57, %dma_wait3A_272] : memref<5120x64xi32, #tpu.memory_space<hbm>> -> memref<80x64xi32, #tpu.memory_space<hbm>>
      %dma_wait3A_274 = arith.constant 0 : i32
      %dma_wait3A_275 = tpu.memref_slice %arg3[%add3A_57, %dma_wait3A_274] : memref<5120x64xi32, #tpu.memory_space<hbm>> -> memref<80x64xi32, #tpu.memory_space<hbm>>
      tpu.wait_dma2 semaphore(%run_scoped3A_267 : memref<!tpu.dma_semaphore, #tpu.memory_space<semaphore_mem>>) src(%dma_wait3A_275 : memref<80x64xi32, #tpu.memory_space<hbm>>) dst(%arg6 : memref<80x64xi32, #tpu.memory_space<vmem>>)
      tpu.yield
    }) : () -> ()
    "tpu.region"() ({
      %run_scoped3A_267 = tpu.sem_alloc : memref<!tpu.dma_semaphore, #tpu.memory_space<semaphore_mem>>
      %dma_start3A_268 = arith.constant 0 : i32
      %dma_start3A_269 = tpu.memref_slice %arg4[%add3A_57, %dma_start3A_268] : memref<5120x64xi32, #tpu.memory_space<hbm>> -> memref<80x64xi32, #tpu.memory_space<hbm>>
      %dma_start3A_270 = arith.constant 0 : i32
      %dma_start3A_271 = tpu.memref_slice %arg4[%add3A_57, %dma_start3A_270] : memref<5120x64xi32, #tpu.memory_space<hbm>> -> memref<80x64xi32, #tpu.memory_space<hbm>>
      tpu.enqueue_dma source(%dma_start3A_271 : memref<80x64xi32, #tpu.memory_space<hbm>>) target(%arg7 : memref<80x64xi32, #tpu.memory_space<vmem>>) target_semaphore(%run_scoped3A_267 : memref<!tpu.dma_semaphore, #tpu.memory_space<semaphore_mem>>)
      %dma_wait3A_272 = arith.constant 0 : i32
      %dma_wait3A_273 = tpu.memref_slice %arg4[%add3A_57, %dma_wait3A_272] : memref<5120x64xi32, #tpu.memory_space<hbm>> -> memref<80x64xi32, #tpu.memory_space<hbm>>
      %dma_wait3A_274 = arith.constant 0 : i32
      %dma_wait3A_275 = tpu.memref_slice %arg4[%add3A_57, %dma_wait3A_274] : memref<5120x64xi32, #tpu.memory_space<hbm>> -> memref<80x64xi32, #tpu.memory_space<hbm>>
      tpu.wait_dma2 semaphore(%run_scoped3A_267 : memref<!tpu.dma_semaphore, #tpu.memory_space<semaphore_mem>>) src(%dma_wait3A_275 : memref<80x64xi32, #tpu.memory_space<hbm>>) dst(%arg7 : memref<80x64xi32, #tpu.memory_space<vmem>>)
      tpu.yield
    }) : () -> ()
    %dma_start3A = arith.constant 0 : i32
    %dma_start3A_58 = arith.constant 0 : i32
    %dma_start3A_59 = arith.constant 0 : i32
    %dma_start3A_60 = arith.constant 0 : i32
    %dma_start3A_61 = tpu.memref_slice %arg8[%dma_start3A_58, %dma_start3A_59, %dma_start3A_60] : memref<2x64x128xf32, #tpu.memory_space<vmem>> -> memref<1x64x128xf32, #tpu.memory_space<vmem>>
    %dma_start3A_62 = tpu.memref_squeeze %dma_start3A_61 : memref<1x64x128xf32, #tpu.memory_space<vmem>> -> memref<64x128xf32, #tpu.memory_space<vmem>>
    %dma_start3A_63 = arith.constant 0 : i32
    %dma_start3A_64 = tpu.memref_slice %arg6[%dma_start3A, %dma_start3A_63] : memref<80x64xi32, #tpu.memory_space<vmem>> -> memref<1x64xi32, #tpu.memory_space<vmem>>
    %dma_start3A_65 = tpu.memref_squeeze %dma_start3A_64 : memref<1x64xi32, #tpu.memory_space<vmem>> -> memref<64xi32, #tpu.memory_space<vmem>>
    %dma_start3A_66 = arith.constant 0 : i32
    %dma_start3A_67 = arith.constant 0 : i32
    %dma_start3A_68 = tpu.memref_slice %arg2[%dma_start3A_66, %dma_start3A_67] : memref<10000x128xf32, #tpu.memory_space<hbm>> -> memref<10000x128xf32, #tpu.memory_space<hbm>>
    tpu.enqueue_indirect_dma source(%dma_start3A_68 : memref<10000x128xf32, #tpu.memory_space<hbm>>) target(%dma_start3A_62 : memref<64x128xf32, #tpu.memory_space<vmem>>) offsets(%dma_start3A_65 : memref<64xi32, #tpu.memory_space<vmem>>) semaphore(%arg10 : memref<!tpu.dma_semaphore, #tpu.memory_space<semaphore_mem>>)
    %dma_start3A_69 = arith.constant 1 : i32
    %dma_start3A_70 = arith.constant 1 : i32
    %dma_start3A_71 = arith.constant 0 : i32
    %dma_start3A_72 = arith.constant 0 : i32
    %dma_start3A_73 = tpu.memref_slice %arg8[%dma_start3A_70, %dma_start3A_71, %dma_start3A_72] : memref<2x64x128xf32, #tpu.memory_space<vmem>> -> memref<1x64x128xf32, #tpu.memory_space<vmem>>
    %dma_start3A_74 = tpu.memref_squeeze %dma_start3A_73 : memref<1x64x128xf32, #tpu.memory_space<vmem>> -> memref<64x128xf32, #tpu.memory_space<vmem>>
    %dma_start3A_75 = arith.constant 0 : i32
    %dma_start3A_76 = tpu.memref_slice %arg6[%dma_start3A_69, %dma_start3A_75] : memref<80x64xi32, #tpu.memory_space<vmem>> -> memref<1x64xi32, #tpu.memory_space<vmem>>
    %dma_start3A_77 = tpu.memref_squeeze %dma_start3A_76 : memref<1x64xi32, #tpu.memory_space<vmem>> -> memref<64xi32, #tpu.memory_space<vmem>>
    %dma_start3A_78 = arith.constant 0 : i32
    %dma_start3A_79 = arith.constant 0 : i32
    %dma_start3A_80 = tpu.memref_slice %arg2[%dma_start3A_78, %dma_start3A_79] : memref<10000x128xf32, #tpu.memory_space<hbm>> -> memref<10000x128xf32, #tpu.memory_space<hbm>>
    tpu.enqueue_indirect_dma source(%dma_start3A_80 : memref<10000x128xf32, #tpu.memory_space<hbm>>) target(%dma_start3A_74 : memref<64x128xf32, #tpu.memory_space<vmem>>) offsets(%dma_start3A_77 : memref<64xi32, #tpu.memory_space<vmem>>) semaphore(%arg11 : memref<!tpu.dma_semaphore, #tpu.memory_space<semaphore_mem>>)
    %scan3A_81 = arith.constant 0 : i32
    %scan3A_82 = arith.constant 39 : i32
    %scan3A_83 = arith.addi %scan3A_81, %scan3A_82 : i32
    %scan3A_84 = arith.constant 1 : i32
    scf.for %scan3A_267 = %scan3A_81 to %scan3A_83 step %scan3A_84  : i32 {
      %mul3A_268 = arith.constant 2 : i32
      %mul3A_269 = arith.muli %mul3A_268, %scan3A_267 : i32
      %dma_wait3A_270 = arith.constant 0 : i32
      %dma_wait3A_271 = arith.constant 0 : i32
      %dma_wait3A_272 = arith.constant 0 : i32
      %dma_wait3A_273 = arith.constant 0 : i32
      %dma_wait3A_274 = tpu.memref_slice %arg8[%dma_wait3A_271, %dma_wait3A_272, %dma_wait3A_273] : memref<2x64x128xf32, #tpu.memory_space<vmem>> -> memref<1x64x128xf32, #tpu.memory_space<vmem>>
      %dma_wait3A_275 = tpu.memref_squeeze %dma_wait3A_274 : memref<1x64x128xf32, #tpu.memory_space<vmem>> -> memref<64x128xf32, #tpu.memory_space<vmem>>
      %dma_wait3A_276 = arith.constant 0 : i32
      %dma_wait3A_277 = tpu.memref_slice %arg6[%dma_wait3A_270, %dma_wait3A_276] : memref<80x64xi32, #tpu.memory_space<vmem>> -> memref<1x64xi32, #tpu.memory_space<vmem>>
      %dma_wait3A_278 = tpu.memref_squeeze %dma_wait3A_277 : memref<1x64xi32, #tpu.memory_space<vmem>> -> memref<64xi32, #tpu.memory_space<vmem>>
      %dma_wait3A_279 = arith.constant 0 : i32
      %dma_wait3A_280 = arith.constant 0 : i32
      %dma_wait3A_281 = tpu.memref_slice %arg2[%dma_wait3A_279, %dma_wait3A_280] : memref<10000x128xf32, #tpu.memory_space<hbm>> -> memref<10000x128xf32, #tpu.memory_space<hbm>>
      tpu.wait_indirect_dma semaphore(%arg10 : memref<!tpu.dma_semaphore, #tpu.memory_space<semaphore_mem>>) src(%dma_wait3A_281 : memref<10000x128xf32, #tpu.memory_space<hbm>>) dst(%dma_wait3A_275 : memref<64x128xf32, #tpu.memory_space<vmem>>)
      %dma_start3A_282 = arith.constant 0 : i32
      %dma_start3A_283 = arith.constant 0 : i32
      %dma_start3A_284 = arith.constant 0 : i32
      %dma_start3A_285 = tpu.memref_slice %arg8[%dma_start3A_282, %dma_start3A_283, %dma_start3A_284] : memref<2x64x128xf32, #tpu.memory_space<vmem>> -> memref<1x64x128xf32, #tpu.memory_space<vmem>>
      %dma_start3A_286 = tpu.memref_squeeze %dma_start3A_285 : memref<1x64x128xf32, #tpu.memory_space<vmem>> -> memref<64x128xf32, #tpu.memory_space<vmem>>
      %dma_start3A_287 = arith.constant 0 : i32
      %dma_start3A_288 = tpu.memref_slice %arg7[%mul3A_269, %dma_start3A_287] : memref<80x64xi32, #tpu.memory_space<vmem>> -> memref<1x64xi32, #tpu.memory_space<vmem>>
      %dma_start3A_289 = tpu.memref_squeeze %dma_start3A_288 : memref<1x64xi32, #tpu.memory_space<vmem>> -> memref<64xi32, #tpu.memory_space<vmem>>
      %dma_start3A_290 = arith.constant 0 : i32
      %dma_start3A_291 = arith.constant 0 : i32
      %dma_start3A_292 = tpu.memref_slice %arg9[%dma_start3A_290, %dma_start3A_291] : memref<10240x128xf32, #tpu.memory_space<vmem_shared>> -> memref<10240x128xf32, #tpu.memory_space<vmem_shared>>
      tpu.enqueue_indirect_dma source(%dma_start3A_286 : memref<64x128xf32, #tpu.memory_space<vmem>>) target(%dma_start3A_292 : memref<10240x128xf32, #tpu.memory_space<vmem_shared>>) offsets(%dma_start3A_289 : memref<64xi32, #tpu.memory_space<vmem>>) semaphore(%arg12 : memref<!tpu.dma_semaphore, #tpu.memory_space<semaphore_mem>>) {add = true}
      %dma_wait3A_293 = arith.constant 0 : i32
      %dma_wait3A_294 = arith.constant 1 : i32
      %dma_wait3A_295 = arith.constant 0 : i32
      %dma_wait3A_296 = arith.constant 0 : i32
      %dma_wait3A_297 = tpu.memref_slice %arg8[%dma_wait3A_294, %dma_wait3A_295, %dma_wait3A_296] : memref<2x64x128xf32, #tpu.memory_space<vmem>> -> memref<1x64x128xf32, #tpu.memory_space<vmem>>
      %dma_wait3A_298 = tpu.memref_squeeze %dma_wait3A_297 : memref<1x64x128xf32, #tpu.memory_space<vmem>> -> memref<64x128xf32, #tpu.memory_space<vmem>>
      %dma_wait3A_299 = arith.constant 0 : i32
      %dma_wait3A_300 = tpu.memref_slice %arg6[%dma_wait3A_293, %dma_wait3A_299] : memref<80x64xi32, #tpu.memory_space<vmem>> -> memref<1x64xi32, #tpu.memory_space<vmem>>
      %dma_wait3A_301 = tpu.memref_squeeze %dma_wait3A_300 : memref<1x64xi32, #tpu.memory_space<vmem>> -> memref<64xi32, #tpu.memory_space<vmem>>
      %dma_wait3A_302 = arith.constant 0 : i32
      %dma_wait3A_303 = arith.constant 0 : i32
      %dma_wait3A_304 = tpu.memref_slice %arg2[%dma_wait3A_302, %dma_wait3A_303] : memref<10000x128xf32, #tpu.memory_space<hbm>> -> memref<10000x128xf32, #tpu.memory_space<hbm>>
      tpu.wait_indirect_dma semaphore(%arg11 : memref<!tpu.dma_semaphore, #tpu.memory_space<semaphore_mem>>) src(%dma_wait3A_304 : memref<10000x128xf32, #tpu.memory_space<hbm>>) dst(%dma_wait3A_298 : memref<64x128xf32, #tpu.memory_space<vmem>>)
      %add3A_305 = arith.constant 1 : i32
      %add3A_306 = arith.addi %mul3A_269, %add3A_305 : i32
      %dma_start3A_307 = arith.constant 1 : i32
      %dma_start3A_308 = arith.constant 0 : i32
      %dma_start3A_309 = arith.constant 0 : i32
      %dma_start3A_310 = tpu.memref_slice %arg8[%dma_start3A_307, %dma_start3A_308, %dma_start3A_309] : memref<2x64x128xf32, #tpu.memory_space<vmem>> -> memref<1x64x128xf32, #tpu.memory_space<vmem>>
      %dma_start3A_311 = tpu.memref_squeeze %dma_start3A_310 : memref<1x64x128xf32, #tpu.memory_space<vmem>> -> memref<64x128xf32, #tpu.memory_space<vmem>>
      %dma_start3A_312 = arith.constant 0 : i32
      %dma_start3A_313 = tpu.memref_slice %arg7[%add3A_306, %dma_start3A_312] : memref<80x64xi32, #tpu.memory_space<vmem>> -> memref<1x64xi32, #tpu.memory_space<vmem>>
      %dma_start3A_314 = tpu.memref_squeeze %dma_start3A_313 : memref<1x64xi32, #tpu.memory_space<vmem>> -> memref<64xi32, #tpu.memory_space<vmem>>
      %dma_start3A_315 = arith.constant 0 : i32
      %dma_start3A_316 = arith.constant 0 : i32
      %dma_start3A_317 = tpu.memref_slice %arg9[%dma_start3A_315, %dma_start3A_316] : memref<10240x128xf32, #tpu.memory_space<vmem_shared>> -> memref<10240x128xf32, #tpu.memory_space<vmem_shared>>
      tpu.enqueue_indirect_dma source(%dma_start3A_311 : memref<64x128xf32, #tpu.memory_space<vmem>>) target(%dma_start3A_317 : memref<10240x128xf32, #tpu.memory_space<vmem_shared>>) offsets(%dma_start3A_314 : memref<64xi32, #tpu.memory_space<vmem>>) semaphore(%arg13 : memref<!tpu.dma_semaphore, #tpu.memory_space<semaphore_mem>>) {add = true}
      %dma_wait3A_318 = arith.constant 0 : i32
      %dma_wait3A_319 = arith.constant 0 : i32
      %dma_wait3A_320 = arith.constant 0 : i32
      %dma_wait3A_321 = arith.constant 0 : i32
      %dma_wait3A_322 = tpu.memref_slice %arg8[%dma_wait3A_318, %dma_wait3A_320, %dma_wait3A_321] : memref<2x64x128xf32, #tpu.memory_space<vmem>> -> memref<1x64x128xf32, #tpu.memory_space<vmem>>
      %dma_wait3A_323 = tpu.memref_squeeze %dma_wait3A_322 : memref<1x64x128xf32, #tpu.memory_space<vmem>> -> memref<64x128xf32, #tpu.memory_space<vmem>>
      %dma_wait3A_324 = arith.constant 0 : i32
      %dma_wait3A_325 = tpu.memref_slice %arg7[%dma_wait3A_319, %dma_wait3A_324] : memref<80x64xi32, #tpu.memory_space<vmem>> -> memref<1x64xi32, #tpu.memory_space<vmem>>
      %dma_wait3A_326 = tpu.memref_squeeze %dma_wait3A_325 : memref<1x64xi32, #tpu.memory_space<vmem>> -> memref<64xi32, #tpu.memory_space<vmem>>
      %dma_wait3A_327 = arith.constant 0 : i32
      %dma_wait3A_328 = arith.constant 0 : i32
      %dma_wait3A_329 = tpu.memref_slice %arg9[%dma_wait3A_327, %dma_wait3A_328] : memref<10240x128xf32, #tpu.memory_space<vmem_shared>> -> memref<10240x128xf32, #tpu.memory_space<vmem_shared>>
      tpu.wait_indirect_dma semaphore(%arg12 : memref<!tpu.dma_semaphore, #tpu.memory_space<semaphore_mem>>) src(%dma_wait3A_323 : memref<64x128xf32, #tpu.memory_space<vmem>>) dst(%dma_wait3A_329 : memref<10240x128xf32, #tpu.memory_space<vmem_shared>>)
      %add3A_330 = arith.constant 2 : i32
      %add3A_331 = arith.addi %mul3A_269, %add3A_330 : i32
      %dma_start3A_332 = arith.constant 0 : i32
      %dma_start3A_333 = arith.constant 0 : i32
      %dma_start3A_334 = arith.constant 0 : i32
      %dma_start3A_335 = tpu.memref_slice %arg8[%dma_start3A_332, %dma_start3A_333, %dma_start3A_334] : memref<2x64x128xf32, #tpu.memory_space<vmem>> -> memref<1x64x128xf32, #tpu.memory_space<vmem>>
      %dma_start3A_336 = tpu.memref_squeeze %dma_start3A_335 : memref<1x64x128xf32, #tpu.memory_space<vmem>> -> memref<64x128xf32, #tpu.memory_space<vmem>>
      %dma_start3A_337 = arith.constant 0 : i32
      %dma_start3A_338 = tpu.memref_slice %arg6[%add3A_331, %dma_start3A_337] : memref<80x64xi32, #tpu.memory_space<vmem>> -> memref<1x64xi32, #tpu.memory_space<vmem>>
      %dma_start3A_339 = tpu.memref_squeeze %dma_start3A_338 : memref<1x64xi32, #tpu.memory_space<vmem>> -> memref<64xi32, #tpu.memory_space<vmem>>
      %dma_start3A_340 = arith.constant 0 : i32
      %dma_start3A_341 = arith.constant 0 : i32
      %dma_start3A_342 = tpu.memref_slice %arg2[%dma_start3A_340, %dma_start3A_341] : memref<10000x128xf32, #tpu.memory_space<hbm>> -> memref<10000x128xf32, #tpu.memory_space<hbm>>
      tpu.enqueue_indirect_dma source(%dma_start3A_342 : memref<10000x128xf32, #tpu.memory_space<hbm>>) target(%dma_start3A_336 : memref<64x128xf32, #tpu.memory_space<vmem>>) offsets(%dma_start3A_339 : memref<64xi32, #tpu.memory_space<vmem>>) semaphore(%arg10 : memref<!tpu.dma_semaphore, #tpu.memory_space<semaphore_mem>>)
      %dma_wait3A_343 = arith.constant 1 : i32
      %dma_wait3A_344 = arith.constant 0 : i32
      %dma_wait3A_345 = arith.constant 0 : i32
      %dma_wait3A_346 = arith.constant 0 : i32
      %dma_wait3A_347 = tpu.memref_slice %arg8[%dma_wait3A_343, %dma_wait3A_345, %dma_wait3A_346] : memref<2x64x128xf32, #tpu.memory_space<vmem>> -> memref<1x64x128xf32, #tpu.memory_space<vmem>>
      %dma_wait3A_348 = tpu.memref_squeeze %dma_wait3A_347 : memref<1x64x128xf32, #tpu.memory_space<vmem>> -> memref<64x128xf32, #tpu.memory_space<vmem>>
      %dma_wait3A_349 = arith.constant 0 : i32
      %dma_wait3A_350 = tpu.memref_slice %arg7[%dma_wait3A_344, %dma_wait3A_349] : memref<80x64xi32, #tpu.memory_space<vmem>> -> memref<1x64xi32, #tpu.memory_space<vmem>>
      %dma_wait3A_351 = tpu.memref_squeeze %dma_wait3A_350 : memref<1x64xi32, #tpu.memory_space<vmem>> -> memref<64xi32, #tpu.memory_space<vmem>>
      %dma_wait3A_352 = arith.constant 0 : i32
      %dma_wait3A_353 = arith.constant 0 : i32
      %dma_wait3A_354 = tpu.memref_slice %arg9[%dma_wait3A_352, %dma_wait3A_353] : memref<10240x128xf32, #tpu.memory_space<vmem_shared>> -> memref<10240x128xf32, #tpu.memory_space<vmem_shared>>
      tpu.wait_indirect_dma semaphore(%arg13 : memref<!tpu.dma_semaphore, #tpu.memory_space<semaphore_mem>>) src(%dma_wait3A_348 : memref<64x128xf32, #tpu.memory_space<vmem>>) dst(%dma_wait3A_354 : memref<10240x128xf32, #tpu.memory_space<vmem_shared>>)
      %add3A_355 = arith.constant 3 : i32
      %add3A_356 = arith.addi %mul3A_269, %add3A_355 : i32
      %dma_start3A_357 = arith.constant 1 : i32
      %dma_start3A_358 = arith.constant 0 : i32
      %dma_start3A_359 = arith.constant 0 : i32
      %dma_start3A_360 = tpu.memref_slice %arg8[%dma_start3A_357, %dma_start3A_358, %dma_start3A_359] : memref<2x64x128xf32, #tpu.memory_space<vmem>> -> memref<1x64x128xf32, #tpu.memory_space<vmem>>
      %dma_start3A_361 = tpu.memref_squeeze %dma_start3A_360 : memref<1x64x128xf32, #tpu.memory_space<vmem>> -> memref<64x128xf32, #tpu.memory_space<vmem>>
      %dma_start3A_362 = arith.constant 0 : i32
      %dma_start3A_363 = tpu.memref_slice %arg6[%add3A_356, %dma_start3A_362] : memref<80x64xi32, #tpu.memory_space<vmem>> -> memref<1x64xi32, #tpu.memory_space<vmem>>
      %dma_start3A_364 = tpu.memref_squeeze %dma_start3A_363 : memref<1x64xi32, #tpu.memory_space<vmem>> -> memref<64xi32, #tpu.memory_space<vmem>>
      %dma_start3A_365 = arith.constant 0 : i32
      %dma_start3A_366 = arith.constant 0 : i32
      %dma_start3A_367 = tpu.memref_slice %arg2[%dma_start3A_365, %dma_start3A_366] : memref<10000x128xf32, #tpu.memory_space<hbm>> -> memref<10000x128xf32, #tpu.memory_space<hbm>>
      tpu.enqueue_indirect_dma source(%dma_start3A_367 : memref<10000x128xf32, #tpu.memory_space<hbm>>) target(%dma_start3A_361 : memref<64x128xf32, #tpu.memory_space<vmem>>) offsets(%dma_start3A_364 : memref<64xi32, #tpu.memory_space<vmem>>) semaphore(%arg11 : memref<!tpu.dma_semaphore, #tpu.memory_space<semaphore_mem>>)
    }
    %scan3A_85 = arith.constant 39 : i32
    %dma_wait3A = arith.constant 0 : i32
    %dma_wait3A_86 = arith.constant 0 : i32
    %dma_wait3A_87 = arith.constant 0 : i32
    %dma_wait3A_88 = arith.constant 0 : i32
    %dma_wait3A_89 = tpu.memref_slice %arg8[%dma_wait3A_86, %dma_wait3A_87, %dma_wait3A_88] : memref<2x64x128xf32, #tpu.memory_space<vmem>> -> memref<1x64x128xf32, #tpu.memory_space<vmem>>
    %dma_wait3A_90 = tpu.memref_squeeze %dma_wait3A_89 : memref<1x64x128xf32, #tpu.memory_space<vmem>> -> memref<64x128xf32, #tpu.memory_space<vmem>>
    %dma_wait3A_91 = arith.constant 0 : i32
    %dma_wait3A_92 = tpu.memref_slice %arg6[%dma_wait3A, %dma_wait3A_91] : memref<80x64xi32, #tpu.memory_space<vmem>> -> memref<1x64xi32, #tpu.memory_space<vmem>>
    %dma_wait3A_93 = tpu.memref_squeeze %dma_wait3A_92 : memref<1x64xi32, #tpu.memory_space<vmem>> -> memref<64xi32, #tpu.memory_space<vmem>>
    %dma_wait3A_94 = arith.constant 0 : i32
    %dma_wait3A_95 = arith.constant 0 : i32
    %dma_wait3A_96 = tpu.memref_slice %arg2[%dma_wait3A_94, %dma_wait3A_95] : memref<10000x128xf32, #tpu.memory_space<hbm>> -> memref<10000x128xf32, #tpu.memory_space<hbm>>
    tpu.wait_indirect_dma semaphore(%arg10 : memref<!tpu.dma_semaphore, #tpu.memory_space<semaphore_mem>>) src(%dma_wait3A_96 : memref<10000x128xf32, #tpu.memory_space<hbm>>) dst(%dma_wait3A_90 : memref<64x128xf32, #tpu.memory_space<vmem>>)
    %dma_start3A_97 = arith.constant 0 : i32
    %dma_start3A_98 = arith.constant 78 : i32
    %dma_start3A_99 = arith.constant 0 : i32
    %dma_start3A_100 = arith.constant 0 : i32
    %dma_start3A_101 = tpu.memref_slice %arg8[%dma_start3A_97, %dma_start3A_99, %dma_start3A_100] : memref<2x64x128xf32, #tpu.memory_space<vmem>> -> memref<1x64x128xf32, #tpu.memory_space<vmem>>
    %dma_start3A_102 = tpu.memref_squeeze %dma_start3A_101 : memref<1x64x128xf32, #tpu.memory_space<vmem>> -> memref<64x128xf32, #tpu.memory_space<vmem>>
    %dma_start3A_103 = arith.constant 0 : i32
    %dma_start3A_104 = tpu.memref_slice %arg7[%dma_start3A_98, %dma_start3A_103] : memref<80x64xi32, #tpu.memory_space<vmem>> -> memref<1x64xi32, #tpu.memory_space<vmem>>
    %dma_start3A_105 = tpu.memref_squeeze %dma_start3A_104 : memref<1x64xi32, #tpu.memory_space<vmem>> -> memref<64xi32, #tpu.memory_space<vmem>>
    %dma_start3A_106 = arith.constant 0 : i32
    %dma_start3A_107 = arith.constant 0 : i32
    %dma_start3A_108 = tpu.memref_slice %arg9[%dma_start3A_106, %dma_start3A_107] : memref<10240x128xf32, #tpu.memory_space<vmem_shared>> -> memref<10240x128xf32, #tpu.memory_space<vmem_shared>>
    tpu.enqueue_indirect_dma source(%dma_start3A_102 : memref<64x128xf32, #tpu.memory_space<vmem>>) target(%dma_start3A_108 : memref<10240x128xf32, #tpu.memory_space<vmem_shared>>) offsets(%dma_start3A_105 : memref<64xi32, #tpu.memory_space<vmem>>) semaphore(%arg12 : memref<!tpu.dma_semaphore, #tpu.memory_space<semaphore_mem>>) {add = true}
    %dma_wait3A_109 = arith.constant 0 : i32
    %dma_wait3A_110 = arith.constant 1 : i32
    %dma_wait3A_111 = arith.constant 0 : i32
    %dma_wait3A_112 = arith.constant 0 : i32
    %dma_wait3A_113 = tpu.memref_slice %arg8[%dma_wait3A_110, %dma_wait3A_111, %dma_wait3A_112] : memref<2x64x128xf32, #tpu.memory_space<vmem>> -> memref<1x64x128xf32, #tpu.memory_space<vmem>>
    %dma_wait3A_114 = tpu.memref_squeeze %dma_wait3A_113 : memref<1x64x128xf32, #tpu.memory_space<vmem>> -> memref<64x128xf32, #tpu.memory_space<vmem>>
    %dma_wait3A_115 = arith.constant 0 : i32
    %dma_wait3A_116 = tpu.memref_slice %arg6[%dma_wait3A_109, %dma_wait3A_115] : memref<80x64xi32, #tpu.memory_space<vmem>> -> memref<1x64xi32, #tpu.memory_space<vmem>>
    %dma_wait3A_117 = tpu.memref_squeeze %dma_wait3A_116 : memref<1x64xi32, #tpu.memory_space<vmem>> -> memref<64xi32, #tpu.memory_space<vmem>>
    %dma_wait3A_118 = arith.constant 0 : i32
    %dma_wait3A_119 = arith.constant 0 : i32
    %dma_wait3A_120 = tpu.memref_slice %arg2[%dma_wait3A_118, %dma_wait3A_119] : memref<10000x128xf32, #tpu.memory_space<hbm>> -> memref<10000x128xf32, #tpu.memory_space<hbm>>
    tpu.wait_indirect_dma semaphore(%arg11 : memref<!tpu.dma_semaphore, #tpu.memory_space<semaphore_mem>>) src(%dma_wait3A_120 : memref<10000x128xf32, #tpu.memory_space<hbm>>) dst(%dma_wait3A_114 : memref<64x128xf32, #tpu.memory_space<vmem>>)
    %dma_start3A_121 = arith.constant 1 : i32
    %dma_start3A_122 = arith.constant 79 : i32
    %dma_start3A_123 = arith.constant 0 : i32
    %dma_start3A_124 = arith.constant 0 : i32
    %dma_start3A_125 = tpu.memref_slice %arg8[%dma_start3A_121, %dma_start3A_123, %dma_start3A_124] : memref<2x64x128xf32, #tpu.memory_space<vmem>> -> memref<1x64x128xf32, #tpu.memory_space<vmem>>
    %dma_start3A_126 = tpu.memref_squeeze %dma_start3A_125 : memref<1x64x128xf32, #tpu.memory_space<vmem>> -> memref<64x128xf32, #tpu.memory_space<vmem>>
    %dma_start3A_127 = arith.constant 0 : i32
    %dma_start3A_128 = tpu.memref_slice %arg7[%dma_start3A_122, %dma_start3A_127] : memref<80x64xi32, #tpu.memory_space<vmem>> -> memref<1x64xi32, #tpu.memory_space<vmem>>
    %dma_start3A_129 = tpu.memref_squeeze %dma_start3A_128 : memref<1x64xi32, #tpu.memory_space<vmem>> -> memref<64xi32, #tpu.memory_space<vmem>>
    %dma_start3A_130 = arith.constant 0 : i32
    %dma_start3A_131 = arith.constant 0 : i32
    %dma_start3A_132 = tpu.memref_slice %arg9[%dma_start3A_130, %dma_start3A_131] : memref<10240x128xf32, #tpu.memory_space<vmem_shared>> -> memref<10240x128xf32, #tpu.memory_space<vmem_shared>>
    tpu.enqueue_indirect_dma source(%dma_start3A_126 : memref<64x128xf32, #tpu.memory_space<vmem>>) target(%dma_start3A_132 : memref<10240x128xf32, #tpu.memory_space<vmem_shared>>) offsets(%dma_start3A_129 : memref<64xi32, #tpu.memory_space<vmem>>) semaphore(%arg13 : memref<!tpu.dma_semaphore, #tpu.memory_space<semaphore_mem>>) {add = true}
    %dma_wait3A_133 = arith.constant 0 : i32
    %dma_wait3A_134 = arith.constant 0 : i32
    %dma_wait3A_135 = arith.constant 0 : i32
    %dma_wait3A_136 = arith.constant 0 : i32
    %dma_wait3A_137 = tpu.memref_slice %arg8[%dma_wait3A_133, %dma_wait3A_135, %dma_wait3A_136] : memref<2x64x128xf32, #tpu.memory_space<vmem>> -> memref<1x64x128xf32, #tpu.memory_space<vmem>>
    %dma_wait3A_138 = tpu.memref_squeeze %dma_wait3A_137 : memref<1x64x128xf32, #tpu.memory_space<vmem>> -> memref<64x128xf32, #tpu.memory_space<vmem>>
    %dma_wait3A_139 = arith.constant 0 : i32
    %dma_wait3A_140 = tpu.memref_slice %arg7[%dma_wait3A_134, %dma_wait3A_139] : memref<80x64xi32, #tpu.memory_space<vmem>> -> memref<1x64xi32, #tpu.memory_space<vmem>>
    %dma_wait3A_141 = tpu.memref_squeeze %dma_wait3A_140 : memref<1x64xi32, #tpu.memory_space<vmem>> -> memref<64xi32, #tpu.memory_space<vmem>>
    %dma_wait3A_142 = arith.constant 0 : i32
    %dma_wait3A_143 = arith.constant 0 : i32
    %dma_wait3A_144 = tpu.memref_slice %arg9[%dma_wait3A_142, %dma_wait3A_143] : memref<10240x128xf32, #tpu.memory_space<vmem_shared>> -> memref<10240x128xf32, #tpu.memory_space<vmem_shared>>
    tpu.wait_indirect_dma semaphore(%arg12 : memref<!tpu.dma_semaphore, #tpu.memory_space<semaphore_mem>>) src(%dma_wait3A_138 : memref<64x128xf32, #tpu.memory_space<vmem>>) dst(%dma_wait3A_144 : memref<10240x128xf32, #tpu.memory_space<vmem_shared>>)
    %dma_wait3A_145 = arith.constant 1 : i32
    %dma_wait3A_146 = arith.constant 0 : i32
    %dma_wait3A_147 = arith.constant 0 : i32
    %dma_wait3A_148 = arith.constant 0 : i32
    %dma_wait3A_149 = tpu.memref_slice %arg8[%dma_wait3A_145, %dma_wait3A_147, %dma_wait3A_148] : memref<2x64x128xf32, #tpu.memory_space<vmem>> -> memref<1x64x128xf32, #tpu.memory_space<vmem>>
    %dma_wait3A_150 = tpu.memref_squeeze %dma_wait3A_149 : memref<1x64x128xf32, #tpu.memory_space<vmem>> -> memref<64x128xf32, #tpu.memory_space<vmem>>
    %dma_wait3A_151 = arith.constant 0 : i32
    %dma_wait3A_152 = tpu.memref_slice %arg7[%dma_wait3A_146, %dma_wait3A_151] : memref<80x64xi32, #tpu.memory_space<vmem>> -> memref<1x64xi32, #tpu.memory_space<vmem>>
    %dma_wait3A_153 = tpu.memref_squeeze %dma_wait3A_152 : memref<1x64xi32, #tpu.memory_space<vmem>> -> memref<64xi32, #tpu.memory_space<vmem>>
    %dma_wait3A_154 = arith.constant 0 : i32
    %dma_wait3A_155 = arith.constant 0 : i32
    %dma_wait3A_156 = tpu.memref_slice %arg9[%dma_wait3A_154, %dma_wait3A_155] : memref<10240x128xf32, #tpu.memory_space<vmem_shared>> -> memref<10240x128xf32, #tpu.memory_space<vmem_shared>>
    tpu.wait_indirect_dma semaphore(%arg13 : memref<!tpu.dma_semaphore, #tpu.memory_space<semaphore_mem>>) src(%dma_wait3A_150 : memref<64x128xf32, #tpu.memory_space<vmem>>) dst(%dma_wait3A_156 : memref<10240x128xf32, #tpu.memory_space<vmem_shared>>)
    %mul3A_157 = arith.constant 160 : i32
    %mul3A_158 = arith.muli %add3A, %mul3A_157 : i32
    %add3A_159 = arith.constant 80 : i32
    %add3A_160 = arith.addi %mul3A_158, %add3A_159 : i32
    "tpu.region"() ({
      %run_scoped3A_267 = tpu.sem_alloc : memref<!tpu.dma_semaphore, #tpu.memory_space<semaphore_mem>>
      %dma_start3A_268 = arith.constant 0 : i32
      %dma_start3A_269 = tpu.memref_slice %arg3[%add3A_160, %dma_start3A_268] : memref<5120x64xi32, #tpu.memory_space<hbm>> -> memref<80x64xi32, #tpu.memory_space<hbm>>
      %dma_start3A_270 = arith.constant 0 : i32
      %dma_start3A_271 = tpu.memref_slice %arg3[%add3A_160, %dma_start3A_270] : memref<5120x64xi32, #tpu.memory_space<hbm>> -> memref<80x64xi32, #tpu.memory_space<hbm>>
      tpu.enqueue_dma source(%dma_start3A_271 : memref<80x64xi32, #tpu.memory_space<hbm>>) target(%arg6 : memref<80x64xi32, #tpu.memory_space<vmem>>) target_semaphore(%run_scoped3A_267 : memref<!tpu.dma_semaphore, #tpu.memory_space<semaphore_mem>>)
      %dma_wait3A_272 = arith.constant 0 : i32
      %dma_wait3A_273 = tpu.memref_slice %arg3[%add3A_160, %dma_wait3A_272] : memref<5120x64xi32, #tpu.memory_space<hbm>> -> memref<80x64xi32, #tpu.memory_space<hbm>>
      %dma_wait3A_274 = arith.constant 0 : i32
      %dma_wait3A_275 = tpu.memref_slice %arg3[%add3A_160, %dma_wait3A_274] : memref<5120x64xi32, #tpu.memory_space<hbm>> -> memref<80x64xi32, #tpu.memory_space<hbm>>
      tpu.wait_dma2 semaphore(%run_scoped3A_267 : memref<!tpu.dma_semaphore, #tpu.memory_space<semaphore_mem>>) src(%dma_wait3A_275 : memref<80x64xi32, #tpu.memory_space<hbm>>) dst(%arg6 : memref<80x64xi32, #tpu.memory_space<vmem>>)
      tpu.yield
    }) : () -> ()
    "tpu.region"() ({
      %run_scoped3A_267 = tpu.sem_alloc : memref<!tpu.dma_semaphore, #tpu.memory_space<semaphore_mem>>
      %dma_start3A_268 = arith.constant 0 : i32
      %dma_start3A_269 = tpu.memref_slice %arg4[%add3A_160, %dma_start3A_268] : memref<5120x64xi32, #tpu.memory_space<hbm>> -> memref<80x64xi32, #tpu.memory_space<hbm>>
      %dma_start3A_270 = arith.constant 0 : i32
      %dma_start3A_271 = tpu.memref_slice %arg4[%add3A_160, %dma_start3A_270] : memref<5120x64xi32, #tpu.memory_space<hbm>> -> memref<80x64xi32, #tpu.memory_space<hbm>>
      tpu.enqueue_dma source(%dma_start3A_271 : memref<80x64xi32, #tpu.memory_space<hbm>>) target(%arg7 : memref<80x64xi32, #tpu.memory_space<vmem>>) target_semaphore(%run_scoped3A_267 : memref<!tpu.dma_semaphore, #tpu.memory_space<semaphore_mem>>)
      %dma_wait3A_272 = arith.constant 0 : i32
      %dma_wait3A_273 = tpu.memref_slice %arg4[%add3A_160, %dma_wait3A_272] : memref<5120x64xi32, #tpu.memory_space<hbm>> -> memref<80x64xi32, #tpu.memory_space<hbm>>
      %dma_wait3A_274 = arith.constant 0 : i32
      %dma_wait3A_275 = tpu.memref_slice %arg4[%add3A_160, %dma_wait3A_274] : memref<5120x64xi32, #tpu.memory_space<hbm>> -> memref<80x64xi32, #tpu.memory_space<hbm>>
      tpu.wait_dma2 semaphore(%run_scoped3A_267 : memref<!tpu.dma_semaphore, #tpu.memory_space<semaphore_mem>>) src(%dma_wait3A_275 : memref<80x64xi32, #tpu.memory_space<hbm>>) dst(%arg7 : memref<80x64xi32, #tpu.memory_space<vmem>>)
      tpu.yield
    }) : () -> ()
    %dma_start3A_161 = arith.constant 0 : i32
    %dma_start3A_162 = arith.constant 0 : i32
    %dma_start3A_163 = arith.constant 0 : i32
    %dma_start3A_164 = arith.constant 0 : i32
    %dma_start3A_165 = tpu.memref_slice %arg8[%dma_start3A_162, %dma_start3A_163, %dma_start3A_164] : memref<2x64x128xf32, #tpu.memory_space<vmem>> -> memref<1x64x128xf32, #tpu.memory_space<vmem>>
    %dma_start3A_166 = tpu.memref_squeeze %dma_start3A_165 : memref<1x64x128xf32, #tpu.memory_space<vmem>> -> memref<64x128xf32, #tpu.memory_space<vmem>>
    %dma_start3A_167 = arith.constant 0 : i32
    %dma_start3A_168 = tpu.memref_slice %arg6[%dma_start3A_161, %dma_start3A_167] : memref<80x64xi32, #tpu.memory_space<vmem>> -> memref<1x64xi32, #tpu.memory_space<vmem>>
    %dma_start3A_169 = tpu.memref_squeeze %dma_start3A_168 : memref<1x64xi32, #tpu.memory_space<vmem>> -> memref<64xi32, #tpu.memory_space<vmem>>
    %dma_start3A_170 = arith.constant 0 : i32
    %dma_start3A_171 = arith.constant 0 : i32
    %dma_start3A_172 = tpu.memref_slice %arg2[%dma_start3A_170, %dma_start3A_171] : memref<10000x128xf32, #tpu.memory_space<hbm>> -> memref<10000x128xf32, #tpu.memory_space<hbm>>
    tpu.enqueue_indirect_dma source(%dma_start3A_172 : memref<10000x128xf32, #tpu.memory_space<hbm>>) target(%dma_start3A_166 : memref<64x128xf32, #tpu.memory_space<vmem>>) offsets(%dma_start3A_169 : memref<64xi32, #tpu.memory_space<vmem>>) semaphore(%arg10 : memref<!tpu.dma_semaphore, #tpu.memory_space<semaphore_mem>>)
    %dma_start3A_173 = arith.constant 1 : i32
    %dma_start3A_174 = arith.constant 1 : i32
    %dma_start3A_175 = arith.constant 0 : i32
    %dma_start3A_176 = arith.constant 0 : i32
    %dma_start3A_177 = tpu.memref_slice %arg8[%dma_start3A_174, %dma_start3A_175, %dma_start3A_176] : memref<2x64x128xf32, #tpu.memory_space<vmem>> -> memref<1x64x128xf32, #tpu.memory_space<vmem>>
    %dma_start3A_178 = tpu.memref_squeeze %dma_start3A_177 : memref<1x64x128xf32, #tpu.memory_space<vmem>> -> memref<64x128xf32, #tpu.memory_space<vmem>>
    %dma_start3A_179 = arith.constant 0 : i32
    %dma_start3A_180 = tpu.memref_slice %arg6[%dma_start3A_173, %dma_start3A_179] : memref<80x64xi32, #tpu.memory_space<vmem>> -> memref<1x64xi32, #tpu.memory_space<vmem>>
    %dma_start3A_181 = tpu.memref_squeeze %dma_start3A_180 : memref<1x64xi32, #tpu.memory_space<vmem>> -> memref<64xi32, #tpu.memory_space<vmem>>
    %dma_start3A_182 = arith.constant 0 : i32
    %dma_start3A_183 = arith.constant 0 : i32
    %dma_start3A_184 = tpu.memref_slice %arg2[%dma_start3A_182, %dma_start3A_183] : memref<10000x128xf32, #tpu.memory_space<hbm>> -> memref<10000x128xf32, #tpu.memory_space<hbm>>
    tpu.enqueue_indirect_dma source(%dma_start3A_184 : memref<10000x128xf32, #tpu.memory_space<hbm>>) target(%dma_start3A_178 : memref<64x128xf32, #tpu.memory_space<vmem>>) offsets(%dma_start3A_181 : memref<64xi32, #tpu.memory_space<vmem>>) semaphore(%arg11 : memref<!tpu.dma_semaphore, #tpu.memory_space<semaphore_mem>>)
    %scan3A_185 = arith.constant 0 : i32
    %scan3A_186 = arith.constant 39 : i32
    %scan3A_187 = arith.addi %scan3A_185, %scan3A_186 : i32
    %scan3A_188 = arith.constant 1 : i32
    scf.for %scan3A_267 = %scan3A_185 to %scan3A_187 step %scan3A_188  : i32 {
      %mul3A_268 = arith.constant 2 : i32
      %mul3A_269 = arith.muli %mul3A_268, %scan3A_267 : i32
      %dma_wait3A_270 = arith.constant 0 : i32
      %dma_wait3A_271 = arith.constant 0 : i32
      %dma_wait3A_272 = arith.constant 0 : i32
      %dma_wait3A_273 = arith.constant 0 : i32
      %dma_wait3A_274 = tpu.memref_slice %arg8[%dma_wait3A_271, %dma_wait3A_272, %dma_wait3A_273] : memref<2x64x128xf32, #tpu.memory_space<vmem>> -> memref<1x64x128xf32, #tpu.memory_space<vmem>>
      %dma_wait3A_275 = tpu.memref_squeeze %dma_wait3A_274 : memref<1x64x128xf32, #tpu.memory_space<vmem>> -> memref<64x128xf32, #tpu.memory_space<vmem>>
      %dma_wait3A_276 = arith.constant 0 : i32
      %dma_wait3A_277 = tpu.memref_slice %arg6[%dma_wait3A_270, %dma_wait3A_276] : memref<80x64xi32, #tpu.memory_space<vmem>> -> memref<1x64xi32, #tpu.memory_space<vmem>>
      %dma_wait3A_278 = tpu.memref_squeeze %dma_wait3A_277 : memref<1x64xi32, #tpu.memory_space<vmem>> -> memref<64xi32, #tpu.memory_space<vmem>>
      %dma_wait3A_279 = arith.constant 0 : i32
      %dma_wait3A_280 = arith.constant 0 : i32
      %dma_wait3A_281 = tpu.memref_slice %arg2[%dma_wait3A_279, %dma_wait3A_280] : memref<10000x128xf32, #tpu.memory_space<hbm>> -> memref<10000x128xf32, #tpu.memory_space<hbm>>
      tpu.wait_indirect_dma semaphore(%arg10 : memref<!tpu.dma_semaphore, #tpu.memory_space<semaphore_mem>>) src(%dma_wait3A_281 : memref<10000x128xf32, #tpu.memory_space<hbm>>) dst(%dma_wait3A_275 : memref<64x128xf32, #tpu.memory_space<vmem>>)
      %dma_start3A_282 = arith.constant 0 : i32
      %dma_start3A_283 = arith.constant 0 : i32
      %dma_start3A_284 = arith.constant 0 : i32
      %dma_start3A_285 = tpu.memref_slice %arg8[%dma_start3A_282, %dma_start3A_283, %dma_start3A_284] : memref<2x64x128xf32, #tpu.memory_space<vmem>> -> memref<1x64x128xf32, #tpu.memory_space<vmem>>
      %dma_start3A_286 = tpu.memref_squeeze %dma_start3A_285 : memref<1x64x128xf32, #tpu.memory_space<vmem>> -> memref<64x128xf32, #tpu.memory_space<vmem>>
      %dma_start3A_287 = arith.constant 0 : i32
      %dma_start3A_288 = tpu.memref_slice %arg7[%mul3A_269, %dma_start3A_287] : memref<80x64xi32, #tpu.memory_space<vmem>> -> memref<1x64xi32, #tpu.memory_space<vmem>>
      %dma_start3A_289 = tpu.memref_squeeze %dma_start3A_288 : memref<1x64xi32, #tpu.memory_space<vmem>> -> memref<64xi32, #tpu.memory_space<vmem>>
      %dma_start3A_290 = arith.constant 0 : i32
      %dma_start3A_291 = arith.constant 0 : i32
      %dma_start3A_292 = tpu.memref_slice %arg9[%dma_start3A_290, %dma_start3A_291] : memref<10240x128xf32, #tpu.memory_space<vmem_shared>> -> memref<10240x128xf32, #tpu.memory_space<vmem_shared>>
      tpu.enqueue_indirect_dma source(%dma_start3A_286 : memref<64x128xf32, #tpu.memory_space<vmem>>) target(%dma_start3A_292 : memref<10240x128xf32, #tpu.memory_space<vmem_shared>>) offsets(%dma_start3A_289 : memref<64xi32, #tpu.memory_space<vmem>>) semaphore(%arg12 : memref<!tpu.dma_semaphore, #tpu.memory_space<semaphore_mem>>) {add = true}
      %dma_wait3A_293 = arith.constant 0 : i32
      %dma_wait3A_294 = arith.constant 1 : i32
      %dma_wait3A_295 = arith.constant 0 : i32
      %dma_wait3A_296 = arith.constant 0 : i32
      %dma_wait3A_297 = tpu.memref_slice %arg8[%dma_wait3A_294, %dma_wait3A_295, %dma_wait3A_296] : memref<2x64x128xf32, #tpu.memory_space<vmem>> -> memref<1x64x128xf32, #tpu.memory_space<vmem>>
      %dma_wait3A_298 = tpu.memref_squeeze %dma_wait3A_297 : memref<1x64x128xf32, #tpu.memory_space<vmem>> -> memref<64x128xf32, #tpu.memory_space<vmem>>
      %dma_wait3A_299 = arith.constant 0 : i32
      %dma_wait3A_300 = tpu.memref_slice %arg6[%dma_wait3A_293, %dma_wait3A_299] : memref<80x64xi32, #tpu.memory_space<vmem>> -> memref<1x64xi32, #tpu.memory_space<vmem>>
      %dma_wait3A_301 = tpu.memref_squeeze %dma_wait3A_300 : memref<1x64xi32, #tpu.memory_space<vmem>> -> memref<64xi32, #tpu.memory_space<vmem>>
      %dma_wait3A_302 = arith.constant 0 : i32
      %dma_wait3A_303 = arith.constant 0 : i32
      %dma_wait3A_304 = tpu.memref_slice %arg2[%dma_wait3A_302, %dma_wait3A_303] : memref<10000x128xf32, #tpu.memory_space<hbm>> -> memref<10000x128xf32, #tpu.memory_space<hbm>>
      tpu.wait_indirect_dma semaphore(%arg11 : memref<!tpu.dma_semaphore, #tpu.memory_space<semaphore_mem>>) src(%dma_wait3A_304 : memref<10000x128xf32, #tpu.memory_space<hbm>>) dst(%dma_wait3A_298 : memref<64x128xf32, #tpu.memory_space<vmem>>)
      %add3A_305 = arith.constant 1 : i32
      %add3A_306 = arith.addi %mul3A_269, %add3A_305 : i32
      %dma_start3A_307 = arith.constant 1 : i32
      %dma_start3A_308 = arith.constant 0 : i32
      %dma_start3A_309 = arith.constant 0 : i32
      %dma_start3A_310 = tpu.memref_slice %arg8[%dma_start3A_307, %dma_start3A_308, %dma_start3A_309] : memref<2x64x128xf32, #tpu.memory_space<vmem>> -> memref<1x64x128xf32, #tpu.memory_space<vmem>>
      %dma_start3A_311 = tpu.memref_squeeze %dma_start3A_310 : memref<1x64x128xf32, #tpu.memory_space<vmem>> -> memref<64x128xf32, #tpu.memory_space<vmem>>
      %dma_start3A_312 = arith.constant 0 : i32
      %dma_start3A_313 = tpu.memref_slice %arg7[%add3A_306, %dma_start3A_312] : memref<80x64xi32, #tpu.memory_space<vmem>> -> memref<1x64xi32, #tpu.memory_space<vmem>>
      %dma_start3A_314 = tpu.memref_squeeze %dma_start3A_313 : memref<1x64xi32, #tpu.memory_space<vmem>> -> memref<64xi32, #tpu.memory_space<vmem>>
      %dma_start3A_315 = arith.constant 0 : i32
      %dma_start3A_316 = arith.constant 0 : i32
      %dma_start3A_317 = tpu.memref_slice %arg9[%dma_start3A_315, %dma_start3A_316] : memref<10240x128xf32, #tpu.memory_space<vmem_shared>> -> memref<10240x128xf32, #tpu.memory_space<vmem_shared>>
      tpu.enqueue_indirect_dma source(%dma_start3A_311 : memref<64x128xf32, #tpu.memory_space<vmem>>) target(%dma_start3A_317 : memref<10240x128xf32, #tpu.memory_space<vmem_shared>>) offsets(%dma_start3A_314 : memref<64xi32, #tpu.memory_space<vmem>>) semaphore(%arg13 : memref<!tpu.dma_semaphore, #tpu.memory_space<semaphore_mem>>) {add = true}
      %dma_wait3A_318 = arith.constant 0 : i32
      %dma_wait3A_319 = arith.constant 0 : i32
      %dma_wait3A_320 = arith.constant 0 : i32
      %dma_wait3A_321 = arith.constant 0 : i32
      %dma_wait3A_322 = tpu.memref_slice %arg8[%dma_wait3A_318, %dma_wait3A_320, %dma_wait3A_321] : memref<2x64x128xf32, #tpu.memory_space<vmem>> -> memref<1x64x128xf32, #tpu.memory_space<vmem>>
      %dma_wait3A_323 = tpu.memref_squeeze %dma_wait3A_322 : memref<1x64x128xf32, #tpu.memory_space<vmem>> -> memref<64x128xf32, #tpu.memory_space<vmem>>
      %dma_wait3A_324 = arith.constant 0 : i32
      %dma_wait3A_325 = tpu.memref_slice %arg7[%dma_wait3A_319, %dma_wait3A_324] : memref<80x64xi32, #tpu.memory_space<vmem>> -> memref<1x64xi32, #tpu.memory_space<vmem>>
      %dma_wait3A_326 = tpu.memref_squeeze %dma_wait3A_325 : memref<1x64xi32, #tpu.memory_space<vmem>> -> memref<64xi32, #tpu.memory_space<vmem>>
      %dma_wait3A_327 = arith.constant 0 : i32
      %dma_wait3A_328 = arith.constant 0 : i32
      %dma_wait3A_329 = tpu.memref_slice %arg9[%dma_wait3A_327, %dma_wait3A_328] : memref<10240x128xf32, #tpu.memory_space<vmem_shared>> -> memref<10240x128xf32, #tpu.memory_space<vmem_shared>>
      tpu.wait_indirect_dma semaphore(%arg12 : memref<!tpu.dma_semaphore, #tpu.memory_space<semaphore_mem>>) src(%dma_wait3A_323 : memref<64x128xf32, #tpu.memory_space<vmem>>) dst(%dma_wait3A_329 : memref<10240x128xf32, #tpu.memory_space<vmem_shared>>)
      %add3A_330 = arith.constant 2 : i32
      %add3A_331 = arith.addi %mul3A_269, %add3A_330 : i32
      %dma_start3A_332 = arith.constant 0 : i32
      %dma_start3A_333 = arith.constant 0 : i32
      %dma_start3A_334 = arith.constant 0 : i32
      %dma_start3A_335 = tpu.memref_slice %arg8[%dma_start3A_332, %dma_start3A_333, %dma_start3A_334] : memref<2x64x128xf32, #tpu.memory_space<vmem>> -> memref<1x64x128xf32, #tpu.memory_space<vmem>>
      %dma_start3A_336 = tpu.memref_squeeze %dma_start3A_335 : memref<1x64x128xf32, #tpu.memory_space<vmem>> -> memref<64x128xf32, #tpu.memory_space<vmem>>
      %dma_start3A_337 = arith.constant 0 : i32
      %dma_start3A_338 = tpu.memref_slice %arg6[%add3A_331, %dma_start3A_337] : memref<80x64xi32, #tpu.memory_space<vmem>> -> memref<1x64xi32, #tpu.memory_space<vmem>>
      %dma_start3A_339 = tpu.memref_squeeze %dma_start3A_338 : memref<1x64xi32, #tpu.memory_space<vmem>> -> memref<64xi32, #tpu.memory_space<vmem>>
      %dma_start3A_340 = arith.constant 0 : i32
      %dma_start3A_341 = arith.constant 0 : i32
      %dma_start3A_342 = tpu.memref_slice %arg2[%dma_start3A_340, %dma_start3A_341] : memref<10000x128xf32, #tpu.memory_space<hbm>> -> memref<10000x128xf32, #tpu.memory_space<hbm>>
      tpu.enqueue_indirect_dma source(%dma_start3A_342 : memref<10000x128xf32, #tpu.memory_space<hbm>>) target(%dma_start3A_336 : memref<64x128xf32, #tpu.memory_space<vmem>>) offsets(%dma_start3A_339 : memref<64xi32, #tpu.memory_space<vmem>>) semaphore(%arg10 : memref<!tpu.dma_semaphore, #tpu.memory_space<semaphore_mem>>)
      %dma_wait3A_343 = arith.constant 1 : i32
      %dma_wait3A_344 = arith.constant 0 : i32
      %dma_wait3A_345 = arith.constant 0 : i32
      %dma_wait3A_346 = arith.constant 0 : i32
      %dma_wait3A_347 = tpu.memref_slice %arg8[%dma_wait3A_343, %dma_wait3A_345, %dma_wait3A_346] : memref<2x64x128xf32, #tpu.memory_space<vmem>> -> memref<1x64x128xf32, #tpu.memory_space<vmem>>
      %dma_wait3A_348 = tpu.memref_squeeze %dma_wait3A_347 : memref<1x64x128xf32, #tpu.memory_space<vmem>> -> memref<64x128xf32, #tpu.memory_space<vmem>>
      %dma_wait3A_349 = arith.constant 0 : i32
      %dma_wait3A_350 = tpu.memref_slice %arg7[%dma_wait3A_344, %dma_wait3A_349] : memref<80x64xi32, #tpu.memory_space<vmem>> -> memref<1x64xi32, #tpu.memory_space<vmem>>
      %dma_wait3A_351 = tpu.memref_squeeze %dma_wait3A_350 : memref<1x64xi32, #tpu.memory_space<vmem>> -> memref<64xi32, #tpu.memory_space<vmem>>
      %dma_wait3A_352 = arith.constant 0 : i32
      %dma_wait3A_353 = arith.constant 0 : i32
      %dma_wait3A_354 = tpu.memref_slice %arg9[%dma_wait3A_352, %dma_wait3A_353] : memref<10240x128xf32, #tpu.memory_space<vmem_shared>> -> memref<10240x128xf32, #tpu.memory_space<vmem_shared>>
      tpu.wait_indirect_dma semaphore(%arg13 : memref<!tpu.dma_semaphore, #tpu.memory_space<semaphore_mem>>) src(%dma_wait3A_348 : memref<64x128xf32, #tpu.memory_space<vmem>>) dst(%dma_wait3A_354 : memref<10240x128xf32, #tpu.memory_space<vmem_shared>>)
      %add3A_355 = arith.constant 3 : i32
      %add3A_356 = arith.addi %mul3A_269, %add3A_355 : i32
      %dma_start3A_357 = arith.constant 1 : i32
      %dma_start3A_358 = arith.constant 0 : i32
      %dma_start3A_359 = arith.constant 0 : i32
      %dma_start3A_360 = tpu.memref_slice %arg8[%dma_start3A_357, %dma_start3A_358, %dma_start3A_359] : memref<2x64x128xf32, #tpu.memory_space<vmem>> -> memref<1x64x128xf32, #tpu.memory_space<vmem>>
      %dma_start3A_361 = tpu.memref_squeeze %dma_start3A_360 : memref<1x64x128xf32, #tpu.memory_space<vmem>> -> memref<64x128xf32, #tpu.memory_space<vmem>>
      %dma_start3A_362 = arith.constant 0 : i32
      %dma_start3A_363 = tpu.memref_slice %arg6[%add3A_356, %dma_start3A_362] : memref<80x64xi32, #tpu.memory_space<vmem>> -> memref<1x64xi32, #tpu.memory_space<vmem>>
      %dma_start3A_364 = tpu.memref_squeeze %dma_start3A_363 : memref<1x64xi32, #tpu.memory_space<vmem>> -> memref<64xi32, #tpu.memory_space<vmem>>
      %dma_start3A_365 = arith.constant 0 : i32
      %dma_start3A_366 = arith.constant 0 : i32
      %dma_start3A_367 = tpu.memref_slice %arg2[%dma_start3A_365, %dma_start3A_366] : memref<10000x128xf32, #tpu.memory_space<hbm>> -> memref<10000x128xf32, #tpu.memory_space<hbm>>
      tpu.enqueue_indirect_dma source(%dma_start3A_367 : memref<10000x128xf32, #tpu.memory_space<hbm>>) target(%dma_start3A_361 : memref<64x128xf32, #tpu.memory_space<vmem>>) offsets(%dma_start3A_364 : memref<64xi32, #tpu.memory_space<vmem>>) semaphore(%arg11 : memref<!tpu.dma_semaphore, #tpu.memory_space<semaphore_mem>>)
    }
    %scan3A_189 = arith.constant 39 : i32
    %dma_wait3A_190 = arith.constant 0 : i32
    %dma_wait3A_191 = arith.constant 0 : i32
    %dma_wait3A_192 = arith.constant 0 : i32
    %dma_wait3A_193 = arith.constant 0 : i32
    %dma_wait3A_194 = tpu.memref_slice %arg8[%dma_wait3A_191, %dma_wait3A_192, %dma_wait3A_193] : memref<2x64x128xf32, #tpu.memory_space<vmem>> -> memref<1x64x128xf32, #tpu.memory_space<vmem>>
    %dma_wait3A_195 = tpu.memref_squeeze %dma_wait3A_194 : memref<1x64x128xf32, #tpu.memory_space<vmem>> -> memref<64x128xf32, #tpu.memory_space<vmem>>
    %dma_wait3A_196 = arith.constant 0 : i32
    %dma_wait3A_197 = tpu.memref_slice %arg6[%dma_wait3A_190, %dma_wait3A_196] : memref<80x64xi32, #tpu.memory_space<vmem>> -> memref<1x64xi32, #tpu.memory_space<vmem>>
    %dma_wait3A_198 = tpu.memref_squeeze %dma_wait3A_197 : memref<1x64xi32, #tpu.memory_space<vmem>> -> memref<64xi32, #tpu.memory_space<vmem>>
    %dma_wait3A_199 = arith.constant 0 : i32
    %dma_wait3A_200 = arith.constant 0 : i32
    %dma_wait3A_201 = tpu.memref_slice %arg2[%dma_wait3A_199, %dma_wait3A_200] : memref<10000x128xf32, #tpu.memory_space<hbm>> -> memref<10000x128xf32, #tpu.memory_space<hbm>>
    tpu.wait_indirect_dma semaphore(%arg10 : memref<!tpu.dma_semaphore, #tpu.memory_space<semaphore_mem>>) src(%dma_wait3A_201 : memref<10000x128xf32, #tpu.memory_space<hbm>>) dst(%dma_wait3A_195 : memref<64x128xf32, #tpu.memory_space<vmem>>)
    %dma_start3A_202 = arith.constant 0 : i32
    %dma_start3A_203 = arith.constant 78 : i32
    %dma_start3A_204 = arith.constant 0 : i32
    %dma_start3A_205 = arith.constant 0 : i32
    %dma_start3A_206 = tpu.memref_slice %arg8[%dma_start3A_202, %dma_start3A_204, %dma_start3A_205] : memref<2x64x128xf32, #tpu.memory_space<vmem>> -> memref<1x64x128xf32, #tpu.memory_space<vmem>>
    %dma_start3A_207 = tpu.memref_squeeze %dma_start3A_206 : memref<1x64x128xf32, #tpu.memory_space<vmem>> -> memref<64x128xf32, #tpu.memory_space<vmem>>
    %dma_start3A_208 = arith.constant 0 : i32
    %dma_start3A_209 = tpu.memref_slice %arg7[%dma_start3A_203, %dma_start3A_208] : memref<80x64xi32, #tpu.memory_space<vmem>> -> memref<1x64xi32, #tpu.memory_space<vmem>>
    %dma_start3A_210 = tpu.memref_squeeze %dma_start3A_209 : memref<1x64xi32, #tpu.memory_space<vmem>> -> memref<64xi32, #tpu.memory_space<vmem>>
    %dma_start3A_211 = arith.constant 0 : i32
    %dma_start3A_212 = arith.constant 0 : i32
    %dma_start3A_213 = tpu.memref_slice %arg9[%dma_start3A_211, %dma_start3A_212] : memref<10240x128xf32, #tpu.memory_space<vmem_shared>> -> memref<10240x128xf32, #tpu.memory_space<vmem_shared>>
    tpu.enqueue_indirect_dma source(%dma_start3A_207 : memref<64x128xf32, #tpu.memory_space<vmem>>) target(%dma_start3A_213 : memref<10240x128xf32, #tpu.memory_space<vmem_shared>>) offsets(%dma_start3A_210 : memref<64xi32, #tpu.memory_space<vmem>>) semaphore(%arg12 : memref<!tpu.dma_semaphore, #tpu.memory_space<semaphore_mem>>) {add = true}
    %dma_wait3A_214 = arith.constant 0 : i32
    %dma_wait3A_215 = arith.constant 1 : i32
    %dma_wait3A_216 = arith.constant 0 : i32
    %dma_wait3A_217 = arith.constant 0 : i32
    %dma_wait3A_218 = tpu.memref_slice %arg8[%dma_wait3A_215, %dma_wait3A_216, %dma_wait3A_217] : memref<2x64x128xf32, #tpu.memory_space<vmem>> -> memref<1x64x128xf32, #tpu.memory_space<vmem>>
    %dma_wait3A_219 = tpu.memref_squeeze %dma_wait3A_218 : memref<1x64x128xf32, #tpu.memory_space<vmem>> -> memref<64x128xf32, #tpu.memory_space<vmem>>
    %dma_wait3A_220 = arith.constant 0 : i32
    %dma_wait3A_221 = tpu.memref_slice %arg6[%dma_wait3A_214, %dma_wait3A_220] : memref<80x64xi32, #tpu.memory_space<vmem>> -> memref<1x64xi32, #tpu.memory_space<vmem>>
    %dma_wait3A_222 = tpu.memref_squeeze %dma_wait3A_221 : memref<1x64xi32, #tpu.memory_space<vmem>> -> memref<64xi32, #tpu.memory_space<vmem>>
    %dma_wait3A_223 = arith.constant 0 : i32
    %dma_wait3A_224 = arith.constant 0 : i32
    %dma_wait3A_225 = tpu.memref_slice %arg2[%dma_wait3A_223, %dma_wait3A_224] : memref<10000x128xf32, #tpu.memory_space<hbm>> -> memref<10000x128xf32, #tpu.memory_space<hbm>>
    tpu.wait_indirect_dma semaphore(%arg11 : memref<!tpu.dma_semaphore, #tpu.memory_space<semaphore_mem>>) src(%dma_wait3A_225 : memref<10000x128xf32, #tpu.memory_space<hbm>>) dst(%dma_wait3A_219 : memref<64x128xf32, #tpu.memory_space<vmem>>)
    %dma_start3A_226 = arith.constant 1 : i32
    %dma_start3A_227 = arith.constant 79 : i32
    %dma_start3A_228 = arith.constant 0 : i32
    %dma_start3A_229 = arith.constant 0 : i32
    %dma_start3A_230 = tpu.memref_slice %arg8[%dma_start3A_226, %dma_start3A_228, %dma_start3A_229] : memref<2x64x128xf32, #tpu.memory_space<vmem>> -> memref<1x64x128xf32, #tpu.memory_space<vmem>>
    %dma_start3A_231 = tpu.memref_squeeze %dma_start3A_230 : memref<1x64x128xf32, #tpu.memory_space<vmem>> -> memref<64x128xf32, #tpu.memory_space<vmem>>
    %dma_start3A_232 = arith.constant 0 : i32
    %dma_start3A_233 = tpu.memref_slice %arg7[%dma_start3A_227, %dma_start3A_232] : memref<80x64xi32, #tpu.memory_space<vmem>> -> memref<1x64xi32, #tpu.memory_space<vmem>>
    %dma_start3A_234 = tpu.memref_squeeze %dma_start3A_233 : memref<1x64xi32, #tpu.memory_space<vmem>> -> memref<64xi32, #tpu.memory_space<vmem>>
    %dma_start3A_235 = arith.constant 0 : i32
    %dma_start3A_236 = arith.constant 0 : i32
    %dma_start3A_237 = tpu.memref_slice %arg9[%dma_start3A_235, %dma_start3A_236] : memref<10240x128xf32, #tpu.memory_space<vmem_shared>> -> memref<10240x128xf32, #tpu.memory_space<vmem_shared>>
    tpu.enqueue_indirect_dma source(%dma_start3A_231 : memref<64x128xf32, #tpu.memory_space<vmem>>) target(%dma_start3A_237 : memref<10240x128xf32, #tpu.memory_space<vmem_shared>>) offsets(%dma_start3A_234 : memref<64xi32, #tpu.memory_space<vmem>>) semaphore(%arg13 : memref<!tpu.dma_semaphore, #tpu.memory_space<semaphore_mem>>) {add = true}
    %dma_wait3A_238 = arith.constant 0 : i32
    %dma_wait3A_239 = arith.constant 0 : i32
    %dma_wait3A_240 = arith.constant 0 : i32
    %dma_wait3A_241 = arith.constant 0 : i32
    %dma_wait3A_242 = tpu.memref_slice %arg8[%dma_wait3A_238, %dma_wait3A_240, %dma_wait3A_241] : memref<2x64x128xf32, #tpu.memory_space<vmem>> -> memref<1x64x128xf32, #tpu.memory_space<vmem>>
    %dma_wait3A_243 = tpu.memref_squeeze %dma_wait3A_242 : memref<1x64x128xf32, #tpu.memory_space<vmem>> -> memref<64x128xf32, #tpu.memory_space<vmem>>
    %dma_wait3A_244 = arith.constant 0 : i32
    %dma_wait3A_245 = tpu.memref_slice %arg7[%dma_wait3A_239, %dma_wait3A_244] : memref<80x64xi32, #tpu.memory_space<vmem>> -> memref<1x64xi32, #tpu.memory_space<vmem>>
    %dma_wait3A_246 = tpu.memref_squeeze %dma_wait3A_245 : memref<1x64xi32, #tpu.memory_space<vmem>> -> memref<64xi32, #tpu.memory_space<vmem>>
    %dma_wait3A_247 = arith.constant 0 : i32
    %dma_wait3A_248 = arith.constant 0 : i32
    %dma_wait3A_249 = tpu.memref_slice %arg9[%dma_wait3A_247, %dma_wait3A_248] : memref<10240x128xf32, #tpu.memory_space<vmem_shared>> -> memref<10240x128xf32, #tpu.memory_space<vmem_shared>>
    tpu.wait_indirect_dma semaphore(%arg12 : memref<!tpu.dma_semaphore, #tpu.memory_space<semaphore_mem>>) src(%dma_wait3A_243 : memref<64x128xf32, #tpu.memory_space<vmem>>) dst(%dma_wait3A_249 : memref<10240x128xf32, #tpu.memory_space<vmem_shared>>)
    %dma_wait3A_250 = arith.constant 1 : i32
    %dma_wait3A_251 = arith.constant 0 : i32
    %dma_wait3A_252 = arith.constant 0 : i32
    %dma_wait3A_253 = arith.constant 0 : i32
    %dma_wait3A_254 = tpu.memref_slice %arg8[%dma_wait3A_250, %dma_wait3A_252, %dma_wait3A_253] : memref<2x64x128xf32, #tpu.memory_space<vmem>> -> memref<1x64x128xf32, #tpu.memory_space<vmem>>
    %dma_wait3A_255 = tpu.memref_squeeze %dma_wait3A_254 : memref<1x64x128xf32, #tpu.memory_space<vmem>> -> memref<64x128xf32, #tpu.memory_space<vmem>>
    %dma_wait3A_256 = arith.constant 0 : i32
    %dma_wait3A_257 = tpu.memref_slice %arg7[%dma_wait3A_251, %dma_wait3A_256] : memref<80x64xi32, #tpu.memory_space<vmem>> -> memref<1x64xi32, #tpu.memory_space<vmem>>
    %dma_wait3A_258 = tpu.memref_squeeze %dma_wait3A_257 : memref<1x64xi32, #tpu.memory_space<vmem>> -> memref<64xi32, #tpu.memory_space<vmem>>
    %dma_wait3A_259 = arith.constant 0 : i32
    %dma_wait3A_260 = arith.constant 0 : i32
    %dma_wait3A_261 = tpu.memref_slice %arg9[%dma_wait3A_259, %dma_wait3A_260] : memref<10240x128xf32, #tpu.memory_space<vmem_shared>> -> memref<10240x128xf32, #tpu.memory_space<vmem_shared>>
    tpu.wait_indirect_dma semaphore(%arg13 : memref<!tpu.dma_semaphore, #tpu.memory_space<semaphore_mem>>) src(%dma_wait3A_255 : memref<64x128xf32, #tpu.memory_space<vmem>>) dst(%dma_wait3A_261 : memref<10240x128xf32, #tpu.memory_space<vmem_shared>>)
    %barrier3A_262 = arith.constant 0 : index
    tpu.barrier barrier_id(%barrier3A_262)
    %mul3A_263 = arith.constant 640 : i32
    %mul3A_264 = arith.muli %arg1, %mul3A_263 : i32
    %mul3A_265 = arith.constant 640 : i32
    %mul3A_266 = arith.muli %arg1, %mul3A_265 : i32
    "tpu.region"() ({
      %run_scoped3A_267 = tpu.sem_alloc : memref<!tpu.dma_semaphore, #tpu.memory_space<semaphore_mem>>
      %dma_start3A_268 = arith.constant 0 : i32
      %dma_start3A_269 = tpu.memref_slice %arg5[%arg0, %mul3A_266, %dma_start3A_268] : memref<2x10240x128xf32, #tpu.memory_space<hbm>> -> memref<1x640x128xf32, #tpu.memory_space<hbm>>
      %dma_start3A_270 = tpu.memref_squeeze %dma_start3A_269 : memref<1x640x128xf32, #tpu.memory_space<hbm>> -> memref<640x128xf32, #tpu.memory_space<hbm>>
      %dma_start3A_271 = arith.constant 0 : i32
      %dma_start3A_272 = tpu.memref_slice %arg9[%mul3A_264, %dma_start3A_271] : memref<10240x128xf32, #tpu.memory_space<vmem_shared>> -> memref<640x128xf32, #tpu.memory_space<vmem_shared>>
      tpu.enqueue_dma source(%dma_start3A_272 : memref<640x128xf32, #tpu.memory_space<vmem_shared>>) target(%dma_start3A_270 : memref<640x128xf32, #tpu.memory_space<hbm>>) target_semaphore(%run_scoped3A_267 : memref<!tpu.dma_semaphore, #tpu.memory_space<semaphore_mem>>)
      %dma_wait3A_273 = arith.constant 0 : i32
      %dma_wait3A_274 = tpu.memref_slice %arg5[%arg0, %mul3A_266, %dma_wait3A_273] : memref<2x10240x128xf32, #tpu.memory_space<hbm>> -> memref<1x640x128xf32, #tpu.memory_space<hbm>>
      %dma_wait3A_275 = tpu.memref_squeeze %dma_wait3A_274 : memref<1x640x128xf32, #tpu.memory_space<hbm>> -> memref<640x128xf32, #tpu.memory_space<hbm>>
      %dma_wait3A_276 = arith.constant 0 : i32
      %dma_wait3A_277 = tpu.memref_slice %arg9[%mul3A_264, %dma_wait3A_276] : memref<10240x128xf32, #tpu.memory_space<vmem_shared>> -> memref<640x128xf32, #tpu.memory_space<vmem_shared>>
      tpu.wait_dma2 semaphore(%run_scoped3A_267 : memref<!tpu.dma_semaphore, #tpu.memory_space<semaphore_mem>>) src(%dma_wait3A_277 : memref<640x128xf32, #tpu.memory_space<vmem_shared>>) dst(%dma_wait3A_275 : memref<640x128xf32, #tpu.memory_space<hbm>>)
      tpu.yield
    }) : () -> ()
    return
  }
}

#map = affine_map<(d0, d1) -> (0, 0)>
#map1 = affine_map<(d0, d1) -> (0, 0, 0)>
module attributes {stable_mosaic.version = 14 : i64} {
  func.func @body(%arg0: i32, %arg1: i32, %arg2: memref<10000x128xf32, #tpu.memory_space<hbm>>, %arg3: memref<5120x64xi32, #tpu.memory_space<hbm>>, %arg4: memref<5120x64xi32, #tpu.memory_space<hbm>>, %arg5: memref<2x10240x128xf32, #tpu.memory_space<hbm>>, %arg6: memref<2x10240xf32, #tpu.memory_space<hbm>>, %arg7: memref<80x64xi32, #tpu.memory_space<vmem>>, %arg8: memref<80x64xi32, #tpu.memory_space<vmem>>, %arg9: memref<2x64x128xf32, #tpu.memory_space<vmem>>, %arg10: memref<64xf32, #tpu.memory_space<vmem>>, %arg11: memref<10240x128xf32, #tpu.memory_space<vmem_shared>>, %arg12: memref<10240xf32, #tpu.memory_space<vmem_shared>>, %arg13: memref<!tpu.dma_semaphore, #tpu.memory_space<semaphore_mem>>, %arg14: memref<!tpu.dma_semaphore, #tpu.memory_space<semaphore_mem>>, %arg15: memref<!tpu.dma_semaphore, #tpu.memory_space<semaphore_mem>>, %arg16: memref<!tpu.dma_semaphore, #tpu.memory_space<semaphore_mem>>, %arg17: memref<!tpu.dma_semaphore, #tpu.memory_space<semaphore_mem>>) attributes {dimension_semantics = [#tpu.dimension_semantics<core_parallel>, #tpu.dimension_semantics<subcore_parallel>], iteration_bounds = array<i64: 2, 16>, scalar_prefetch = 0 : i64, scratch_operands = 11 : i64, tpu.core_type = #tpu.core_type<sc_vector_subcore>, window_params = [{transform_indices = #map}, {transform_indices = #map}, {transform_indices = #map}, {transform_indices = #map1}, {transform_indices = #map}]} {
    %mul3A = arith.constant 2 : i32
    %mul3A_0 = arith.muli %arg1, %mul3A : i32
    %add3A = arith.addi %mul3A_0, %arg0 : i32
    %scan3A = arith.constant 0 : i32
    %scan3A_1 = arith.constant 64 : i32
    %scan3A_2 = arith.addi %scan3A, %scan3A_1 : i32
    %scan3A_3 = arith.constant 1 : i32
    scf.for %scan3A_357 = %scan3A to %scan3A_2 step %scan3A_3  : i32 {
      %broadcast_in_dim3A_358 = arith.constant 0.000000e+00 : f32
      %broadcast_in_dim3A_359 = vector.broadcast %broadcast_in_dim3A_358 : f32 to vector<16xf32>
      %swap3A_360 = arith.constant 0 : i32
      %swap3A_361 = arith.index_cast %swap3A_360 : i32 to index
      %swap3A_362 = arith.index_cast %scan3A_357 : i32 to index
      %swap3A_363 = arith.constant 0 : index
      %swap3A_364 = tpu.vector_load %arg9[%swap3A_361, %swap3A_362, %swap3A_363] {strides = array<i32>} : memref<2x64x128xf32, #tpu.memory_space<vmem>>, vector<1x1x16xf32>,
      %swap3A_365 = vector.shape_cast %swap3A_364 : vector<1x1x16xf32> to vector<16xf32>
      %swap3A_366 = vector.shape_cast %broadcast_in_dim3A_359 : vector<16xf32> to vector<1x1x16xf32>
      tpu.vector_store %arg9[%swap3A_361, %swap3A_362, %swap3A_363], %swap3A_366 {strides = array<i32>} : memref<2x64x128xf32, #tpu.memory_space<vmem>>, vector<1x1x16xf32>,
      %broadcast_in_dim3A_367 = arith.constant 0.000000e+00 : f32
      %broadcast_in_dim3A_368 = vector.broadcast %broadcast_in_dim3A_367 : f32 to vector<16xf32>
      %swap3A_369 = arith.constant 0 : i32
      %swap3A_370 = arith.index_cast %swap3A_369 : i32 to index
      %swap3A_371 = arith.index_cast %scan3A_357 : i32 to index
      %swap3A_372 = arith.constant 16 : index
      %swap3A_373 = tpu.vector_load %arg9[%swap3A_370, %swap3A_371, %swap3A_372] {strides = array<i32>} : memref<2x64x128xf32, #tpu.memory_space<vmem>>, vector<1x1x16xf32>,
      %swap3A_374 = vector.shape_cast %swap3A_373 : vector<1x1x16xf32> to vector<16xf32>
      %swap3A_375 = vector.shape_cast %broadcast_in_dim3A_368 : vector<16xf32> to vector<1x1x16xf32>
      tpu.vector_store %arg9[%swap3A_370, %swap3A_371, %swap3A_372], %swap3A_375 {strides = array<i32>} : memref<2x64x128xf32, #tpu.memory_space<vmem>>, vector<1x1x16xf32>,
      %broadcast_in_dim3A_376 = arith.constant 0.000000e+00 : f32
      %broadcast_in_dim3A_377 = vector.broadcast %broadcast_in_dim3A_376 : f32 to vector<16xf32>
      %swap3A_378 = arith.constant 0 : i32
      %swap3A_379 = arith.index_cast %swap3A_378 : i32 to index
      %swap3A_380 = arith.index_cast %scan3A_357 : i32 to index
      %swap3A_381 = arith.constant 32 : index
      %swap3A_382 = tpu.vector_load %arg9[%swap3A_379, %swap3A_380, %swap3A_381] {strides = array<i32>} : memref<2x64x128xf32, #tpu.memory_space<vmem>>, vector<1x1x16xf32>,
      %swap3A_383 = vector.shape_cast %swap3A_382 : vector<1x1x16xf32> to vector<16xf32>
      %swap3A_384 = vector.shape_cast %broadcast_in_dim3A_377 : vector<16xf32> to vector<1x1x16xf32>
      tpu.vector_store %arg9[%swap3A_379, %swap3A_380, %swap3A_381], %swap3A_384 {strides = array<i32>} : memref<2x64x128xf32, #tpu.memory_space<vmem>>, vector<1x1x16xf32>,
      %broadcast_in_dim3A_385 = arith.constant 0.000000e+00 : f32
      %broadcast_in_dim3A_386 = vector.broadcast %broadcast_in_dim3A_385 : f32 to vector<16xf32>
      %swap3A_387 = arith.constant 0 : i32
      %swap3A_388 = arith.index_cast %swap3A_387 : i32 to index
      %swap3A_389 = arith.index_cast %scan3A_357 : i32 to index
      %swap3A_390 = arith.constant 48 : index
      %swap3A_391 = tpu.vector_load %arg9[%swap3A_388, %swap3A_389, %swap3A_390] {strides = array<i32>} : memref<2x64x128xf32, #tpu.memory_space<vmem>>, vector<1x1x16xf32>,
      %swap3A_392 = vector.shape_cast %swap3A_391 : vector<1x1x16xf32> to vector<16xf32>
      %swap3A_393 = vector.shape_cast %broadcast_in_dim3A_386 : vector<16xf32> to vector<1x1x16xf32>
      tpu.vector_store %arg9[%swap3A_388, %swap3A_389, %swap3A_390], %swap3A_393 {strides = array<i32>} : memref<2x64x128xf32, #tpu.memory_space<vmem>>, vector<1x1x16xf32>,
      %broadcast_in_dim3A_394 = arith.constant 0.000000e+00 : f32
      %broadcast_in_dim3A_395 = vector.broadcast %broadcast_in_dim3A_394 : f32 to vector<16xf32>
      %swap3A_396 = arith.constant 0 : i32
      %swap3A_397 = arith.index_cast %swap3A_396 : i32 to index
      %swap3A_398 = arith.index_cast %scan3A_357 : i32 to index
      %swap3A_399 = arith.constant 64 : index
      %swap3A_400 = tpu.vector_load %arg9[%swap3A_397, %swap3A_398, %swap3A_399] {strides = array<i32>} : memref<2x64x128xf32, #tpu.memory_space<vmem>>, vector<1x1x16xf32>,
      %swap3A_401 = vector.shape_cast %swap3A_400 : vector<1x1x16xf32> to vector<16xf32>
      %swap3A_402 = vector.shape_cast %broadcast_in_dim3A_395 : vector<16xf32> to vector<1x1x16xf32>
      tpu.vector_store %arg9[%swap3A_397, %swap3A_398, %swap3A_399], %swap3A_402 {strides = array<i32>} : memref<2x64x128xf32, #tpu.memory_space<vmem>>, vector<1x1x16xf32>,
      %broadcast_in_dim3A_403 = arith.constant 0.000000e+00 : f32
      %broadcast_in_dim3A_404 = vector.broadcast %broadcast_in_dim3A_403 : f32 to vector<16xf32>
      %swap3A_405 = arith.constant 0 : i32
      %swap3A_406 = arith.index_cast %swap3A_405 : i32 to index
      %swap3A_407 = arith.index_cast %scan3A_357 : i32 to index
      %swap3A_408 = arith.constant 80 : index
      %swap3A_409 = tpu.vector_load %arg9[%swap3A_406, %swap3A_407, %swap3A_408] {strides = array<i32>} : memref<2x64x128xf32, #tpu.memory_space<vmem>>, vector<1x1x16xf32>,
      %swap3A_410 = vector.shape_cast %swap3A_409 : vector<1x1x16xf32> to vector<16xf32>
      %swap3A_411 = vector.shape_cast %broadcast_in_dim3A_404 : vector<16xf32> to vector<1x1x16xf32>
      tpu.vector_store %arg9[%swap3A_406, %swap3A_407, %swap3A_408], %swap3A_411 {strides = array<i32>} : memref<2x64x128xf32, #tpu.memory_space<vmem>>, vector<1x1x16xf32>,
      %broadcast_in_dim3A_412 = arith.constant 0.000000e+00 : f32
      %broadcast_in_dim3A_413 = vector.broadcast %broadcast_in_dim3A_412 : f32 to vector<16xf32>
      %swap3A_414 = arith.constant 0 : i32
      %swap3A_415 = arith.index_cast %swap3A_414 : i32 to index
      %swap3A_416 = arith.index_cast %scan3A_357 : i32 to index
      %swap3A_417 = arith.constant 96 : index
      %swap3A_418 = tpu.vector_load %arg9[%swap3A_415, %swap3A_416, %swap3A_417] {strides = array<i32>} : memref<2x64x128xf32, #tpu.memory_space<vmem>>, vector<1x1x16xf32>,
      %swap3A_419 = vector.shape_cast %swap3A_418 : vector<1x1x16xf32> to vector<16xf32>
      %swap3A_420 = vector.shape_cast %broadcast_in_dim3A_413 : vector<16xf32> to vector<1x1x16xf32>
      tpu.vector_store %arg9[%swap3A_415, %swap3A_416, %swap3A_417], %swap3A_420 {strides = array<i32>} : memref<2x64x128xf32, #tpu.memory_space<vmem>>, vector<1x1x16xf32>,
      %broadcast_in_dim3A_421 = arith.constant 0.000000e+00 : f32
      %broadcast_in_dim3A_422 = vector.broadcast %broadcast_in_dim3A_421 : f32 to vector<16xf32>
      %swap3A_423 = arith.constant 0 : i32
      %swap3A_424 = arith.index_cast %swap3A_423 : i32 to index
      %swap3A_425 = arith.index_cast %scan3A_357 : i32 to index
      %swap3A_426 = arith.constant 112 : index
      %swap3A_427 = tpu.vector_load %arg9[%swap3A_424, %swap3A_425, %swap3A_426] {strides = array<i32>} : memref<2x64x128xf32, #tpu.memory_space<vmem>>, vector<1x1x16xf32>,
      %swap3A_428 = vector.shape_cast %swap3A_427 : vector<1x1x16xf32> to vector<16xf32>
      %swap3A_429 = vector.shape_cast %broadcast_in_dim3A_422 : vector<16xf32> to vector<1x1x16xf32>
      tpu.vector_store %arg9[%swap3A_424, %swap3A_425, %swap3A_426], %swap3A_429 {strides = array<i32>} : memref<2x64x128xf32, #tpu.memory_space<vmem>>, vector<1x1x16xf32>,
    }
    %scan3A_4 = arith.constant 64 : i32
    %broadcast_in_dim3A = arith.constant 1.000000e+00 : f32
    %broadcast_in_dim3A_5 = vector.broadcast %broadcast_in_dim3A : f32 to vector<16xf32>
    %swap3A = arith.constant 0 : index
    %swap3A_6 = tpu.vector_load %arg10[%swap3A] {strides = array<i32>} : memref<64xf32, #tpu.memory_space<vmem>>, vector<16xf32>,
    %swap3A_7 = vector.shape_cast %swap3A_6 : vector<16xf32> to vector<16xf32>
    %swap3A_8 = vector.shape_cast %broadcast_in_dim3A_5 : vector<16xf32> to vector<16xf32>
    tpu.vector_store %arg10[%swap3A], %swap3A_8 {strides = array<i32>} : memref<64xf32, #tpu.memory_space<vmem>>, vector<16xf32>,
    %broadcast_in_dim3A_9 = arith.constant 1.000000e+00 : f32
    %broadcast_in_dim3A_10 = vector.broadcast %broadcast_in_dim3A_9 : f32 to vector<16xf32>
    %swap3A_11 = arith.constant 16 : index
    %swap3A_12 = tpu.vector_load %arg10[%swap3A_11] {strides = array<i32>} : memref<64xf32, #tpu.memory_space<vmem>>, vector<16xf32>,
    %swap3A_13 = vector.shape_cast %swap3A_12 : vector<16xf32> to vector<16xf32>
    %swap3A_14 = vector.shape_cast %broadcast_in_dim3A_10 : vector<16xf32> to vector<16xf32>
    tpu.vector_store %arg10[%swap3A_11], %swap3A_14 {strides = array<i32>} : memref<64xf32, #tpu.memory_space<vmem>>, vector<16xf32>,
    %broadcast_in_dim3A_15 = arith.constant 1.000000e+00 : f32
    %broadcast_in_dim3A_16 = vector.broadcast %broadcast_in_dim3A_15 : f32 to vector<16xf32>
    %swap3A_17 = arith.constant 32 : index
    %swap3A_18 = tpu.vector_load %arg10[%swap3A_17] {strides = array<i32>} : memref<64xf32, #tpu.memory_space<vmem>>, vector<16xf32>,
    %swap3A_19 = vector.shape_cast %swap3A_18 : vector<16xf32> to vector<16xf32>
    %swap3A_20 = vector.shape_cast %broadcast_in_dim3A_16 : vector<16xf32> to vector<16xf32>
    tpu.vector_store %arg10[%swap3A_17], %swap3A_20 {strides = array<i32>} : memref<64xf32, #tpu.memory_space<vmem>>, vector<16xf32>,
    %broadcast_in_dim3A_21 = arith.constant 1.000000e+00 : f32
    %broadcast_in_dim3A_22 = vector.broadcast %broadcast_in_dim3A_21 : f32 to vector<16xf32>
    %swap3A_23 = arith.constant 48 : index
    %swap3A_24 = tpu.vector_load %arg10[%swap3A_23] {strides = array<i32>} : memref<64xf32, #tpu.memory_space<vmem>>, vector<16xf32>,
    %swap3A_25 = vector.shape_cast %swap3A_24 : vector<16xf32> to vector<16xf32>
    %swap3A_26 = vector.shape_cast %broadcast_in_dim3A_22 : vector<16xf32> to vector<16xf32>
    tpu.vector_store %arg10[%swap3A_23], %swap3A_26 {strides = array<i32>} : memref<64xf32, #tpu.memory_space<vmem>>, vector<16xf32>,
    %mul3A_27 = arith.constant 640 : i32
    %mul3A_28 = arith.muli %arg1, %mul3A_27 : i32
    %add3A_29 = arith.constant 0 : i32
    %add3A_30 = arith.addi %mul3A_28, %add3A_29 : i32
    %run_scoped3A = arith.constant 0 : i32
    "tpu.region"() ({
      %run_scoped3A_357 = tpu.sem_alloc : memref<!tpu.dma_semaphore, #tpu.memory_space<semaphore_mem>>
      %dma_start3A_358 = arith.constant 0 : i32
      %dma_start3A_359 = arith.constant 0 : i32
      %dma_start3A_360 = tpu.memref_slice %arg9[%run_scoped3A, %dma_start3A_358, %dma_start3A_359] : memref<2x64x128xf32, #tpu.memory_space<vmem>> -> memref<1x64x128xf32, #tpu.memory_space<vmem>>
      %dma_start3A_361 = tpu.memref_squeeze %dma_start3A_360 : memref<1x64x128xf32, #tpu.memory_space<vmem>> -> memref<64x128xf32, #tpu.memory_space<vmem>>
      %dma_start3A_362 = arith.constant 0 : i32
      %dma_start3A_363 = tpu.memref_slice %arg11[%add3A_30, %dma_start3A_362] : memref<10240x128xf32, #tpu.memory_space<vmem_shared>> -> memref<64x128xf32, #tpu.memory_space<vmem_shared>>
      %dma_start3A_364 = arith.constant 0 : i32
      %dma_start3A_365 = tpu.memref_slice %arg11[%add3A_30, %dma_start3A_364] : memref<10240x128xf32, #tpu.memory_space<vmem_shared>> -> memref<64x128xf32, #tpu.memory_space<vmem_shared>>
      %dma_start3A_366 = arith.constant 0 : i32
      %dma_start3A_367 = arith.constant 0 : i32
      %dma_start3A_368 = tpu.memref_slice %arg9[%run_scoped3A, %dma_start3A_366, %dma_start3A_367] : memref<2x64x128xf32, #tpu.memory_space<vmem>> -> memref<1x64x128xf32, #tpu.memory_space<vmem>>
      %dma_start3A_369 = tpu.memref_squeeze %dma_start3A_368 : memref<1x64x128xf32, #tpu.memory_space<vmem>> -> memref<64x128xf32, #tpu.memory_space<vmem>>
      tpu.enqueue_dma source(%dma_start3A_369 : memref<64x128xf32, #tpu.memory_space<vmem>>) target(%dma_start3A_365 : memref<64x128xf32, #tpu.memory_space<vmem_shared>>) target_semaphore(%run_scoped3A_357 : memref<!tpu.dma_semaphore, #tpu.memory_space<semaphore_mem>>)
      %dma_wait3A_370 = arith.constant 0 : i32
      %dma_wait3A_371 = arith.constant 0 : i32
      %dma_wait3A_372 = tpu.memref_slice %arg9[%run_scoped3A, %dma_wait3A_370, %dma_wait3A_371] : memref<2x64x128xf32, #tpu.memory_space<vmem>> -> memref<1x64x128xf32, #tpu.memory_space<vmem>>
      %dma_wait3A_373 = tpu.memref_squeeze %dma_wait3A_372 : memref<1x64x128xf32, #tpu.memory_space<vmem>> -> memref<64x128xf32, #tpu.memory_space<vmem>>
      %dma_wait3A_374 = arith.constant 0 : i32
      %dma_wait3A_375 = tpu.memref_slice %arg11[%add3A_30, %dma_wait3A_374] : memref<10240x128xf32, #tpu.memory_space<vmem_shared>> -> memref<64x128xf32, #tpu.memory_space<vmem_shared>>
      %dma_wait3A_376 = arith.constant 0 : i32
      %dma_wait3A_377 = tpu.memref_slice %arg11[%add3A_30, %dma_wait3A_376] : memref<10240x128xf32, #tpu.memory_space<vmem_shared>> -> memref<64x128xf32, #tpu.memory_space<vmem_shared>>
      %dma_wait3A_378 = arith.constant 0 : i32
      %dma_wait3A_379 = arith.constant 0 : i32
      %dma_wait3A_380 = tpu.memref_slice %arg9[%run_scoped3A, %dma_wait3A_378, %dma_wait3A_379] : memref<2x64x128xf32, #tpu.memory_space<vmem>> -> memref<1x64x128xf32, #tpu.memory_space<vmem>>
      %dma_wait3A_381 = tpu.memref_squeeze %dma_wait3A_380 : memref<1x64x128xf32, #tpu.memory_space<vmem>> -> memref<64x128xf32, #tpu.memory_space<vmem>>
      tpu.wait_dma2 semaphore(%run_scoped3A_357 : memref<!tpu.dma_semaphore, #tpu.memory_space<semaphore_mem>>) src(%dma_wait3A_381 : memref<64x128xf32, #tpu.memory_space<vmem>>) dst(%dma_wait3A_377 : memref<64x128xf32, #tpu.memory_space<vmem_shared>>)
      tpu.yield
    }) : () -> ()
    %mul3A_31 = arith.constant 640 : i32
    %mul3A_32 = arith.muli %arg1, %mul3A_31 : i32
    %add3A_33 = arith.constant 64 : i32
    %add3A_34 = arith.addi %mul3A_32, %add3A_33 : i32
    %run_scoped3A_35 = arith.constant 0 : i32
    "tpu.region"() ({
      %run_scoped3A_357 = tpu.sem_alloc : memref<!tpu.dma_semaphore, #tpu.memory_space<semaphore_mem>>
      %dma_start3A_358 = arith.constant 0 : i32
      %dma_start3A_359 = arith.constant 0 : i32
      %dma_start3A_360 = tpu.memref_slice %arg9[%run_scoped3A_35, %dma_start3A_358, %dma_start3A_359] : memref<2x64x128xf32, #tpu.memory_space<vmem>> -> memref<1x64x128xf32, #tpu.memory_space<vmem>>
      %dma_start3A_361 = tpu.memref_squeeze %dma_start3A_360 : memref<1x64x128xf32, #tpu.memory_space<vmem>> -> memref<64x128xf32, #tpu.memory_space<vmem>>
      %dma_start3A_362 = arith.constant 0 : i32
      %dma_start3A_363 = tpu.memref_slice %arg11[%add3A_34, %dma_start3A_362] : memref<10240x128xf32, #tpu.memory_space<vmem_shared>> -> memref<64x128xf32, #tpu.memory_space<vmem_shared>>
      %dma_start3A_364 = arith.constant 0 : i32
      %dma_start3A_365 = tpu.memref_slice %arg11[%add3A_34, %dma_start3A_364] : memref<10240x128xf32, #tpu.memory_space<vmem_shared>> -> memref<64x128xf32, #tpu.memory_space<vmem_shared>>
      %dma_start3A_366 = arith.constant 0 : i32
      %dma_start3A_367 = arith.constant 0 : i32
      %dma_start3A_368 = tpu.memref_slice %arg9[%run_scoped3A_35, %dma_start3A_366, %dma_start3A_367] : memref<2x64x128xf32, #tpu.memory_space<vmem>> -> memref<1x64x128xf32, #tpu.memory_space<vmem>>
      %dma_start3A_369 = tpu.memref_squeeze %dma_start3A_368 : memref<1x64x128xf32, #tpu.memory_space<vmem>> -> memref<64x128xf32, #tpu.memory_space<vmem>>
      tpu.enqueue_dma source(%dma_start3A_369 : memref<64x128xf32, #tpu.memory_space<vmem>>) target(%dma_start3A_365 : memref<64x128xf32, #tpu.memory_space<vmem_shared>>) target_semaphore(%run_scoped3A_357 : memref<!tpu.dma_semaphore, #tpu.memory_space<semaphore_mem>>)
      %dma_wait3A_370 = arith.constant 0 : i32
      %dma_wait3A_371 = arith.constant 0 : i32
      %dma_wait3A_372 = tpu.memref_slice %arg9[%run_scoped3A_35, %dma_wait3A_370, %dma_wait3A_371] : memref<2x64x128xf32, #tpu.memory_space<vmem>> -> memref<1x64x128xf32, #tpu.memory_space<vmem>>
      %dma_wait3A_373 = tpu.memref_squeeze %dma_wait3A_372 : memref<1x64x128xf32, #tpu.memory_space<vmem>> -> memref<64x128xf32, #tpu.memory_space<vmem>>
      %dma_wait3A_374 = arith.constant 0 : i32
      %dma_wait3A_375 = tpu.memref_slice %arg11[%add3A_34, %dma_wait3A_374] : memref<10240x128xf32, #tpu.memory_space<vmem_shared>> -> memref<64x128xf32, #tpu.memory_space<vmem_shared>>
      %dma_wait3A_376 = arith.constant 0 : i32
      %dma_wait3A_377 = tpu.memref_slice %arg11[%add3A_34, %dma_wait3A_376] : memref<10240x128xf32, #tpu.memory_space<vmem_shared>> -> memref<64x128xf32, #tpu.memory_space<vmem_shared>>
      %dma_wait3A_378 = arith.constant 0 : i32
      %dma_wait3A_379 = arith.constant 0 : i32
      %dma_wait3A_380 = tpu.memref_slice %arg9[%run_scoped3A_35, %dma_wait3A_378, %dma_wait3A_379] : memref<2x64x128xf32, #tpu.memory_space<vmem>> -> memref<1x64x128xf32, #tpu.memory_space<vmem>>
      %dma_wait3A_381 = tpu.memref_squeeze %dma_wait3A_380 : memref<1x64x128xf32, #tpu.memory_space<vmem>> -> memref<64x128xf32, #tpu.memory_space<vmem>>
      tpu.wait_dma2 semaphore(%run_scoped3A_357 : memref<!tpu.dma_semaphore, #tpu.memory_space<semaphore_mem>>) src(%dma_wait3A_381 : memref<64x128xf32, #tpu.memory_space<vmem>>) dst(%dma_wait3A_377 : memref<64x128xf32, #tpu.memory_space<vmem_shared>>)
      tpu.yield
    }) : () -> ()
    %mul3A_36 = arith.constant 640 : i32
    %mul3A_37 = arith.muli %arg1, %mul3A_36 : i32
    %add3A_38 = arith.constant 128 : i32
    %add3A_39 = arith.addi %mul3A_37, %add3A_38 : i32
    %run_scoped3A_40 = arith.constant 0 : i32
    "tpu.region"() ({
      %run_scoped3A_357 = tpu.sem_alloc : memref<!tpu.dma_semaphore, #tpu.memory_space<semaphore_mem>>
      %dma_start3A_358 = arith.constant 0 : i32
      %dma_start3A_359 = arith.constant 0 : i32
      %dma_start3A_360 = tpu.memref_slice %arg9[%run_scoped3A_40, %dma_start3A_358, %dma_start3A_359] : memref<2x64x128xf32, #tpu.memory_space<vmem>> -> memref<1x64x128xf32, #tpu.memory_space<vmem>>
      %dma_start3A_361 = tpu.memref_squeeze %dma_start3A_360 : memref<1x64x128xf32, #tpu.memory_space<vmem>> -> memref<64x128xf32, #tpu.memory_space<vmem>>
      %dma_start3A_362 = arith.constant 0 : i32
      %dma_start3A_363 = tpu.memref_slice %arg11[%add3A_39, %dma_start3A_362] : memref<10240x128xf32, #tpu.memory_space<vmem_shared>> -> memref<64x128xf32, #tpu.memory_space<vmem_shared>>
      %dma_start3A_364 = arith.constant 0 : i32
      %dma_start3A_365 = tpu.memref_slice %arg11[%add3A_39, %dma_start3A_364] : memref<10240x128xf32, #tpu.memory_space<vmem_shared>> -> memref<64x128xf32, #tpu.memory_space<vmem_shared>>
      %dma_start3A_366 = arith.constant 0 : i32
      %dma_start3A_367 = arith.constant 0 : i32
      %dma_start3A_368 = tpu.memref_slice %arg9[%run_scoped3A_40, %dma_start3A_366, %dma_start3A_367] : memref<2x64x128xf32, #tpu.memory_space<vmem>> -> memref<1x64x128xf32, #tpu.memory_space<vmem>>
      %dma_start3A_369 = tpu.memref_squeeze %dma_start3A_368 : memref<1x64x128xf32, #tpu.memory_space<vmem>> -> memref<64x128xf32, #tpu.memory_space<vmem>>
      tpu.enqueue_dma source(%dma_start3A_369 : memref<64x128xf32, #tpu.memory_space<vmem>>) target(%dma_start3A_365 : memref<64x128xf32, #tpu.memory_space<vmem_shared>>) target_semaphore(%run_scoped3A_357 : memref<!tpu.dma_semaphore, #tpu.memory_space<semaphore_mem>>)
      %dma_wait3A_370 = arith.constant 0 : i32
      %dma_wait3A_371 = arith.constant 0 : i32
      %dma_wait3A_372 = tpu.memref_slice %arg9[%run_scoped3A_40, %dma_wait3A_370, %dma_wait3A_371] : memref<2x64x128xf32, #tpu.memory_space<vmem>> -> memref<1x64x128xf32, #tpu.memory_space<vmem>>
      %dma_wait3A_373 = tpu.memref_squeeze %dma_wait3A_372 : memref<1x64x128xf32, #tpu.memory_space<vmem>> -> memref<64x128xf32, #tpu.memory_space<vmem>>
      %dma_wait3A_374 = arith.constant 0 : i32
      %dma_wait3A_375 = tpu.memref_slice %arg11[%add3A_39, %dma_wait3A_374] : memref<10240x128xf32, #tpu.memory_space<vmem_shared>> -> memref<64x128xf32, #tpu.memory_space<vmem_shared>>
      %dma_wait3A_376 = arith.constant 0 : i32
      %dma_wait3A_377 = tpu.memref_slice %arg11[%add3A_39, %dma_wait3A_376] : memref<10240x128xf32, #tpu.memory_space<vmem_shared>> -> memref<64x128xf32, #tpu.memory_space<vmem_shared>>
      %dma_wait3A_378 = arith.constant 0 : i32
      %dma_wait3A_379 = arith.constant 0 : i32
      %dma_wait3A_380 = tpu.memref_slice %arg9[%run_scoped3A_40, %dma_wait3A_378, %dma_wait3A_379] : memref<2x64x128xf32, #tpu.memory_space<vmem>> -> memref<1x64x128xf32, #tpu.memory_space<vmem>>
      %dma_wait3A_381 = tpu.memref_squeeze %dma_wait3A_380 : memref<1x64x128xf32, #tpu.memory_space<vmem>> -> memref<64x128xf32, #tpu.memory_space<vmem>>
      tpu.wait_dma2 semaphore(%run_scoped3A_357 : memref<!tpu.dma_semaphore, #tpu.memory_space<semaphore_mem>>) src(%dma_wait3A_381 : memref<64x128xf32, #tpu.memory_space<vmem>>) dst(%dma_wait3A_377 : memref<64x128xf32, #tpu.memory_space<vmem_shared>>)
      tpu.yield
    }) : () -> ()
    %mul3A_41 = arith.constant 640 : i32
    %mul3A_42 = arith.muli %arg1, %mul3A_41 : i32
    %add3A_43 = arith.constant 192 : i32
    %add3A_44 = arith.addi %mul3A_42, %add3A_43 : i32
    %run_scoped3A_45 = arith.constant 0 : i32
    "tpu.region"() ({
      %run_scoped3A_357 = tpu.sem_alloc : memref<!tpu.dma_semaphore, #tpu.memory_space<semaphore_mem>>
      %dma_start3A_358 = arith.constant 0 : i32
      %dma_start3A_359 = arith.constant 0 : i32
      %dma_start3A_360 = tpu.memref_slice %arg9[%run_scoped3A_45, %dma_start3A_358, %dma_start3A_359] : memref<2x64x128xf32, #tpu.memory_space<vmem>> -> memref<1x64x128xf32, #tpu.memory_space<vmem>>
      %dma_start3A_361 = tpu.memref_squeeze %dma_start3A_360 : memref<1x64x128xf32, #tpu.memory_space<vmem>> -> memref<64x128xf32, #tpu.memory_space<vmem>>
      %dma_start3A_362 = arith.constant 0 : i32
      %dma_start3A_363 = tpu.memref_slice %arg11[%add3A_44, %dma_start3A_362] : memref<10240x128xf32, #tpu.memory_space<vmem_shared>> -> memref<64x128xf32, #tpu.memory_space<vmem_shared>>
      %dma_start3A_364 = arith.constant 0 : i32
      %dma_start3A_365 = tpu.memref_slice %arg11[%add3A_44, %dma_start3A_364] : memref<10240x128xf32, #tpu.memory_space<vmem_shared>> -> memref<64x128xf32, #tpu.memory_space<vmem_shared>>
      %dma_start3A_366 = arith.constant 0 : i32
      %dma_start3A_367 = arith.constant 0 : i32
      %dma_start3A_368 = tpu.memref_slice %arg9[%run_scoped3A_45, %dma_start3A_366, %dma_start3A_367] : memref<2x64x128xf32, #tpu.memory_space<vmem>> -> memref<1x64x128xf32, #tpu.memory_space<vmem>>
      %dma_start3A_369 = tpu.memref_squeeze %dma_start3A_368 : memref<1x64x128xf32, #tpu.memory_space<vmem>> -> memref<64x128xf32, #tpu.memory_space<vmem>>
      tpu.enqueue_dma source(%dma_start3A_369 : memref<64x128xf32, #tpu.memory_space<vmem>>) target(%dma_start3A_365 : memref<64x128xf32, #tpu.memory_space<vmem_shared>>) target_semaphore(%run_scoped3A_357 : memref<!tpu.dma_semaphore, #tpu.memory_space<semaphore_mem>>)
      %dma_wait3A_370 = arith.constant 0 : i32
      %dma_wait3A_371 = arith.constant 0 : i32
      %dma_wait3A_372 = tpu.memref_slice %arg9[%run_scoped3A_45, %dma_wait3A_370, %dma_wait3A_371] : memref<2x64x128xf32, #tpu.memory_space<vmem>> -> memref<1x64x128xf32, #tpu.memory_space<vmem>>
      %dma_wait3A_373 = tpu.memref_squeeze %dma_wait3A_372 : memref<1x64x128xf32, #tpu.memory_space<vmem>> -> memref<64x128xf32, #tpu.memory_space<vmem>>
      %dma_wait3A_374 = arith.constant 0 : i32
      %dma_wait3A_375 = tpu.memref_slice %arg11[%add3A_44, %dma_wait3A_374] : memref<10240x128xf32, #tpu.memory_space<vmem_shared>> -> memref<64x128xf32, #tpu.memory_space<vmem_shared>>
      %dma_wait3A_376 = arith.constant 0 : i32
      %dma_wait3A_377 = tpu.memref_slice %arg11[%add3A_44, %dma_wait3A_376] : memref<10240x128xf32, #tpu.memory_space<vmem_shared>> -> memref<64x128xf32, #tpu.memory_space<vmem_shared>>
      %dma_wait3A_378 = arith.constant 0 : i32
      %dma_wait3A_379 = arith.constant 0 : i32
      %dma_wait3A_380 = tpu.memref_slice %arg9[%run_scoped3A_45, %dma_wait3A_378, %dma_wait3A_379] : memref<2x64x128xf32, #tpu.memory_space<vmem>> -> memref<1x64x128xf32, #tpu.memory_space<vmem>>
      %dma_wait3A_381 = tpu.memref_squeeze %dma_wait3A_380 : memref<1x64x128xf32, #tpu.memory_space<vmem>> -> memref<64x128xf32, #tpu.memory_space<vmem>>
      tpu.wait_dma2 semaphore(%run_scoped3A_357 : memref<!tpu.dma_semaphore, #tpu.memory_space<semaphore_mem>>) src(%dma_wait3A_381 : memref<64x128xf32, #tpu.memory_space<vmem>>) dst(%dma_wait3A_377 : memref<64x128xf32, #tpu.memory_space<vmem_shared>>)
      tpu.yield
    }) : () -> ()
    %mul3A_46 = arith.constant 640 : i32
    %mul3A_47 = arith.muli %arg1, %mul3A_46 : i32
    %add3A_48 = arith.constant 256 : i32
    %add3A_49 = arith.addi %mul3A_47, %add3A_48 : i32
    %run_scoped3A_50 = arith.constant 0 : i32
    "tpu.region"() ({
      %run_scoped3A_357 = tpu.sem_alloc : memref<!tpu.dma_semaphore, #tpu.memory_space<semaphore_mem>>
      %dma_start3A_358 = arith.constant 0 : i32
      %dma_start3A_359 = arith.constant 0 : i32
      %dma_start3A_360 = tpu.memref_slice %arg9[%run_scoped3A_50, %dma_start3A_358, %dma_start3A_359] : memref<2x64x128xf32, #tpu.memory_space<vmem>> -> memref<1x64x128xf32, #tpu.memory_space<vmem>>
      %dma_start3A_361 = tpu.memref_squeeze %dma_start3A_360 : memref<1x64x128xf32, #tpu.memory_space<vmem>> -> memref<64x128xf32, #tpu.memory_space<vmem>>
      %dma_start3A_362 = arith.constant 0 : i32
      %dma_start3A_363 = tpu.memref_slice %arg11[%add3A_49, %dma_start3A_362] : memref<10240x128xf32, #tpu.memory_space<vmem_shared>> -> memref<64x128xf32, #tpu.memory_space<vmem_shared>>
      %dma_start3A_364 = arith.constant 0 : i32
      %dma_start3A_365 = tpu.memref_slice %arg11[%add3A_49, %dma_start3A_364] : memref<10240x128xf32, #tpu.memory_space<vmem_shared>> -> memref<64x128xf32, #tpu.memory_space<vmem_shared>>
      %dma_start3A_366 = arith.constant 0 : i32
      %dma_start3A_367 = arith.constant 0 : i32
      %dma_start3A_368 = tpu.memref_slice %arg9[%run_scoped3A_50, %dma_start3A_366, %dma_start3A_367] : memref<2x64x128xf32, #tpu.memory_space<vmem>> -> memref<1x64x128xf32, #tpu.memory_space<vmem>>
      %dma_start3A_369 = tpu.memref_squeeze %dma_start3A_368 : memref<1x64x128xf32, #tpu.memory_space<vmem>> -> memref<64x128xf32, #tpu.memory_space<vmem>>
      tpu.enqueue_dma source(%dma_start3A_369 : memref<64x128xf32, #tpu.memory_space<vmem>>) target(%dma_start3A_365 : memref<64x128xf32, #tpu.memory_space<vmem_shared>>) target_semaphore(%run_scoped3A_357 : memref<!tpu.dma_semaphore, #tpu.memory_space<semaphore_mem>>)
      %dma_wait3A_370 = arith.constant 0 : i32
      %dma_wait3A_371 = arith.constant 0 : i32
      %dma_wait3A_372 = tpu.memref_slice %arg9[%run_scoped3A_50, %dma_wait3A_370, %dma_wait3A_371] : memref<2x64x128xf32, #tpu.memory_space<vmem>> -> memref<1x64x128xf32, #tpu.memory_space<vmem>>
      %dma_wait3A_373 = tpu.memref_squeeze %dma_wait3A_372 : memref<1x64x128xf32, #tpu.memory_space<vmem>> -> memref<64x128xf32, #tpu.memory_space<vmem>>
      %dma_wait3A_374 = arith.constant 0 : i32
      %dma_wait3A_375 = tpu.memref_slice %arg11[%add3A_49, %dma_wait3A_374] : memref<10240x128xf32, #tpu.memory_space<vmem_shared>> -> memref<64x128xf32, #tpu.memory_space<vmem_shared>>
      %dma_wait3A_376 = arith.constant 0 : i32
      %dma_wait3A_377 = tpu.memref_slice %arg11[%add3A_49, %dma_wait3A_376] : memref<10240x128xf32, #tpu.memory_space<vmem_shared>> -> memref<64x128xf32, #tpu.memory_space<vmem_shared>>
      %dma_wait3A_378 = arith.constant 0 : i32
      %dma_wait3A_379 = arith.constant 0 : i32
      %dma_wait3A_380 = tpu.memref_slice %arg9[%run_scoped3A_50, %dma_wait3A_378, %dma_wait3A_379] : memref<2x64x128xf32, #tpu.memory_space<vmem>> -> memref<1x64x128xf32, #tpu.memory_space<vmem>>
      %dma_wait3A_381 = tpu.memref_squeeze %dma_wait3A_380 : memref<1x64x128xf32, #tpu.memory_space<vmem>> -> memref<64x128xf32, #tpu.memory_space<vmem>>
      tpu.wait_dma2 semaphore(%run_scoped3A_357 : memref<!tpu.dma_semaphore, #tpu.memory_space<semaphore_mem>>) src(%dma_wait3A_381 : memref<64x128xf32, #tpu.memory_space<vmem>>) dst(%dma_wait3A_377 : memref<64x128xf32, #tpu.memory_space<vmem_shared>>)
      tpu.yield
    }) : () -> ()
    %mul3A_51 = arith.constant 640 : i32
    %mul3A_52 = arith.muli %arg1, %mul3A_51 : i32
    %add3A_53 = arith.constant 320 : i32
    %add3A_54 = arith.addi %mul3A_52, %add3A_53 : i32
    %run_scoped3A_55 = arith.constant 0 : i32
    "tpu.region"() ({
      %run_scoped3A_357 = tpu.sem_alloc : memref<!tpu.dma_semaphore, #tpu.memory_space<semaphore_mem>>
      %dma_start3A_358 = arith.constant 0 : i32
      %dma_start3A_359 = arith.constant 0 : i32
      %dma_start3A_360 = tpu.memref_slice %arg9[%run_scoped3A_55, %dma_start3A_358, %dma_start3A_359] : memref<2x64x128xf32, #tpu.memory_space<vmem>> -> memref<1x64x128xf32, #tpu.memory_space<vmem>>
      %dma_start3A_361 = tpu.memref_squeeze %dma_start3A_360 : memref<1x64x128xf32, #tpu.memory_space<vmem>> -> memref<64x128xf32, #tpu.memory_space<vmem>>
      %dma_start3A_362 = arith.constant 0 : i32
      %dma_start3A_363 = tpu.memref_slice %arg11[%add3A_54, %dma_start3A_362] : memref<10240x128xf32, #tpu.memory_space<vmem_shared>> -> memref<64x128xf32, #tpu.memory_space<vmem_shared>>
      %dma_start3A_364 = arith.constant 0 : i32
      %dma_start3A_365 = tpu.memref_slice %arg11[%add3A_54, %dma_start3A_364] : memref<10240x128xf32, #tpu.memory_space<vmem_shared>> -> memref<64x128xf32, #tpu.memory_space<vmem_shared>>
      %dma_start3A_366 = arith.constant 0 : i32
      %dma_start3A_367 = arith.constant 0 : i32
      %dma_start3A_368 = tpu.memref_slice %arg9[%run_scoped3A_55, %dma_start3A_366, %dma_start3A_367] : memref<2x64x128xf32, #tpu.memory_space<vmem>> -> memref<1x64x128xf32, #tpu.memory_space<vmem>>
      %dma_start3A_369 = tpu.memref_squeeze %dma_start3A_368 : memref<1x64x128xf32, #tpu.memory_space<vmem>> -> memref<64x128xf32, #tpu.memory_space<vmem>>
      tpu.enqueue_dma source(%dma_start3A_369 : memref<64x128xf32, #tpu.memory_space<vmem>>) target(%dma_start3A_365 : memref<64x128xf32, #tpu.memory_space<vmem_shared>>) target_semaphore(%run_scoped3A_357 : memref<!tpu.dma_semaphore, #tpu.memory_space<semaphore_mem>>)
      %dma_wait3A_370 = arith.constant 0 : i32
      %dma_wait3A_371 = arith.constant 0 : i32
      %dma_wait3A_372 = tpu.memref_slice %arg9[%run_scoped3A_55, %dma_wait3A_370, %dma_wait3A_371] : memref<2x64x128xf32, #tpu.memory_space<vmem>> -> memref<1x64x128xf32, #tpu.memory_space<vmem>>
      %dma_wait3A_373 = tpu.memref_squeeze %dma_wait3A_372 : memref<1x64x128xf32, #tpu.memory_space<vmem>> -> memref<64x128xf32, #tpu.memory_space<vmem>>
      %dma_wait3A_374 = arith.constant 0 : i32
      %dma_wait3A_375 = tpu.memref_slice %arg11[%add3A_54, %dma_wait3A_374] : memref<10240x128xf32, #tpu.memory_space<vmem_shared>> -> memref<64x128xf32, #tpu.memory_space<vmem_shared>>
      %dma_wait3A_376 = arith.constant 0 : i32
      %dma_wait3A_377 = tpu.memref_slice %arg11[%add3A_54, %dma_wait3A_376] : memref<10240x128xf32, #tpu.memory_space<vmem_shared>> -> memref<64x128xf32, #tpu.memory_space<vmem_shared>>
      %dma_wait3A_378 = arith.constant 0 : i32
      %dma_wait3A_379 = arith.constant 0 : i32
      %dma_wait3A_380 = tpu.memref_slice %arg9[%run_scoped3A_55, %dma_wait3A_378, %dma_wait3A_379] : memref<2x64x128xf32, #tpu.memory_space<vmem>> -> memref<1x64x128xf32, #tpu.memory_space<vmem>>
      %dma_wait3A_381 = tpu.memref_squeeze %dma_wait3A_380 : memref<1x64x128xf32, #tpu.memory_space<vmem>> -> memref<64x128xf32, #tpu.memory_space<vmem>>
      tpu.wait_dma2 semaphore(%run_scoped3A_357 : memref<!tpu.dma_semaphore, #tpu.memory_space<semaphore_mem>>) src(%dma_wait3A_381 : memref<64x128xf32, #tpu.memory_space<vmem>>) dst(%dma_wait3A_377 : memref<64x128xf32, #tpu.memory_space<vmem_shared>>)
      tpu.yield
    }) : () -> ()
    %mul3A_56 = arith.constant 640 : i32
    %mul3A_57 = arith.muli %arg1, %mul3A_56 : i32
    %add3A_58 = arith.constant 384 : i32
    %add3A_59 = arith.addi %mul3A_57, %add3A_58 : i32
    %run_scoped3A_60 = arith.constant 0 : i32
    "tpu.region"() ({
      %run_scoped3A_357 = tpu.sem_alloc : memref<!tpu.dma_semaphore, #tpu.memory_space<semaphore_mem>>
      %dma_start3A_358 = arith.constant 0 : i32
      %dma_start3A_359 = arith.constant 0 : i32
      %dma_start3A_360 = tpu.memref_slice %arg9[%run_scoped3A_60, %dma_start3A_358, %dma_start3A_359] : memref<2x64x128xf32, #tpu.memory_space<vmem>> -> memref<1x64x128xf32, #tpu.memory_space<vmem>>
      %dma_start3A_361 = tpu.memref_squeeze %dma_start3A_360 : memref<1x64x128xf32, #tpu.memory_space<vmem>> -> memref<64x128xf32, #tpu.memory_space<vmem>>
      %dma_start3A_362 = arith.constant 0 : i32
      %dma_start3A_363 = tpu.memref_slice %arg11[%add3A_59, %dma_start3A_362] : memref<10240x128xf32, #tpu.memory_space<vmem_shared>> -> memref<64x128xf32, #tpu.memory_space<vmem_shared>>
      %dma_start3A_364 = arith.constant 0 : i32
      %dma_start3A_365 = tpu.memref_slice %arg11[%add3A_59, %dma_start3A_364] : memref<10240x128xf32, #tpu.memory_space<vmem_shared>> -> memref<64x128xf32, #tpu.memory_space<vmem_shared>>
      %dma_start3A_366 = arith.constant 0 : i32
      %dma_start3A_367 = arith.constant 0 : i32
      %dma_start3A_368 = tpu.memref_slice %arg9[%run_scoped3A_60, %dma_start3A_366, %dma_start3A_367] : memref<2x64x128xf32, #tpu.memory_space<vmem>> -> memref<1x64x128xf32, #tpu.memory_space<vmem>>
      %dma_start3A_369 = tpu.memref_squeeze %dma_start3A_368 : memref<1x64x128xf32, #tpu.memory_space<vmem>> -> memref<64x128xf32, #tpu.memory_space<vmem>>
      tpu.enqueue_dma source(%dma_start3A_369 : memref<64x128xf32, #tpu.memory_space<vmem>>) target(%dma_start3A_365 : memref<64x128xf32, #tpu.memory_space<vmem_shared>>) target_semaphore(%run_scoped3A_357 : memref<!tpu.dma_semaphore, #tpu.memory_space<semaphore_mem>>)
      %dma_wait3A_370 = arith.constant 0 : i32
      %dma_wait3A_371 = arith.constant 0 : i32
      %dma_wait3A_372 = tpu.memref_slice %arg9[%run_scoped3A_60, %dma_wait3A_370, %dma_wait3A_371] : memref<2x64x128xf32, #tpu.memory_space<vmem>> -> memref<1x64x128xf32, #tpu.memory_space<vmem>>
      %dma_wait3A_373 = tpu.memref_squeeze %dma_wait3A_372 : memref<1x64x128xf32, #tpu.memory_space<vmem>> -> memref<64x128xf32, #tpu.memory_space<vmem>>
      %dma_wait3A_374 = arith.constant 0 : i32
      %dma_wait3A_375 = tpu.memref_slice %arg11[%add3A_59, %dma_wait3A_374] : memref<10240x128xf32, #tpu.memory_space<vmem_shared>> -> memref<64x128xf32, #tpu.memory_space<vmem_shared>>
      %dma_wait3A_376 = arith.constant 0 : i32
      %dma_wait3A_377 = tpu.memref_slice %arg11[%add3A_59, %dma_wait3A_376] : memref<10240x128xf32, #tpu.memory_space<vmem_shared>> -> memref<64x128xf32, #tpu.memory_space<vmem_shared>>
      %dma_wait3A_378 = arith.constant 0 : i32
      %dma_wait3A_379 = arith.constant 0 : i32
      %dma_wait3A_380 = tpu.memref_slice %arg9[%run_scoped3A_60, %dma_wait3A_378, %dma_wait3A_379] : memref<2x64x128xf32, #tpu.memory_space<vmem>> -> memref<1x64x128xf32, #tpu.memory_space<vmem>>
      %dma_wait3A_381 = tpu.memref_squeeze %dma_wait3A_380 : memref<1x64x128xf32, #tpu.memory_space<vmem>> -> memref<64x128xf32, #tpu.memory_space<vmem>>
      tpu.wait_dma2 semaphore(%run_scoped3A_357 : memref<!tpu.dma_semaphore, #tpu.memory_space<semaphore_mem>>) src(%dma_wait3A_381 : memref<64x128xf32, #tpu.memory_space<vmem>>) dst(%dma_wait3A_377 : memref<64x128xf32, #tpu.memory_space<vmem_shared>>)
      tpu.yield
    }) : () -> ()
    %mul3A_61 = arith.constant 640 : i32
    %mul3A_62 = arith.muli %arg1, %mul3A_61 : i32
    %add3A_63 = arith.constant 448 : i32
    %add3A_64 = arith.addi %mul3A_62, %add3A_63 : i32
    %run_scoped3A_65 = arith.constant 0 : i32
    "tpu.region"() ({
      %run_scoped3A_357 = tpu.sem_alloc : memref<!tpu.dma_semaphore, #tpu.memory_space<semaphore_mem>>
      %dma_start3A_358 = arith.constant 0 : i32
      %dma_start3A_359 = arith.constant 0 : i32
      %dma_start3A_360 = tpu.memref_slice %arg9[%run_scoped3A_65, %dma_start3A_358, %dma_start3A_359] : memref<2x64x128xf32, #tpu.memory_space<vmem>> -> memref<1x64x128xf32, #tpu.memory_space<vmem>>
      %dma_start3A_361 = tpu.memref_squeeze %dma_start3A_360 : memref<1x64x128xf32, #tpu.memory_space<vmem>> -> memref<64x128xf32, #tpu.memory_space<vmem>>
      %dma_start3A_362 = arith.constant 0 : i32
      %dma_start3A_363 = tpu.memref_slice %arg11[%add3A_64, %dma_start3A_362] : memref<10240x128xf32, #tpu.memory_space<vmem_shared>> -> memref<64x128xf32, #tpu.memory_space<vmem_shared>>
      %dma_start3A_364 = arith.constant 0 : i32
      %dma_start3A_365 = tpu.memref_slice %arg11[%add3A_64, %dma_start3A_364] : memref<10240x128xf32, #tpu.memory_space<vmem_shared>> -> memref<64x128xf32, #tpu.memory_space<vmem_shared>>
      %dma_start3A_366 = arith.constant 0 : i32
      %dma_start3A_367 = arith.constant 0 : i32
      %dma_start3A_368 = tpu.memref_slice %arg9[%run_scoped3A_65, %dma_start3A_366, %dma_start3A_367] : memref<2x64x128xf32, #tpu.memory_space<vmem>> -> memref<1x64x128xf32, #tpu.memory_space<vmem>>
      %dma_start3A_369 = tpu.memref_squeeze %dma_start3A_368 : memref<1x64x128xf32, #tpu.memory_space<vmem>> -> memref<64x128xf32, #tpu.memory_space<vmem>>
      tpu.enqueue_dma source(%dma_start3A_369 : memref<64x128xf32, #tpu.memory_space<vmem>>) target(%dma_start3A_365 : memref<64x128xf32, #tpu.memory_space<vmem_shared>>) target_semaphore(%run_scoped3A_357 : memref<!tpu.dma_semaphore, #tpu.memory_space<semaphore_mem>>)
      %dma_wait3A_370 = arith.constant 0 : i32
      %dma_wait3A_371 = arith.constant 0 : i32
      %dma_wait3A_372 = tpu.memref_slice %arg9[%run_scoped3A_65, %dma_wait3A_370, %dma_wait3A_371] : memref<2x64x128xf32, #tpu.memory_space<vmem>> -> memref<1x64x128xf32, #tpu.memory_space<vmem>>
      %dma_wait3A_373 = tpu.memref_squeeze %dma_wait3A_372 : memref<1x64x128xf32, #tpu.memory_space<vmem>> -> memref<64x128xf32, #tpu.memory_space<vmem>>
      %dma_wait3A_374 = arith.constant 0 : i32
      %dma_wait3A_375 = tpu.memref_slice %arg11[%add3A_64, %dma_wait3A_374] : memref<10240x128xf32, #tpu.memory_space<vmem_shared>> -> memref<64x128xf32, #tpu.memory_space<vmem_shared>>
      %dma_wait3A_376 = arith.constant 0 : i32
      %dma_wait3A_377 = tpu.memref_slice %arg11[%add3A_64, %dma_wait3A_376] : memref<10240x128xf32, #tpu.memory_space<vmem_shared>> -> memref<64x128xf32, #tpu.memory_space<vmem_shared>>
      %dma_wait3A_378 = arith.constant 0 : i32
      %dma_wait3A_379 = arith.constant 0 : i32
      %dma_wait3A_380 = tpu.memref_slice %arg9[%run_scoped3A_65, %dma_wait3A_378, %dma_wait3A_379] : memref<2x64x128xf32, #tpu.memory_space<vmem>> -> memref<1x64x128xf32, #tpu.memory_space<vmem>>
      %dma_wait3A_381 = tpu.memref_squeeze %dma_wait3A_380 : memref<1x64x128xf32, #tpu.memory_space<vmem>> -> memref<64x128xf32, #tpu.memory_space<vmem>>
      tpu.wait_dma2 semaphore(%run_scoped3A_357 : memref<!tpu.dma_semaphore, #tpu.memory_space<semaphore_mem>>) src(%dma_wait3A_381 : memref<64x128xf32, #tpu.memory_space<vmem>>) dst(%dma_wait3A_377 : memref<64x128xf32, #tpu.memory_space<vmem_shared>>)
      tpu.yield
    }) : () -> ()
    %mul3A_66 = arith.constant 640 : i32
    %mul3A_67 = arith.muli %arg1, %mul3A_66 : i32
    %add3A_68 = arith.constant 512 : i32
    %add3A_69 = arith.addi %mul3A_67, %add3A_68 : i32
    %run_scoped3A_70 = arith.constant 0 : i32
    "tpu.region"() ({
      %run_scoped3A_357 = tpu.sem_alloc : memref<!tpu.dma_semaphore, #tpu.memory_space<semaphore_mem>>
      %dma_start3A_358 = arith.constant 0 : i32
      %dma_start3A_359 = arith.constant 0 : i32
      %dma_start3A_360 = tpu.memref_slice %arg9[%run_scoped3A_70, %dma_start3A_358, %dma_start3A_359] : memref<2x64x128xf32, #tpu.memory_space<vmem>> -> memref<1x64x128xf32, #tpu.memory_space<vmem>>
      %dma_start3A_361 = tpu.memref_squeeze %dma_start3A_360 : memref<1x64x128xf32, #tpu.memory_space<vmem>> -> memref<64x128xf32, #tpu.memory_space<vmem>>
      %dma_start3A_362 = arith.constant 0 : i32
      %dma_start3A_363 = tpu.memref_slice %arg11[%add3A_69, %dma_start3A_362] : memref<10240x128xf32, #tpu.memory_space<vmem_shared>> -> memref<64x128xf32, #tpu.memory_space<vmem_shared>>
      %dma_start3A_364 = arith.constant 0 : i32
      %dma_start3A_365 = tpu.memref_slice %arg11[%add3A_69, %dma_start3A_364] : memref<10240x128xf32, #tpu.memory_space<vmem_shared>> -> memref<64x128xf32, #tpu.memory_space<vmem_shared>>
      %dma_start3A_366 = arith.constant 0 : i32
      %dma_start3A_367 = arith.constant 0 : i32
      %dma_start3A_368 = tpu.memref_slice %arg9[%run_scoped3A_70, %dma_start3A_366, %dma_start3A_367] : memref<2x64x128xf32, #tpu.memory_space<vmem>> -> memref<1x64x128xf32, #tpu.memory_space<vmem>>
      %dma_start3A_369 = tpu.memref_squeeze %dma_start3A_368 : memref<1x64x128xf32, #tpu.memory_space<vmem>> -> memref<64x128xf32, #tpu.memory_space<vmem>>
      tpu.enqueue_dma source(%dma_start3A_369 : memref<64x128xf32, #tpu.memory_space<vmem>>) target(%dma_start3A_365 : memref<64x128xf32, #tpu.memory_space<vmem_shared>>) target_semaphore(%run_scoped3A_357 : memref<!tpu.dma_semaphore, #tpu.memory_space<semaphore_mem>>)
      %dma_wait3A_370 = arith.constant 0 : i32
      %dma_wait3A_371 = arith.constant 0 : i32
      %dma_wait3A_372 = tpu.memref_slice %arg9[%run_scoped3A_70, %dma_wait3A_370, %dma_wait3A_371] : memref<2x64x128xf32, #tpu.memory_space<vmem>> -> memref<1x64x128xf32, #tpu.memory_space<vmem>>
      %dma_wait3A_373 = tpu.memref_squeeze %dma_wait3A_372 : memref<1x64x128xf32, #tpu.memory_space<vmem>> -> memref<64x128xf32, #tpu.memory_space<vmem>>
      %dma_wait3A_374 = arith.constant 0 : i32
      %dma_wait3A_375 = tpu.memref_slice %arg11[%add3A_69, %dma_wait3A_374] : memref<10240x128xf32, #tpu.memory_space<vmem_shared>> -> memref<64x128xf32, #tpu.memory_space<vmem_shared>>
      %dma_wait3A_376 = arith.constant 0 : i32
      %dma_wait3A_377 = tpu.memref_slice %arg11[%add3A_69, %dma_wait3A_376] : memref<10240x128xf32, #tpu.memory_space<vmem_shared>> -> memref<64x128xf32, #tpu.memory_space<vmem_shared>>
      %dma_wait3A_378 = arith.constant 0 : i32
      %dma_wait3A_379 = arith.constant 0 : i32
      %dma_wait3A_380 = tpu.memref_slice %arg9[%run_scoped3A_70, %dma_wait3A_378, %dma_wait3A_379] : memref<2x64x128xf32, #tpu.memory_space<vmem>> -> memref<1x64x128xf32, #tpu.memory_space<vmem>>
      %dma_wait3A_381 = tpu.memref_squeeze %dma_wait3A_380 : memref<1x64x128xf32, #tpu.memory_space<vmem>> -> memref<64x128xf32, #tpu.memory_space<vmem>>
      tpu.wait_dma2 semaphore(%run_scoped3A_357 : memref<!tpu.dma_semaphore, #tpu.memory_space<semaphore_mem>>) src(%dma_wait3A_381 : memref<64x128xf32, #tpu.memory_space<vmem>>) dst(%dma_wait3A_377 : memref<64x128xf32, #tpu.memory_space<vmem_shared>>)
      tpu.yield
    }) : () -> ()
    %mul3A_71 = arith.constant 640 : i32
    %mul3A_72 = arith.muli %arg1, %mul3A_71 : i32
    %add3A_73 = arith.constant 576 : i32
    %add3A_74 = arith.addi %mul3A_72, %add3A_73 : i32
    %run_scoped3A_75 = arith.constant 0 : i32
    "tpu.region"() ({
      %run_scoped3A_357 = tpu.sem_alloc : memref<!tpu.dma_semaphore, #tpu.memory_space<semaphore_mem>>
      %dma_start3A_358 = arith.constant 0 : i32
      %dma_start3A_359 = arith.constant 0 : i32
      %dma_start3A_360 = tpu.memref_slice %arg9[%run_scoped3A_75, %dma_start3A_358, %dma_start3A_359] : memref<2x64x128xf32, #tpu.memory_space<vmem>> -> memref<1x64x128xf32, #tpu.memory_space<vmem>>
      %dma_start3A_361 = tpu.memref_squeeze %dma_start3A_360 : memref<1x64x128xf32, #tpu.memory_space<vmem>> -> memref<64x128xf32, #tpu.memory_space<vmem>>
      %dma_start3A_362 = arith.constant 0 : i32
      %dma_start3A_363 = tpu.memref_slice %arg11[%add3A_74, %dma_start3A_362] : memref<10240x128xf32, #tpu.memory_space<vmem_shared>> -> memref<64x128xf32, #tpu.memory_space<vmem_shared>>
      %dma_start3A_364 = arith.constant 0 : i32
      %dma_start3A_365 = tpu.memref_slice %arg11[%add3A_74, %dma_start3A_364] : memref<10240x128xf32, #tpu.memory_space<vmem_shared>> -> memref<64x128xf32, #tpu.memory_space<vmem_shared>>
      %dma_start3A_366 = arith.constant 0 : i32
      %dma_start3A_367 = arith.constant 0 : i32
      %dma_start3A_368 = tpu.memref_slice %arg9[%run_scoped3A_75, %dma_start3A_366, %dma_start3A_367] : memref<2x64x128xf32, #tpu.memory_space<vmem>> -> memref<1x64x128xf32, #tpu.memory_space<vmem>>
      %dma_start3A_369 = tpu.memref_squeeze %dma_start3A_368 : memref<1x64x128xf32, #tpu.memory_space<vmem>> -> memref<64x128xf32, #tpu.memory_space<vmem>>
      tpu.enqueue_dma source(%dma_start3A_369 : memref<64x128xf32, #tpu.memory_space<vmem>>) target(%dma_start3A_365 : memref<64x128xf32, #tpu.memory_space<vmem_shared>>) target_semaphore(%run_scoped3A_357 : memref<!tpu.dma_semaphore, #tpu.memory_space<semaphore_mem>>)
      %dma_wait3A_370 = arith.constant 0 : i32
      %dma_wait3A_371 = arith.constant 0 : i32
      %dma_wait3A_372 = tpu.memref_slice %arg9[%run_scoped3A_75, %dma_wait3A_370, %dma_wait3A_371] : memref<2x64x128xf32, #tpu.memory_space<vmem>> -> memref<1x64x128xf32, #tpu.memory_space<vmem>>
      %dma_wait3A_373 = tpu.memref_squeeze %dma_wait3A_372 : memref<1x64x128xf32, #tpu.memory_space<vmem>> -> memref<64x128xf32, #tpu.memory_space<vmem>>
      %dma_wait3A_374 = arith.constant 0 : i32
      %dma_wait3A_375 = tpu.memref_slice %arg11[%add3A_74, %dma_wait3A_374] : memref<10240x128xf32, #tpu.memory_space<vmem_shared>> -> memref<64x128xf32, #tpu.memory_space<vmem_shared>>
      %dma_wait3A_376 = arith.constant 0 : i32
      %dma_wait3A_377 = tpu.memref_slice %arg11[%add3A_74, %dma_wait3A_376] : memref<10240x128xf32, #tpu.memory_space<vmem_shared>> -> memref<64x128xf32, #tpu.memory_space<vmem_shared>>
      %dma_wait3A_378 = arith.constant 0 : i32
      %dma_wait3A_379 = arith.constant 0 : i32
      %dma_wait3A_380 = tpu.memref_slice %arg9[%run_scoped3A_75, %dma_wait3A_378, %dma_wait3A_379] : memref<2x64x128xf32, #tpu.memory_space<vmem>> -> memref<1x64x128xf32, #tpu.memory_space<vmem>>
      %dma_wait3A_381 = tpu.memref_squeeze %dma_wait3A_380 : memref<1x64x128xf32, #tpu.memory_space<vmem>> -> memref<64x128xf32, #tpu.memory_space<vmem>>
      tpu.wait_dma2 semaphore(%run_scoped3A_357 : memref<!tpu.dma_semaphore, #tpu.memory_space<semaphore_mem>>) src(%dma_wait3A_381 : memref<64x128xf32, #tpu.memory_space<vmem>>) dst(%dma_wait3A_377 : memref<64x128xf32, #tpu.memory_space<vmem_shared>>)
      tpu.yield
    }) : () -> ()
    %mul3A_76 = arith.constant 640 : i32
    %mul3A_77 = arith.muli %arg1, %mul3A_76 : i32
    %add3A_78 = arith.constant 0 : i32
    %add3A_79 = arith.addi %mul3A_77, %add3A_78 : i32
    %run_scoped3A_80 = arith.constant 0 : i32
    %run_scoped3A_81 = arith.constant 0 : i32
    "tpu.region"() ({
      %run_scoped3A_357 = tpu.sem_alloc : memref<!tpu.dma_semaphore, #tpu.memory_space<semaphore_mem>>
      %dma_start3A_358 = arith.constant 0 : i32
      %dma_start3A_359 = tpu.memref_slice %arg9[%run_scoped3A_80, %run_scoped3A_81, %dma_start3A_358] : memref<2x64x128xf32, #tpu.memory_space<vmem>> -> memref<1x1x128xf32, #tpu.memory_space<vmem>>
      %dma_start3A_360 = tpu.memref_squeeze %dma_start3A_359 : memref<1x1x128xf32, #tpu.memory_space<vmem>> -> memref<128xf32, #tpu.memory_space<vmem>>
      %dma_start3A_361 = tpu.memref_slice %arg12[%add3A_79] : memref<10240xf32, #tpu.memory_space<vmem_shared>> -> memref<128xf32, #tpu.memory_space<vmem_shared>>
      %dma_start3A_362 = tpu.memref_slice %arg12[%add3A_79] : memref<10240xf32, #tpu.memory_space<vmem_shared>> -> memref<128xf32, #tpu.memory_space<vmem_shared>>
      %dma_start3A_363 = arith.constant 0 : i32
      %dma_start3A_364 = tpu.memref_slice %arg9[%run_scoped3A_80, %run_scoped3A_81, %dma_start3A_363] : memref<2x64x128xf32, #tpu.memory_space<vmem>> -> memref<1x1x128xf32, #tpu.memory_space<vmem>>
      %dma_start3A_365 = tpu.memref_squeeze %dma_start3A_364 : memref<1x1x128xf32, #tpu.memory_space<vmem>> -> memref<128xf32, #tpu.memory_space<vmem>>
      tpu.enqueue_dma source(%dma_start3A_365 : memref<128xf32, #tpu.memory_space<vmem>>) target(%dma_start3A_362 : memref<128xf32, #tpu.memory_space<vmem_shared>>) target_semaphore(%run_scoped3A_357 : memref<!tpu.dma_semaphore, #tpu.memory_space<semaphore_mem>>)
      %dma_wait3A_366 = arith.constant 0 : i32
      %dma_wait3A_367 = tpu.memref_slice %arg9[%run_scoped3A_80, %run_scoped3A_81, %dma_wait3A_366] : memref<2x64x128xf32, #tpu.memory_space<vmem>> -> memref<1x1x128xf32, #tpu.memory_space<vmem>>
      %dma_wait3A_368 = tpu.memref_squeeze %dma_wait3A_367 : memref<1x1x128xf32, #tpu.memory_space<vmem>> -> memref<128xf32, #tpu.memory_space<vmem>>
      %dma_wait3A_369 = tpu.memref_slice %arg12[%add3A_79] : memref<10240xf32, #tpu.memory_space<vmem_shared>> -> memref<128xf32, #tpu.memory_space<vmem_shared>>
      %dma_wait3A_370 = tpu.memref_slice %arg12[%add3A_79] : memref<10240xf32, #tpu.memory_space<vmem_shared>> -> memref<128xf32, #tpu.memory_space<vmem_shared>>
      %dma_wait3A_371 = arith.constant 0 : i32
      %dma_wait3A_372 = tpu.memref_slice %arg9[%run_scoped3A_80, %run_scoped3A_81, %dma_wait3A_371] : memref<2x64x128xf32, #tpu.memory_space<vmem>> -> memref<1x1x128xf32, #tpu.memory_space<vmem>>
      %dma_wait3A_373 = tpu.memref_squeeze %dma_wait3A_372 : memref<1x1x128xf32, #tpu.memory_space<vmem>> -> memref<128xf32, #tpu.memory_space<vmem>>
      tpu.wait_dma2 semaphore(%run_scoped3A_357 : memref<!tpu.dma_semaphore, #tpu.memory_space<semaphore_mem>>) src(%dma_wait3A_373 : memref<128xf32, #tpu.memory_space<vmem>>) dst(%dma_wait3A_370 : memref<128xf32, #tpu.memory_space<vmem_shared>>)
      tpu.yield
    }) : () -> ()
    %mul3A_82 = arith.constant 640 : i32
    %mul3A_83 = arith.muli %arg1, %mul3A_82 : i32
    %add3A_84 = arith.constant 128 : i32
    %add3A_85 = arith.addi %mul3A_83, %add3A_84 : i32
    %run_scoped3A_86 = arith.constant 0 : i32
    %run_scoped3A_87 = arith.constant 0 : i32
    "tpu.region"() ({
      %run_scoped3A_357 = tpu.sem_alloc : memref<!tpu.dma_semaphore, #tpu.memory_space<semaphore_mem>>
      %dma_start3A_358 = arith.constant 0 : i32
      %dma_start3A_359 = tpu.memref_slice %arg9[%run_scoped3A_86, %run_scoped3A_87, %dma_start3A_358] : memref<2x64x128xf32, #tpu.memory_space<vmem>> -> memref<1x1x128xf32, #tpu.memory_space<vmem>>
      %dma_start3A_360 = tpu.memref_squeeze %dma_start3A_359 : memref<1x1x128xf32, #tpu.memory_space<vmem>> -> memref<128xf32, #tpu.memory_space<vmem>>
      %dma_start3A_361 = tpu.memref_slice %arg12[%add3A_85] : memref<10240xf32, #tpu.memory_space<vmem_shared>> -> memref<128xf32, #tpu.memory_space<vmem_shared>>
      %dma_start3A_362 = tpu.memref_slice %arg12[%add3A_85] : memref<10240xf32, #tpu.memory_space<vmem_shared>> -> memref<128xf32, #tpu.memory_space<vmem_shared>>
      %dma_start3A_363 = arith.constant 0 : i32
      %dma_start3A_364 = tpu.memref_slice %arg9[%run_scoped3A_86, %run_scoped3A_87, %dma_start3A_363] : memref<2x64x128xf32, #tpu.memory_space<vmem>> -> memref<1x1x128xf32, #tpu.memory_space<vmem>>
      %dma_start3A_365 = tpu.memref_squeeze %dma_start3A_364 : memref<1x1x128xf32, #tpu.memory_space<vmem>> -> memref<128xf32, #tpu.memory_space<vmem>>
      tpu.enqueue_dma source(%dma_start3A_365 : memref<128xf32, #tpu.memory_space<vmem>>) target(%dma_start3A_362 : memref<128xf32, #tpu.memory_space<vmem_shared>>) target_semaphore(%run_scoped3A_357 : memref<!tpu.dma_semaphore, #tpu.memory_space<semaphore_mem>>)
      %dma_wait3A_366 = arith.constant 0 : i32
      %dma_wait3A_367 = tpu.memref_slice %arg9[%run_scoped3A_86, %run_scoped3A_87, %dma_wait3A_366] : memref<2x64x128xf32, #tpu.memory_space<vmem>> -> memref<1x1x128xf32, #tpu.memory_space<vmem>>
      %dma_wait3A_368 = tpu.memref_squeeze %dma_wait3A_367 : memref<1x1x128xf32, #tpu.memory_space<vmem>> -> memref<128xf32, #tpu.memory_space<vmem>>
      %dma_wait3A_369 = tpu.memref_slice %arg12[%add3A_85] : memref<10240xf32, #tpu.memory_space<vmem_shared>> -> memref<128xf32, #tpu.memory_space<vmem_shared>>
      %dma_wait3A_370 = tpu.memref_slice %arg12[%add3A_85] : memref<10240xf32, #tpu.memory_space<vmem_shared>> -> memref<128xf32, #tpu.memory_space<vmem_shared>>
      %dma_wait3A_371 = arith.constant 0 : i32
      %dma_wait3A_372 = tpu.memref_slice %arg9[%run_scoped3A_86, %run_scoped3A_87, %dma_wait3A_371] : memref<2x64x128xf32, #tpu.memory_space<vmem>> -> memref<1x1x128xf32, #tpu.memory_space<vmem>>
      %dma_wait3A_373 = tpu.memref_squeeze %dma_wait3A_372 : memref<1x1x128xf32, #tpu.memory_space<vmem>> -> memref<128xf32, #tpu.memory_space<vmem>>
      tpu.wait_dma2 semaphore(%run_scoped3A_357 : memref<!tpu.dma_semaphore, #tpu.memory_space<semaphore_mem>>) src(%dma_wait3A_373 : memref<128xf32, #tpu.memory_space<vmem>>) dst(%dma_wait3A_370 : memref<128xf32, #tpu.memory_space<vmem_shared>>)
      tpu.yield
    }) : () -> ()
    %mul3A_88 = arith.constant 640 : i32
    %mul3A_89 = arith.muli %arg1, %mul3A_88 : i32
    %add3A_90 = arith.constant 256 : i32
    %add3A_91 = arith.addi %mul3A_89, %add3A_90 : i32
    %run_scoped3A_92 = arith.constant 0 : i32
    %run_scoped3A_93 = arith.constant 0 : i32
    "tpu.region"() ({
      %run_scoped3A_357 = tpu.sem_alloc : memref<!tpu.dma_semaphore, #tpu.memory_space<semaphore_mem>>
      %dma_start3A_358 = arith.constant 0 : i32
      %dma_start3A_359 = tpu.memref_slice %arg9[%run_scoped3A_92, %run_scoped3A_93, %dma_start3A_358] : memref<2x64x128xf32, #tpu.memory_space<vmem>> -> memref<1x1x128xf32, #tpu.memory_space<vmem>>
      %dma_start3A_360 = tpu.memref_squeeze %dma_start3A_359 : memref<1x1x128xf32, #tpu.memory_space<vmem>> -> memref<128xf32, #tpu.memory_space<vmem>>
      %dma_start3A_361 = tpu.memref_slice %arg12[%add3A_91] : memref<10240xf32, #tpu.memory_space<vmem_shared>> -> memref<128xf32, #tpu.memory_space<vmem_shared>>
      %dma_start3A_362 = tpu.memref_slice %arg12[%add3A_91] : memref<10240xf32, #tpu.memory_space<vmem_shared>> -> memref<128xf32, #tpu.memory_space<vmem_shared>>
      %dma_start3A_363 = arith.constant 0 : i32
      %dma_start3A_364 = tpu.memref_slice %arg9[%run_scoped3A_92, %run_scoped3A_93, %dma_start3A_363] : memref<2x64x128xf32, #tpu.memory_space<vmem>> -> memref<1x1x128xf32, #tpu.memory_space<vmem>>
      %dma_start3A_365 = tpu.memref_squeeze %dma_start3A_364 : memref<1x1x128xf32, #tpu.memory_space<vmem>> -> memref<128xf32, #tpu.memory_space<vmem>>
      tpu.enqueue_dma source(%dma_start3A_365 : memref<128xf32, #tpu.memory_space<vmem>>) target(%dma_start3A_362 : memref<128xf32, #tpu.memory_space<vmem_shared>>) target_semaphore(%run_scoped3A_357 : memref<!tpu.dma_semaphore, #tpu.memory_space<semaphore_mem>>)
      %dma_wait3A_366 = arith.constant 0 : i32
      %dma_wait3A_367 = tpu.memref_slice %arg9[%run_scoped3A_92, %run_scoped3A_93, %dma_wait3A_366] : memref<2x64x128xf32, #tpu.memory_space<vmem>> -> memref<1x1x128xf32, #tpu.memory_space<vmem>>
      %dma_wait3A_368 = tpu.memref_squeeze %dma_wait3A_367 : memref<1x1x128xf32, #tpu.memory_space<vmem>> -> memref<128xf32, #tpu.memory_space<vmem>>
      %dma_wait3A_369 = tpu.memref_slice %arg12[%add3A_91] : memref<10240xf32, #tpu.memory_space<vmem_shared>> -> memref<128xf32, #tpu.memory_space<vmem_shared>>
      %dma_wait3A_370 = tpu.memref_slice %arg12[%add3A_91] : memref<10240xf32, #tpu.memory_space<vmem_shared>> -> memref<128xf32, #tpu.memory_space<vmem_shared>>
      %dma_wait3A_371 = arith.constant 0 : i32
      %dma_wait3A_372 = tpu.memref_slice %arg9[%run_scoped3A_92, %run_scoped3A_93, %dma_wait3A_371] : memref<2x64x128xf32, #tpu.memory_space<vmem>> -> memref<1x1x128xf32, #tpu.memory_space<vmem>>
      %dma_wait3A_373 = tpu.memref_squeeze %dma_wait3A_372 : memref<1x1x128xf32, #tpu.memory_space<vmem>> -> memref<128xf32, #tpu.memory_space<vmem>>
      tpu.wait_dma2 semaphore(%run_scoped3A_357 : memref<!tpu.dma_semaphore, #tpu.memory_space<semaphore_mem>>) src(%dma_wait3A_373 : memref<128xf32, #tpu.memory_space<vmem>>) dst(%dma_wait3A_370 : memref<128xf32, #tpu.memory_space<vmem_shared>>)
      tpu.yield
    }) : () -> ()
    %mul3A_94 = arith.constant 640 : i32
    %mul3A_95 = arith.muli %arg1, %mul3A_94 : i32
    %add3A_96 = arith.constant 384 : i32
    %add3A_97 = arith.addi %mul3A_95, %add3A_96 : i32
    %run_scoped3A_98 = arith.constant 0 : i32
    %run_scoped3A_99 = arith.constant 0 : i32
    "tpu.region"() ({
      %run_scoped3A_357 = tpu.sem_alloc : memref<!tpu.dma_semaphore, #tpu.memory_space<semaphore_mem>>
      %dma_start3A_358 = arith.constant 0 : i32
      %dma_start3A_359 = tpu.memref_slice %arg9[%run_scoped3A_98, %run_scoped3A_99, %dma_start3A_358] : memref<2x64x128xf32, #tpu.memory_space<vmem>> -> memref<1x1x128xf32, #tpu.memory_space<vmem>>
      %dma_start3A_360 = tpu.memref_squeeze %dma_start3A_359 : memref<1x1x128xf32, #tpu.memory_space<vmem>> -> memref<128xf32, #tpu.memory_space<vmem>>
      %dma_start3A_361 = tpu.memref_slice %arg12[%add3A_97] : memref<10240xf32, #tpu.memory_space<vmem_shared>> -> memref<128xf32, #tpu.memory_space<vmem_shared>>
      %dma_start3A_362 = tpu.memref_slice %arg12[%add3A_97] : memref<10240xf32, #tpu.memory_space<vmem_shared>> -> memref<128xf32, #tpu.memory_space<vmem_shared>>
      %dma_start3A_363 = arith.constant 0 : i32
      %dma_start3A_364 = tpu.memref_slice %arg9[%run_scoped3A_98, %run_scoped3A_99, %dma_start3A_363] : memref<2x64x128xf32, #tpu.memory_space<vmem>> -> memref<1x1x128xf32, #tpu.memory_space<vmem>>
      %dma_start3A_365 = tpu.memref_squeeze %dma_start3A_364 : memref<1x1x128xf32, #tpu.memory_space<vmem>> -> memref<128xf32, #tpu.memory_space<vmem>>
      tpu.enqueue_dma source(%dma_start3A_365 : memref<128xf32, #tpu.memory_space<vmem>>) target(%dma_start3A_362 : memref<128xf32, #tpu.memory_space<vmem_shared>>) target_semaphore(%run_scoped3A_357 : memref<!tpu.dma_semaphore, #tpu.memory_space<semaphore_mem>>)
      %dma_wait3A_366 = arith.constant 0 : i32
      %dma_wait3A_367 = tpu.memref_slice %arg9[%run_scoped3A_98, %run_scoped3A_99, %dma_wait3A_366] : memref<2x64x128xf32, #tpu.memory_space<vmem>> -> memref<1x1x128xf32, #tpu.memory_space<vmem>>
      %dma_wait3A_368 = tpu.memref_squeeze %dma_wait3A_367 : memref<1x1x128xf32, #tpu.memory_space<vmem>> -> memref<128xf32, #tpu.memory_space<vmem>>
      %dma_wait3A_369 = tpu.memref_slice %arg12[%add3A_97] : memref<10240xf32, #tpu.memory_space<vmem_shared>> -> memref<128xf32, #tpu.memory_space<vmem_shared>>
      %dma_wait3A_370 = tpu.memref_slice %arg12[%add3A_97] : memref<10240xf32, #tpu.memory_space<vmem_shared>> -> memref<128xf32, #tpu.memory_space<vmem_shared>>
      %dma_wait3A_371 = arith.constant 0 : i32
      %dma_wait3A_372 = tpu.memref_slice %arg9[%run_scoped3A_98, %run_scoped3A_99, %dma_wait3A_371] : memref<2x64x128xf32, #tpu.memory_space<vmem>> -> memref<1x1x128xf32, #tpu.memory_space<vmem>>
      %dma_wait3A_373 = tpu.memref_squeeze %dma_wait3A_372 : memref<1x1x128xf32, #tpu.memory_space<vmem>> -> memref<128xf32, #tpu.memory_space<vmem>>
      tpu.wait_dma2 semaphore(%run_scoped3A_357 : memref<!tpu.dma_semaphore, #tpu.memory_space<semaphore_mem>>) src(%dma_wait3A_373 : memref<128xf32, #tpu.memory_space<vmem>>) dst(%dma_wait3A_370 : memref<128xf32, #tpu.memory_space<vmem_shared>>)
      tpu.yield
    }) : () -> ()
    %mul3A_100 = arith.constant 640 : i32
    %mul3A_101 = arith.muli %arg1, %mul3A_100 : i32
    %add3A_102 = arith.constant 512 : i32
    %add3A_103 = arith.addi %mul3A_101, %add3A_102 : i32
    %run_scoped3A_104 = arith.constant 0 : i32
    %run_scoped3A_105 = arith.constant 0 : i32
    "tpu.region"() ({
      %run_scoped3A_357 = tpu.sem_alloc : memref<!tpu.dma_semaphore, #tpu.memory_space<semaphore_mem>>
      %dma_start3A_358 = arith.constant 0 : i32
      %dma_start3A_359 = tpu.memref_slice %arg9[%run_scoped3A_104, %run_scoped3A_105, %dma_start3A_358] : memref<2x64x128xf32, #tpu.memory_space<vmem>> -> memref<1x1x128xf32, #tpu.memory_space<vmem>>
      %dma_start3A_360 = tpu.memref_squeeze %dma_start3A_359 : memref<1x1x128xf32, #tpu.memory_space<vmem>> -> memref<128xf32, #tpu.memory_space<vmem>>
      %dma_start3A_361 = tpu.memref_slice %arg12[%add3A_103] : memref<10240xf32, #tpu.memory_space<vmem_shared>> -> memref<128xf32, #tpu.memory_space<vmem_shared>>
      %dma_start3A_362 = tpu.memref_slice %arg12[%add3A_103] : memref<10240xf32, #tpu.memory_space<vmem_shared>> -> memref<128xf32, #tpu.memory_space<vmem_shared>>
      %dma_start3A_363 = arith.constant 0 : i32
      %dma_start3A_364 = tpu.memref_slice %arg9[%run_scoped3A_104, %run_scoped3A_105, %dma_start3A_363] : memref<2x64x128xf32, #tpu.memory_space<vmem>> -> memref<1x1x128xf32, #tpu.memory_space<vmem>>
      %dma_start3A_365 = tpu.memref_squeeze %dma_start3A_364 : memref<1x1x128xf32, #tpu.memory_space<vmem>> -> memref<128xf32, #tpu.memory_space<vmem>>
      tpu.enqueue_dma source(%dma_start3A_365 : memref<128xf32, #tpu.memory_space<vmem>>) target(%dma_start3A_362 : memref<128xf32, #tpu.memory_space<vmem_shared>>) target_semaphore(%run_scoped3A_357 : memref<!tpu.dma_semaphore, #tpu.memory_space<semaphore_mem>>)
      %dma_wait3A_366 = arith.constant 0 : i32
      %dma_wait3A_367 = tpu.memref_slice %arg9[%run_scoped3A_104, %run_scoped3A_105, %dma_wait3A_366] : memref<2x64x128xf32, #tpu.memory_space<vmem>> -> memref<1x1x128xf32, #tpu.memory_space<vmem>>
      %dma_wait3A_368 = tpu.memref_squeeze %dma_wait3A_367 : memref<1x1x128xf32, #tpu.memory_space<vmem>> -> memref<128xf32, #tpu.memory_space<vmem>>
      %dma_wait3A_369 = tpu.memref_slice %arg12[%add3A_103] : memref<10240xf32, #tpu.memory_space<vmem_shared>> -> memref<128xf32, #tpu.memory_space<vmem_shared>>
      %dma_wait3A_370 = tpu.memref_slice %arg12[%add3A_103] : memref<10240xf32, #tpu.memory_space<vmem_shared>> -> memref<128xf32, #tpu.memory_space<vmem_shared>>
      %dma_wait3A_371 = arith.constant 0 : i32
      %dma_wait3A_372 = tpu.memref_slice %arg9[%run_scoped3A_104, %run_scoped3A_105, %dma_wait3A_371] : memref<2x64x128xf32, #tpu.memory_space<vmem>> -> memref<1x1x128xf32, #tpu.memory_space<vmem>>
      %dma_wait3A_373 = tpu.memref_squeeze %dma_wait3A_372 : memref<1x1x128xf32, #tpu.memory_space<vmem>> -> memref<128xf32, #tpu.memory_space<vmem>>
      tpu.wait_dma2 semaphore(%run_scoped3A_357 : memref<!tpu.dma_semaphore, #tpu.memory_space<semaphore_mem>>) src(%dma_wait3A_373 : memref<128xf32, #tpu.memory_space<vmem>>) dst(%dma_wait3A_370 : memref<128xf32, #tpu.memory_space<vmem_shared>>)
      tpu.yield
    }) : () -> ()
    %barrier3A = arith.constant 0 : index
    tpu.barrier barrier_id(%barrier3A)
    %mul3A_106 = arith.constant 160 : i32
    %mul3A_107 = arith.muli %add3A, %mul3A_106 : i32
    %add3A_108 = arith.constant 0 : i32
    %add3A_109 = arith.addi %mul3A_107, %add3A_108 : i32
    "tpu.region"() ({
      %run_scoped3A_357 = tpu.sem_alloc : memref<!tpu.dma_semaphore, #tpu.memory_space<semaphore_mem>>
      %dma_start3A_358 = arith.constant 0 : i32
      %dma_start3A_359 = tpu.memref_slice %arg3[%add3A_109, %dma_start3A_358] : memref<5120x64xi32, #tpu.memory_space<hbm>> -> memref<80x64xi32, #tpu.memory_space<hbm>>
      %dma_start3A_360 = arith.constant 0 : i32
      %dma_start3A_361 = tpu.memref_slice %arg3[%add3A_109, %dma_start3A_360] : memref<5120x64xi32, #tpu.memory_space<hbm>> -> memref<80x64xi32, #tpu.memory_space<hbm>>
      tpu.enqueue_dma source(%dma_start3A_361 : memref<80x64xi32, #tpu.memory_space<hbm>>) target(%arg7 : memref<80x64xi32, #tpu.memory_space<vmem>>) target_semaphore(%run_scoped3A_357 : memref<!tpu.dma_semaphore, #tpu.memory_space<semaphore_mem>>)
      %dma_wait3A_362 = arith.constant 0 : i32
      %dma_wait3A_363 = tpu.memref_slice %arg3[%add3A_109, %dma_wait3A_362] : memref<5120x64xi32, #tpu.memory_space<hbm>> -> memref<80x64xi32, #tpu.memory_space<hbm>>
      %dma_wait3A_364 = arith.constant 0 : i32
      %dma_wait3A_365 = tpu.memref_slice %arg3[%add3A_109, %dma_wait3A_364] : memref<5120x64xi32, #tpu.memory_space<hbm>> -> memref<80x64xi32, #tpu.memory_space<hbm>>
      tpu.wait_dma2 semaphore(%run_scoped3A_357 : memref<!tpu.dma_semaphore, #tpu.memory_space<semaphore_mem>>) src(%dma_wait3A_365 : memref<80x64xi32, #tpu.memory_space<hbm>>) dst(%arg7 : memref<80x64xi32, #tpu.memory_space<vmem>>)
      tpu.yield
    }) : () -> ()
    "tpu.region"() ({
      %run_scoped3A_357 = tpu.sem_alloc : memref<!tpu.dma_semaphore, #tpu.memory_space<semaphore_mem>>
      %dma_start3A_358 = arith.constant 0 : i32
      %dma_start3A_359 = tpu.memref_slice %arg4[%add3A_109, %dma_start3A_358] : memref<5120x64xi32, #tpu.memory_space<hbm>> -> memref<80x64xi32, #tpu.memory_space<hbm>>
      %dma_start3A_360 = arith.constant 0 : i32
      %dma_start3A_361 = tpu.memref_slice %arg4[%add3A_109, %dma_start3A_360] : memref<5120x64xi32, #tpu.memory_space<hbm>> -> memref<80x64xi32, #tpu.memory_space<hbm>>
      tpu.enqueue_dma source(%dma_start3A_361 : memref<80x64xi32, #tpu.memory_space<hbm>>) target(%arg8 : memref<80x64xi32, #tpu.memory_space<vmem>>) target_semaphore(%run_scoped3A_357 : memref<!tpu.dma_semaphore, #tpu.memory_space<semaphore_mem>>)
      %dma_wait3A_362 = arith.constant 0 : i32
      %dma_wait3A_363 = tpu.memref_slice %arg4[%add3A_109, %dma_wait3A_362] : memref<5120x64xi32, #tpu.memory_space<hbm>> -> memref<80x64xi32, #tpu.memory_space<hbm>>
      %dma_wait3A_364 = arith.constant 0 : i32
      %dma_wait3A_365 = tpu.memref_slice %arg4[%add3A_109, %dma_wait3A_364] : memref<5120x64xi32, #tpu.memory_space<hbm>> -> memref<80x64xi32, #tpu.memory_space<hbm>>
      tpu.wait_dma2 semaphore(%run_scoped3A_357 : memref<!tpu.dma_semaphore, #tpu.memory_space<semaphore_mem>>) src(%dma_wait3A_365 : memref<80x64xi32, #tpu.memory_space<hbm>>) dst(%arg8 : memref<80x64xi32, #tpu.memory_space<vmem>>)
      tpu.yield
    }) : () -> ()
    %dma_start3A = arith.constant 0 : i32
    %dma_start3A_110 = arith.constant 0 : i32
    %dma_start3A_111 = arith.constant 0 : i32
    %dma_start3A_112 = arith.constant 0 : i32
    %dma_start3A_113 = tpu.memref_slice %arg9[%dma_start3A_110, %dma_start3A_111, %dma_start3A_112] : memref<2x64x128xf32, #tpu.memory_space<vmem>> -> memref<1x64x128xf32, #tpu.memory_space<vmem>>
    %dma_start3A_114 = tpu.memref_squeeze %dma_start3A_113 : memref<1x64x128xf32, #tpu.memory_space<vmem>> -> memref<64x128xf32, #tpu.memory_space<vmem>>
    %dma_start3A_115 = arith.constant 0 : i32
    %dma_start3A_116 = tpu.memref_slice %arg7[%dma_start3A, %dma_start3A_115] : memref<80x64xi32, #tpu.memory_space<vmem>> -> memref<1x64xi32, #tpu.memory_space<vmem>>
    %dma_start3A_117 = tpu.memref_squeeze %dma_start3A_116 : memref<1x64xi32, #tpu.memory_space<vmem>> -> memref<64xi32, #tpu.memory_space<vmem>>
    %dma_start3A_118 = arith.constant 0 : i32
    %dma_start3A_119 = arith.constant 0 : i32
    %dma_start3A_120 = tpu.memref_slice %arg2[%dma_start3A_118, %dma_start3A_119] : memref<10000x128xf32, #tpu.memory_space<hbm>> -> memref<10000x128xf32, #tpu.memory_space<hbm>>
    tpu.enqueue_indirect_dma source(%dma_start3A_120 : memref<10000x128xf32, #tpu.memory_space<hbm>>) target(%dma_start3A_114 : memref<64x128xf32, #tpu.memory_space<vmem>>) offsets(%dma_start3A_117 : memref<64xi32, #tpu.memory_space<vmem>>) semaphore(%arg13 : memref<!tpu.dma_semaphore, #tpu.memory_space<semaphore_mem>>)
    %dma_start3A_121 = arith.constant 1 : i32
    %dma_start3A_122 = arith.constant 1 : i32
    %dma_start3A_123 = arith.constant 0 : i32
    %dma_start3A_124 = arith.constant 0 : i32
    %dma_start3A_125 = tpu.memref_slice %arg9[%dma_start3A_122, %dma_start3A_123, %dma_start3A_124] : memref<2x64x128xf32, #tpu.memory_space<vmem>> -> memref<1x64x128xf32, #tpu.memory_space<vmem>>
    %dma_start3A_126 = tpu.memref_squeeze %dma_start3A_125 : memref<1x64x128xf32, #tpu.memory_space<vmem>> -> memref<64x128xf32, #tpu.memory_space<vmem>>
    %dma_start3A_127 = arith.constant 0 : i32
    %dma_start3A_128 = tpu.memref_slice %arg7[%dma_start3A_121, %dma_start3A_127] : memref<80x64xi32, #tpu.memory_space<vmem>> -> memref<1x64xi32, #tpu.memory_space<vmem>>
    %dma_start3A_129 = tpu.memref_squeeze %dma_start3A_128 : memref<1x64xi32, #tpu.memory_space<vmem>> -> memref<64xi32, #tpu.memory_space<vmem>>
    %dma_start3A_130 = arith.constant 0 : i32
    %dma_start3A_131 = arith.constant 0 : i32
    %dma_start3A_132 = tpu.memref_slice %arg2[%dma_start3A_130, %dma_start3A_131] : memref<10000x128xf32, #tpu.memory_space<hbm>> -> memref<10000x128xf32, #tpu.memory_space<hbm>>
    tpu.enqueue_indirect_dma source(%dma_start3A_132 : memref<10000x128xf32, #tpu.memory_space<hbm>>) target(%dma_start3A_126 : memref<64x128xf32, #tpu.memory_space<vmem>>) offsets(%dma_start3A_129 : memref<64xi32, #tpu.memory_space<vmem>>) semaphore(%arg14 : memref<!tpu.dma_semaphore, #tpu.memory_space<semaphore_mem>>)
    %scan3A_133 = arith.constant 0 : i32
    %scan3A_134 = arith.constant 39 : i32
    %scan3A_135 = arith.addi %scan3A_133, %scan3A_134 : i32
    %scan3A_136 = arith.constant 1 : i32
    scf.for %scan3A_357 = %scan3A_133 to %scan3A_135 step %scan3A_136  : i32 {
      %mul3A_358 = arith.constant 2 : i32
      %mul3A_359 = arith.muli %mul3A_358, %scan3A_357 : i32
      %dma_wait3A_360 = arith.constant 0 : i32
      %dma_wait3A_361 = arith.constant 0 : i32
      %dma_wait3A_362 = arith.constant 0 : i32
      %dma_wait3A_363 = arith.constant 0 : i32
      %dma_wait3A_364 = tpu.memref_slice %arg9[%dma_wait3A_361, %dma_wait3A_362, %dma_wait3A_363] : memref<2x64x128xf32, #tpu.memory_space<vmem>> -> memref<1x64x128xf32, #tpu.memory_space<vmem>>
      %dma_wait3A_365 = tpu.memref_squeeze %dma_wait3A_364 : memref<1x64x128xf32, #tpu.memory_space<vmem>> -> memref<64x128xf32, #tpu.memory_space<vmem>>
      %dma_wait3A_366 = arith.constant 0 : i32
      %dma_wait3A_367 = tpu.memref_slice %arg7[%dma_wait3A_360, %dma_wait3A_366] : memref<80x64xi32, #tpu.memory_space<vmem>> -> memref<1x64xi32, #tpu.memory_space<vmem>>
      %dma_wait3A_368 = tpu.memref_squeeze %dma_wait3A_367 : memref<1x64xi32, #tpu.memory_space<vmem>> -> memref<64xi32, #tpu.memory_space<vmem>>
      %dma_wait3A_369 = arith.constant 0 : i32
      %dma_wait3A_370 = arith.constant 0 : i32
      %dma_wait3A_371 = tpu.memref_slice %arg2[%dma_wait3A_369, %dma_wait3A_370] : memref<10000x128xf32, #tpu.memory_space<hbm>> -> memref<10000x128xf32, #tpu.memory_space<hbm>>
      tpu.wait_indirect_dma semaphore(%arg13 : memref<!tpu.dma_semaphore, #tpu.memory_space<semaphore_mem>>) src(%dma_wait3A_371 : memref<10000x128xf32, #tpu.memory_space<hbm>>) dst(%dma_wait3A_365 : memref<64x128xf32, #tpu.memory_space<vmem>>)
      %dma_start3A_372 = arith.constant 0 : i32
      %dma_start3A_373 = arith.constant 0 : i32
      %dma_start3A_374 = arith.constant 0 : i32
      %dma_start3A_375 = tpu.memref_slice %arg9[%dma_start3A_372, %dma_start3A_373, %dma_start3A_374] : memref<2x64x128xf32, #tpu.memory_space<vmem>> -> memref<1x64x128xf32, #tpu.memory_space<vmem>>
      %dma_start3A_376 = tpu.memref_squeeze %dma_start3A_375 : memref<1x64x128xf32, #tpu.memory_space<vmem>> -> memref<64x128xf32, #tpu.memory_space<vmem>>
      %dma_start3A_377 = arith.constant 0 : i32
      %dma_start3A_378 = tpu.memref_slice %arg8[%mul3A_359, %dma_start3A_377] : memref<80x64xi32, #tpu.memory_space<vmem>> -> memref<1x64xi32, #tpu.memory_space<vmem>>
      %dma_start3A_379 = tpu.memref_squeeze %dma_start3A_378 : memref<1x64xi32, #tpu.memory_space<vmem>> -> memref<64xi32, #tpu.memory_space<vmem>>
      %dma_start3A_380 = arith.constant 0 : i32
      %dma_start3A_381 = arith.constant 0 : i32
      %dma_start3A_382 = tpu.memref_slice %arg11[%dma_start3A_380, %dma_start3A_381] : memref<10240x128xf32, #tpu.memory_space<vmem_shared>> -> memref<10240x128xf32, #tpu.memory_space<vmem_shared>>
      tpu.enqueue_indirect_dma source(%dma_start3A_376 : memref<64x128xf32, #tpu.memory_space<vmem>>) target(%dma_start3A_382 : memref<10240x128xf32, #tpu.memory_space<vmem_shared>>) offsets(%dma_start3A_379 : memref<64xi32, #tpu.memory_space<vmem>>) semaphore(%arg15 : memref<!tpu.dma_semaphore, #tpu.memory_space<semaphore_mem>>) {add = true}
      %dma_start3A_383 = arith.constant 0 : i32
      %dma_start3A_384 = tpu.memref_slice %arg8[%mul3A_359, %dma_start3A_383] : memref<80x64xi32, #tpu.memory_space<vmem>> -> memref<1x64xi32, #tpu.memory_space<vmem>>
      %dma_start3A_385 = tpu.memref_squeeze %dma_start3A_384 : memref<1x64xi32, #tpu.memory_space<vmem>> -> memref<64xi32, #tpu.memory_space<vmem>>
      %dma_start3A_386 = arith.constant 0 : i32
      %dma_start3A_387 = tpu.memref_slice %arg12[%dma_start3A_386] : memref<10240xf32, #tpu.memory_space<vmem_shared>> -> memref<10240xf32, #tpu.memory_space<vmem_shared>>
      tpu.enqueue_indirect_dma source(%arg10 : memref<64xf32, #tpu.memory_space<vmem>>) target(%dma_start3A_387 : memref<10240xf32, #tpu.memory_space<vmem_shared>>) offsets(%dma_start3A_385 : memref<64xi32, #tpu.memory_space<vmem>>) semaphore(%arg17 : memref<!tpu.dma_semaphore, #tpu.memory_space<semaphore_mem>>) {add = true}
      %dma_wait3A_388 = arith.constant 0 : i32
      %dma_wait3A_389 = arith.constant 1 : i32
      %dma_wait3A_390 = arith.constant 0 : i32
      %dma_wait3A_391 = arith.constant 0 : i32
      %dma_wait3A_392 = tpu.memref_slice %arg9[%dma_wait3A_389, %dma_wait3A_390, %dma_wait3A_391] : memref<2x64x128xf32, #tpu.memory_space<vmem>> -> memref<1x64x128xf32, #tpu.memory_space<vmem>>
      %dma_wait3A_393 = tpu.memref_squeeze %dma_wait3A_392 : memref<1x64x128xf32, #tpu.memory_space<vmem>> -> memref<64x128xf32, #tpu.memory_space<vmem>>
      %dma_wait3A_394 = arith.constant 0 : i32
      %dma_wait3A_395 = tpu.memref_slice %arg7[%dma_wait3A_388, %dma_wait3A_394] : memref<80x64xi32, #tpu.memory_space<vmem>> -> memref<1x64xi32, #tpu.memory_space<vmem>>
      %dma_wait3A_396 = tpu.memref_squeeze %dma_wait3A_395 : memref<1x64xi32, #tpu.memory_space<vmem>> -> memref<64xi32, #tpu.memory_space<vmem>>
      %dma_wait3A_397 = arith.constant 0 : i32
      %dma_wait3A_398 = arith.constant 0 : i32
      %dma_wait3A_399 = tpu.memref_slice %arg2[%dma_wait3A_397, %dma_wait3A_398] : memref<10000x128xf32, #tpu.memory_space<hbm>> -> memref<10000x128xf32, #tpu.memory_space<hbm>>
      tpu.wait_indirect_dma semaphore(%arg14 : memref<!tpu.dma_semaphore, #tpu.memory_space<semaphore_mem>>) src(%dma_wait3A_399 : memref<10000x128xf32, #tpu.memory_space<hbm>>) dst(%dma_wait3A_393 : memref<64x128xf32, #tpu.memory_space<vmem>>)
      %add3A_400 = arith.constant 1 : i32
      %add3A_401 = arith.addi %mul3A_359, %add3A_400 : i32
      %dma_start3A_402 = arith.constant 1 : i32
      %dma_start3A_403 = arith.constant 0 : i32
      %dma_start3A_404 = arith.constant 0 : i32
      %dma_start3A_405 = tpu.memref_slice %arg9[%dma_start3A_402, %dma_start3A_403, %dma_start3A_404] : memref<2x64x128xf32, #tpu.memory_space<vmem>> -> memref<1x64x128xf32, #tpu.memory_space<vmem>>
      %dma_start3A_406 = tpu.memref_squeeze %dma_start3A_405 : memref<1x64x128xf32, #tpu.memory_space<vmem>> -> memref<64x128xf32, #tpu.memory_space<vmem>>
      %dma_start3A_407 = arith.constant 0 : i32
      %dma_start3A_408 = tpu.memref_slice %arg8[%add3A_401, %dma_start3A_407] : memref<80x64xi32, #tpu.memory_space<vmem>> -> memref<1x64xi32, #tpu.memory_space<vmem>>
      %dma_start3A_409 = tpu.memref_squeeze %dma_start3A_408 : memref<1x64xi32, #tpu.memory_space<vmem>> -> memref<64xi32, #tpu.memory_space<vmem>>
      %dma_start3A_410 = arith.constant 0 : i32
      %dma_start3A_411 = arith.constant 0 : i32
      %dma_start3A_412 = tpu.memref_slice %arg11[%dma_start3A_410, %dma_start3A_411] : memref<10240x128xf32, #tpu.memory_space<vmem_shared>> -> memref<10240x128xf32, #tpu.memory_space<vmem_shared>>
      tpu.enqueue_indirect_dma source(%dma_start3A_406 : memref<64x128xf32, #tpu.memory_space<vmem>>) target(%dma_start3A_412 : memref<10240x128xf32, #tpu.memory_space<vmem_shared>>) offsets(%dma_start3A_409 : memref<64xi32, #tpu.memory_space<vmem>>) semaphore(%arg16 : memref<!tpu.dma_semaphore, #tpu.memory_space<semaphore_mem>>) {add = true}
      %dma_start3A_413 = arith.constant 0 : i32
      %dma_start3A_414 = tpu.memref_slice %arg8[%add3A_401, %dma_start3A_413] : memref<80x64xi32, #tpu.memory_space<vmem>> -> memref<1x64xi32, #tpu.memory_space<vmem>>
      %dma_start3A_415 = tpu.memref_squeeze %dma_start3A_414 : memref<1x64xi32, #tpu.memory_space<vmem>> -> memref<64xi32, #tpu.memory_space<vmem>>
      %dma_start3A_416 = arith.constant 0 : i32
      %dma_start3A_417 = tpu.memref_slice %arg12[%dma_start3A_416] : memref<10240xf32, #tpu.memory_space<vmem_shared>> -> memref<10240xf32, #tpu.memory_space<vmem_shared>>
      tpu.enqueue_indirect_dma source(%arg10 : memref<64xf32, #tpu.memory_space<vmem>>) target(%dma_start3A_417 : memref<10240xf32, #tpu.memory_space<vmem_shared>>) offsets(%dma_start3A_415 : memref<64xi32, #tpu.memory_space<vmem>>) semaphore(%arg17 : memref<!tpu.dma_semaphore, #tpu.memory_space<semaphore_mem>>) {add = true}
      %dma_wait3A_418 = arith.constant 0 : i32
      %dma_wait3A_419 = arith.constant 0 : i32
      %dma_wait3A_420 = arith.constant 0 : i32
      %dma_wait3A_421 = arith.constant 0 : i32
      %dma_wait3A_422 = tpu.memref_slice %arg9[%dma_wait3A_418, %dma_wait3A_420, %dma_wait3A_421] : memref<2x64x128xf32, #tpu.memory_space<vmem>> -> memref<1x64x128xf32, #tpu.memory_space<vmem>>
      %dma_wait3A_423 = tpu.memref_squeeze %dma_wait3A_422 : memref<1x64x128xf32, #tpu.memory_space<vmem>> -> memref<64x128xf32, #tpu.memory_space<vmem>>
      %dma_wait3A_424 = arith.constant 0 : i32
      %dma_wait3A_425 = tpu.memref_slice %arg8[%dma_wait3A_419, %dma_wait3A_424] : memref<80x64xi32, #tpu.memory_space<vmem>> -> memref<1x64xi32, #tpu.memory_space<vmem>>
      %dma_wait3A_426 = tpu.memref_squeeze %dma_wait3A_425 : memref<1x64xi32, #tpu.memory_space<vmem>> -> memref<64xi32, #tpu.memory_space<vmem>>
      %dma_wait3A_427 = arith.constant 0 : i32
      %dma_wait3A_428 = arith.constant 0 : i32
      %dma_wait3A_429 = tpu.memref_slice %arg11[%dma_wait3A_427, %dma_wait3A_428] : memref<10240x128xf32, #tpu.memory_space<vmem_shared>> -> memref<10240x128xf32, #tpu.memory_space<vmem_shared>>
      tpu.wait_indirect_dma semaphore(%arg15 : memref<!tpu.dma_semaphore, #tpu.memory_space<semaphore_mem>>) src(%dma_wait3A_423 : memref<64x128xf32, #tpu.memory_space<vmem>>) dst(%dma_wait3A_429 : memref<10240x128xf32, #tpu.memory_space<vmem_shared>>)
      %add3A_430 = arith.constant 2 : i32
      %add3A_431 = arith.addi %mul3A_359, %add3A_430 : i32
      %dma_start3A_432 = arith.constant 0 : i32
      %dma_start3A_433 = arith.constant 0 : i32
      %dma_start3A_434 = arith.constant 0 : i32
      %dma_start3A_435 = tpu.memref_slice %arg9[%dma_start3A_432, %dma_start3A_433, %dma_start3A_434] : memref<2x64x128xf32, #tpu.memory_space<vmem>> -> memref<1x64x128xf32, #tpu.memory_space<vmem>>
      %dma_start3A_436 = tpu.memref_squeeze %dma_start3A_435 : memref<1x64x128xf32, #tpu.memory_space<vmem>> -> memref<64x128xf32, #tpu.memory_space<vmem>>
      %dma_start3A_437 = arith.constant 0 : i32
      %dma_start3A_438 = tpu.memref_slice %arg7[%add3A_431, %dma_start3A_437] : memref<80x64xi32, #tpu.memory_space<vmem>> -> memref<1x64xi32, #tpu.memory_space<vmem>>
      %dma_start3A_439 = tpu.memref_squeeze %dma_start3A_438 : memref<1x64xi32, #tpu.memory_space<vmem>> -> memref<64xi32, #tpu.memory_space<vmem>>
      %dma_start3A_440 = arith.constant 0 : i32
      %dma_start3A_441 = arith.constant 0 : i32
      %dma_start3A_442 = tpu.memref_slice %arg2[%dma_start3A_440, %dma_start3A_441] : memref<10000x128xf32, #tpu.memory_space<hbm>> -> memref<10000x128xf32, #tpu.memory_space<hbm>>
      tpu.enqueue_indirect_dma source(%dma_start3A_442 : memref<10000x128xf32, #tpu.memory_space<hbm>>) target(%dma_start3A_436 : memref<64x128xf32, #tpu.memory_space<vmem>>) offsets(%dma_start3A_439 : memref<64xi32, #tpu.memory_space<vmem>>) semaphore(%arg13 : memref<!tpu.dma_semaphore, #tpu.memory_space<semaphore_mem>>)
      %dma_wait3A_443 = arith.constant 1 : i32
      %dma_wait3A_444 = arith.constant 0 : i32
      %dma_wait3A_445 = arith.constant 0 : i32
      %dma_wait3A_446 = arith.constant 0 : i32
      %dma_wait3A_447 = tpu.memref_slice %arg9[%dma_wait3A_443, %dma_wait3A_445, %dma_wait3A_446] : memref<2x64x128xf32, #tpu.memory_space<vmem>> -> memref<1x64x128xf32, #tpu.memory_space<vmem>>
      %dma_wait3A_448 = tpu.memref_squeeze %dma_wait3A_447 : memref<1x64x128xf32, #tpu.memory_space<vmem>> -> memref<64x128xf32, #tpu.memory_space<vmem>>
      %dma_wait3A_449 = arith.constant 0 : i32
      %dma_wait3A_450 = tpu.memref_slice %arg8[%dma_wait3A_444, %dma_wait3A_449] : memref<80x64xi32, #tpu.memory_space<vmem>> -> memref<1x64xi32, #tpu.memory_space<vmem>>
      %dma_wait3A_451 = tpu.memref_squeeze %dma_wait3A_450 : memref<1x64xi32, #tpu.memory_space<vmem>> -> memref<64xi32, #tpu.memory_space<vmem>>
      %dma_wait3A_452 = arith.constant 0 : i32
      %dma_wait3A_453 = arith.constant 0 : i32
      %dma_wait3A_454 = tpu.memref_slice %arg11[%dma_wait3A_452, %dma_wait3A_453] : memref<10240x128xf32, #tpu.memory_space<vmem_shared>> -> memref<10240x128xf32, #tpu.memory_space<vmem_shared>>
      tpu.wait_indirect_dma semaphore(%arg16 : memref<!tpu.dma_semaphore, #tpu.memory_space<semaphore_mem>>) src(%dma_wait3A_448 : memref<64x128xf32, #tpu.memory_space<vmem>>) dst(%dma_wait3A_454 : memref<10240x128xf32, #tpu.memory_space<vmem_shared>>)
      %add3A_455 = arith.constant 3 : i32
      %add3A_456 = arith.addi %mul3A_359, %add3A_455 : i32
      %dma_start3A_457 = arith.constant 1 : i32
      %dma_start3A_458 = arith.constant 0 : i32
      %dma_start3A_459 = arith.constant 0 : i32
      %dma_start3A_460 = tpu.memref_slice %arg9[%dma_start3A_457, %dma_start3A_458, %dma_start3A_459] : memref<2x64x128xf32, #tpu.memory_space<vmem>> -> memref<1x64x128xf32, #tpu.memory_space<vmem>>
      %dma_start3A_461 = tpu.memref_squeeze %dma_start3A_460 : memref<1x64x128xf32, #tpu.memory_space<vmem>> -> memref<64x128xf32, #tpu.memory_space<vmem>>
      %dma_start3A_462 = arith.constant 0 : i32
      %dma_start3A_463 = tpu.memref_slice %arg7[%add3A_456, %dma_start3A_462] : memref<80x64xi32, #tpu.memory_space<vmem>> -> memref<1x64xi32, #tpu.memory_space<vmem>>
      %dma_start3A_464 = tpu.memref_squeeze %dma_start3A_463 : memref<1x64xi32, #tpu.memory_space<vmem>> -> memref<64xi32, #tpu.memory_space<vmem>>
      %dma_start3A_465 = arith.constant 0 : i32
      %dma_start3A_466 = arith.constant 0 : i32
      %dma_start3A_467 = tpu.memref_slice %arg2[%dma_start3A_465, %dma_start3A_466] : memref<10000x128xf32, #tpu.memory_space<hbm>> -> memref<10000x128xf32, #tpu.memory_space<hbm>>
      tpu.enqueue_indirect_dma source(%dma_start3A_467 : memref<10000x128xf32, #tpu.memory_space<hbm>>) target(%dma_start3A_461 : memref<64x128xf32, #tpu.memory_space<vmem>>) offsets(%dma_start3A_464 : memref<64xi32, #tpu.memory_space<vmem>>) semaphore(%arg14 : memref<!tpu.dma_semaphore, #tpu.memory_space<semaphore_mem>>)
    }
    %scan3A_137 = arith.constant 39 : i32
    %dma_wait3A = arith.constant 0 : i32
    %dma_wait3A_138 = arith.constant 0 : i32
    %dma_wait3A_139 = arith.constant 0 : i32
    %dma_wait3A_140 = arith.constant 0 : i32
    %dma_wait3A_141 = tpu.memref_slice %arg9[%dma_wait3A_138, %dma_wait3A_139, %dma_wait3A_140] : memref<2x64x128xf32, #tpu.memory_space<vmem>> -> memref<1x64x128xf32, #tpu.memory_space<vmem>>
    %dma_wait3A_142 = tpu.memref_squeeze %dma_wait3A_141 : memref<1x64x128xf32, #tpu.memory_space<vmem>> -> memref<64x128xf32, #tpu.memory_space<vmem>>
    %dma_wait3A_143 = arith.constant 0 : i32
    %dma_wait3A_144 = tpu.memref_slice %arg7[%dma_wait3A, %dma_wait3A_143] : memref<80x64xi32, #tpu.memory_space<vmem>> -> memref<1x64xi32, #tpu.memory_space<vmem>>
    %dma_wait3A_145 = tpu.memref_squeeze %dma_wait3A_144 : memref<1x64xi32, #tpu.memory_space<vmem>> -> memref<64xi32, #tpu.memory_space<vmem>>
    %dma_wait3A_146 = arith.constant 0 : i32
    %dma_wait3A_147 = arith.constant 0 : i32
    %dma_wait3A_148 = tpu.memref_slice %arg2[%dma_wait3A_146, %dma_wait3A_147] : memref<10000x128xf32, #tpu.memory_space<hbm>> -> memref<10000x128xf32, #tpu.memory_space<hbm>>
    tpu.wait_indirect_dma semaphore(%arg13 : memref<!tpu.dma_semaphore, #tpu.memory_space<semaphore_mem>>) src(%dma_wait3A_148 : memref<10000x128xf32, #tpu.memory_space<hbm>>) dst(%dma_wait3A_142 : memref<64x128xf32, #tpu.memory_space<vmem>>)
    %dma_start3A_149 = arith.constant 0 : i32
    %dma_start3A_150 = arith.constant 78 : i32
    %dma_start3A_151 = arith.constant 0 : i32
    %dma_start3A_152 = arith.constant 0 : i32
    %dma_start3A_153 = tpu.memref_slice %arg9[%dma_start3A_149, %dma_start3A_151, %dma_start3A_152] : memref<2x64x128xf32, #tpu.memory_space<vmem>> -> memref<1x64x128xf32, #tpu.memory_space<vmem>>
    %dma_start3A_154 = tpu.memref_squeeze %dma_start3A_153 : memref<1x64x128xf32, #tpu.memory_space<vmem>> -> memref<64x128xf32, #tpu.memory_space<vmem>>
    %dma_start3A_155 = arith.constant 0 : i32
    %dma_start3A_156 = tpu.memref_slice %arg8[%dma_start3A_150, %dma_start3A_155] : memref<80x64xi32, #tpu.memory_space<vmem>> -> memref<1x64xi32, #tpu.memory_space<vmem>>
    %dma_start3A_157 = tpu.memref_squeeze %dma_start3A_156 : memref<1x64xi32, #tpu.memory_space<vmem>> -> memref<64xi32, #tpu.memory_space<vmem>>
    %dma_start3A_158 = arith.constant 0 : i32
    %dma_start3A_159 = arith.constant 0 : i32
    %dma_start3A_160 = tpu.memref_slice %arg11[%dma_start3A_158, %dma_start3A_159] : memref<10240x128xf32, #tpu.memory_space<vmem_shared>> -> memref<10240x128xf32, #tpu.memory_space<vmem_shared>>
    tpu.enqueue_indirect_dma source(%dma_start3A_154 : memref<64x128xf32, #tpu.memory_space<vmem>>) target(%dma_start3A_160 : memref<10240x128xf32, #tpu.memory_space<vmem_shared>>) offsets(%dma_start3A_157 : memref<64xi32, #tpu.memory_space<vmem>>) semaphore(%arg15 : memref<!tpu.dma_semaphore, #tpu.memory_space<semaphore_mem>>) {add = true}
    %dma_start3A_161 = arith.constant 78 : i32
    %dma_start3A_162 = arith.constant 0 : i32
    %dma_start3A_163 = tpu.memref_slice %arg8[%dma_start3A_161, %dma_start3A_162] : memref<80x64xi32, #tpu.memory_space<vmem>> -> memref<1x64xi32, #tpu.memory_space<vmem>>
    %dma_start3A_164 = tpu.memref_squeeze %dma_start3A_163 : memref<1x64xi32, #tpu.memory_space<vmem>> -> memref<64xi32, #tpu.memory_space<vmem>>
    %dma_start3A_165 = arith.constant 0 : i32
    %dma_start3A_166 = tpu.memref_slice %arg12[%dma_start3A_165] : memref<10240xf32, #tpu.memory_space<vmem_shared>> -> memref<10240xf32, #tpu.memory_space<vmem_shared>>
    tpu.enqueue_indirect_dma source(%arg10 : memref<64xf32, #tpu.memory_space<vmem>>) target(%dma_start3A_166 : memref<10240xf32, #tpu.memory_space<vmem_shared>>) offsets(%dma_start3A_164 : memref<64xi32, #tpu.memory_space<vmem>>) semaphore(%arg17 : memref<!tpu.dma_semaphore, #tpu.memory_space<semaphore_mem>>) {add = true}
    %dma_wait3A_167 = arith.constant 0 : i32
    %dma_wait3A_168 = arith.constant 1 : i32
    %dma_wait3A_169 = arith.constant 0 : i32
    %dma_wait3A_170 = arith.constant 0 : i32
    %dma_wait3A_171 = tpu.memref_slice %arg9[%dma_wait3A_168, %dma_wait3A_169, %dma_wait3A_170] : memref<2x64x128xf32, #tpu.memory_space<vmem>> -> memref<1x64x128xf32, #tpu.memory_space<vmem>>
    %dma_wait3A_172 = tpu.memref_squeeze %dma_wait3A_171 : memref<1x64x128xf32, #tpu.memory_space<vmem>> -> memref<64x128xf32, #tpu.memory_space<vmem>>
    %dma_wait3A_173 = arith.constant 0 : i32
    %dma_wait3A_174 = tpu.memref_slice %arg7[%dma_wait3A_167, %dma_wait3A_173] : memref<80x64xi32, #tpu.memory_space<vmem>> -> memref<1x64xi32, #tpu.memory_space<vmem>>
    %dma_wait3A_175 = tpu.memref_squeeze %dma_wait3A_174 : memref<1x64xi32, #tpu.memory_space<vmem>> -> memref<64xi32, #tpu.memory_space<vmem>>
    %dma_wait3A_176 = arith.constant 0 : i32
    %dma_wait3A_177 = arith.constant 0 : i32
    %dma_wait3A_178 = tpu.memref_slice %arg2[%dma_wait3A_176, %dma_wait3A_177] : memref<10000x128xf32, #tpu.memory_space<hbm>> -> memref<10000x128xf32, #tpu.memory_space<hbm>>
    tpu.wait_indirect_dma semaphore(%arg14 : memref<!tpu.dma_semaphore, #tpu.memory_space<semaphore_mem>>) src(%dma_wait3A_178 : memref<10000x128xf32, #tpu.memory_space<hbm>>) dst(%dma_wait3A_172 : memref<64x128xf32, #tpu.memory_space<vmem>>)
    %dma_start3A_179 = arith.constant 1 : i32
    %dma_start3A_180 = arith.constant 79 : i32
    %dma_start3A_181 = arith.constant 0 : i32
    %dma_start3A_182 = arith.constant 0 : i32
    %dma_start3A_183 = tpu.memref_slice %arg9[%dma_start3A_179, %dma_start3A_181, %dma_start3A_182] : memref<2x64x128xf32, #tpu.memory_space<vmem>> -> memref<1x64x128xf32, #tpu.memory_space<vmem>>
    %dma_start3A_184 = tpu.memref_squeeze %dma_start3A_183 : memref<1x64x128xf32, #tpu.memory_space<vmem>> -> memref<64x128xf32, #tpu.memory_space<vmem>>
    %dma_start3A_185 = arith.constant 0 : i32
    %dma_start3A_186 = tpu.memref_slice %arg8[%dma_start3A_180, %dma_start3A_185] : memref<80x64xi32, #tpu.memory_space<vmem>> -> memref<1x64xi32, #tpu.memory_space<vmem>>
    %dma_start3A_187 = tpu.memref_squeeze %dma_start3A_186 : memref<1x64xi32, #tpu.memory_space<vmem>> -> memref<64xi32, #tpu.memory_space<vmem>>
    %dma_start3A_188 = arith.constant 0 : i32
    %dma_start3A_189 = arith.constant 0 : i32
    %dma_start3A_190 = tpu.memref_slice %arg11[%dma_start3A_188, %dma_start3A_189] : memref<10240x128xf32, #tpu.memory_space<vmem_shared>> -> memref<10240x128xf32, #tpu.memory_space<vmem_shared>>
    tpu.enqueue_indirect_dma source(%dma_start3A_184 : memref<64x128xf32, #tpu.memory_space<vmem>>) target(%dma_start3A_190 : memref<10240x128xf32, #tpu.memory_space<vmem_shared>>) offsets(%dma_start3A_187 : memref<64xi32, #tpu.memory_space<vmem>>) semaphore(%arg16 : memref<!tpu.dma_semaphore, #tpu.memory_space<semaphore_mem>>) {add = true}
    %dma_start3A_191 = arith.constant 79 : i32
    %dma_start3A_192 = arith.constant 0 : i32
    %dma_start3A_193 = tpu.memref_slice %arg8[%dma_start3A_191, %dma_start3A_192] : memref<80x64xi32, #tpu.memory_space<vmem>> -> memref<1x64xi32, #tpu.memory_space<vmem>>
    %dma_start3A_194 = tpu.memref_squeeze %dma_start3A_193 : memref<1x64xi32, #tpu.memory_space<vmem>> -> memref<64xi32, #tpu.memory_space<vmem>>
    %dma_start3A_195 = arith.constant 0 : i32
    %dma_start3A_196 = tpu.memref_slice %arg12[%dma_start3A_195] : memref<10240xf32, #tpu.memory_space<vmem_shared>> -> memref<10240xf32, #tpu.memory_space<vmem_shared>>
    tpu.enqueue_indirect_dma source(%arg10 : memref<64xf32, #tpu.memory_space<vmem>>) target(%dma_start3A_196 : memref<10240xf32, #tpu.memory_space<vmem_shared>>) offsets(%dma_start3A_194 : memref<64xi32, #tpu.memory_space<vmem>>) semaphore(%arg17 : memref<!tpu.dma_semaphore, #tpu.memory_space<semaphore_mem>>) {add = true}
    %dma_wait3A_197 = arith.constant 0 : i32
    %dma_wait3A_198 = arith.constant 0 : i32
    %dma_wait3A_199 = arith.constant 0 : i32
    %dma_wait3A_200 = arith.constant 0 : i32
    %dma_wait3A_201 = tpu.memref_slice %arg9[%dma_wait3A_197, %dma_wait3A_199, %dma_wait3A_200] : memref<2x64x128xf32, #tpu.memory_space<vmem>> -> memref<1x64x128xf32, #tpu.memory_space<vmem>>
    %dma_wait3A_202 = tpu.memref_squeeze %dma_wait3A_201 : memref<1x64x128xf32, #tpu.memory_space<vmem>> -> memref<64x128xf32, #tpu.memory_space<vmem>>
    %dma_wait3A_203 = arith.constant 0 : i32
    %dma_wait3A_204 = tpu.memref_slice %arg8[%dma_wait3A_198, %dma_wait3A_203] : memref<80x64xi32, #tpu.memory_space<vmem>> -> memref<1x64xi32, #tpu.memory_space<vmem>>
    %dma_wait3A_205 = tpu.memref_squeeze %dma_wait3A_204 : memref<1x64xi32, #tpu.memory_space<vmem>> -> memref<64xi32, #tpu.memory_space<vmem>>
    %dma_wait3A_206 = arith.constant 0 : i32
    %dma_wait3A_207 = arith.constant 0 : i32
    %dma_wait3A_208 = tpu.memref_slice %arg11[%dma_wait3A_206, %dma_wait3A_207] : memref<10240x128xf32, #tpu.memory_space<vmem_shared>> -> memref<10240x128xf32, #tpu.memory_space<vmem_shared>>
    tpu.wait_indirect_dma semaphore(%arg15 : memref<!tpu.dma_semaphore, #tpu.memory_space<semaphore_mem>>) src(%dma_wait3A_202 : memref<64x128xf32, #tpu.memory_space<vmem>>) dst(%dma_wait3A_208 : memref<10240x128xf32, #tpu.memory_space<vmem_shared>>)
    %dma_wait3A_209 = arith.constant 1 : i32
    %dma_wait3A_210 = arith.constant 0 : i32
    %dma_wait3A_211 = arith.constant 0 : i32
    %dma_wait3A_212 = arith.constant 0 : i32
    %dma_wait3A_213 = tpu.memref_slice %arg9[%dma_wait3A_209, %dma_wait3A_211, %dma_wait3A_212] : memref<2x64x128xf32, #tpu.memory_space<vmem>> -> memref<1x64x128xf32, #tpu.memory_space<vmem>>
    %dma_wait3A_214 = tpu.memref_squeeze %dma_wait3A_213 : memref<1x64x128xf32, #tpu.memory_space<vmem>> -> memref<64x128xf32, #tpu.memory_space<vmem>>
    %dma_wait3A_215 = arith.constant 0 : i32
    %dma_wait3A_216 = tpu.memref_slice %arg8[%dma_wait3A_210, %dma_wait3A_215] : memref<80x64xi32, #tpu.memory_space<vmem>> -> memref<1x64xi32, #tpu.memory_space<vmem>>
    %dma_wait3A_217 = tpu.memref_squeeze %dma_wait3A_216 : memref<1x64xi32, #tpu.memory_space<vmem>> -> memref<64xi32, #tpu.memory_space<vmem>>
    %dma_wait3A_218 = arith.constant 0 : i32
    %dma_wait3A_219 = arith.constant 0 : i32
    %dma_wait3A_220 = tpu.memref_slice %arg11[%dma_wait3A_218, %dma_wait3A_219] : memref<10240x128xf32, #tpu.memory_space<vmem_shared>> -> memref<10240x128xf32, #tpu.memory_space<vmem_shared>>
    tpu.wait_indirect_dma semaphore(%arg16 : memref<!tpu.dma_semaphore, #tpu.memory_space<semaphore_mem>>) src(%dma_wait3A_214 : memref<64x128xf32, #tpu.memory_space<vmem>>) dst(%dma_wait3A_220 : memref<10240x128xf32, #tpu.memory_space<vmem_shared>>)
    %scan3A_221 = arith.constant 0 : i32
    %scan3A_222 = arith.constant 80 : i32
    %scan3A_223 = arith.addi %scan3A_221, %scan3A_222 : i32
    %scan3A_224 = arith.constant 1 : i32
    scf.for %scan3A_357 = %scan3A_221 to %scan3A_223 step %scan3A_224  : i32 {
      %dma_wait3A_358 = arith.constant 0 : i32
      %dma_wait3A_359 = arith.constant 0 : i32
      %dma_wait3A_360 = tpu.memref_slice %arg8[%dma_wait3A_358, %dma_wait3A_359] : memref<80x64xi32, #tpu.memory_space<vmem>> -> memref<1x64xi32, #tpu.memory_space<vmem>>
      %dma_wait3A_361 = tpu.memref_squeeze %dma_wait3A_360 : memref<1x64xi32, #tpu.memory_space<vmem>> -> memref<64xi32, #tpu.memory_space<vmem>>
      %dma_wait3A_362 = arith.constant 0 : i32
      %dma_wait3A_363 = tpu.memref_slice %arg12[%dma_wait3A_362] : memref<10240xf32, #tpu.memory_space<vmem_shared>> -> memref<10240xf32, #tpu.memory_space<vmem_shared>>
      tpu.wait_indirect_dma semaphore(%arg17 : memref<!tpu.dma_semaphore, #tpu.memory_space<semaphore_mem>>) src(%arg10 : memref<64xf32, #tpu.memory_space<vmem>>) dst(%dma_wait3A_363 : memref<10240xf32, #tpu.memory_space<vmem_shared>>)
    }
    %scan3A_225 = arith.constant 80 : i32
    %mul3A_226 = arith.constant 160 : i32
    %mul3A_227 = arith.muli %add3A, %mul3A_226 : i32
    %add3A_228 = arith.constant 80 : i32
    %add3A_229 = arith.addi %mul3A_227, %add3A_228 : i32
    "tpu.region"() ({
      %run_scoped3A_357 = tpu.sem_alloc : memref<!tpu.dma_semaphore, #tpu.memory_space<semaphore_mem>>
      %dma_start3A_358 = arith.constant 0 : i32
      %dma_start3A_359 = tpu.memref_slice %arg3[%add3A_229, %dma_start3A_358] : memref<5120x64xi32, #tpu.memory_space<hbm>> -> memref<80x64xi32, #tpu.memory_space<hbm>>
      %dma_start3A_360 = arith.constant 0 : i32
      %dma_start3A_361 = tpu.memref_slice %arg3[%add3A_229, %dma_start3A_360] : memref<5120x64xi32, #tpu.memory_space<hbm>> -> memref<80x64xi32, #tpu.memory_space<hbm>>
      tpu.enqueue_dma source(%dma_start3A_361 : memref<80x64xi32, #tpu.memory_space<hbm>>) target(%arg7 : memref<80x64xi32, #tpu.memory_space<vmem>>) target_semaphore(%run_scoped3A_357 : memref<!tpu.dma_semaphore, #tpu.memory_space<semaphore_mem>>)
      %dma_wait3A_362 = arith.constant 0 : i32
      %dma_wait3A_363 = tpu.memref_slice %arg3[%add3A_229, %dma_wait3A_362] : memref<5120x64xi32, #tpu.memory_space<hbm>> -> memref<80x64xi32, #tpu.memory_space<hbm>>
      %dma_wait3A_364 = arith.constant 0 : i32
      %dma_wait3A_365 = tpu.memref_slice %arg3[%add3A_229, %dma_wait3A_364] : memref<5120x64xi32, #tpu.memory_space<hbm>> -> memref<80x64xi32, #tpu.memory_space<hbm>>
      tpu.wait_dma2 semaphore(%run_scoped3A_357 : memref<!tpu.dma_semaphore, #tpu.memory_space<semaphore_mem>>) src(%dma_wait3A_365 : memref<80x64xi32, #tpu.memory_space<hbm>>) dst(%arg7 : memref<80x64xi32, #tpu.memory_space<vmem>>)
      tpu.yield
    }) : () -> ()
    "tpu.region"() ({
      %run_scoped3A_357 = tpu.sem_alloc : memref<!tpu.dma_semaphore, #tpu.memory_space<semaphore_mem>>
      %dma_start3A_358 = arith.constant 0 : i32
      %dma_start3A_359 = tpu.memref_slice %arg4[%add3A_229, %dma_start3A_358] : memref<5120x64xi32, #tpu.memory_space<hbm>> -> memref<80x64xi32, #tpu.memory_space<hbm>>
      %dma_start3A_360 = arith.constant 0 : i32
      %dma_start3A_361 = tpu.memref_slice %arg4[%add3A_229, %dma_start3A_360] : memref<5120x64xi32, #tpu.memory_space<hbm>> -> memref<80x64xi32, #tpu.memory_space<hbm>>
      tpu.enqueue_dma source(%dma_start3A_361 : memref<80x64xi32, #tpu.memory_space<hbm>>) target(%arg8 : memref<80x64xi32, #tpu.memory_space<vmem>>) target_semaphore(%run_scoped3A_357 : memref<!tpu.dma_semaphore, #tpu.memory_space<semaphore_mem>>)
      %dma_wait3A_362 = arith.constant 0 : i32
      %dma_wait3A_363 = tpu.memref_slice %arg4[%add3A_229, %dma_wait3A_362] : memref<5120x64xi32, #tpu.memory_space<hbm>> -> memref<80x64xi32, #tpu.memory_space<hbm>>
      %dma_wait3A_364 = arith.constant 0 : i32
      %dma_wait3A_365 = tpu.memref_slice %arg4[%add3A_229, %dma_wait3A_364] : memref<5120x64xi32, #tpu.memory_space<hbm>> -> memref<80x64xi32, #tpu.memory_space<hbm>>
      tpu.wait_dma2 semaphore(%run_scoped3A_357 : memref<!tpu.dma_semaphore, #tpu.memory_space<semaphore_mem>>) src(%dma_wait3A_365 : memref<80x64xi32, #tpu.memory_space<hbm>>) dst(%arg8 : memref<80x64xi32, #tpu.memory_space<vmem>>)
      tpu.yield
    }) : () -> ()
    %dma_start3A_230 = arith.constant 0 : i32
    %dma_start3A_231 = arith.constant 0 : i32
    %dma_start3A_232 = arith.constant 0 : i32
    %dma_start3A_233 = arith.constant 0 : i32
    %dma_start3A_234 = tpu.memref_slice %arg9[%dma_start3A_231, %dma_start3A_232, %dma_start3A_233] : memref<2x64x128xf32, #tpu.memory_space<vmem>> -> memref<1x64x128xf32, #tpu.memory_space<vmem>>
    %dma_start3A_235 = tpu.memref_squeeze %dma_start3A_234 : memref<1x64x128xf32, #tpu.memory_space<vmem>> -> memref<64x128xf32, #tpu.memory_space<vmem>>
    %dma_start3A_236 = arith.constant 0 : i32
    %dma_start3A_237 = tpu.memref_slice %arg7[%dma_start3A_230, %dma_start3A_236] : memref<80x64xi32, #tpu.memory_space<vmem>> -> memref<1x64xi32, #tpu.memory_space<vmem>>
    %dma_start3A_238 = tpu.memref_squeeze %dma_start3A_237 : memref<1x64xi32, #tpu.memory_space<vmem>> -> memref<64xi32, #tpu.memory_space<vmem>>
    %dma_start3A_239 = arith.constant 0 : i32
    %dma_start3A_240 = arith.constant 0 : i32
    %dma_start3A_241 = tpu.memref_slice %arg2[%dma_start3A_239, %dma_start3A_240] : memref<10000x128xf32, #tpu.memory_space<hbm>> -> memref<10000x128xf32, #tpu.memory_space<hbm>>
    tpu.enqueue_indirect_dma source(%dma_start3A_241 : memref<10000x128xf32, #tpu.memory_space<hbm>>) target(%dma_start3A_235 : memref<64x128xf32, #tpu.memory_space<vmem>>) offsets(%dma_start3A_238 : memref<64xi32, #tpu.memory_space<vmem>>) semaphore(%arg13 : memref<!tpu.dma_semaphore, #tpu.memory_space<semaphore_mem>>)
    %dma_start3A_242 = arith.constant 1 : i32
    %dma_start3A_243 = arith.constant 1 : i32
    %dma_start3A_244 = arith.constant 0 : i32
    %dma_start3A_245 = arith.constant 0 : i32
    %dma_start3A_246 = tpu.memref_slice %arg9[%dma_start3A_243, %dma_start3A_244, %dma_start3A_245] : memref<2x64x128xf32, #tpu.memory_space<vmem>> -> memref<1x64x128xf32, #tpu.memory_space<vmem>>
    %dma_start3A_247 = tpu.memref_squeeze %dma_start3A_246 : memref<1x64x128xf32, #tpu.memory_space<vmem>> -> memref<64x128xf32, #tpu.memory_space<vmem>>
    %dma_start3A_248 = arith.constant 0 : i32
    %dma_start3A_249 = tpu.memref_slice %arg7[%dma_start3A_242, %dma_start3A_248] : memref<80x64xi32, #tpu.memory_space<vmem>> -> memref<1x64xi32, #tpu.memory_space<vmem>>
    %dma_start3A_250 = tpu.memref_squeeze %dma_start3A_249 : memref<1x64xi32, #tpu.memory_space<vmem>> -> memref<64xi32, #tpu.memory_space<vmem>>
    %dma_start3A_251 = arith.constant 0 : i32
    %dma_start3A_252 = arith.constant 0 : i32
    %dma_start3A_253 = tpu.memref_slice %arg2[%dma_start3A_251, %dma_start3A_252] : memref<10000x128xf32, #tpu.memory_space<hbm>> -> memref<10000x128xf32, #tpu.memory_space<hbm>>
    tpu.enqueue_indirect_dma source(%dma_start3A_253 : memref<10000x128xf32, #tpu.memory_space<hbm>>) target(%dma_start3A_247 : memref<64x128xf32, #tpu.memory_space<vmem>>) offsets(%dma_start3A_250 : memref<64xi32, #tpu.memory_space<vmem>>) semaphore(%arg14 : memref<!tpu.dma_semaphore, #tpu.memory_space<semaphore_mem>>)
    %scan3A_254 = arith.constant 0 : i32
    %scan3A_255 = arith.constant 39 : i32
    %scan3A_256 = arith.addi %scan3A_254, %scan3A_255 : i32
    %scan3A_257 = arith.constant 1 : i32
    scf.for %scan3A_357 = %scan3A_254 to %scan3A_256 step %scan3A_257  : i32 {
      %mul3A_358 = arith.constant 2 : i32
      %mul3A_359 = arith.muli %mul3A_358, %scan3A_357 : i32
      %dma_wait3A_360 = arith.constant 0 : i32
      %dma_wait3A_361 = arith.constant 0 : i32
      %dma_wait3A_362 = arith.constant 0 : i32
      %dma_wait3A_363 = arith.constant 0 : i32
      %dma_wait3A_364 = tpu.memref_slice %arg9[%dma_wait3A_361, %dma_wait3A_362, %dma_wait3A_363] : memref<2x64x128xf32, #tpu.memory_space<vmem>> -> memref<1x64x128xf32, #tpu.memory_space<vmem>>
      %dma_wait3A_365 = tpu.memref_squeeze %dma_wait3A_364 : memref<1x64x128xf32, #tpu.memory_space<vmem>> -> memref<64x128xf32, #tpu.memory_space<vmem>>
      %dma_wait3A_366 = arith.constant 0 : i32
      %dma_wait3A_367 = tpu.memref_slice %arg7[%dma_wait3A_360, %dma_wait3A_366] : memref<80x64xi32, #tpu.memory_space<vmem>> -> memref<1x64xi32, #tpu.memory_space<vmem>>
      %dma_wait3A_368 = tpu.memref_squeeze %dma_wait3A_367 : memref<1x64xi32, #tpu.memory_space<vmem>> -> memref<64xi32, #tpu.memory_space<vmem>>
      %dma_wait3A_369 = arith.constant 0 : i32
      %dma_wait3A_370 = arith.constant 0 : i32
      %dma_wait3A_371 = tpu.memref_slice %arg2[%dma_wait3A_369, %dma_wait3A_370] : memref<10000x128xf32, #tpu.memory_space<hbm>> -> memref<10000x128xf32, #tpu.memory_space<hbm>>
      tpu.wait_indirect_dma semaphore(%arg13 : memref<!tpu.dma_semaphore, #tpu.memory_space<semaphore_mem>>) src(%dma_wait3A_371 : memref<10000x128xf32, #tpu.memory_space<hbm>>) dst(%dma_wait3A_365 : memref<64x128xf32, #tpu.memory_space<vmem>>)
      %dma_start3A_372 = arith.constant 0 : i32
      %dma_start3A_373 = arith.constant 0 : i32
      %dma_start3A_374 = arith.constant 0 : i32
      %dma_start3A_375 = tpu.memref_slice %arg9[%dma_start3A_372, %dma_start3A_373, %dma_start3A_374] : memref<2x64x128xf32, #tpu.memory_space<vmem>> -> memref<1x64x128xf32, #tpu.memory_space<vmem>>
      %dma_start3A_376 = tpu.memref_squeeze %dma_start3A_375 : memref<1x64x128xf32, #tpu.memory_space<vmem>> -> memref<64x128xf32, #tpu.memory_space<vmem>>
      %dma_start3A_377 = arith.constant 0 : i32
      %dma_start3A_378 = tpu.memref_slice %arg8[%mul3A_359, %dma_start3A_377] : memref<80x64xi32, #tpu.memory_space<vmem>> -> memref<1x64xi32, #tpu.memory_space<vmem>>
      %dma_start3A_379 = tpu.memref_squeeze %dma_start3A_378 : memref<1x64xi32, #tpu.memory_space<vmem>> -> memref<64xi32, #tpu.memory_space<vmem>>
      %dma_start3A_380 = arith.constant 0 : i32
      %dma_start3A_381 = arith.constant 0 : i32
      %dma_start3A_382 = tpu.memref_slice %arg11[%dma_start3A_380, %dma_start3A_381] : memref<10240x128xf32, #tpu.memory_space<vmem_shared>> -> memref<10240x128xf32, #tpu.memory_space<vmem_shared>>
      tpu.enqueue_indirect_dma source(%dma_start3A_376 : memref<64x128xf32, #tpu.memory_space<vmem>>) target(%dma_start3A_382 : memref<10240x128xf32, #tpu.memory_space<vmem_shared>>) offsets(%dma_start3A_379 : memref<64xi32, #tpu.memory_space<vmem>>) semaphore(%arg15 : memref<!tpu.dma_semaphore, #tpu.memory_space<semaphore_mem>>) {add = true}
      %dma_start3A_383 = arith.constant 0 : i32
      %dma_start3A_384 = tpu.memref_slice %arg8[%mul3A_359, %dma_start3A_383] : memref<80x64xi32, #tpu.memory_space<vmem>> -> memref<1x64xi32, #tpu.memory_space<vmem>>
      %dma_start3A_385 = tpu.memref_squeeze %dma_start3A_384 : memref<1x64xi32, #tpu.memory_space<vmem>> -> memref<64xi32, #tpu.memory_space<vmem>>
      %dma_start3A_386 = arith.constant 0 : i32
      %dma_start3A_387 = tpu.memref_slice %arg12[%dma_start3A_386] : memref<10240xf32, #tpu.memory_space<vmem_shared>> -> memref<10240xf32, #tpu.memory_space<vmem_shared>>
      tpu.enqueue_indirect_dma source(%arg10 : memref<64xf32, #tpu.memory_space<vmem>>) target(%dma_start3A_387 : memref<10240xf32, #tpu.memory_space<vmem_shared>>) offsets(%dma_start3A_385 : memref<64xi32, #tpu.memory_space<vmem>>) semaphore(%arg17 : memref<!tpu.dma_semaphore, #tpu.memory_space<semaphore_mem>>) {add = true}
      %dma_wait3A_388 = arith.constant 0 : i32
      %dma_wait3A_389 = arith.constant 1 : i32
      %dma_wait3A_390 = arith.constant 0 : i32
      %dma_wait3A_391 = arith.constant 0 : i32
      %dma_wait3A_392 = tpu.memref_slice %arg9[%dma_wait3A_389, %dma_wait3A_390, %dma_wait3A_391] : memref<2x64x128xf32, #tpu.memory_space<vmem>> -> memref<1x64x128xf32, #tpu.memory_space<vmem>>
      %dma_wait3A_393 = tpu.memref_squeeze %dma_wait3A_392 : memref<1x64x128xf32, #tpu.memory_space<vmem>> -> memref<64x128xf32, #tpu.memory_space<vmem>>
      %dma_wait3A_394 = arith.constant 0 : i32
      %dma_wait3A_395 = tpu.memref_slice %arg7[%dma_wait3A_388, %dma_wait3A_394] : memref<80x64xi32, #tpu.memory_space<vmem>> -> memref<1x64xi32, #tpu.memory_space<vmem>>
      %dma_wait3A_396 = tpu.memref_squeeze %dma_wait3A_395 : memref<1x64xi32, #tpu.memory_space<vmem>> -> memref<64xi32, #tpu.memory_space<vmem>>
      %dma_wait3A_397 = arith.constant 0 : i32
      %dma_wait3A_398 = arith.constant 0 : i32
      %dma_wait3A_399 = tpu.memref_slice %arg2[%dma_wait3A_397, %dma_wait3A_398] : memref<10000x128xf32, #tpu.memory_space<hbm>> -> memref<10000x128xf32, #tpu.memory_space<hbm>>
      tpu.wait_indirect_dma semaphore(%arg14 : memref<!tpu.dma_semaphore, #tpu.memory_space<semaphore_mem>>) src(%dma_wait3A_399 : memref<10000x128xf32, #tpu.memory_space<hbm>>) dst(%dma_wait3A_393 : memref<64x128xf32, #tpu.memory_space<vmem>>)
      %add3A_400 = arith.constant 1 : i32
      %add3A_401 = arith.addi %mul3A_359, %add3A_400 : i32
      %dma_start3A_402 = arith.constant 1 : i32
      %dma_start3A_403 = arith.constant 0 : i32
      %dma_start3A_404 = arith.constant 0 : i32
      %dma_start3A_405 = tpu.memref_slice %arg9[%dma_start3A_402, %dma_start3A_403, %dma_start3A_404] : memref<2x64x128xf32, #tpu.memory_space<vmem>> -> memref<1x64x128xf32, #tpu.memory_space<vmem>>
      %dma_start3A_406 = tpu.memref_squeeze %dma_start3A_405 : memref<1x64x128xf32, #tpu.memory_space<vmem>> -> memref<64x128xf32, #tpu.memory_space<vmem>>
      %dma_start3A_407 = arith.constant 0 : i32
      %dma_start3A_408 = tpu.memref_slice %arg8[%add3A_401, %dma_start3A_407] : memref<80x64xi32, #tpu.memory_space<vmem>> -> memref<1x64xi32, #tpu.memory_space<vmem>>
      %dma_start3A_409 = tpu.memref_squeeze %dma_start3A_408 : memref<1x64xi32, #tpu.memory_space<vmem>> -> memref<64xi32, #tpu.memory_space<vmem>>
      %dma_start3A_410 = arith.constant 0 : i32
      %dma_start3A_411 = arith.constant 0 : i32
      %dma_start3A_412 = tpu.memref_slice %arg11[%dma_start3A_410, %dma_start3A_411] : memref<10240x128xf32, #tpu.memory_space<vmem_shared>> -> memref<10240x128xf32, #tpu.memory_space<vmem_shared>>
      tpu.enqueue_indirect_dma source(%dma_start3A_406 : memref<64x128xf32, #tpu.memory_space<vmem>>) target(%dma_start3A_412 : memref<10240x128xf32, #tpu.memory_space<vmem_shared>>) offsets(%dma_start3A_409 : memref<64xi32, #tpu.memory_space<vmem>>) semaphore(%arg16 : memref<!tpu.dma_semaphore, #tpu.memory_space<semaphore_mem>>) {add = true}
      %dma_start3A_413 = arith.constant 0 : i32
      %dma_start3A_414 = tpu.memref_slice %arg8[%add3A_401, %dma_start3A_413] : memref<80x64xi32, #tpu.memory_space<vmem>> -> memref<1x64xi32, #tpu.memory_space<vmem>>
      %dma_start3A_415 = tpu.memref_squeeze %dma_start3A_414 : memref<1x64xi32, #tpu.memory_space<vmem>> -> memref<64xi32, #tpu.memory_space<vmem>>
      %dma_start3A_416 = arith.constant 0 : i32
      %dma_start3A_417 = tpu.memref_slice %arg12[%dma_start3A_416] : memref<10240xf32, #tpu.memory_space<vmem_shared>> -> memref<10240xf32, #tpu.memory_space<vmem_shared>>
      tpu.enqueue_indirect_dma source(%arg10 : memref<64xf32, #tpu.memory_space<vmem>>) target(%dma_start3A_417 : memref<10240xf32, #tpu.memory_space<vmem_shared>>) offsets(%dma_start3A_415 : memref<64xi32, #tpu.memory_space<vmem>>) semaphore(%arg17 : memref<!tpu.dma_semaphore, #tpu.memory_space<semaphore_mem>>) {add = true}
      %dma_wait3A_418 = arith.constant 0 : i32
      %dma_wait3A_419 = arith.constant 0 : i32
      %dma_wait3A_420 = arith.constant 0 : i32
      %dma_wait3A_421 = arith.constant 0 : i32
      %dma_wait3A_422 = tpu.memref_slice %arg9[%dma_wait3A_418, %dma_wait3A_420, %dma_wait3A_421] : memref<2x64x128xf32, #tpu.memory_space<vmem>> -> memref<1x64x128xf32, #tpu.memory_space<vmem>>
      %dma_wait3A_423 = tpu.memref_squeeze %dma_wait3A_422 : memref<1x64x128xf32, #tpu.memory_space<vmem>> -> memref<64x128xf32, #tpu.memory_space<vmem>>
      %dma_wait3A_424 = arith.constant 0 : i32
      %dma_wait3A_425 = tpu.memref_slice %arg8[%dma_wait3A_419, %dma_wait3A_424] : memref<80x64xi32, #tpu.memory_space<vmem>> -> memref<1x64xi32, #tpu.memory_space<vmem>>
      %dma_wait3A_426 = tpu.memref_squeeze %dma_wait3A_425 : memref<1x64xi32, #tpu.memory_space<vmem>> -> memref<64xi32, #tpu.memory_space<vmem>>
      %dma_wait3A_427 = arith.constant 0 : i32
      %dma_wait3A_428 = arith.constant 0 : i32
      %dma_wait3A_429 = tpu.memref_slice %arg11[%dma_wait3A_427, %dma_wait3A_428] : memref<10240x128xf32, #tpu.memory_space<vmem_shared>> -> memref<10240x128xf32, #tpu.memory_space<vmem_shared>>
      tpu.wait_indirect_dma semaphore(%arg15 : memref<!tpu.dma_semaphore, #tpu.memory_space<semaphore_mem>>) src(%dma_wait3A_423 : memref<64x128xf32, #tpu.memory_space<vmem>>) dst(%dma_wait3A_429 : memref<10240x128xf32, #tpu.memory_space<vmem_shared>>)
      %add3A_430 = arith.constant 2 : i32
      %add3A_431 = arith.addi %mul3A_359, %add3A_430 : i32
      %dma_start3A_432 = arith.constant 0 : i32
      %dma_start3A_433 = arith.constant 0 : i32
      %dma_start3A_434 = arith.constant 0 : i32
      %dma_start3A_435 = tpu.memref_slice %arg9[%dma_start3A_432, %dma_start3A_433, %dma_start3A_434] : memref<2x64x128xf32, #tpu.memory_space<vmem>> -> memref<1x64x128xf32, #tpu.memory_space<vmem>>
      %dma_start3A_436 = tpu.memref_squeeze %dma_start3A_435 : memref<1x64x128xf32, #tpu.memory_space<vmem>> -> memref<64x128xf32, #tpu.memory_space<vmem>>
      %dma_start3A_437 = arith.constant 0 : i32
      %dma_start3A_438 = tpu.memref_slice %arg7[%add3A_431, %dma_start3A_437] : memref<80x64xi32, #tpu.memory_space<vmem>> -> memref<1x64xi32, #tpu.memory_space<vmem>>
      %dma_start3A_439 = tpu.memref_squeeze %dma_start3A_438 : memref<1x64xi32, #tpu.memory_space<vmem>> -> memref<64xi32, #tpu.memory_space<vmem>>
      %dma_start3A_440 = arith.constant 0 : i32
      %dma_start3A_441 = arith.constant 0 : i32
      %dma_start3A_442 = tpu.memref_slice %arg2[%dma_start3A_440, %dma_start3A_441] : memref<10000x128xf32, #tpu.memory_space<hbm>> -> memref<10000x128xf32, #tpu.memory_space<hbm>>
      tpu.enqueue_indirect_dma source(%dma_start3A_442 : memref<10000x128xf32, #tpu.memory_space<hbm>>) target(%dma_start3A_436 : memref<64x128xf32, #tpu.memory_space<vmem>>) offsets(%dma_start3A_439 : memref<64xi32, #tpu.memory_space<vmem>>) semaphore(%arg13 : memref<!tpu.dma_semaphore, #tpu.memory_space<semaphore_mem>>)
      %dma_wait3A_443 = arith.constant 1 : i32
      %dma_wait3A_444 = arith.constant 0 : i32
      %dma_wait3A_445 = arith.constant 0 : i32
      %dma_wait3A_446 = arith.constant 0 : i32
      %dma_wait3A_447 = tpu.memref_slice %arg9[%dma_wait3A_443, %dma_wait3A_445, %dma_wait3A_446] : memref<2x64x128xf32, #tpu.memory_space<vmem>> -> memref<1x64x128xf32, #tpu.memory_space<vmem>>
      %dma_wait3A_448 = tpu.memref_squeeze %dma_wait3A_447 : memref<1x64x128xf32, #tpu.memory_space<vmem>> -> memref<64x128xf32, #tpu.memory_space<vmem>>
      %dma_wait3A_449 = arith.constant 0 : i32
      %dma_wait3A_450 = tpu.memref_slice %arg8[%dma_wait3A_444, %dma_wait3A_449] : memref<80x64xi32, #tpu.memory_space<vmem>> -> memref<1x64xi32, #tpu.memory_space<vmem>>
      %dma_wait3A_451 = tpu.memref_squeeze %dma_wait3A_450 : memref<1x64xi32, #tpu.memory_space<vmem>> -> memref<64xi32, #tpu.memory_space<vmem>>
      %dma_wait3A_452 = arith.constant 0 : i32
      %dma_wait3A_453 = arith.constant 0 : i32
      %dma_wait3A_454 = tpu.memref_slice %arg11[%dma_wait3A_452, %dma_wait3A_453] : memref<10240x128xf32, #tpu.memory_space<vmem_shared>> -> memref<10240x128xf32, #tpu.memory_space<vmem_shared>>
      tpu.wait_indirect_dma semaphore(%arg16 : memref<!tpu.dma_semaphore, #tpu.memory_space<semaphore_mem>>) src(%dma_wait3A_448 : memref<64x128xf32, #tpu.memory_space<vmem>>) dst(%dma_wait3A_454 : memref<10240x128xf32, #tpu.memory_space<vmem_shared>>)
      %add3A_455 = arith.constant 3 : i32
      %add3A_456 = arith.addi %mul3A_359, %add3A_455 : i32
      %dma_start3A_457 = arith.constant 1 : i32
      %dma_start3A_458 = arith.constant 0 : i32
      %dma_start3A_459 = arith.constant 0 : i32
      %dma_start3A_460 = tpu.memref_slice %arg9[%dma_start3A_457, %dma_start3A_458, %dma_start3A_459] : memref<2x64x128xf32, #tpu.memory_space<vmem>> -> memref<1x64x128xf32, #tpu.memory_space<vmem>>
      %dma_start3A_461 = tpu.memref_squeeze %dma_start3A_460 : memref<1x64x128xf32, #tpu.memory_space<vmem>> -> memref<64x128xf32, #tpu.memory_space<vmem>>
      %dma_start3A_462 = arith.constant 0 : i32
      %dma_start3A_463 = tpu.memref_slice %arg7[%add3A_456, %dma_start3A_462] : memref<80x64xi32, #tpu.memory_space<vmem>> -> memref<1x64xi32, #tpu.memory_space<vmem>>
      %dma_start3A_464 = tpu.memref_squeeze %dma_start3A_463 : memref<1x64xi32, #tpu.memory_space<vmem>> -> memref<64xi32, #tpu.memory_space<vmem>>
      %dma_start3A_465 = arith.constant 0 : i32
      %dma_start3A_466 = arith.constant 0 : i32
      %dma_start3A_467 = tpu.memref_slice %arg2[%dma_start3A_465, %dma_start3A_466] : memref<10000x128xf32, #tpu.memory_space<hbm>> -> memref<10000x128xf32, #tpu.memory_space<hbm>>
      tpu.enqueue_indirect_dma source(%dma_start3A_467 : memref<10000x128xf32, #tpu.memory_space<hbm>>) target(%dma_start3A_461 : memref<64x128xf32, #tpu.memory_space<vmem>>) offsets(%dma_start3A_464 : memref<64xi32, #tpu.memory_space<vmem>>) semaphore(%arg14 : memref<!tpu.dma_semaphore, #tpu.memory_space<semaphore_mem>>)
    }
    %scan3A_258 = arith.constant 39 : i32
    %dma_wait3A_259 = arith.constant 0 : i32
    %dma_wait3A_260 = arith.constant 0 : i32
    %dma_wait3A_261 = arith.constant 0 : i32
    %dma_wait3A_262 = arith.constant 0 : i32
    %dma_wait3A_263 = tpu.memref_slice %arg9[%dma_wait3A_260, %dma_wait3A_261, %dma_wait3A_262] : memref<2x64x128xf32, #tpu.memory_space<vmem>> -> memref<1x64x128xf32, #tpu.memory_space<vmem>>
    %dma_wait3A_264 = tpu.memref_squeeze %dma_wait3A_263 : memref<1x64x128xf32, #tpu.memory_space<vmem>> -> memref<64x128xf32, #tpu.memory_space<vmem>>
    %dma_wait3A_265 = arith.constant 0 : i32
    %dma_wait3A_266 = tpu.memref_slice %arg7[%dma_wait3A_259, %dma_wait3A_265] : memref<80x64xi32, #tpu.memory_space<vmem>> -> memref<1x64xi32, #tpu.memory_space<vmem>>
    %dma_wait3A_267 = tpu.memref_squeeze %dma_wait3A_266 : memref<1x64xi32, #tpu.memory_space<vmem>> -> memref<64xi32, #tpu.memory_space<vmem>>
    %dma_wait3A_268 = arith.constant 0 : i32
    %dma_wait3A_269 = arith.constant 0 : i32
    %dma_wait3A_270 = tpu.memref_slice %arg2[%dma_wait3A_268, %dma_wait3A_269] : memref<10000x128xf32, #tpu.memory_space<hbm>> -> memref<10000x128xf32, #tpu.memory_space<hbm>>
    tpu.wait_indirect_dma semaphore(%arg13 : memref<!tpu.dma_semaphore, #tpu.memory_space<semaphore_mem>>) src(%dma_wait3A_270 : memref<10000x128xf32, #tpu.memory_space<hbm>>) dst(%dma_wait3A_264 : memref<64x128xf32, #tpu.memory_space<vmem>>)
    %dma_start3A_271 = arith.constant 0 : i32
    %dma_start3A_272 = arith.constant 78 : i32
    %dma_start3A_273 = arith.constant 0 : i32
    %dma_start3A_274 = arith.constant 0 : i32
    %dma_start3A_275 = tpu.memref_slice %arg9[%dma_start3A_271, %dma_start3A_273, %dma_start3A_274] : memref<2x64x128xf32, #tpu.memory_space<vmem>> -> memref<1x64x128xf32, #tpu.memory_space<vmem>>
    %dma_start3A_276 = tpu.memref_squeeze %dma_start3A_275 : memref<1x64x128xf32, #tpu.memory_space<vmem>> -> memref<64x128xf32, #tpu.memory_space<vmem>>
    %dma_start3A_277 = arith.constant 0 : i32
    %dma_start3A_278 = tpu.memref_slice %arg8[%dma_start3A_272, %dma_start3A_277] : memref<80x64xi32, #tpu.memory_space<vmem>> -> memref<1x64xi32, #tpu.memory_space<vmem>>
    %dma_start3A_279 = tpu.memref_squeeze %dma_start3A_278 : memref<1x64xi32, #tpu.memory_space<vmem>> -> memref<64xi32, #tpu.memory_space<vmem>>
    %dma_start3A_280 = arith.constant 0 : i32
    %dma_start3A_281 = arith.constant 0 : i32
    %dma_start3A_282 = tpu.memref_slice %arg11[%dma_start3A_280, %dma_start3A_281] : memref<10240x128xf32, #tpu.memory_space<vmem_shared>> -> memref<10240x128xf32, #tpu.memory_space<vmem_shared>>
    tpu.enqueue_indirect_dma source(%dma_start3A_276 : memref<64x128xf32, #tpu.memory_space<vmem>>) target(%dma_start3A_282 : memref<10240x128xf32, #tpu.memory_space<vmem_shared>>) offsets(%dma_start3A_279 : memref<64xi32, #tpu.memory_space<vmem>>) semaphore(%arg15 : memref<!tpu.dma_semaphore, #tpu.memory_space<semaphore_mem>>) {add = true}
    %dma_start3A_283 = arith.constant 78 : i32
    %dma_start3A_284 = arith.constant 0 : i32
    %dma_start3A_285 = tpu.memref_slice %arg8[%dma_start3A_283, %dma_start3A_284] : memref<80x64xi32, #tpu.memory_space<vmem>> -> memref<1x64xi32, #tpu.memory_space<vmem>>
    %dma_start3A_286 = tpu.memref_squeeze %dma_start3A_285 : memref<1x64xi32, #tpu.memory_space<vmem>> -> memref<64xi32, #tpu.memory_space<vmem>>
    %dma_start3A_287 = arith.constant 0 : i32
    %dma_start3A_288 = tpu.memref_slice %arg12[%dma_start3A_287] : memref<10240xf32, #tpu.memory_space<vmem_shared>> -> memref<10240xf32, #tpu.memory_space<vmem_shared>>
    tpu.enqueue_indirect_dma source(%arg10 : memref<64xf32, #tpu.memory_space<vmem>>) target(%dma_start3A_288 : memref<10240xf32, #tpu.memory_space<vmem_shared>>) offsets(%dma_start3A_286 : memref<64xi32, #tpu.memory_space<vmem>>) semaphore(%arg17 : memref<!tpu.dma_semaphore, #tpu.memory_space<semaphore_mem>>) {add = true}
    %dma_wait3A_289 = arith.constant 0 : i32
    %dma_wait3A_290 = arith.constant 1 : i32
    %dma_wait3A_291 = arith.constant 0 : i32
    %dma_wait3A_292 = arith.constant 0 : i32
    %dma_wait3A_293 = tpu.memref_slice %arg9[%dma_wait3A_290, %dma_wait3A_291, %dma_wait3A_292] : memref<2x64x128xf32, #tpu.memory_space<vmem>> -> memref<1x64x128xf32, #tpu.memory_space<vmem>>
    %dma_wait3A_294 = tpu.memref_squeeze %dma_wait3A_293 : memref<1x64x128xf32, #tpu.memory_space<vmem>> -> memref<64x128xf32, #tpu.memory_space<vmem>>
    %dma_wait3A_295 = arith.constant 0 : i32
    %dma_wait3A_296 = tpu.memref_slice %arg7[%dma_wait3A_289, %dma_wait3A_295] : memref<80x64xi32, #tpu.memory_space<vmem>> -> memref<1x64xi32, #tpu.memory_space<vmem>>
    %dma_wait3A_297 = tpu.memref_squeeze %dma_wait3A_296 : memref<1x64xi32, #tpu.memory_space<vmem>> -> memref<64xi32, #tpu.memory_space<vmem>>
    %dma_wait3A_298 = arith.constant 0 : i32
    %dma_wait3A_299 = arith.constant 0 : i32
    %dma_wait3A_300 = tpu.memref_slice %arg2[%dma_wait3A_298, %dma_wait3A_299] : memref<10000x128xf32, #tpu.memory_space<hbm>> -> memref<10000x128xf32, #tpu.memory_space<hbm>>
    tpu.wait_indirect_dma semaphore(%arg14 : memref<!tpu.dma_semaphore, #tpu.memory_space<semaphore_mem>>) src(%dma_wait3A_300 : memref<10000x128xf32, #tpu.memory_space<hbm>>) dst(%dma_wait3A_294 : memref<64x128xf32, #tpu.memory_space<vmem>>)
    %dma_start3A_301 = arith.constant 1 : i32
    %dma_start3A_302 = arith.constant 79 : i32
    %dma_start3A_303 = arith.constant 0 : i32
    %dma_start3A_304 = arith.constant 0 : i32
    %dma_start3A_305 = tpu.memref_slice %arg9[%dma_start3A_301, %dma_start3A_303, %dma_start3A_304] : memref<2x64x128xf32, #tpu.memory_space<vmem>> -> memref<1x64x128xf32, #tpu.memory_space<vmem>>
    %dma_start3A_306 = tpu.memref_squeeze %dma_start3A_305 : memref<1x64x128xf32, #tpu.memory_space<vmem>> -> memref<64x128xf32, #tpu.memory_space<vmem>>
    %dma_start3A_307 = arith.constant 0 : i32
    %dma_start3A_308 = tpu.memref_slice %arg8[%dma_start3A_302, %dma_start3A_307] : memref<80x64xi32, #tpu.memory_space<vmem>> -> memref<1x64xi32, #tpu.memory_space<vmem>>
    %dma_start3A_309 = tpu.memref_squeeze %dma_start3A_308 : memref<1x64xi32, #tpu.memory_space<vmem>> -> memref<64xi32, #tpu.memory_space<vmem>>
    %dma_start3A_310 = arith.constant 0 : i32
    %dma_start3A_311 = arith.constant 0 : i32
    %dma_start3A_312 = tpu.memref_slice %arg11[%dma_start3A_310, %dma_start3A_311] : memref<10240x128xf32, #tpu.memory_space<vmem_shared>> -> memref<10240x128xf32, #tpu.memory_space<vmem_shared>>
    tpu.enqueue_indirect_dma source(%dma_start3A_306 : memref<64x128xf32, #tpu.memory_space<vmem>>) target(%dma_start3A_312 : memref<10240x128xf32, #tpu.memory_space<vmem_shared>>) offsets(%dma_start3A_309 : memref<64xi32, #tpu.memory_space<vmem>>) semaphore(%arg16 : memref<!tpu.dma_semaphore, #tpu.memory_space<semaphore_mem>>) {add = true}
    %dma_start3A_313 = arith.constant 79 : i32
    %dma_start3A_314 = arith.constant 0 : i32
    %dma_start3A_315 = tpu.memref_slice %arg8[%dma_start3A_313, %dma_start3A_314] : memref<80x64xi32, #tpu.memory_space<vmem>> -> memref<1x64xi32, #tpu.memory_space<vmem>>
    %dma_start3A_316 = tpu.memref_squeeze %dma_start3A_315 : memref<1x64xi32, #tpu.memory_space<vmem>> -> memref<64xi32, #tpu.memory_space<vmem>>
    %dma_start3A_317 = arith.constant 0 : i32
    %dma_start3A_318 = tpu.memref_slice %arg12[%dma_start3A_317] : memref<10240xf32, #tpu.memory_space<vmem_shared>> -> memref<10240xf32, #tpu.memory_space<vmem_shared>>
    tpu.enqueue_indirect_dma source(%arg10 : memref<64xf32, #tpu.memory_space<vmem>>) target(%dma_start3A_318 : memref<10240xf32, #tpu.memory_space<vmem_shared>>) offsets(%dma_start3A_316 : memref<64xi32, #tpu.memory_space<vmem>>) semaphore(%arg17 : memref<!tpu.dma_semaphore, #tpu.memory_space<semaphore_mem>>) {add = true}
    %dma_wait3A_319 = arith.constant 0 : i32
    %dma_wait3A_320 = arith.constant 0 : i32
    %dma_wait3A_321 = arith.constant 0 : i32
    %dma_wait3A_322 = arith.constant 0 : i32
    %dma_wait3A_323 = tpu.memref_slice %arg9[%dma_wait3A_319, %dma_wait3A_321, %dma_wait3A_322] : memref<2x64x128xf32, #tpu.memory_space<vmem>> -> memref<1x64x128xf32, #tpu.memory_space<vmem>>
    %dma_wait3A_324 = tpu.memref_squeeze %dma_wait3A_323 : memref<1x64x128xf32, #tpu.memory_space<vmem>> -> memref<64x128xf32, #tpu.memory_space<vmem>>
    %dma_wait3A_325 = arith.constant 0 : i32
    %dma_wait3A_326 = tpu.memref_slice %arg8[%dma_wait3A_320, %dma_wait3A_325] : memref<80x64xi32, #tpu.memory_space<vmem>> -> memref<1x64xi32, #tpu.memory_space<vmem>>
    %dma_wait3A_327 = tpu.memref_squeeze %dma_wait3A_326 : memref<1x64xi32, #tpu.memory_space<vmem>> -> memref<64xi32, #tpu.memory_space<vmem>>
    %dma_wait3A_328 = arith.constant 0 : i32
    %dma_wait3A_329 = arith.constant 0 : i32
    %dma_wait3A_330 = tpu.memref_slice %arg11[%dma_wait3A_328, %dma_wait3A_329] : memref<10240x128xf32, #tpu.memory_space<vmem_shared>> -> memref<10240x128xf32, #tpu.memory_space<vmem_shared>>
    tpu.wait_indirect_dma semaphore(%arg15 : memref<!tpu.dma_semaphore, #tpu.memory_space<semaphore_mem>>) src(%dma_wait3A_324 : memref<64x128xf32, #tpu.memory_space<vmem>>) dst(%dma_wait3A_330 : memref<10240x128xf32, #tpu.memory_space<vmem_shared>>)
    %dma_wait3A_331 = arith.constant 1 : i32
    %dma_wait3A_332 = arith.constant 0 : i32
    %dma_wait3A_333 = arith.constant 0 : i32
    %dma_wait3A_334 = arith.constant 0 : i32
    %dma_wait3A_335 = tpu.memref_slice %arg9[%dma_wait3A_331, %dma_wait3A_333, %dma_wait3A_334] : memref<2x64x128xf32, #tpu.memory_space<vmem>> -> memref<1x64x128xf32, #tpu.memory_space<vmem>>
    %dma_wait3A_336 = tpu.memref_squeeze %dma_wait3A_335 : memref<1x64x128xf32, #tpu.memory_space<vmem>> -> memref<64x128xf32, #tpu.memory_space<vmem>>
    %dma_wait3A_337 = arith.constant 0 : i32
    %dma_wait3A_338 = tpu.memref_slice %arg8[%dma_wait3A_332, %dma_wait3A_337] : memref<80x64xi32, #tpu.memory_space<vmem>> -> memref<1x64xi32, #tpu.memory_space<vmem>>
    %dma_wait3A_339 = tpu.memref_squeeze %dma_wait3A_338 : memref<1x64xi32, #tpu.memory_space<vmem>> -> memref<64xi32, #tpu.memory_space<vmem>>
    %dma_wait3A_340 = arith.constant 0 : i32
    %dma_wait3A_341 = arith.constant 0 : i32
    %dma_wait3A_342 = tpu.memref_slice %arg11[%dma_wait3A_340, %dma_wait3A_341] : memref<10240x128xf32, #tpu.memory_space<vmem_shared>> -> memref<10240x128xf32, #tpu.memory_space<vmem_shared>>
    tpu.wait_indirect_dma semaphore(%arg16 : memref<!tpu.dma_semaphore, #tpu.memory_space<semaphore_mem>>) src(%dma_wait3A_336 : memref<64x128xf32, #tpu.memory_space<vmem>>) dst(%dma_wait3A_342 : memref<10240x128xf32, #tpu.memory_space<vmem_shared>>)
    %scan3A_343 = arith.constant 0 : i32
    %scan3A_344 = arith.constant 80 : i32
    %scan3A_345 = arith.addi %scan3A_343, %scan3A_344 : i32
    %scan3A_346 = arith.constant 1 : i32
    scf.for %scan3A_357 = %scan3A_343 to %scan3A_345 step %scan3A_346  : i32 {
      %dma_wait3A_358 = arith.constant 0 : i32
      %dma_wait3A_359 = arith.constant 0 : i32
      %dma_wait3A_360 = tpu.memref_slice %arg8[%dma_wait3A_358, %dma_wait3A_359] : memref<80x64xi32, #tpu.memory_space<vmem>> -> memref<1x64xi32, #tpu.memory_space<vmem>>
      %dma_wait3A_361 = tpu.memref_squeeze %dma_wait3A_360 : memref<1x64xi32, #tpu.memory_space<vmem>> -> memref<64xi32, #tpu.memory_space<vmem>>
      %dma_wait3A_362 = arith.constant 0 : i32
      %dma_wait3A_363 = tpu.memref_slice %arg12[%dma_wait3A_362] : memref<10240xf32, #tpu.memory_space<vmem_shared>> -> memref<10240xf32, #tpu.memory_space<vmem_shared>>
      tpu.wait_indirect_dma semaphore(%arg17 : memref<!tpu.dma_semaphore, #tpu.memory_space<semaphore_mem>>) src(%arg10 : memref<64xf32, #tpu.memory_space<vmem>>) dst(%dma_wait3A_363 : memref<10240xf32, #tpu.memory_space<vmem_shared>>)
    }
    %scan3A_347 = arith.constant 80 : i32
    %barrier3A_348 = arith.constant 0 : index
    tpu.barrier barrier_id(%barrier3A_348)
    %mul3A_349 = arith.constant 640 : i32
    %mul3A_350 = arith.muli %arg1, %mul3A_349 : i32
    %mul3A_351 = arith.constant 640 : i32
    %mul3A_352 = arith.muli %arg1, %mul3A_351 : i32
    "tpu.region"() ({
      %run_scoped3A_357 = tpu.sem_alloc : memref<!tpu.dma_semaphore, #tpu.memory_space<semaphore_mem>>
      %dma_start3A_358 = arith.constant 0 : i32
      %dma_start3A_359 = tpu.memref_slice %arg5[%arg0, %mul3A_352, %dma_start3A_358] : memref<2x10240x128xf32, #tpu.memory_space<hbm>> -> memref<1x640x128xf32, #tpu.memory_space<hbm>>
      %dma_start3A_360 = tpu.memref_squeeze %dma_start3A_359 : memref<1x640x128xf32, #tpu.memory_space<hbm>> -> memref<640x128xf32, #tpu.memory_space<hbm>>
      %dma_start3A_361 = arith.constant 0 : i32
      %dma_start3A_362 = tpu.memref_slice %arg11[%mul3A_350, %dma_start3A_361] : memref<10240x128xf32, #tpu.memory_space<vmem_shared>> -> memref<640x128xf32, #tpu.memory_space<vmem_shared>>
      tpu.enqueue_dma source(%dma_start3A_362 : memref<640x128xf32, #tpu.memory_space<vmem_shared>>) target(%dma_start3A_360 : memref<640x128xf32, #tpu.memory_space<hbm>>) target_semaphore(%run_scoped3A_357 : memref<!tpu.dma_semaphore, #tpu.memory_space<semaphore_mem>>)
      %dma_wait3A_363 = arith.constant 0 : i32
      %dma_wait3A_364 = tpu.memref_slice %arg5[%arg0, %mul3A_352, %dma_wait3A_363] : memref<2x10240x128xf32, #tpu.memory_space<hbm>> -> memref<1x640x128xf32, #tpu.memory_space<hbm>>
      %dma_wait3A_365 = tpu.memref_squeeze %dma_wait3A_364 : memref<1x640x128xf32, #tpu.memory_space<hbm>> -> memref<640x128xf32, #tpu.memory_space<hbm>>
      %dma_wait3A_366 = arith.constant 0 : i32
      %dma_wait3A_367 = tpu.memref_slice %arg11[%mul3A_350, %dma_wait3A_366] : memref<10240x128xf32, #tpu.memory_space<vmem_shared>> -> memref<640x128xf32, #tpu.memory_space<vmem_shared>>
      tpu.wait_dma2 semaphore(%run_scoped3A_357 : memref<!tpu.dma_semaphore, #tpu.memory_space<semaphore_mem>>) src(%dma_wait3A_367 : memref<640x128xf32, #tpu.memory_space<vmem_shared>>) dst(%dma_wait3A_365 : memref<640x128xf32, #tpu.memory_space<hbm>>)
      tpu.yield
    }) : () -> ()
    %mul3A_353 = arith.constant 640 : i32
    %mul3A_354 = arith.muli %arg1, %mul3A_353 : i32
    %mul3A_355 = arith.constant 640 : i32
    %mul3A_356 = arith.muli %arg1, %mul3A_355 : i32
    "tpu.region"() ({
      %run_scoped3A_357 = tpu.sem_alloc : memref<!tpu.dma_semaphore, #tpu.memory_space<semaphore_mem>>
      %dma_start3A_358 = tpu.memref_slice %arg6[%arg0, %mul3A_356] : memref<2x10240xf32, #tpu.memory_space<hbm>> -> memref<1x640xf32, #tpu.memory_space<hbm>>
      %dma_start3A_359 = tpu.memref_squeeze %dma_start3A_358 : memref<1x640xf32, #tpu.memory_space<hbm>> -> memref<640xf32, #tpu.memory_space<hbm>>
      %dma_start3A_360 = tpu.memref_slice %arg12[%mul3A_354] : memref<10240xf32, #tpu.memory_space<vmem_shared>> -> memref<640xf32, #tpu.memory_space<vmem_shared>>
      tpu.enqueue_dma source(%dma_start3A_360 : memref<640xf32, #tpu.memory_space<vmem_shared>>) target(%dma_start3A_359 : memref<640xf32, #tpu.memory_space<hbm>>) target_semaphore(%run_scoped3A_357 : memref<!tpu.dma_semaphore, #tpu.memory_space<semaphore_mem>>)
      %dma_wait3A_361 = tpu.memref_slice %arg6[%arg0, %mul3A_356] : memref<2x10240xf32, #tpu.memory_space<hbm>> -> memref<1x640xf32, #tpu.memory_space<hbm>>
      %dma_wait3A_362 = tpu.memref_squeeze %dma_wait3A_361 : memref<1x640xf32, #tpu.memory_space<hbm>> -> memref<640xf32, #tpu.memory_space<hbm>>
      %dma_wait3A_363 = tpu.memref_slice %arg12[%mul3A_354] : memref<10240xf32, #tpu.memory_space<vmem_shared>> -> memref<640xf32, #tpu.memory_space<vmem_shared>>
      tpu.wait_dma2 semaphore(%run_scoped3A_357 : memref<!tpu.dma_semaphore, #tpu.memory_space<semaphore_mem>>) src(%dma_wait3A_363 : memref<640xf32, #tpu.memory_space<vmem_shared>>) dst(%dma_wait3A_362 : memref<640xf32, #tpu.memory_space<hbm>>)
      tpu.yield
    }) : () -> ()
    return
  }
}

module attributes {stable_mosaic.version = 14 : i64} {
  func.func @body(%arg0: memref<10000x128xf32, #tpu.memory_space<vmem>>, %arg1: memref<2x10240x128xf32, #tpu.memory_space<vmem>>, %arg2: memref<2x10240x1xf32, #tpu.memory_space<vmem>>, %arg3: memref<128x128xf32, #tpu.memory_space<vmem>>, %arg4: memref<128x128xf32, #tpu.memory_space<vmem>>, %arg5: memref<1x128xf32, #tpu.memory_space<vmem>>, %arg6: memref<1x128xf32, #tpu.memory_space<vmem>>, %arg7: memref<1x128xf32, #tpu.memory_space<vmem>>, %arg8: memref<10000x128xf32, #tpu.memory_space<vmem>>) attributes {dimension_semantics = [], scalar_prefetch = 0 : i64, scratch_operands = 0 : i64, tpu.core_type = #tpu.core_type<tc>} {
    %get3A = arith.constant 0 : index
    %get3A_0 = arith.constant 0 : index
    %get3A_1 = arith.constant 0 : index
    %get3A_2 = vector.load %arg1[%get3A, %get3A_0, %get3A_1] : memref<2x10240x128xf32, #tpu.memory_space<vmem>>, vector<1x10000x128xf32>
    %get3A_3 = vector.shape_cast %get3A_2 : vector<1x10000x128xf32> to vector<10000x128xf32>
    %get3A_4 = arith.constant 1 : index
    %get3A_5 = arith.constant 0 : index
    %get3A_6 = arith.constant 0 : index
    %get3A_7 = vector.load %arg1[%get3A_4, %get3A_5, %get3A_6] : memref<2x10240x128xf32, #tpu.memory_space<vmem>>, vector<1x10000x128xf32>
    %get3A_8 = vector.shape_cast %get3A_7 : vector<1x10000x128xf32> to vector<10000x128xf32>
    %add3A = arith.addf %get3A_3, %get3A_8 : vector<10000x128xf32>
    %get3A_9 = arith.constant 0 : index
    %get3A_10 = arith.constant 0 : index
    %get3A_11 = arith.constant 0 : index
    %get3A_12 = vector.load %arg2[%get3A_9, %get3A_10, %get3A_11] : memref<2x10240x1xf32, #tpu.memory_space<vmem>>, vector<1x10000x1xf32>
    %get3A_13 = vector.shape_cast %get3A_12 : vector<1x10000x1xf32> to vector<10000x1xf32>
    %get3A_14 = arith.constant 1 : index
    %get3A_15 = arith.constant 0 : index
    %get3A_16 = arith.constant 0 : index
    %get3A_17 = vector.load %arg2[%get3A_14, %get3A_15, %get3A_16] : memref<2x10240x1xf32, #tpu.memory_space<vmem>>, vector<1x10000x1xf32>
    %get3A_18 = vector.shape_cast %get3A_17 : vector<1x10000x1xf32> to vector<10000x1xf32>
    %add3A_19 = arith.addf %get3A_13, %get3A_18 : vector<10000x1xf32>
    %max3A = arith.constant 1.000000e+00 : f32
    %max3A_20 = vector.broadcast %max3A : f32 to vector<10000x1xf32>
    %max3A_21 = arith.maximumf %add3A_19, %max3A_20 : vector<10000x1xf32>
    %div3A = arith.constant 1.000000e+00 : f32
    %div3A_22 = vector.broadcast %div3A : f32 to vector<10000x1xf32>
    %div3A_23 = arith.divf %div3A_22, %max3A_21 : vector<10000x1xf32>
    %mul3A = vector.broadcast %div3A_23 : vector<10000x1xf32> to vector<10000x128xf32>
    %mul3A_24 = arith.mulf %add3A, %mul3A : vector<10000x128xf32>
    %get3A_25 = arith.constant 0 : index
    %get3A_26 = arith.constant 0 : index
    %get3A_27 = vector.load %arg3[%get3A_25, %get3A_26] : memref<128x128xf32, #tpu.memory_space<vmem>>, vector<128x128xf32>
    %dot_general3A = arith.constant dense<0.000000e+00> : vector<10000x128xf32>
    %dot_general3A_28 = tpu.matmul %mul3A_24, %get3A_27, %dot_general3A {dimension_numbers = #tpu.dot_dimension_numbers<[1], [0], [0], [1], [0, 0, 1, 1], [], []>, transpose_lhs_hint = false} : vector<10000x128xf32>, vector<128x128xf32>, vector<10000x128xf32> -> vector<10000x128xf32>
    %get3A_29 = arith.constant 0 : index
    %get3A_30 = arith.constant 0 : index
    %get3A_31 = vector.load %arg0[%get3A_29, %get3A_30] : memref<10000x128xf32, #tpu.memory_space<vmem>>, vector<10000x128xf32>
    %get3A_32 = arith.constant 0 : index
    %get3A_33 = arith.constant 0 : index
    %get3A_34 = vector.load %arg4[%get3A_32, %get3A_33] : memref<128x128xf32, #tpu.memory_space<vmem>>, vector<128x128xf32>
    %dot_general3A_35 = arith.constant dense<0.000000e+00> : vector<10000x128xf32>
    %dot_general3A_36 = tpu.matmul %get3A_31, %get3A_34, %dot_general3A_35 {dimension_numbers = #tpu.dot_dimension_numbers<[1], [0], [0], [1], [0, 0, 1, 1], [], []>, transpose_lhs_hint = false} : vector<10000x128xf32>, vector<128x128xf32>, vector<10000x128xf32> -> vector<10000x128xf32>
    %add3A_37 = arith.addf %dot_general3A_28, %dot_general3A_36 : vector<10000x128xf32>
    %get3A_38 = arith.constant 0 : index
    %get3A_39 = arith.constant 0 : index
    %get3A_40 = vector.load %arg5[%get3A_38, %get3A_39] : memref<1x128xf32, #tpu.memory_space<vmem>>, vector<1x128xf32>
    %add3A_41 = vector.broadcast %get3A_40 : vector<1x128xf32> to vector<10000x128xf32>
    %add3A_42 = arith.addf %add3A_37, %add3A_41 : vector<10000x128xf32>
    %reduce_sum3A = arith.constant dense<0.000000e+00> : vector<128xf32>
    %reduce_sum3A_43 = vector.multi_reduction <add>, %add3A_42, %reduce_sum3A [0] : vector<10000x128xf32> to vector<128xf32>
    %broadcast_in_dim3A = vector.shape_cast %reduce_sum3A_43 : vector<128xf32> to vector<1x128xf32>
    %div3A_44 = arith.constant 1.000000e+04 : f32
    %div3A_45 = vector.broadcast %div3A_44 : f32 to vector<1x128xf32>
    %div3A_46 = arith.divf %broadcast_in_dim3A, %div3A_45 : vector<1x128xf32>
    %sub3A = vector.broadcast %div3A_46 : vector<1x128xf32> to vector<10000x128xf32>
    %sub3A_47 = arith.subf %add3A_42, %sub3A : vector<10000x128xf32>
    %integer_pow3A = arith.mulf %sub3A_47, %sub3A_47 : vector<10000x128xf32>
    %reduce_sum3A_48 = arith.constant dense<0.000000e+00> : vector<128xf32>
    %reduce_sum3A_49 = vector.multi_reduction <add>, %integer_pow3A, %reduce_sum3A_48 [0] : vector<10000x128xf32> to vector<128xf32>
    %broadcast_in_dim3A_50 = vector.shape_cast %reduce_sum3A_49 : vector<128xf32> to vector<1x128xf32>
    %div3A_51 = arith.constant 1.000000e+04 : f32
    %div3A_52 = vector.broadcast %div3A_51 : f32 to vector<1x128xf32>
    %div3A_53 = arith.divf %broadcast_in_dim3A_50, %div3A_52 : vector<1x128xf32>
    %get3A_54 = arith.constant 0 : index
    %get3A_55 = arith.constant 0 : index
    %get3A_56 = vector.load %arg6[%get3A_54, %get3A_55] : memref<1x128xf32, #tpu.memory_space<vmem>>, vector<1x128xf32>
    %sub3A_57 = vector.broadcast %div3A_46 : vector<1x128xf32> to vector<10000x128xf32>
    %sub3A_58 = arith.subf %add3A_42, %sub3A_57 : vector<10000x128xf32>
    %mul3A_59 = vector.broadcast %get3A_56 : vector<1x128xf32> to vector<10000x128xf32>
    %mul3A_60 = arith.mulf %mul3A_59, %sub3A_58 : vector<10000x128xf32>
    %add3A_61 = arith.constant 9.99999974E-6 : f32
    %add3A_62 = vector.broadcast %add3A_61 : f32 to vector<1x128xf32>
    %add3A_63 = arith.addf %div3A_53, %add3A_62 : vector<1x128xf32>
    %rsqrt3A = math.rsqrt %add3A_63 : vector<1x128xf32>
    %mul3A_64 = vector.broadcast %rsqrt3A : vector<1x128xf32> to vector<10000x128xf32>
    %mul3A_65 = arith.mulf %mul3A_60, %mul3A_64 : vector<10000x128xf32>
    %get3A_66 = arith.constant 0 : index
    %get3A_67 = arith.constant 0 : index
    %get3A_68 = vector.load %arg7[%get3A_66, %get3A_67] : memref<1x128xf32, #tpu.memory_space<vmem>>, vector<1x128xf32>
    %add3A_69 = vector.broadcast %get3A_68 : vector<1x128xf32> to vector<10000x128xf32>
    %add3A_70 = arith.addf %mul3A_65, %add3A_69 : vector<10000x128xf32>
    %max3A_71 = arith.constant 0.000000e+00 : f32
    %max3A_72 = vector.broadcast %max3A_71 : f32 to vector<10000x128xf32>
    %max3A_73 = arith.maximumf %add3A_70, %max3A_72 : vector<10000x128xf32>
    %swap3A = arith.constant 0 : index
    %swap3A_74 = arith.constant 0 : index
    %swap3A_75 = vector.load %arg8[%swap3A, %swap3A_74] : memref<10000x128xf32, #tpu.memory_space<vmem>>, vector<10000x128xf32>
    tpu.vector_store %arg8[%swap3A, %swap3A_74], %max3A_73 {strides = array<i32>} : memref<10000x128xf32, #tpu.memory_space<vmem>>, vector<10000x128xf32>,
    return
  }
}

module attributes {stable_mosaic.version = 14 : i64} {
  func.func @body(%arg0: memref<10000x128xf32, #tpu.memory_space<vmem>>, %arg1: memref<2x10240x128xf32, #tpu.memory_space<vmem>>, %arg2: memref<2x10240x1xf32, #tpu.memory_space<vmem>>, %arg3: memref<128x128xf32, #tpu.memory_space<vmem>>, %arg4: memref<128x128xf32, #tpu.memory_space<vmem>>, %arg5: memref<1x128xf32, #tpu.memory_space<vmem>>, %arg6: memref<1x128xf32, #tpu.memory_space<vmem>>, %arg7: memref<1x128xf32, #tpu.memory_space<vmem>>, %arg8: memref<10000x128xf32, #tpu.memory_space<vmem>>, %arg9: memref<10000x128xf32, #tpu.memory_space<vmem>>) attributes {dimension_semantics = [], scalar_prefetch = 0 : i64, scratch_operands = 0 : i64, tpu.core_type = #tpu.core_type<tc>} {
    %get3A = arith.constant 0 : index
    %get3A_0 = arith.constant 0 : index
    %get3A_1 = arith.constant 0 : index
    %get3A_2 = vector.load %arg1[%get3A, %get3A_0, %get3A_1] : memref<2x10240x128xf32, #tpu.memory_space<vmem>>, vector<1x10000x128xf32>
    %get3A_3 = vector.shape_cast %get3A_2 : vector<1x10000x128xf32> to vector<10000x128xf32>
    %get3A_4 = arith.constant 1 : index
    %get3A_5 = arith.constant 0 : index
    %get3A_6 = arith.constant 0 : index
    %get3A_7 = vector.load %arg1[%get3A_4, %get3A_5, %get3A_6] : memref<2x10240x128xf32, #tpu.memory_space<vmem>>, vector<1x10000x128xf32>
    %get3A_8 = vector.shape_cast %get3A_7 : vector<1x10000x128xf32> to vector<10000x128xf32>
    %add3A = arith.addf %get3A_3, %get3A_8 : vector<10000x128xf32>
    %get3A_9 = arith.constant 0 : index
    %get3A_10 = arith.constant 0 : index
    %get3A_11 = arith.constant 0 : index
    %get3A_12 = vector.load %arg2[%get3A_9, %get3A_10, %get3A_11] : memref<2x10240x1xf32, #tpu.memory_space<vmem>>, vector<1x10000x1xf32>
    %get3A_13 = vector.shape_cast %get3A_12 : vector<1x10000x1xf32> to vector<10000x1xf32>
    %get3A_14 = arith.constant 1 : index
    %get3A_15 = arith.constant 0 : index
    %get3A_16 = arith.constant 0 : index
    %get3A_17 = vector.load %arg2[%get3A_14, %get3A_15, %get3A_16] : memref<2x10240x1xf32, #tpu.memory_space<vmem>>, vector<1x10000x1xf32>
    %get3A_18 = vector.shape_cast %get3A_17 : vector<1x10000x1xf32> to vector<10000x1xf32>
    %add3A_19 = arith.addf %get3A_13, %get3A_18 : vector<10000x1xf32>
    %max3A = arith.constant 1.000000e+00 : f32
    %max3A_20 = vector.broadcast %max3A : f32 to vector<10000x1xf32>
    %max3A_21 = arith.maximumf %add3A_19, %max3A_20 : vector<10000x1xf32>
    %div3A = arith.constant 1.000000e+00 : f32
    %div3A_22 = vector.broadcast %div3A : f32 to vector<10000x1xf32>
    %div3A_23 = arith.divf %div3A_22, %max3A_21 : vector<10000x1xf32>
    %mul3A = vector.broadcast %div3A_23 : vector<10000x1xf32> to vector<10000x128xf32>
    %mul3A_24 = arith.mulf %add3A, %mul3A : vector<10000x128xf32>
    %get3A_25 = arith.constant 0 : index
    %get3A_26 = arith.constant 0 : index
    %get3A_27 = vector.load %arg3[%get3A_25, %get3A_26] : memref<128x128xf32, #tpu.memory_space<vmem>>, vector<128x128xf32>
    %dot_general3A = arith.constant dense<0.000000e+00> : vector<10000x128xf32>
    %dot_general3A_28 = tpu.matmul %mul3A_24, %get3A_27, %dot_general3A {dimension_numbers = #tpu.dot_dimension_numbers<[1], [0], [0], [1], [0, 0, 1, 1], [], []>, transpose_lhs_hint = false} : vector<10000x128xf32>, vector<128x128xf32>, vector<10000x128xf32> -> vector<10000x128xf32>
    %get3A_29 = arith.constant 0 : index
    %get3A_30 = arith.constant 0 : index
    %get3A_31 = vector.load %arg0[%get3A_29, %get3A_30] : memref<10000x128xf32, #tpu.memory_space<vmem>>, vector<10000x128xf32>
    %get3A_32 = arith.constant 0 : index
    %get3A_33 = arith.constant 0 : index
    %get3A_34 = vector.load %arg4[%get3A_32, %get3A_33] : memref<128x128xf32, #tpu.memory_space<vmem>>, vector<128x128xf32>
    %dot_general3A_35 = arith.constant dense<0.000000e+00> : vector<10000x128xf32>
    %dot_general3A_36 = tpu.matmul %get3A_31, %get3A_34, %dot_general3A_35 {dimension_numbers = #tpu.dot_dimension_numbers<[1], [0], [0], [1], [0, 0, 1, 1], [], []>, transpose_lhs_hint = false} : vector<10000x128xf32>, vector<128x128xf32>, vector<10000x128xf32> -> vector<10000x128xf32>
    %add3A_37 = arith.addf %dot_general3A_28, %dot_general3A_36 : vector<10000x128xf32>
    %get3A_38 = arith.constant 0 : index
    %get3A_39 = arith.constant 0 : index
    %get3A_40 = vector.load %arg5[%get3A_38, %get3A_39] : memref<1x128xf32, #tpu.memory_space<vmem>>, vector<1x128xf32>
    %add3A_41 = vector.broadcast %get3A_40 : vector<1x128xf32> to vector<10000x128xf32>
    %add3A_42 = arith.addf %add3A_37, %add3A_41 : vector<10000x128xf32>
    %reduce_sum3A = arith.constant dense<0.000000e+00> : vector<128xf32>
    %reduce_sum3A_43 = vector.multi_reduction <add>, %add3A_42, %reduce_sum3A [0] : vector<10000x128xf32> to vector<128xf32>
    %broadcast_in_dim3A = vector.shape_cast %reduce_sum3A_43 : vector<128xf32> to vector<1x128xf32>
    %div3A_44 = arith.constant 1.000000e+04 : f32
    %div3A_45 = vector.broadcast %div3A_44 : f32 to vector<1x128xf32>
    %div3A_46 = arith.divf %broadcast_in_dim3A, %div3A_45 : vector<1x128xf32>
    %sub3A = vector.broadcast %div3A_46 : vector<1x128xf32> to vector<10000x128xf32>
    %sub3A_47 = arith.subf %add3A_42, %sub3A : vector<10000x128xf32>
    %integer_pow3A = arith.mulf %sub3A_47, %sub3A_47 : vector<10000x128xf32>
    %reduce_sum3A_48 = arith.constant dense<0.000000e+00> : vector<128xf32>
    %reduce_sum3A_49 = vector.multi_reduction <add>, %integer_pow3A, %reduce_sum3A_48 [0] : vector<10000x128xf32> to vector<128xf32>
    %broadcast_in_dim3A_50 = vector.shape_cast %reduce_sum3A_49 : vector<128xf32> to vector<1x128xf32>
    %div3A_51 = arith.constant 1.000000e+04 : f32
    %div3A_52 = vector.broadcast %div3A_51 : f32 to vector<1x128xf32>
    %div3A_53 = arith.divf %broadcast_in_dim3A_50, %div3A_52 : vector<1x128xf32>
    %get3A_54 = arith.constant 0 : index
    %get3A_55 = arith.constant 0 : index
    %get3A_56 = vector.load %arg6[%get3A_54, %get3A_55] : memref<1x128xf32, #tpu.memory_space<vmem>>, vector<1x128xf32>
    %sub3A_57 = vector.broadcast %div3A_46 : vector<1x128xf32> to vector<10000x128xf32>
    %sub3A_58 = arith.subf %add3A_42, %sub3A_57 : vector<10000x128xf32>
    %mul3A_59 = vector.broadcast %get3A_56 : vector<1x128xf32> to vector<10000x128xf32>
    %mul3A_60 = arith.mulf %mul3A_59, %sub3A_58 : vector<10000x128xf32>
    %add3A_61 = arith.constant 9.99999974E-6 : f32
    %add3A_62 = vector.broadcast %add3A_61 : f32 to vector<1x128xf32>
    %add3A_63 = arith.addf %div3A_53, %add3A_62 : vector<1x128xf32>
    %rsqrt3A = math.rsqrt %add3A_63 : vector<1x128xf32>
    %mul3A_64 = vector.broadcast %rsqrt3A : vector<1x128xf32> to vector<10000x128xf32>
    %mul3A_65 = arith.mulf %mul3A_60, %mul3A_64 : vector<10000x128xf32>
    %get3A_66 = arith.constant 0 : index
    %get3A_67 = arith.constant 0 : index
    %get3A_68 = vector.load %arg7[%get3A_66, %get3A_67] : memref<1x128xf32, #tpu.memory_space<vmem>>, vector<1x128xf32>
    %add3A_69 = vector.broadcast %get3A_68 : vector<1x128xf32> to vector<10000x128xf32>
    %add3A_70 = arith.addf %mul3A_65, %add3A_69 : vector<10000x128xf32>
    %get3A_71 = arith.constant 0 : index
    %get3A_72 = arith.constant 0 : index
    %get3A_73 = vector.load %arg8[%get3A_71, %get3A_72] : memref<10000x128xf32, #tpu.memory_space<vmem>>, vector<10000x128xf32>
    %add3A_74 = arith.addf %add3A_70, %get3A_73 : vector<10000x128xf32>
    %max3A_75 = arith.constant 0.000000e+00 : f32
    %max3A_76 = vector.broadcast %max3A_75 : f32 to vector<10000x128xf32>
    %max3A_77 = arith.maximumf %add3A_74, %max3A_76 : vector<10000x128xf32>
    %swap3A = arith.constant 0 : index
    %swap3A_78 = arith.constant 0 : index
    %swap3A_79 = vector.load %arg9[%swap3A, %swap3A_78] : memref<10000x128xf32, #tpu.memory_space<vmem>>, vector<10000x128xf32>
    tpu.vector_store %arg9[%swap3A, %swap3A_78], %max3A_77 {strides = array<i32>} : memref<10000x128xf32, #tpu.memory_space<vmem>>, vector<10000x128xf32>,
    return
  }
}

</mosaic_0001>

<sc_bundles>
// kernel: kernel.6.cloned.1.call-start
scs
__scs_entry_jumppad:
0x0: {  	(pc) =	sbr.rel $0x88, $3  }
0x1: {  	(tag) =	ssettag $0x0;
	lr =	simm.s32 $0x1  }
0x2: {  	[smem:$0x3F95] =	sst lr;
	_ =	strace $0xD0000000  }
0x3: {  	_ = 	snop  }
0x4: {  	_ = 	snop  }
0x5: {  	_ = 	snop  }
0x6: {  	_ = 	snop  }
0x7: {  	_ = 	snop  }
__scs_overlays_trampoline_lowered:
0x8: {  	[smem:$0x3FA4] =	sst s0  }
0x9: {  	[smem:$0x3FA5] =	sst s1  }
0xa: {  	[smem:$0x3FA6] =	sst s2  }
0xb: {  	[smem:$0x3FA7] =	sst s3  }
0xc: {  	[smem:$0x3FA8] =	sst s4  }
0xd: {  	[smem:$0x3FA9] =	sst s5  }
0xe: {  	[smem:$0x3FAA] =	sst s6  }
0xf: {  	[smem:$0x3FAB] =	sst s7  }
0x10: {  	[smem:$0x3FAC] =	sst s8  }
0x11: {  	[smem:$0x3FAD] =	sst s9;
	s0 =	simm.s32 @!p0 $0x0  }
0x12: {  	s1 =	sld [smem:$0x3F93];
	s0 =	simm.s32 @p0 $0x1  }
0x13: {  	[smem:$0x3FAE] =	sst s0;
	s0 =	simm.s32 @!p1 $0x0  }
0x14: {  	s2 =	sld [smem:$0x3F92];
	s0 =	simm.s32 @p1 $0x1  }
0x15: {  	[smem:$0x3FAF] =	sst s0;
	s0 =	simm.s32 @!p2 $0x0  }
0x16: {  	s3 =	sld [smem:$0x3FDB];
	s0 =	simm.s32 @p2 $0x1  }
0x17: {  	s4 =	simm.s32 $0x1BF5;
	[smem:$0x3FB1] =	sst s0  }
0x18: {  	s0 =	sld [smem:$0x3F94];
	_ =	swait.ge [sflag:s4], $0x0  }
0x19: {  	s7 =	sld [smem:$0x3F95]  }
0x1a: {  	s8 =	sadd.s32 $0xFFFFE003, lr  }
0x1b: {  	s9 =	sadd.s32 $0xFFFFFEF7, lr;
	s5 =	simm.s32 $0xFFFFFFFF;
	p2 =	slt.u32 s8, $0xFFFFF086  }
0x1c: {  	p1 =	slt.u32 s9, $0xF7A;
	s5 =	simm.s32 @!p2 $0x0  }
0x1d: {  	s5 =	simm.s32 @p1 $0x1;
	p0 =	seq.s32 s7, s2  }
0x1e: {  	s7 =	smul.u32 @!p0 $0xF7A, s2;
	p2 =	seq.s32 @!p0 s5, $0x0  }
0x1f: {  	s9 =	smul.u32 $0xF7A, s1;
	s8 =	simm.s32 @!p0 $0x1BF5;
	p2 =	por !p2, p0  }
0x20: {  	[sflag:s8] =	ssyncset.s32 @!p0 $0xFFFFF086;
	s6 =	sadd.s32 @!p0 s3, s7;
	s7 =	simm.s32 @!p0 $0x108  }
0x21: {  	s3 =	sadd.s32 s3, s9;
	s6 =	sadd.s32 @!p0 $0x88, s6;
	s7 =	simm.s32 @p2 $0x1082  }
0x22: {  	[simem:s7], [sflag:s8] =	dma.local @!p0 [hbm:s6], $0xF7A  }
0x23: {  	s9 =	sor.u32 $0xD0000000, s2;
	s6 =	simm.s32 $0x108;
	_ =	swait.ge @!p0 [sflag:s8], $0x0  }
0x24: {  	s3 =	sadd.s32 $0x88, s3;
	s6 =	simm.s32 @!p1 $0x1082;
	[sflag:s4] =	ssyncset.s32 $0xFFFFF086  }
0x25: {  	[simem:s6], [sflag:s4] =	dma.local [hbm:s3], $0xF7A  }
0x26: {  	[smem:$0x3F95] =	sst s1;
	(tag) =	ssettag s2;
	_ =	strace s9  }
0x27: {  	s1 =	sld [smem:$0x3FA5]  }
0x28: {  	s2 =	sld [smem:$0x3FA6]  }
0x29: {  	s4 =	sld [smem:$0x3FA8]  }
0x2a: {  	p0 =	seq.s32 s5, $0x0;
	s5 =	sld [smem:$0x3FA9]  }
0x2b: {  	s6 =	sld [smem:$0x3FAA]  }
0x2c: {  	s7 =	sld [smem:$0x3FAB]  }
0x2d: {  	s3 =	simm.s32 $0x108;
	s8 =	sld [smem:$0x3FAC]  }
0x2e: {  	s3 =	simm.s32 @!p0 $0x1082;
	s9 =	sld [smem:$0x3FAD]  }
0x2f: {  	lr =	sadd.s32 s0, s3;
	s0 =	sld [smem:$0x3FA4]  }
0x30: {  	s3 =	sld [smem:$0x3FA7]  }
0x31: {  	[smem:$0x3FB0] =	sst s10  }
0x32: {  	s10 =	sld [smem:$0x3FAE];
	_ =	sdelay $0x3  }
0x33: {  	p0 =	seq.s32 s10, $0x1;
	s10 =	sld [smem:$0x3FB0];
	_ =	sdelay $0x3  }
0x34: {  	[smem:$0x3FB0] =	sst s10  }
0x35: {  	s10 =	sld [smem:$0x3FAF];
	_ =	sdelay $0x3  }
0x36: {  	p1 =	seq.s32 s10, $0x1;
	s10 =	sld [smem:$0x3FB0];
	_ =	sdelay $0x3  }
0x37: {  	[smem:$0x3FB0] =	sst s10  }
0x38: {  	s10 =	sld [smem:$0x3FB1]  }
0x39: {  	_ = 	snop;
	(pc) =	sbr.ind lr, $3  }
0x3a: {  	_ = 	snop  }
0x3b: {  	_ = 	snop  }
0x3c: {  	p2 =	seq.s32 s10, $0x1;
	s10 =	sld [smem:$0x3FB0]  }
0x3d: {  	_ =	shalt  }
0x3e: {  	_ =	shalt  }
0x3f: {  	_ =	shalt  }
0x40: {  	_ =	shalt  }
0x41: {  	_ =	shalt  }
0x42: {  	_ =	shalt  }
0x43: {  	_ =	shalt  }
0x44: {  	_ =	shalt  }
0x45: {  	_ =	shalt  }
0x46: {  	_ =	shalt  }
0x47: {  	_ =	shalt  }
0x48: {  	_ =	shalt  }
0x49: {  	_ =	shalt  }
0x4a: {  	_ =	shalt  }
0x4b: {  	_ =	shalt  }
0x4c: {  	_ =	shalt  }
0x4d: {  	_ =	shalt  }
0x4e: {  	_ =	shalt  }
0x4f: {  	_ =	shalt  }
0x50: {  	_ =	shalt  }
0x51: {  	_ =	shalt  }
0x52: {  	_ =	shalt  }
0x53: {  	_ =	shalt  }
0x54: {  	_ =	shalt  }
0x55: {  	_ =	shalt  }
0x56: {  	_ =	shalt  }
0x57: {  	_ =	shalt  }
0x58: {  	_ =	shalt  }
0x59: {  	_ =	shalt  }
0x5a: {  	_ =	shalt  }
0x5b: {  	_ =	shalt  }
0x5c: {  	_ =	shalt  }
0x5d: {  	_ =	shalt  }
0x5e: {  	_ =	shalt  }
0x5f: {  	_ =	shalt  }
0x60: {  	_ =	shalt  }
0x61: {  	_ =	shalt  }
0x62: {  	_ =	shalt  }
0x63: {  	_ =	shalt  }
0x64: {  	_ =	shalt  }
0x65: {  	_ =	shalt  }
0x66: {  	_ =	shalt  }
0x67: {  	_ =	shalt  }
0x68: {  	_ =	shalt  }
0x69: {  	_ =	shalt  }
0x6a: {  	_ =	shalt  }
0x6b: {  	_ =	shalt  }
0x6c: {  	_ =	shalt  }
0x6d: {  	_ =	shalt  }
0x6e: {  	_ =	shalt  }
0x6f: {  	_ =	shalt  }
0x70: {  	_ =	shalt  }
0x71: {  	_ =	shalt  }
0x72: {  	_ =	shalt  }
0x73: {  	_ =	shalt  }
0x74: {  	_ =	shalt  }
0x75: {  	_ =	shalt  }
0x76: {  	_ =	shalt  }
0x77: {  	_ =	shalt  }
0x78: {  	_ =	shalt  }
0x79: {  	_ =	shalt  }
0x7a: {  	_ =	shalt  }
0x7b: {  	_ =	shalt  }
0x7c: {  	_ =	shalt  }
0x7d: {  	_ =	shalt  }
0x7e: {  	_ =	shalt  }
0x7f: {  	_ =	shalt  }
0x80: {  	_ =	shalt  }
0x81: {  	_ =	shalt  }
0x82: {  	_ =	shalt  }
0x83: {  	_ =	shalt  }
0x84: {  	_ =	shalt  }
0x85: {  	_ =	shalt  }
0x86: {  	_ =	shalt  }
0x87: {  	_ =	shalt  }
.Lfunc_end0:
.L_simem_size_0:
called_computation_lowered:
.L_overlay_start_0:
0x88: {  	s2 =	sld [smem:$0x3FD9]  }
0x89: {  	s3 =	sld [smem:$0x3FFE];
	_ =	sdelay $0x1  }
0x8a: {  	s1 =	srdreg.scid  }
0x8b: {  	s0 =	sand.u32 $0x1, s1  }
0x8c: {  	s17 =	sshll.u32 s0, $0xA;
	s2 =	sadd.s32 s3, s2  }
0x8d: {  	s2 =	sadd.s32 s2, s17  }
0x8e: {  	[smem:$0x3FBC] =	sst s2  }
0x8f: {  	_ = 	snop  }
0x90: {  	s2 =	sld [smem:$0x3FC9]  }
0x91: {  	s18 =	sld [smem:$0x3FD0];
	(tm) =	ssettm $0x1  }
0x92: {  	s4 =	sld [smem:$0x3FFB];
	_ =	sdelay $0x3  }
0x93: {  	_ =	strace s4  }
0x94: {  	s4 =	sld [smem:$0x3FFC];
	_ =	sdelay $0x3  }
0x95: {  	_ =	strace s4  }
0x96: {  	s4 =	sld [smem:$0x3FFD];
	_ =	sdelay $0x3  }
0x97: {  	_ =	strace s4  }
0x98: {  	_ =	strace $0x8FFFFFFF  }
0x99: {  	s19 =	sld [smem:$0x3FDB];
	_ =	sdelay $0x1  }
0x9a: {  	s5 =	simm.s32 $_scs_section_size  }
0x9b: {  	s6 =	simm.s32 $_size__tile_overlayer_lowered;
	s7 =	simm.s32 $_tile_overlayer_lowered  }
0x9c: {  	s22 =	simm.s32 $0x1BFF;
	s21 =	sshll.u32 s7, $0x1;
	s4 =	sadd.s32 s5, s19  }
0x9d: {  	s8 =	simm.s32 $0x0;
	s20 =	sshll.u32 s6, $0x1;
	s6 =	sadd.s32 s21, s4  }
0x9e: {  	[timem:s8], [sflag:s22] =	dma.local [hbm:s6], s20  }
0x9f: {  	_ =	swait.ge [sflag:s22], s20  }
0xa0: {  	s5 =	ssub.s32 $0x0, s20;
	[sflag:s22] =	ssyncset.done $0x0  }
0xa1: {  	[sflag:s22] =	ssyncadd.s32 s5;
	_ =	sdelay $0x1  }
0xa2: {  	s23 =	simm.s32 $0x1B8B  }
0xa3: {  	_ =	swait.ge [sflag:s23], $0x1  }
0xa4: {  	[sflag:s23] =	ssyncset.done $0x0  }
0xa5: {  	s25 =	simm.s32 $0x1B8E;
	s24 =	sld [smem:$0x3FFE];
	[sflag:s23] =	ssyncadd.s32 $0xFFFFFFFF  }
0xa6: {  	s26 =	simm.s32 $execute0_lowered;
	[smem:$0x3FD2] =	sst s25  }
0xa7: {  	s6 =	sshll.u32 s26, $0x1;
	_ =	strace $0x80000046;
	[dreg:$0x1] =	wrdreg $0xFFFFFFFF  }
0xa8: {  	s28 =	simm.s32 $_size_execute0_lowered;
	s4 =	sadd.s32 s4, s6;
	[dreg:$0x0] =	wrdreg $0x0  }
0xa9: {  	s6 =	sshll.u32 s28, $0x1;
	[dreg:$0x2] =	wrdreg s4  }
0xaa: {  	[dreg:$0x3] =	wrdreg s6  }
0xab: {  	[dreg:$0x4] =	wrdreg $0xC0  }
0xac: {  	_ =	task [dreg:s8], $0x5FFFF  }
0xad: {  	[dreg:$0x1] =	wrdreg $0xFFFFFFFF  }
0xae: {  	[dreg:$0x0] =	wrdreg $0x60  }
0xaf: {  	[dreg:$0x2] =	wrdreg s2  }
0xb0: {  	[dreg:$0x3] =	wrdreg s24  }
0xb1: {  	[dreg:$0x4] =	wrdreg s18  }
0xb2: {  	[dreg:$0x5] =	wrdreg $0x90800  }
0xb3: {  	[dreg:$0x6] =	wrdreg $0x1D0800  }
0xb4: {  	[dreg:$0x7] =	wrdreg $0x9  }
0xb5: {  	_ =	task.clear_ibuf [dreg:s8], $0x8FFFF;
	_ =	strace $0x90000046  }
0xb6: {  	s29 =	simm.s32 $0x9;
	_ =	strace $0x80000048  }
0xb7: {  	_ =	swait.ge [sflag:s29], $0x1  }
0xb8: {  	[sflag:s29] =	ssyncadd.s32 $0xFFFFFFFF  }
0xb9: {  	_ =	strace $0x90000048  }
0xba: {  	_ =	sfence  }
0xbb: {  	s30 =	sld [smem:$0x0];
	_ =	sdelay $0x2  }
0xbc: {  	s31 =	sshll.u32 s1, $0xD;
	s1 =	sshrl.u32 s1, $0x2  }
0xbd: {  	s3 =	sand.u32 $0x4000, s31;
	s1 =	sadd.s32 s1, s30  }
0xbe: {  	s0 =	sor.u32 s3, s0;
	s1 =	sshll.u32 s1, $0x11  }
0xbf: {  	s0 =	sor.u32 s1, s0  }
0xc0: {  	s0 =	sadd.s32 $0x8F2B, s0  }
0xc1: {  	[sflag:s0] =	ssyncadd.remote.s32 $0x1  }
0xc2: {  	_ =	sfence.sel $0xFFFF  }
0xc3: {  	[dreg:$0x0] =	wrdreg $0xFFFFFFFF;
	(pc) =	sbr.abs _section_cstart, $3  }
0xc4: {  	[dreg:$0x1] =	wrdreg $0xFFFFFFFF  }
0xc5: {  	_ =	task.clear_ibuf [dreg:s8], $0x2FFFF;
	_ =	strace $0x9FFFFFFF  }
0xc6: {  	(tm) =	ssettm $0x7FFFFFFF  }
0xc7: {  	_ =	shalt  }
tec
execute0_lowered:
.L_overlay_start_1:
0x0: {  	(tag) =	ssettag $0x1  }
0x1: {  	s1 =	rddreg [dreg:$0x0]  }
0x2: {  	s0 =	rddreg [dreg:$0x1]  }
0x3: {  	s4 =	rddreg [dreg:$0x2]  }
0x4: {  	s2 =	rddreg [dreg:$0x3]  }
0x5: {  	s3 =	rddreg [dreg:$0x4]  }
0x6: {  	s5 =	srdreg.scid;
	s17 =	stileid.u32  }
0x7: {  	s29 =	simm.s32 $0x5000;
	s30 =	simm.s32 $0x6;
	s8 =	smul.u32 $0x14000, s17  }
0x8: {  	s31 =	simm.s32 $0x2800;
	s7 =	sand.u32 $0x1, s5;
	s10 =	smul.u32 $0x280, s17  }
0x9: {  	s5 =	simm.s32 $0x0;
	s9 =	sadd.s32 $0x16800, s0;
	s12 =	smul.u32 $0x50000, s17  }
0xa: {  	s13 =	sadd.s32 $0x2800, s0;
	s20 =	sshll.u32 s17, $0x1;
	s26 =	smul.u32 $0x500, s17  }
0xb: {  	s6 =	smul.u32 $0x140000, s7;
	[smem:$0x7FF] =	sst s5;
	s19 =	ssub.s32 $0x2, s7  }
0xc: {  	s14 =	sor.u32 s7, s20;
	s7 =	sshll.u32 s7, $0x7;
	_ =	strace $0x80000047  }
0xd: {  	s11 =	sshrl.u32 s19, $0x1;
	s21 =	sshrl.u32 s12, $0x2;
	s16 =	smul.u32 $0x5000, s14  }
0xe: {  	s12 =	sadd.s32 $0x80, s10;
	s17 =	sadd.s32 $0x180, s10;
	s14 =	smul.u32 $0xA00, s14  }
0xf: {  	s7 =	sor.u32 s7, s26;
	s6 =	sadd.s32 s8, s6;
	s8 =	ssub.s32 s19, s11  }
0x10: {  	s22 =	sshll.u32 s12, $0x7;
	s7 =	sshrl.u32 s7, $0x3;
	s6 =	sshrl.u32 s6, $0x3  }
0x11: {  	s11 =	sadd.s32 s22, s2;
	s16 =	sshrl.u32 s16, $0x3;
	s18 =	sadd.s32 s9, s14  }
0x12: {  	s14 =	sadd.s32 s13, s14;
	s4 =	sadd.s32 s4, s7;
	[dreg:$0x7] =	wrdreg s11  }
0x13: {  	s7 =	simm.s32 $0x7000;
	s0 =	sadd.s32 s6, s0;
	[dreg:$0xb] =	wrdreg s18  }
0x14: {  	s6 =	sadd.s32 s21, s2;
	s11 =	sadd.s32 $0x100, s10;
	[dreg:$0xc] =	wrdreg s14  }
0x15: {  	s19 =	sadd.s32 $0x500, s16;
	s21 =	sshll.u32 s17, $0x7;
	[dreg:$0xf] =	wrdreg s4  }
0x16: {  	s14 =	simm.s32 $0x4F80;
	s15 =	sadd.s32 $0x2000, s6;
	s23 =	sadd.s32 $0x6000, s6  }
0x17: {  	s24 =	sshll.u32 s11, $0x7;
	s25 =	sadd.s32 $0xA000, s6;
	s9 =	sadd.s32 s9, s19  }
0x18: {  	s20 =	sadd.s32 s13, s19;
	s19 =	sadd.s32 s10, s3;
	[dreg:$0x6] =	wrdreg s15  }
0x19: {  	s26 =	sadd.s32 s11, s3;
	s28 =	sadd.s32 $0x12000, s6;
	[dreg:$0x8] =	wrdreg s23  }
0x1a: {  	s11 =	simm.s32 $0x3;
	s13 =	simm.s32 $0x4F00;
	[dreg:$0xa] =	wrdreg s25  }
0x1b: {  	s15 =	sadd.s32 s24, s2;
	s23 =	sadd.s32 $0x200, s10;
	[dreg:$0xd] =	wrdreg s9  }
0x1c: {  	[dreg:$0xe] =	wrdreg s20;
	s24 =	sadd.s32 s21, s2;
	s25 =	sadd.s32 s12, s3  }
0x1d: {  	[dreg:$0x13] =	wrdreg s26;
	s26 =	sadd.s32 $0xE000, s6;
	s9 =	simm.s32 $0x9000  }
0x1e: {  	s10 =	simm.s32 $0x2;
	s12 =	simm.s32 $0x4;
	[dreg:$0x9] =	wrdreg s15  }
0x1f: {  	s20 =	simm.s32 $0x20;
	s21 =	simm.s32 $0x10;
	[dreg:$0x10] =	wrdreg s24  }
0x20: {  	s22 =	sshll.u32 s23, $0x7;
	[dreg:$0x12] =	wrdreg s25;
	s23 =	sadd.s32 s23, s3  }
0x21: {  	s24 =	sadd.s32 $0x2A800, s0;
	s25 =	smax.u32 s8, $0x1;
	s0 =	simm.s32 $0x40  }
0x22: {  	s8 =	simm.s32 $0x1;
	s15 =	simm.s32 $0x5;
	s4 =	sadd.s32 s22, s2  }
0x23: {  	v0 =	vimm.f32 $0.0e+00;
	v1 =	vimm.f32 $1.000000000e+00;
	s22 =	sadd.s32 s17, s3;
	[dreg:$0x11] =	wrdreg s4;
	s4 =	simm.s32 $0x80  }
.LBB2_1:
0x24: {  	s16 =	simm.s32 $0x0;
	s17 =	simm.s32 $0x200  }
.LBB2_2:
0x25: {  	p0 =	sne.s32 s17, $0x7E00;
	[tilespmem:s16+$0x5070] =	vst v0  }
0x26: {  	[tilespmem:s16+$0x5000] =	vst v0  }
0x27: {  	[tilespmem:s16+$0x5010] =	vst v0  }
.Ltmp0:
0x28: {  	[tilespmem:s16+$0x5020] =	vst v0;
	(pc) =	sbr.rel @p0 .LBB2_2-.Ltmp0, $4  }
0x29: {  	[tilespmem:s16+$0x5030] =	vst v0  }
0x2a: {  	[tilespmem:s16+$0x5040] =	vst v0  }
0x2b: {  	[tilespmem:s16+$0x5050] =	vst v0  }
0x2c: {  	[tilespmem:s16+$0x5060] =	vst v0;
	s16 =	sshra.s32 s17, $0x2;
	s17 =	sadd.s32 $0x200, s17  }
0x2d: {  	[tilespmem:s16+$0x5070] =	vst v0  }
0x2e: {  	[tilespmem:s16+$0x5000] =	vst v0  }
0x2f: {  	[tilespmem:s16+$0x5010] =	vst v0  }
0x30: {  	[tilespmem:s16+$0x5020] =	vst v0  }
0x31: {  	[tilespmem:s16+$0x5030] =	vst v0  }
0x32: {  	[tilespmem:s16+$0x5040] =	vst v0  }
0x33: {  	[tilespmem:s16+$0x5050] =	vst v0  }
0x34: {  	[tilespmem:s16+$0x5060] =	vst v0  }
0x35: {  	[tilespmem:$0x9000] =	vst v1  }
0x36: {  	[tilespmem:$0x9010] =	vst v1  }
0x37: {  	[tilespmem:$0x9020] =	vst v1  }
0x38: {  	[tilespmem:$0x9030] =	vst v1  }
0x39: {  	[spmem:s6] =	stream.linear.scatter [tilespmem:s29], [sflag:$0x6], $0x2000, $0x38;
	[tilespmem:$0x1D300] =	vst v63  }
0x3a: {  	_ =	swait.ge [sflag:s30], $0x2000  }
0x3b: {  	[sflag:s30] =	ssyncset.done $0x0  }
0x3c: {  	s17 =	rddreg [dreg:$0x6];
	[sflag:s30] =	ssyncadd.s32 $0xFFFFE000  }
0x3d: {  	[spmem:s17] =	stream.linear.scatter [tilespmem:s29], [sflag:$0x6], $0x2000, $0x38;
	[tilespmem:$0x1D300] =	vst v63  }
0x3e: {  	_ =	swait.ge [sflag:s30], $0x2000  }
0x3f: {  	[sflag:s30] =	ssyncset.done $0x0  }
0x40: {  	s18 =	rddreg [dreg:$0x7];
	[sflag:s30] =	ssyncadd.s32 $0xFFFFE000  }
0x41: {  	[spmem:s18] =	stream.linear.scatter [tilespmem:s29], [sflag:$0x6], $0x2000, $0x38;
	[tilespmem:$0x1D300] =	vst v63  }
0x42: {  	_ =	swait.ge [sflag:s30], $0x2000  }
0x43: {  	[sflag:s30] =	ssyncset.done $0x0  }
0x44: {  	s17 =	rddreg [dreg:$0x8];
	[sflag:s30] =	ssyncadd.s32 $0xFFFFE000  }
0x45: {  	[spmem:s17] =	stream.linear.scatter [tilespmem:s29], [sflag:$0x6], $0x2000, $0x38;
	[tilespmem:$0x1D300] =	vst v63  }
0x46: {  	_ =	swait.ge [sflag:s30], $0x2000  }
0x47: {  	[sflag:s30] =	ssyncset.done $0x0  }
0x48: {  	s18 =	rddreg [dreg:$0x9];
	[sflag:s30] =	ssyncadd.s32 $0xFFFFE000  }
0x49: {  	[spmem:s18] =	stream.linear.scatter [tilespmem:s29], [sflag:$0x6], $0x2000, $0x38;
	[tilespmem:$0x1D300] =	vst v63  }
0x4a: {  	_ =	swait.ge [sflag:s30], $0x2000  }
0x4b: {  	[sflag:s30] =	ssyncset.done $0x0  }
0x4c: {  	s17 =	rddreg [dreg:$0xa];
	[sflag:s30] =	ssyncadd.s32 $0xFFFFE000  }
0x4d: {  	[spmem:s17] =	stream.linear.scatter [tilespmem:s29], [sflag:$0x6], $0x2000, $0x38;
	[tilespmem:$0x1D300] =	vst v63  }
0x4e: {  	_ =	swait.ge [sflag:s30], $0x2000  }
0x4f: {  	[sflag:s30] =	ssyncset.done $0x0  }
0x50: {  	s18 =	rddreg [dreg:$0x10];
	[sflag:s30] =	ssyncadd.s32 $0xFFFFE000  }
0x51: {  	[spmem:s18] =	stream.linear.scatter [tilespmem:s29], [sflag:$0x6], $0x2000, $0x38;
	[tilespmem:$0x1D300] =	vst v63  }
0x52: {  	_ =	swait.ge [sflag:s30], $0x2000  }
0x53: {  	[sflag:s30] =	ssyncset.done $0x0  }
0x54: {  	[sflag:s30] =	ssyncadd.s32 $0xFFFFE000  }
0x55: {  	[spmem:s26] =	stream.linear.scatter [tilespmem:s29], [sflag:$0x6], $0x2000, $0x38;
	[tilespmem:$0x1D300] =	vst v63  }
0x56: {  	_ =	swait.ge [sflag:s30], $0x2000  }
0x57: {  	[sflag:s30] =	ssyncset.done $0x0  }
0x58: {  	s17 =	rddreg [dreg:$0x11];
	[sflag:s30] =	ssyncadd.s32 $0xFFFFE000  }
0x59: {  	[spmem:s17] =	stream.linear.scatter [tilespmem:s29], [sflag:$0x6], $0x2000, $0x38;
	[tilespmem:$0x1D300] =	vst v63  }
0x5a: {  	_ =	swait.ge [sflag:s30], $0x2000  }
0x5b: {  	[sflag:s30] =	ssyncset.done $0x0  }
0x5c: {  	[sflag:s30] =	ssyncadd.s32 $0xFFFFE000  }
0x5d: {  	[spmem:s28] =	stream.linear.scatter [tilespmem:s29], [sflag:$0x6], $0x2000, $0x38;
	[tilespmem:$0x1D300] =	vst v63  }
0x5e: {  	_ =	swait.ge [sflag:s30], $0x2000  }
0x5f: {  	[sflag:s30] =	ssyncset.done $0x0  }
0x60: {  	[sflag:s30] =	ssyncadd.s32 $0xFFFFE000  }
0x61: {  	[spmem:s19] =	stream.linear.scatter [tilespmem:s29], [sflag:$0x6], $0x80, $0x38;
	[tilespmem:$0x1D300] =	vst v63  }
0x62: {  	_ =	swait.ge [sflag:s30], $0x80  }
0x63: {  	[sflag:s30] =	ssyncset.done $0x0  }
0x64: {  	s18 =	rddreg [dreg:$0x12];
	[sflag:s30] =	ssyncadd.s32 $0xFFFFFF80  }
0x65: {  	[spmem:s18] =	stream.linear.scatter [tilespmem:s29], [sflag:$0x6], $0x80, $0x38;
	[tilespmem:$0x1D300] =	vst v63  }
0x66: {  	_ =	swait.ge [sflag:s30], $0x80  }
0x67: {  	[sflag:s30] =	ssyncset.done $0x0  }
0x68: {  	s17 =	rddreg [dreg:$0x13];
	[sflag:s30] =	ssyncadd.s32 $0xFFFFFF80  }
0x69: {  	[spmem:s17] =	stream.linear.scatter [tilespmem:s29], [sflag:$0x6], $0x80, $0x38;
	[tilespmem:$0x1D300] =	vst v63  }
0x6a: {  	_ =	swait.ge [sflag:s30], $0x80  }
0x6b: {  	[sflag:s30] =	ssyncset.done $0x0  }
0x6c: {  	[sflag:s30] =	ssyncadd.s32 $0xFFFFFF80  }
0x6d: {  	[spmem:s22] =	stream.linear.scatter [tilespmem:s29], [sflag:$0x6], $0x80, $0x38;
	[tilespmem:$0x1D300] =	vst v63  }
0x6e: {  	_ =	swait.ge [sflag:s30], $0x80  }
0x6f: {  	[sflag:s30] =	ssyncset.done $0x0  }
0x70: {  	[sflag:s30] =	ssyncadd.s32 $0xFFFFFF80  }
0x71: {  	[spmem:s23] =	stream.linear.scatter [tilespmem:s29], [sflag:$0x6], $0x80, $0x38;
	[tilespmem:$0x1D300] =	vst v63  }
0x72: {  	_ =	swait.ge [sflag:s30], $0x80  }
0x73: {  	[sflag:s30] =	ssyncset.done $0x0  }
0x74: {  	[sflag:s30] =	ssyncadd.s32 $0xFFFFFF80  }
0x75: {  	[bflag:$0x0] =	sbarrier.arrive $0xFFFF  }
0x76: {  	s16 =	simm.s32 $0x0;
	s17 =	rddreg [dreg:$0xb]  }
0x77: {  	[tilespmem:s16], [sflag:$0x6] =	stream.linear.gather [hbm4b:s17+s16], $0x2800, $0x38;
	[tilespmem:$0x1D300] =	vst v63  }
0x78: {  	_ =	swait.ge [sflag:s30], $0x2800  }
0x79: {  	[sflag:s30] =	ssyncset.done $0x0  }
0x7a: {  	s18 =	rddreg [dreg:$0xc];
	[sflag:s30] =	ssyncadd.s32 $0xFFFFD800  }
0x7b: {  	[tilespmem:s31], [sflag:$0x6] =	stream.linear.gather [hbm4b:s18+s16], $0x2800, $0x38;
	[tilespmem:$0x1D300] =	vst v63  }
0x7c: {  	_ =	swait.ge [sflag:s30], $0x2800  }
0x7d: {  	[sflag:s30] =	ssyncset.done $0x0  }
0x7e: {  	[sflag:s30] =	ssyncadd.s32 $0xFFFFD800  }
0x7f: {  	[tilespmem:s29], [sflag:$0x1] =	stream.indirect.gather [hbm4b:s1+s0], $0x80, s16, s0, $0xb8;
	[tilespmem:$0x1D300] =	vst v63  }
0x80: {  	_ = 	snop  }
0x81: {  	[tilespmem:s7], [sflag:$0x2] =	stream.indirect.gather [hbm4b:s1+s0], $0x80, s4, s0, $0xb8;
	[tilespmem:$0x1D300] =	vst v63  }
0x82: {  	_ =	swait.ge [sflag:s8], $0x2000  }
0x83: {  	[sflag:s8] =	ssyncset.done $0x0  }
0x84: {  	s18 =	simm.s32 $0x2800;
	[sflag:s8] =	ssyncadd.s32 $0xFFFFE000  }
0x85: {  	[spmem:s2] =	stream.indirect.scatter.add.f32 [tilespmem:s29], [sflag:$0x3], $0x80, s18, s0, $0xb8;
	[tilespmem:$0x1D300] =	vst v63  }
0x86: {  	_ = 	snop  }
0x87: {  	[spmem:s3] =	stream.indirect.scatter.add.f32 [tilespmem:s9], [sflag:$0x5], $0x1, s18, s0, $0xb8;
	[tilespmem:$0x1D300] =	vst v63  }
0x88: {  	_ =	swait.ge [sflag:s10], $0x2000  }
0x89: {  	[sflag:s10] =	ssyncset.done $0x0  }
0x8a: {  	s17 =	simm.s32 $0x2880;
	[sflag:s10] =	ssyncadd.s32 $0xFFFFE000  }
0x8b: {  	[spmem:s2] =	stream.indirect.scatter.add.f32 [tilespmem:s7], [sflag:$0x4], $0x80, s17, s0, $0xb8;
	[tilespmem:$0x1D300] =	vst v63  }
0x8c: {  	_ = 	snop  }
0x8d: {  	[spmem:s3] =	stream.indirect.scatter.add.f32 [tilespmem:s9], [sflag:$0x5], $0x1, s17, s0, $0xb8;
	[tilespmem:$0x1D300] =	vst v63  }
0x8e: {  	_ =	swait.ge [sflag:s11], $0x2000  }
0x8f: {  	[sflag:s11] =	ssyncset.done $0x0  }
0x90: {  	s18 =	simm.s32 $0x100;
	[sflag:s11] =	ssyncadd.s32 $0xFFFFE000  }
0x91: {  	[tilespmem:s29], [sflag:$0x1] =	stream.indirect.gather [hbm4b:s1+s0], $0x80, s18, s0, $0xb8;
	[tilespmem:$0x1D300] =	vst v63  }
0x92: {  	_ =	swait.ge [sflag:s12], $0x2000  }
0x93: {  	[sflag:s12] =	ssyncset.done $0x0  }
0x94: {  	s16 =	simm.s32 $0x400;
	s17 =	simm.s32 $0x180;
	[sflag:s12] =	ssyncadd.s32 $0xFFFFE000  }
.LBB2_4:
0x95: {  	[tilespmem:s7], [sflag:$0x2] =	stream.indirect.gather [hbm4b:s1+s0], $0x80, s17, s0, $0xb8;
	[tilespmem:$0x1D300] =	vst v63  }
0x96: {  	s17 =	smov.u32 s16  }
0x97: {  	p0 =	sne.s32 s16, $0x9800;
	s16 =	sadd.s32 $0x400, s16;
	_ =	swait.ge [sflag:s8], $0x2000  }
0x98: {  	s17 =	sshra.s32 s17, $0x2;
	[sflag:s8] =	ssyncset.done $0x0  }
0x99: {  	s18 =	sadd.s32 $0x2800, s17;
	[sflag:s8] =	ssyncadd.s32 $0xFFFFE000  }
0x9a: {  	[spmem:s2] =	stream.indirect.scatter.add.f32 [tilespmem:s29], [sflag:$0x3], $0x80, s18, s0, $0xb8;
	[tilespmem:$0x1D300] =	vst v63  }
0x9b: {  	_ = 	snop  }
0x9c: {  	[spmem:s3] =	stream.indirect.scatter.add.f32 [tilespmem:s9], [sflag:$0x5], $0x1, s18, s0, $0xb8;
	[tilespmem:$0x1D300] =	vst v63  }
0x9d: {  	_ =	swait.ge [sflag:s10], $0x2000  }
0x9e: {  	[sflag:s10] =	ssyncset.done $0x0  }
0x9f: {  	s18 =	sadd.s32 $0x2880, s17;
	[sflag:s10] =	ssyncadd.s32 $0xFFFFE000  }
0xa0: {  	[spmem:s2] =	stream.indirect.scatter.add.f32 [tilespmem:s7], [sflag:$0x4], $0x80, s18, s0, $0xb8;
	[tilespmem:$0x1D300] =	vst v63  }
0xa1: {  	_ = 	snop  }
0xa2: {  	[spmem:s3] =	stream.indirect.scatter.add.f32 [tilespmem:s9], [sflag:$0x5], $0x1, s18, s0, $0xb8;
	[tilespmem:$0x1D300] =	vst v63  }
0xa3: {  	_ =	swait.ge [sflag:s11], $0x2000  }
0xa4: {  	[sflag:s11] =	ssyncset.done $0x0  }
.Ltmp1:
0xa5: {  	s18 =	sadd.s32 $0x100, s17;
	[sflag:s11] =	ssyncadd.s32 $0xFFFFE000;
	(pc) =	sbr.rel @p0 .LBB2_4-.Ltmp1, $4  }
0xa6: {  	[tilespmem:s29], [sflag:$0x1] =	stream.indirect.gather [hbm4b:s1+s0], $0x80, s18, s0, $0xb8;
	[tilespmem:$0x1D300] =	vst v63  }
0xa7: {  	_ =	swait.ge [sflag:s12], $0x2000  }
0xa8: {  	[sflag:s12] =	ssyncset.done $0x0  }
0xa9: {  	s17 =	sadd.s32 $0x180, s17;
	[sflag:s12] =	ssyncadd.s32 $0xFFFFE000  }
0xaa: {  	[tilespmem:s7], [sflag:$0x2] =	stream.indirect.gather [hbm4b:s1+s0], $0x80, s17, s0, $0xb8;
	[tilespmem:$0x1D300] =	vst v63  }
0xab: {  	_ =	swait.ge [sflag:s8], $0x2000  }
0xac: {  	[sflag:s8] =	ssyncset.done $0x0  }
0xad: {  	[sflag:s8] =	ssyncadd.s32 $0xFFFFE000  }
0xae: {  	[spmem:s2] =	stream.indirect.scatter.add.f32 [tilespmem:s29], [sflag:$0x3], $0x80, s13, s0, $0xb8;
	[tilespmem:$0x1D300] =	vst v63  }
0xaf: {  	_ = 	snop  }
0xb0: {  	[spmem:s3] =	stream.indirect.scatter.add.f32 [tilespmem:s9], [sflag:$0x5], $0x1, s13, s0, $0xb8;
	[tilespmem:$0x1D300] =	vst v63  }
0xb1: {  	_ =	swait.ge [sflag:s10], $0x2000  }
0xb2: {  	[sflag:s10] =	ssyncset.done $0x0  }
0xb3: {  	[sflag:s10] =	ssyncadd.s32 $0xFFFFE000  }
0xb4: {  	[spmem:s2] =	stream.indirect.scatter.add.f32 [tilespmem:s7], [sflag:$0x4], $0x80, s14, s0, $0xb8;
	[tilespmem:$0x1D300] =	vst v63  }
0xb5: {  	_ = 	snop  }
0xb6: {  	[spmem:s3] =	stream.indirect.scatter.add.f32 [tilespmem:s9], [sflag:$0x5], $0x1, s14, s0, $0xb8;
	[tilespmem:$0x1D300] =	vst v63  }
0xb7: {  	_ =	swait.ge [sflag:s11], $0x2000  }
0xb8: {  	[sflag:s11] =	ssyncset.done $0x0  }
0xb9: {  	[sflag:s11] =	ssyncadd.s32 $0xFFFFE000  }
0xba: {  	_ =	swait.ge [sflag:s12], $0x2000  }
0xbb: {  	[sflag:s12] =	ssyncset.done $0x0  }
0xbc: {  	[sflag:s12] =	ssyncadd.s32 $0xFFFFE000  }
0xbd: {  	_ =	swait.ge [sflag:s15], $0x40  }
0xbe: {  	s16 =	simm.s32 $0x4F;
	[sflag:s15] =	ssyncset.done $0x0  }
.LBB2_6:
0xbf: {  	p0 =	sne.s32 s16, $0x1;
	s16 =	sadd.s32 $0xFFFFFFFF, s16;
	[sflag:s15] =	ssyncadd.s32 $0xFFFFFFC0  }
.Ltmp2:
0xc0: {  	(pc) =	sbr.rel @p0 .LBB2_6-.Ltmp2, $3  }
0xc1: {  	_ =	sdelay $0x1  }
0xc2: {  	_ =	swait.ge [sflag:s15], $0x40  }
0xc3: {  	[sflag:s15] =	ssyncset.done $0x0  }
0xc4: {  	[sflag:s15] =	ssyncadd.s32 $0xFFFFFFC0;
	s16 =	simm.s32 $0x0;
	s17 =	rddreg [dreg:$0xd]  }
0xc5: {  	[tilespmem:s16], [sflag:$0x6] =	stream.linear.gather [hbm4b:s17+s16], $0x2800, $0x38;
	[tilespmem:$0x1D300] =	vst v63  }
0xc6: {  	_ =	swait.ge [sflag:s30], $0x2800  }
0xc7: {  	[sflag:s30] =	ssyncset.done $0x0  }
0xc8: {  	s18 =	rddreg [dreg:$0xe];
	[sflag:s30] =	ssyncadd.s32 $0xFFFFD800  }
0xc9: {  	[tilespmem:s31], [sflag:$0x6] =	stream.linear.gather [hbm4b:s18+s16], $0x2800, $0x38;
	[tilespmem:$0x1D300] =	vst v63  }
0xca: {  	_ =	swait.ge [sflag:s30], $0x2800  }
0xcb: {  	[sflag:s30] =	ssyncset.done $0x0  }
0xcc: {  	[sflag:s30] =	ssyncadd.s32 $0xFFFFD800  }
0xcd: {  	[tilespmem:s29], [sflag:$0x1] =	stream.indirect.gather [hbm4b:s1+s0], $0x80, s16, s0, $0xb8;
	[tilespmem:$0x1D300] =	vst v63  }
0xce: {  	_ = 	snop  }
0xcf: {  	[tilespmem:s7], [sflag:$0x2] =	stream.indirect.gather [hbm4b:s1+s0], $0x80, s4, s0, $0xb8;
	[tilespmem:$0x1D300] =	vst v63  }
0xd0: {  	_ =	swait.ge [sflag:s8], $0x2000  }
0xd1: {  	[sflag:s8] =	ssyncset.done $0x0  }
0xd2: {  	s18 =	simm.s32 $0x2800;
	[sflag:s8] =	ssyncadd.s32 $0xFFFFE000  }
0xd3: {  	[spmem:s2] =	stream.indirect.scatter.add.f32 [tilespmem:s29], [sflag:$0x3], $0x80, s18, s0, $0xb8;
	[tilespmem:$0x1D300] =	vst v63  }
0xd4: {  	_ = 	snop  }
0xd5: {  	[spmem:s3] =	stream.indirect.scatter.add.f32 [tilespmem:s9], [sflag:$0x5], $0x1, s18, s0, $0xb8;
	[tilespmem:$0x1D300] =	vst v63  }
0xd6: {  	_ =	swait.ge [sflag:s10], $0x2000  }
0xd7: {  	[sflag:s10] =	ssyncset.done $0x0  }
0xd8: {  	s17 =	simm.s32 $0x2880;
	[sflag:s10] =	ssyncadd.s32 $0xFFFFE000  }
0xd9: {  	[spmem:s2] =	stream.indirect.scatter.add.f32 [tilespmem:s7], [sflag:$0x4], $0x80, s17, s0, $0xb8;
	[tilespmem:$0x1D300] =	vst v63  }
0xda: {  	_ = 	snop  }
0xdb: {  	[spmem:s3] =	stream.indirect.scatter.add.f32 [tilespmem:s9], [sflag:$0x5], $0x1, s17, s0, $0xb8;
	[tilespmem:$0x1D300] =	vst v63  }
0xdc: {  	_ =	swait.ge [sflag:s11], $0x2000  }
0xdd: {  	[sflag:s11] =	ssyncset.done $0x0  }
0xde: {  	s18 =	simm.s32 $0x100;
	[sflag:s11] =	ssyncadd.s32 $0xFFFFE000  }
0xdf: {  	[tilespmem:s29], [sflag:$0x1] =	stream.indirect.gather [hbm4b:s1+s0], $0x80, s18, s0, $0xb8;
	[tilespmem:$0x1D300] =	vst v63  }
0xe0: {  	_ =	swait.ge [sflag:s12], $0x2000  }
0xe1: {  	[sflag:s12] =	ssyncset.done $0x0  }
0xe2: {  	s16 =	simm.s32 $0x400;
	s17 =	simm.s32 $0x180;
	[sflag:s12] =	ssyncadd.s32 $0xFFFFE000  }
.LBB2_8:
0xe3: {  	[tilespmem:s7], [sflag:$0x2] =	stream.indirect.gather [hbm4b:s1+s0], $0x80, s17, s0, $0xb8;
	[tilespmem:$0x1D300] =	vst v63  }
0xe4: {  	s17 =	smov.u32 s16  }
0xe5: {  	p0 =	sne.s32 s16, $0x9800;
	s16 =	sadd.s32 $0x400, s16;
	_ =	swait.ge [sflag:s8], $0x2000  }
0xe6: {  	s17 =	sshra.s32 s17, $0x2;
	[sflag:s8] =	ssyncset.done $0x0  }
0xe7: {  	s18 =	sadd.s32 $0x2800, s17;
	[sflag:s8] =	ssyncadd.s32 $0xFFFFE000  }
0xe8: {  	[spmem:s2] =	stream.indirect.scatter.add.f32 [tilespmem:s29], [sflag:$0x3], $0x80, s18, s0, $0xb8;
	[tilespmem:$0x1D300] =	vst v63  }
0xe9: {  	_ = 	snop  }
0xea: {  	[spmem:s3] =	stream.indirect.scatter.add.f32 [tilespmem:s9], [sflag:$0x5], $0x1, s18, s0, $0xb8;
	[tilespmem:$0x1D300] =	vst v63  }
0xeb: {  	_ =	swait.ge [sflag:s10], $0x2000  }
0xec: {  	[sflag:s10] =	ssyncset.done $0x0  }
0xed: {  	s18 =	sadd.s32 $0x2880, s17;
	[sflag:s10] =	ssyncadd.s32 $0xFFFFE000  }
0xee: {  	[spmem:s2] =	stream.indirect.scatter.add.f32 [tilespmem:s7], [sflag:$0x4], $0x80, s18, s0, $0xb8;
	[tilespmem:$0x1D300] =	vst v63  }
0xef: {  	_ = 	snop  }
0xf0: {  	[spmem:s3] =	stream.indirect.scatter.add.f32 [tilespmem:s9], [sflag:$0x5], $0x1, s18, s0, $0xb8;
	[tilespmem:$0x1D300] =	vst v63  }
0xf1: {  	_ =	swait.ge [sflag:s11], $0x2000  }
0xf2: {  	[sflag:s11] =	ssyncset.done $0x0  }
.Ltmp3:
0xf3: {  	s18 =	sadd.s32 $0x100, s17;
	[sflag:s11] =	ssyncadd.s32 $0xFFFFE000;
	(pc) =	sbr.rel @p0 .LBB2_8-.Ltmp3, $4  }
0xf4: {  	[tilespmem:s29], [sflag:$0x1] =	stream.indirect.gather [hbm4b:s1+s0], $0x80, s18, s0, $0xb8;
	[tilespmem:$0x1D300] =	vst v63  }
0xf5: {  	_ =	swait.ge [sflag:s12], $0x2000  }
0xf6: {  	[sflag:s12] =	ssyncset.done $0x0  }
0xf7: {  	s17 =	sadd.s32 $0x180, s17;
	[sflag:s12] =	ssyncadd.s32 $0xFFFFE000  }
0xf8: {  	[tilespmem:s7], [sflag:$0x2] =	stream.indirect.gather [hbm4b:s1+s0], $0x80, s17, s0, $0xb8;
	[tilespmem:$0x1D300] =	vst v63  }
0xf9: {  	_ =	swait.ge [sflag:s8], $0x2000  }
0xfa: {  	[sflag:s8] =	ssyncset.done $0x0  }
0xfb: {  	[sflag:s8] =	ssyncadd.s32 $0xFFFFE000  }
0xfc: {  	[spmem:s2] =	stream.indirect.scatter.add.f32 [tilespmem:s29], [sflag:$0x3], $0x80, s13, s0, $0xb8;
	[tilespmem:$0x1D300] =	vst v63  }
0xfd: {  	_ = 	snop  }
0xfe: {  	[spmem:s3] =	stream.indirect.scatter.add.f32 [tilespmem:s9], [sflag:$0x5], $0x1, s13, s0, $0xb8;
	[tilespmem:$0x1D300] =	vst v63  }
0xff: {  	_ =	swait.ge [sflag:s10], $0x2000  }
0x100: {  	[sflag:s10] =	ssyncset.done $0x0  }
0x101: {  	[sflag:s10] =	ssyncadd.s32 $0xFFFFE000  }
0x102: {  	[spmem:s2] =	stream.indirect.scatter.add.f32 [tilespmem:s7], [sflag:$0x4], $0x80, s14, s0, $0xb8;
	[tilespmem:$0x1D300] =	vst v63  }
0x103: {  	_ = 	snop  }
0x104: {  	[spmem:s3] =	stream.indirect.scatter.add.f32 [tilespmem:s9], [sflag:$0x5], $0x1, s14, s0, $0xb8;
	[tilespmem:$0x1D300] =	vst v63  }
0x105: {  	_ =	swait.ge [sflag:s11], $0x2000  }
0x106: {  	[sflag:s11] =	ssyncset.done $0x0  }
0x107: {  	[sflag:s11] =	ssyncadd.s32 $0xFFFFE000  }
0x108: {  	_ =	swait.ge [sflag:s12], $0x2000  }
0x109: {  	[sflag:s12] =	ssyncset.done $0x0  }
0x10a: {  	[sflag:s12] =	ssyncadd.s32 $0xFFFFE000  }
0x10b: {  	_ =	swait.ge [sflag:s15], $0x40  }
0x10c: {  	s16 =	simm.s32 $0x4F;
	[sflag:s15] =	ssyncset.done $0x0  }
.LBB2_10:
0x10d: {  	p0 =	sne.s32 s16, $0x1;
	s16 =	sadd.s32 $0xFFFFFFFF, s16;
	[sflag:s15] =	ssyncadd.s32 $0xFFFFFFC0  }
.Ltmp4:
0x10e: {  	(pc) =	sbr.rel @p0 .LBB2_10-.Ltmp4, $3  }
0x10f: {  	_ =	sdelay $0x1  }
0x110: {  	_ =	swait.ge [sflag:s15], $0x40  }
0x111: {  	[sflag:s15] =	ssyncset.done $0x0  }
0x112: {  	s16 =	stileid.u32  }
0x113: {  	[sflag:s15] =	ssyncadd.s32 $0xFFFFFFC0;
	s16 =	sshll.u32 s16, $0x6  }
0x114: {  	s17 =	sshrl.u32 s6, $0x3;
	[bflag:$0x0] =	sbarrier.arrive $0xFFFF;
	s16 =	sor.u32 $0x1C06, s16  }
0x115: {  	[hbm:s24], [sflag:s16] =	dma.local [spmem:s17], $0x2800  }
0x116: {  	s5 =	sadd.s32 $0x1, s5;
	_ =	swait.ge [sflag:s30], $0x2800  }
0x117: {  	p0 =	sne.s32 s5, s25;
	s17 =	sshrl.u32 s19, $0x3;
	[sflag:s30] =	ssyncset.done $0x0  }
.Ltmp5:
0x118: {  	s18 =	rddreg [dreg:$0xf];
	[sflag:s30] =	ssyncadd.s32 $0xFFFFD800;
	(pc) =	sbr.rel @p0 .LBB2_1-.Ltmp5, $4  }
0x119: {  	[hbm:s18@s20], [sflag:s16] =	dma.strided [spmem:s17@s21], $0x50, s8, $0x10   }
0x11a: {  	_ =	swait.ge [sflag:s30], $0x50  }
0x11b: {  	[sflag:s30] =	ssyncset.done $0x0  }
0x11c: {  	[sflag:s30] =	ssyncadd.s32 $0xFFFFFFB0  }
0x11d: {  	_ =	sfence.sel $0x180000  }
0x11e: {  	[bflag:$0x0] =	sbarrier.arrive $0xFFFF  }
0x11f: {  	_ =	strace $0x90000047  }
0x120: {  	s0 =	stileid.u32;
	[bflag:$0x2] =	sbarrier.arrive $0xFFFF  }
0x121: {  	p0 =	sne.s32 s0, $0x0;
	s0 =	rddreg [dreg:$0x5]  }
0x122: {  	s0 =	sadd.s32 @!p0 $0x100000, s0  }
0x123: {  	[sflag:s0] =	ssyncadd.tile.s32 @!p0 $0x1;
	_ =	shalt  }
.Lfunc_end2:
_tile_overlayer_lowered:
.L_overlay_start_2:
0x124: {  	(tag) =	ssettag $0x2  }
0x125: {  	s0 =	rddreg [dreg:$0x0];
	s2 =	stileid.u32  }
0x126: {  	s1 =	rddreg [dreg:$0x1];
	p0 =	sne.s32 s2, $0x0  }
0x127: {  	s3 =	rddreg [dreg:$0x2];
	[bflag:$0x3] =	sbarrier.arrive $0xFFFF;
	s2 =	simm.s32 @!p0 $0x1C06  }
0x128: {  	[timem:s3], [sflag:s2] =	dma.local @!p0 [hbm:s0], s1  }
0x129: {  	s0 =	simm.s32 @!p0 $0x6  }
0x12a: {  	_ =	swait.ge @!p0 [sflag:s0], s1  }
0x12b: {  	s1 =	ssub.s32 @!p0 $0x0, s1;
	[sflag:s0] =	ssyncset.done @!p0 $0x0  }
0x12c: {  	[sflag:s0] =	ssyncadd.s32 @!p0 s1  }
0x12d: {  	[bflag:$0x3] =	sbarrier.arrive $0xFFFF  }
0x12e: {  	_ =	shalt  }

// kernel: kernel.9.cloned.1.call-start
scs
__scs_entry_jumppad:
0x0: {  	(pc) =	sbr.rel $0x88, $3  }
0x1: {  	(tag) =	ssettag $0x0;
	lr =	simm.s32 $0x1  }
0x2: {  	[smem:$0x3F95] =	sst lr;
	_ =	strace $0xD0000000  }
0x3: {  	_ = 	snop  }
0x4: {  	_ = 	snop  }
0x5: {  	_ = 	snop  }
0x6: {  	_ = 	snop  }
0x7: {  	_ = 	snop  }
__scs_overlays_trampoline_lowered:
0x8: {  	[smem:$0x3FA4] =	sst s0  }
0x9: {  	[smem:$0x3FA5] =	sst s1  }
0xa: {  	[smem:$0x3FA6] =	sst s2  }
0xb: {  	[smem:$0x3FA7] =	sst s3  }
0xc: {  	[smem:$0x3FA8] =	sst s4  }
0xd: {  	[smem:$0x3FA9] =	sst s5  }
0xe: {  	[smem:$0x3FAA] =	sst s6  }
0xf: {  	[smem:$0x3FAB] =	sst s7  }
0x10: {  	[smem:$0x3FAC] =	sst s8  }
0x11: {  	[smem:$0x3FAD] =	sst s9;
	s0 =	simm.s32 @!p0 $0x0  }
0x12: {  	s1 =	sld [smem:$0x3F93];
	s0 =	simm.s32 @p0 $0x1  }
0x13: {  	[smem:$0x3FAE] =	sst s0;
	s0 =	simm.s32 @!p1 $0x0  }
0x14: {  	s2 =	sld [smem:$0x3F92];
	s0 =	simm.s32 @p1 $0x1  }
0x15: {  	[smem:$0x3FAF] =	sst s0;
	s0 =	simm.s32 @!p2 $0x0  }
0x16: {  	s3 =	sld [smem:$0x3FDB];
	s0 =	simm.s32 @p2 $0x1  }
0x17: {  	s4 =	simm.s32 $0x1BF5;
	[smem:$0x3FB1] =	sst s0  }
0x18: {  	s0 =	sld [smem:$0x3F94];
	_ =	swait.ge [sflag:s4], $0x0  }
0x19: {  	s7 =	sld [smem:$0x3F95]  }
0x1a: {  	s8 =	sadd.s32 $0xFFFFE003, lr  }
0x1b: {  	s9 =	sadd.s32 $0xFFFFFEF7, lr;
	s5 =	simm.s32 $0xFFFFFFFF;
	p2 =	slt.u32 s8, $0xFFFFF086  }
0x1c: {  	p1 =	slt.u32 s9, $0xF7A;
	s5 =	simm.s32 @!p2 $0x0  }
0x1d: {  	s5 =	simm.s32 @p1 $0x1;
	p0 =	seq.s32 s7, s2  }
0x1e: {  	s7 =	smul.u32 @!p0 $0xF7A, s2;
	p2 =	seq.s32 @!p0 s5, $0x0  }
0x1f: {  	s9 =	smul.u32 $0xF7A, s1;
	s8 =	simm.s32 @!p0 $0x1BF5;
	p2 =	por !p2, p0  }
0x20: {  	[sflag:s8] =	ssyncset.s32 @!p0 $0xFFFFF086;
	s6 =	sadd.s32 @!p0 s3, s7;
	s7 =	simm.s32 @!p0 $0x108  }
0x21: {  	s3 =	sadd.s32 s3, s9;
	s6 =	sadd.s32 @!p0 $0x88, s6;
	s7 =	simm.s32 @p2 $0x1082  }
0x22: {  	[simem:s7], [sflag:s8] =	dma.local @!p0 [hbm:s6], $0xF7A  }
0x23: {  	s9 =	sor.u32 $0xD0000000, s2;
	s6 =	simm.s32 $0x108;
	_ =	swait.ge @!p0 [sflag:s8], $0x0  }
0x24: {  	s3 =	sadd.s32 $0x88, s3;
	s6 =	simm.s32 @!p1 $0x1082;
	[sflag:s4] =	ssyncset.s32 $0xFFFFF086  }
0x25: {  	[simem:s6], [sflag:s4] =	dma.local [hbm:s3], $0xF7A  }
0x26: {  	[smem:$0x3F95] =	sst s1;
	(tag) =	ssettag s2;
	_ =	strace s9  }
0x27: {  	s1 =	sld [smem:$0x3FA5]  }
0x28: {  	s2 =	sld [smem:$0x3FA6]  }
0x29: {  	s4 =	sld [smem:$0x3FA8]  }
0x2a: {  	p0 =	seq.s32 s5, $0x0;
	s5 =	sld [smem:$0x3FA9]  }
0x2b: {  	s6 =	sld [smem:$0x3FAA]  }
0x2c: {  	s7 =	sld [smem:$0x3FAB]  }
0x2d: {  	s3 =	simm.s32 $0x108;
	s8 =	sld [smem:$0x3FAC]  }
0x2e: {  	s3 =	simm.s32 @!p0 $0x1082;
	s9 =	sld [smem:$0x3FAD]  }
0x2f: {  	lr =	sadd.s32 s0, s3;
	s0 =	sld [smem:$0x3FA4]  }
0x30: {  	s3 =	sld [smem:$0x3FA7]  }
0x31: {  	[smem:$0x3FB0] =	sst s10  }
0x32: {  	s10 =	sld [smem:$0x3FAE];
	_ =	sdelay $0x3  }
0x33: {  	p0 =	seq.s32 s10, $0x1;
	s10 =	sld [smem:$0x3FB0];
	_ =	sdelay $0x3  }
0x34: {  	[smem:$0x3FB0] =	sst s10  }
0x35: {  	s10 =	sld [smem:$0x3FAF];
	_ =	sdelay $0x3  }
0x36: {  	p1 =	seq.s32 s10, $0x1;
	s10 =	sld [smem:$0x3FB0];
	_ =	sdelay $0x3  }
0x37: {  	[smem:$0x3FB0] =	sst s10  }
0x38: {  	s10 =	sld [smem:$0x3FB1]  }
0x39: {  	_ = 	snop;
	(pc) =	sbr.ind lr, $3  }
0x3a: {  	_ = 	snop  }
0x3b: {  	_ = 	snop  }
0x3c: {  	p2 =	seq.s32 s10, $0x1;
	s10 =	sld [smem:$0x3FB0]  }
0x3d: {  	_ =	shalt  }
0x3e: {  	_ =	shalt  }
0x3f: {  	_ =	shalt  }
0x40: {  	_ =	shalt  }
0x41: {  	_ =	shalt  }
0x42: {  	_ =	shalt  }
0x43: {  	_ =	shalt  }
0x44: {  	_ =	shalt  }
0x45: {  	_ =	shalt  }
0x46: {  	_ =	shalt  }
0x47: {  	_ =	shalt  }
0x48: {  	_ =	shalt  }
0x49: {  	_ =	shalt  }
0x4a: {  	_ =	shalt  }
0x4b: {  	_ =	shalt  }
0x4c: {  	_ =	shalt  }
0x4d: {  	_ =	shalt  }
0x4e: {  	_ =	shalt  }
0x4f: {  	_ =	shalt  }
0x50: {  	_ =	shalt  }
0x51: {  	_ =	shalt  }
0x52: {  	_ =	shalt  }
0x53: {  	_ =	shalt  }
0x54: {  	_ =	shalt  }
0x55: {  	_ =	shalt  }
0x56: {  	_ =	shalt  }
0x57: {  	_ =	shalt  }
0x58: {  	_ =	shalt  }
0x59: {  	_ =	shalt  }
0x5a: {  	_ =	shalt  }
0x5b: {  	_ =	shalt  }
0x5c: {  	_ =	shalt  }
0x5d: {  	_ =	shalt  }
0x5e: {  	_ =	shalt  }
0x5f: {  	_ =	shalt  }
0x60: {  	_ =	shalt  }
0x61: {  	_ =	shalt  }
0x62: {  	_ =	shalt  }
0x63: {  	_ =	shalt  }
0x64: {  	_ =	shalt  }
0x65: {  	_ =	shalt  }
0x66: {  	_ =	shalt  }
0x67: {  	_ =	shalt  }
0x68: {  	_ =	shalt  }
0x69: {  	_ =	shalt  }
0x6a: {  	_ =	shalt  }
0x6b: {  	_ =	shalt  }
0x6c: {  	_ =	shalt  }
0x6d: {  	_ =	shalt  }
0x6e: {  	_ =	shalt  }
0x6f: {  	_ =	shalt  }
0x70: {  	_ =	shalt  }
0x71: {  	_ =	shalt  }
0x72: {  	_ =	shalt  }
0x73: {  	_ =	shalt  }
0x74: {  	_ =	shalt  }
0x75: {  	_ =	shalt  }
0x76: {  	_ =	shalt  }
0x77: {  	_ =	shalt  }
0x78: {  	_ =	shalt  }
0x79: {  	_ =	shalt  }
0x7a: {  	_ =	shalt  }
0x7b: {  	_ =	shalt  }
0x7c: {  	_ =	shalt  }
0x7d: {  	_ =	shalt  }
0x7e: {  	_ =	shalt  }
0x7f: {  	_ =	shalt  }
0x80: {  	_ =	shalt  }
0x81: {  	_ =	shalt  }
0x82: {  	_ =	shalt  }
0x83: {  	_ =	shalt  }
0x84: {  	_ =	shalt  }
0x85: {  	_ =	shalt  }
0x86: {  	_ =	shalt  }
0x87: {  	_ =	shalt  }
.Lfunc_end0:
.L_simem_size_0:
called_computation.1_lowered:
.L_overlay_start_0:
0x88: {  	s2 =	sld [smem:$0x3FD9]  }
0x89: {  	s3 =	sld [smem:$0x3FFE];
	_ =	sdelay $0x1  }
0x8a: {  	s1 =	srdreg.scid  }
0x8b: {  	s0 =	sand.u32 $0x1, s1  }
0x8c: {  	s17 =	sshll.u32 s0, $0xA;
	s2 =	sadd.s32 s3, s2  }
0x8d: {  	s2 =	sadd.s32 s2, s17  }
0x8e: {  	[smem:$0x3FBC] =	sst s2  }
0x8f: {  	_ = 	snop  }
0x90: {  	s2 =	sld [smem:$0x3FD0];
	(tm) =	ssettm $0x1  }
0x91: {  	s18 =	sld [smem:$0x3FFB];
	_ =	sdelay $0x3  }
0x92: {  	_ =	strace s18  }
0x93: {  	s3 =	sld [smem:$0x3FFC];
	_ =	sdelay $0x3  }
0x94: {  	_ =	strace s3  }
0x95: {  	s3 =	sld [smem:$0x3FFD];
	_ =	sdelay $0x3  }
0x96: {  	_ =	strace s3  }
0x97: {  	_ =	strace $0x8FFFFFFF  }
0x98: {  	s19 =	sld [smem:$0x3FDB];
	_ =	sdelay $0x1  }
0x99: {  	s4 =	simm.s32 $_scs_section_size  }
0x9a: {  	s5 =	simm.s32 $_size__tile_overlayer_lowered;
	s6 =	simm.s32 $_tile_overlayer_lowered  }
0x9b: {  	s22 =	simm.s32 $0x1BFF;
	s21 =	sshll.u32 s6, $0x1;
	s3 =	sadd.s32 s4, s19  }
0x9c: {  	s7 =	simm.s32 $0x0;
	s20 =	sshll.u32 s5, $0x1;
	s5 =	sadd.s32 s21, s3  }
0x9d: {  	[timem:s7], [sflag:s22] =	dma.local [hbm:s5], s20  }
0x9e: {  	_ =	swait.ge [sflag:s22], s20  }
0x9f: {  	s4 =	ssub.s32 $0x0, s20;
	[sflag:s22] =	ssyncset.done $0x0  }
0xa0: {  	[sflag:s22] =	ssyncadd.s32 s4;
	_ =	sdelay $0x1  }
0xa1: {  	s23 =	simm.s32 $0x1B8B  }
0xa2: {  	_ =	swait.ge [sflag:s23], $0x1  }
0xa3: {  	[sflag:s23] =	ssyncset.done $0x0  }
0xa4: {  	s25 =	simm.s32 $0x1B8E;
	s24 =	sld [smem:$0x3FFE];
	[sflag:s23] =	ssyncadd.s32 $0xFFFFFFFF  }
0xa5: {  	s26 =	simm.s32 $execute0_lowered;
	[smem:$0x3FD2] =	sst s25  }
0xa6: {  	s5 =	sshll.u32 s26, $0x1;
	_ =	strace $0x80000049;
	[dreg:$0x1] =	wrdreg $0xFFFFFFFF  }
0xa7: {  	s28 =	simm.s32 $_size_execute0_lowered;
	s3 =	sadd.s32 s3, s5;
	[dreg:$0x0] =	wrdreg $0x0  }
0xa8: {  	s5 =	sshll.u32 s28, $0x1;
	[dreg:$0x2] =	wrdreg s3  }
0xa9: {  	[dreg:$0x3] =	wrdreg s5  }
0xaa: {  	[dreg:$0x4] =	wrdreg $0xC0  }
0xab: {  	_ =	task [dreg:s7], $0x5FFFF  }
0xac: {  	[dreg:$0x1] =	wrdreg $0xFFFFFFFF  }
0xad: {  	[dreg:$0x0] =	wrdreg $0x60  }
0xae: {  	[dreg:$0x2] =	wrdreg s2  }
0xaf: {  	[dreg:$0x3] =	wrdreg s24  }
0xb0: {  	[dreg:$0x4] =	wrdreg $0x90000  }
0xb1: {  	[dreg:$0x5] =	wrdreg $0x9  }
0xb2: {  	_ =	task.clear_ibuf [dreg:s7], $0x6FFFF;
	_ =	strace $0x90000049  }
0xb3: {  	s29 =	simm.s32 $0x9;
	_ =	strace $0x8000004B  }
0xb4: {  	_ =	swait.ge [sflag:s29], $0x1  }
0xb5: {  	[sflag:s29] =	ssyncadd.s32 $0xFFFFFFFF  }
0xb6: {  	_ =	strace $0x9000004B  }
0xb7: {  	_ =	sfence  }
0xb8: {  	s30 =	sld [smem:$0x0];
	_ =	sdelay $0x2  }
0xb9: {  	s31 =	sshll.u32 s1, $0xD;
	s1 =	sshrl.u32 s1, $0x2  }
0xba: {  	s3 =	sand.u32 $0x4000, s31;
	s1 =	sadd.s32 s1, s30  }
0xbb: {  	s0 =	sor.u32 s3, s0;
	s1 =	sshll.u32 s1, $0x11  }
0xbc: {  	s0 =	sor.u32 s1, s0  }
0xbd: {  	s0 =	sadd.s32 $0x8F2B, s0  }
0xbe: {  	[sflag:s0] =	ssyncadd.remote.s32 $0x1  }
0xbf: {  	_ =	sfence.sel $0xFFFF  }
0xc0: {  	[dreg:$0x0] =	wrdreg $0xFFFFFFFF;
	(pc) =	sbr.abs _section_cstart, $3  }
0xc1: {  	[dreg:$0x1] =	wrdreg $0xFFFFFFFF  }
0xc2: {  	_ =	task.clear_ibuf [dreg:s7], $0x2FFFF;
	_ =	strace $0x9FFFFFFF  }
0xc3: {  	(tm) =	ssettm $0x7FFFFFFF  }
tec
execute0_lowered:
.L_overlay_start_1:
0x0: {  	(tag) =	ssettag $0x1  }
0x1: {  	s0 =	rddreg [dreg:$0x0]  }
0x2: {  	s1 =	rddreg [dreg:$0x1]  }
0x3: {  	s2 =	srdreg.scid;
	s3 =	rddreg [dreg:$0x2]  }
0x4: {  	s9 =	stileid.u32;
	s4 =	simm.s32 $0x0;
	s28 =	simm.s32 $0x1  }
0x5: {  	s29 =	simm.s32 $0x2;
	s30 =	simm.s32 $0x3;
	s31 =	simm.s32 $0x4  }
0x6: {  	s2 =	sand.u32 $0x1, s2;
	s6 =	smul.u32 $0x14000, s9;
	[smem:$0x7FF] =	sst s4  }
0x7: {  	s21 =	smul.u32 $0x50000, s9;
	s7 =	sadd.s32 $0x16800, s1;
	s9 =	sshll.u32 s9, $0x1  }
0x8: {  	s5 =	smul.u32 $0x140000, s2;
	s8 =	ssub.s32 $0x2, s2;
	s2 =	sor.u32 s2, s9  }
0x9: {  	s18 =	sadd.s32 $0x2800, s1;
	_ =	strace $0x8000004A;
	s13 =	smul.u32 $0x5000, s2  }
0xa: {  	s22 =	sshrl.u32 s21, $0x2;
	s23 =	sshrl.u32 s8, $0x1;
	s2 =	smul.u32 $0xA00, s2  }
0xb: {  	s21 =	simm.s32 $0x5000;
	s5 =	sadd.s32 s6, s5;
	s6 =	ssub.s32 s8, s23  }
0xc: {  	s23 =	simm.s32 $0x2800;
	s5 =	sshrl.u32 s5, $0x3;
	s15 =	sshrl.u32 s13, $0x3  }
0xd: {  	s16 =	sadd.s32 s18, s2;
	s20 =	smax.u32 s6, $0x1;
	s1 =	sadd.s32 s5, s1  }
0xe: {  	s5 =	sadd.s32 s22, s3;
	s19 =	sadd.s32 $0x500, s15;
	s15 =	sadd.s32 s7, s2  }
0xf: {  	s22 =	simm.s32 $0x5;
	s2 =	simm.s32 $0x4F80;
	s24 =	sadd.s32 $0x2000, s5  }
0x10: {  	s25 =	sadd.s32 $0x4000, s5;
	s26 =	sadd.s32 $0x6000, s5;
	s9 =	sadd.s32 $0x8000, s5  }
0x11: {  	s10 =	sadd.s32 $0xA000, s5;
	s11 =	sadd.s32 $0xC000, s5;
	s12 =	sadd.s32 $0xE000, s5  }
0x12: {  	s13 =	sadd.s32 $0x10000, s5;
	s14 =	sadd.s32 $0x12000, s5;
	[dreg:$0x4] =	wrdreg s24  }
0x13: {  	s17 =	sadd.s32 s7, s19;
	s18 =	sadd.s32 s18, s19;
	[dreg:$0x5] =	wrdreg s25  }
0x14: {  	s19 =	sadd.s32 $0x2A800, s1;
	s1 =	simm.s32 $0x4F00;
	[dreg:$0x6] =	wrdreg s26  }
0x15: {  	v0 =	vimm.f32 $0.0e+00;
	s24 =	simm.s32 $0x40;
	s25 =	simm.s32 $0x80;
	s26 =	simm.s32 $0x7000  }
.LBB2_1:
0x16: {  	s6 =	simm.s32 $0x0;
	s7 =	simm.s32 $0x200  }
.LBB2_2:
0x17: {  	p0 =	sne.s32 s7, $0x7E00;
	[tilespmem:s6+$0x5070] =	vst v0  }
0x18: {  	[tilespmem:s6+$0x5000] =	vst v0  }
0x19: {  	[tilespmem:s6+$0x5010] =	vst v0  }
.Ltmp0:
0x1a: {  	[tilespmem:s6+$0x5020] =	vst v0;
	(pc) =	sbr.rel @p0 .LBB2_2-.Ltmp0, $4  }
0x1b: {  	[tilespmem:s6+$0x5030] =	vst v0  }
0x1c: {  	[tilespmem:s6+$0x5040] =	vst v0  }
0x1d: {  	[tilespmem:s6+$0x5050] =	vst v0  }
0x1e: {  	[tilespmem:s6+$0x5060] =	vst v0;
	s6 =	sshra.s32 s7, $0x2;
	s7 =	sadd.s32 $0x200, s7  }
0x1f: {  	[tilespmem:s6+$0x5070] =	vst v0  }
0x20: {  	[tilespmem:s6+$0x5000] =	vst v0  }
0x21: {  	[tilespmem:s6+$0x5010] =	vst v0  }
0x22: {  	[tilespmem:s6+$0x5020] =	vst v0  }
0x23: {  	[tilespmem:s6+$0x5030] =	vst v0  }
0x24: {  	[tilespmem:s6+$0x5040] =	vst v0  }
0x25: {  	[tilespmem:s6+$0x5050] =	vst v0  }
0x26: {  	[tilespmem:s6+$0x5060] =	vst v0  }
0x27: {  	[spmem:s5] =	stream.linear.scatter [tilespmem:s21], [sflag:$0x5], $0x2000, $0x38;
	[tilespmem:$0x1D000] =	vst v63  }
0x28: {  	_ =	swait.ge [sflag:s22], $0x2000  }
0x29: {  	[sflag:s22] =	ssyncset.done $0x0  }
0x2a: {  	s8 =	rddreg [dreg:$0x4];
	[sflag:s22] =	ssyncadd.s32 $0xFFFFE000  }
0x2b: {  	[spmem:s8] =	stream.linear.scatter [tilespmem:s21], [sflag:$0x5], $0x2000, $0x38;
	[tilespmem:$0x1D000] =	vst v63  }
0x2c: {  	_ =	swait.ge [sflag:s22], $0x2000  }
0x2d: {  	[sflag:s22] =	ssyncset.done $0x0  }
0x2e: {  	s7 =	rddreg [dreg:$0x5];
	[sflag:s22] =	ssyncadd.s32 $0xFFFFE000  }
0x2f: {  	[spmem:s7] =	stream.linear.scatter [tilespmem:s21], [sflag:$0x5], $0x2000, $0x38;
	[tilespmem:$0x1D000] =	vst v63  }
0x30: {  	_ =	swait.ge [sflag:s22], $0x2000  }
0x31: {  	[sflag:s22] =	ssyncset.done $0x0  }
0x32: {  	s8 =	rddreg [dreg:$0x6];
	[sflag:s22] =	ssyncadd.s32 $0xFFFFE000  }
0x33: {  	[spmem:s8] =	stream.linear.scatter [tilespmem:s21], [sflag:$0x5], $0x2000, $0x38;
	[tilespmem:$0x1D000] =	vst v63  }
0x34: {  	_ =	swait.ge [sflag:s22], $0x2000  }
0x35: {  	[sflag:s22] =	ssyncset.done $0x0  }
0x36: {  	[sflag:s22] =	ssyncadd.s32 $0xFFFFE000  }
0x37: {  	[spmem:s9] =	stream.linear.scatter [tilespmem:s21], [sflag:$0x5], $0x2000, $0x38;
	[tilespmem:$0x1D000] =	vst v63  }
0x38: {  	_ =	swait.ge [sflag:s22], $0x2000  }
0x39: {  	[sflag:s22] =	ssyncset.done $0x0  }
0x3a: {  	[sflag:s22] =	ssyncadd.s32 $0xFFFFE000  }
0x3b: {  	[spmem:s10] =	stream.linear.scatter [tilespmem:s21], [sflag:$0x5], $0x2000, $0x38;
	[tilespmem:$0x1D000] =	vst v63  }
0x3c: {  	_ =	swait.ge [sflag:s22], $0x2000  }
0x3d: {  	[sflag:s22] =	ssyncset.done $0x0  }
0x3e: {  	[sflag:s22] =	ssyncadd.s32 $0xFFFFE000  }
0x3f: {  	[spmem:s11] =	stream.linear.scatter [tilespmem:s21], [sflag:$0x5], $0x2000, $0x38;
	[tilespmem:$0x1D000] =	vst v63  }
0x40: {  	_ =	swait.ge [sflag:s22], $0x2000  }
0x41: {  	[sflag:s22] =	ssyncset.done $0x0  }
0x42: {  	[sflag:s22] =	ssyncadd.s32 $0xFFFFE000  }
0x43: {  	[spmem:s12] =	stream.linear.scatter [tilespmem:s21], [sflag:$0x5], $0x2000, $0x38;
	[tilespmem:$0x1D000] =	vst v63  }
0x44: {  	_ =	swait.ge [sflag:s22], $0x2000  }
0x45: {  	[sflag:s22] =	ssyncset.done $0x0  }
0x46: {  	[sflag:s22] =	ssyncadd.s32 $0xFFFFE000  }
0x47: {  	[spmem:s13] =	stream.linear.scatter [tilespmem:s21], [sflag:$0x5], $0x2000, $0x38;
	[tilespmem:$0x1D000] =	vst v63  }
0x48: {  	_ =	swait.ge [sflag:s22], $0x2000  }
0x49: {  	[sflag:s22] =	ssyncset.done $0x0  }
0x4a: {  	[sflag:s22] =	ssyncadd.s32 $0xFFFFE000  }
0x4b: {  	[spmem:s14] =	stream.linear.scatter [tilespmem:s21], [sflag:$0x5], $0x2000, $0x38;
	[tilespmem:$0x1D000] =	vst v63  }
0x4c: {  	_ =	swait.ge [sflag:s22], $0x2000  }
0x4d: {  	[sflag:s22] =	ssyncset.done $0x0  }
0x4e: {  	[sflag:s22] =	ssyncadd.s32 $0xFFFFE000  }
0x4f: {  	s7 =	simm.s32 $0x0;
	[bflag:$0x0] =	sbarrier.arrive $0xFFFF  }
0x50: {  	[tilespmem:s7], [sflag:$0x5] =	stream.linear.gather [hbm4b:s15+s7], $0x2800, $0x38;
	[tilespmem:$0x1D000] =	vst v63  }
0x51: {  	_ =	swait.ge [sflag:s22], $0x2800  }
0x52: {  	[sflag:s22] =	ssyncset.done $0x0  }
0x53: {  	[sflag:s22] =	ssyncadd.s32 $0xFFFFD800  }
0x54: {  	[tilespmem:s23], [sflag:$0x5] =	stream.linear.gather [hbm4b:s16+s7], $0x2800, $0x38;
	[tilespmem:$0x1D000] =	vst v63  }
0x55: {  	_ =	swait.ge [sflag:s22], $0x2800  }
0x56: {  	[sflag:s22] =	ssyncset.done $0x0  }
0x57: {  	[sflag:s22] =	ssyncadd.s32 $0xFFFFD800  }
0x58: {  	[tilespmem:s21], [sflag:$0x1] =	stream.indirect.gather [hbm4b:s0+s24], $0x80, s7, s24, $0xb8;
	[tilespmem:$0x1D000] =	vst v63  }
0x59: {  	_ = 	snop  }
0x5a: {  	[tilespmem:s26], [sflag:$0x2] =	stream.indirect.gather [hbm4b:s0+s24], $0x80, s25, s24, $0xb8;
	[tilespmem:$0x1D000] =	vst v63  }
0x5b: {  	_ =	swait.ge [sflag:s28], $0x2000  }
0x5c: {  	[sflag:s28] =	ssyncset.done $0x0  }
0x5d: {  	s8 =	simm.s32 $0x2800;
	[sflag:s28] =	ssyncadd.s32 $0xFFFFE000  }
0x5e: {  	[spmem:s3] =	stream.indirect.scatter.add.f32 [tilespmem:s21], [sflag:$0x3], $0x80, s8, s24, $0xb8;
	[tilespmem:$0x1D000] =	vst v63  }
0x5f: {  	_ =	swait.ge [sflag:s29], $0x2000  }
0x60: {  	[sflag:s29] =	ssyncset.done $0x0  }
0x61: {  	s7 =	simm.s32 $0x2880;
	[sflag:s29] =	ssyncadd.s32 $0xFFFFE000  }
0x62: {  	[spmem:s3] =	stream.indirect.scatter.add.f32 [tilespmem:s26], [sflag:$0x4], $0x80, s7, s24, $0xb8;
	[tilespmem:$0x1D000] =	vst v63  }
0x63: {  	_ =	swait.ge [sflag:s30], $0x2000  }
0x64: {  	[sflag:s30] =	ssyncset.done $0x0  }
0x65: {  	s8 =	simm.s32 $0x100;
	[sflag:s30] =	ssyncadd.s32 $0xFFFFE000  }
0x66: {  	[tilespmem:s21], [sflag:$0x1] =	stream.indirect.gather [hbm4b:s0+s24], $0x80, s8, s24, $0xb8;
	[tilespmem:$0x1D000] =	vst v63  }
0x67: {  	_ =	swait.ge [sflag:s31], $0x2000  }
0x68: {  	[sflag:s31] =	ssyncset.done $0x0  }
0x69: {  	s6 =	simm.s32 $0x400;
	s7 =	simm.s32 $0x180;
	[sflag:s31] =	ssyncadd.s32 $0xFFFFE000  }
.LBB2_4:
0x6a: {  	[tilespmem:s26], [sflag:$0x2] =	stream.indirect.gather [hbm4b:s0+s24], $0x80, s7, s24, $0xb8;
	[tilespmem:$0x1D000] =	vst v63  }
0x6b: {  	s7 =	smov.u32 s6  }
0x6c: {  	p0 =	sne.s32 s6, $0x9800;
	s6 =	sadd.s32 $0x400, s6;
	_ =	swait.ge [sflag:s28], $0x2000  }
0x6d: {  	s7 =	sshra.s32 s7, $0x2;
	[sflag:s28] =	ssyncset.done $0x0  }
0x6e: {  	s8 =	sadd.s32 $0x2800, s7;
	[sflag:s28] =	ssyncadd.s32 $0xFFFFE000  }
0x6f: {  	[spmem:s3] =	stream.indirect.scatter.add.f32 [tilespmem:s21], [sflag:$0x3], $0x80, s8, s24, $0xb8;
	[tilespmem:$0x1D000] =	vst v63  }
0x70: {  	_ =	swait.ge [sflag:s29], $0x2000  }
0x71: {  	[sflag:s29] =	ssyncset.done $0x0  }
0x72: {  	s8 =	sadd.s32 $0x2880, s7;
	[sflag:s29] =	ssyncadd.s32 $0xFFFFE000  }
0x73: {  	[spmem:s3] =	stream.indirect.scatter.add.f32 [tilespmem:s26], [sflag:$0x4], $0x80, s8, s24, $0xb8;
	[tilespmem:$0x1D000] =	vst v63  }
0x74: {  	_ =	swait.ge [sflag:s30], $0x2000  }
0x75: {  	[sflag:s30] =	ssyncset.done $0x0  }
.Ltmp1:
0x76: {  	s8 =	sadd.s32 $0x100, s7;
	[sflag:s30] =	ssyncadd.s32 $0xFFFFE000;
	(pc) =	sbr.rel @p0 .LBB2_4-.Ltmp1, $4  }
0x77: {  	[tilespmem:s21], [sflag:$0x1] =	stream.indirect.gather [hbm4b:s0+s24], $0x80, s8, s24, $0xb8;
	[tilespmem:$0x1D000] =	vst v63  }
0x78: {  	_ =	swait.ge [sflag:s31], $0x2000  }
0x79: {  	[sflag:s31] =	ssyncset.done $0x0  }
0x7a: {  	s7 =	sadd.s32 $0x180, s7;
	[sflag:s31] =	ssyncadd.s32 $0xFFFFE000  }
0x7b: {  	[tilespmem:s26], [sflag:$0x2] =	stream.indirect.gather [hbm4b:s0+s24], $0x80, s7, s24, $0xb8;
	[tilespmem:$0x1D000] =	vst v63  }
0x7c: {  	_ =	swait.ge [sflag:s28], $0x2000  }
0x7d: {  	[sflag:s28] =	ssyncset.done $0x0  }
0x7e: {  	[sflag:s28] =	ssyncadd.s32 $0xFFFFE000  }
0x7f: {  	[spmem:s3] =	stream.indirect.scatter.add.f32 [tilespmem:s21], [sflag:$0x3], $0x80, s1, s24, $0xb8;
	[tilespmem:$0x1D000] =	vst v63  }
0x80: {  	_ =	swait.ge [sflag:s29], $0x2000  }
0x81: {  	[sflag:s29] =	ssyncset.done $0x0  }
0x82: {  	[sflag:s29] =	ssyncadd.s32 $0xFFFFE000  }
0x83: {  	[spmem:s3] =	stream.indirect.scatter.add.f32 [tilespmem:s26], [sflag:$0x4], $0x80, s2, s24, $0xb8;
	[tilespmem:$0x1D000] =	vst v63  }
0x84: {  	_ =	swait.ge [sflag:s30], $0x2000  }
0x85: {  	[sflag:s30] =	ssyncset.done $0x0  }
0x86: {  	[sflag:s30] =	ssyncadd.s32 $0xFFFFE000  }
0x87: {  	_ =	swait.ge [sflag:s31], $0x2000  }
0x88: {  	[sflag:s31] =	ssyncset.done $0x0  }
0x89: {  	s6 =	simm.s32 $0x0;
	[sflag:s31] =	ssyncadd.s32 $0xFFFFE000  }
0x8a: {  	[tilespmem:s6], [sflag:$0x5] =	stream.linear.gather [hbm4b:s17+s6], $0x2800, $0x38;
	[tilespmem:$0x1D000] =	vst v63  }
0x8b: {  	_ =	swait.ge [sflag:s22], $0x2800  }
0x8c: {  	[sflag:s22] =	ssyncset.done $0x0  }
0x8d: {  	[sflag:s22] =	ssyncadd.s32 $0xFFFFD800  }
0x8e: {  	[tilespmem:s23], [sflag:$0x5] =	stream.linear.gather [hbm4b:s18+s6], $0x2800, $0x38;
	[tilespmem:$0x1D000] =	vst v63  }
0x8f: {  	_ =	swait.ge [sflag:s22], $0x2800  }
0x90: {  	[sflag:s22] =	ssyncset.done $0x0  }
0x91: {  	[sflag:s22] =	ssyncadd.s32 $0xFFFFD800  }
0x92: {  	[tilespmem:s21], [sflag:$0x1] =	stream.indirect.gather [hbm4b:s0+s24], $0x80, s6, s24, $0xb8;
	[tilespmem:$0x1D000] =	vst v63  }
0x93: {  	_ = 	snop  }
0x94: {  	[tilespmem:s26], [sflag:$0x2] =	stream.indirect.gather [hbm4b:s0+s24], $0x80, s25, s24, $0xb8;
	[tilespmem:$0x1D000] =	vst v63  }
0x95: {  	_ =	swait.ge [sflag:s28], $0x2000  }
0x96: {  	[sflag:s28] =	ssyncset.done $0x0  }
0x97: {  	s8 =	simm.s32 $0x2800;
	[sflag:s28] =	ssyncadd.s32 $0xFFFFE000  }
0x98: {  	[spmem:s3] =	stream.indirect.scatter.add.f32 [tilespmem:s21], [sflag:$0x3], $0x80, s8, s24, $0xb8;
	[tilespmem:$0x1D000] =	vst v63  }
0x99: {  	_ =	swait.ge [sflag:s29], $0x2000  }
0x9a: {  	[sflag:s29] =	ssyncset.done $0x0  }
0x9b: {  	s7 =	simm.s32 $0x2880;
	[sflag:s29] =	ssyncadd.s32 $0xFFFFE000  }
0x9c: {  	[spmem:s3] =	stream.indirect.scatter.add.f32 [tilespmem:s26], [sflag:$0x4], $0x80, s7, s24, $0xb8;
	[tilespmem:$0x1D000] =	vst v63  }
0x9d: {  	_ =	swait.ge [sflag:s30], $0x2000  }
0x9e: {  	[sflag:s30] =	ssyncset.done $0x0  }
0x9f: {  	s8 =	simm.s32 $0x100;
	[sflag:s30] =	ssyncadd.s32 $0xFFFFE000  }
0xa0: {  	[tilespmem:s21], [sflag:$0x1] =	stream.indirect.gather [hbm4b:s0+s24], $0x80, s8, s24, $0xb8;
	[tilespmem:$0x1D000] =	vst v63  }
0xa1: {  	_ =	swait.ge [sflag:s31], $0x2000  }
0xa2: {  	[sflag:s31] =	ssyncset.done $0x0  }
0xa3: {  	s6 =	simm.s32 $0x400;
	s7 =	simm.s32 $0x180;
	[sflag:s31] =	ssyncadd.s32 $0xFFFFE000  }
.LBB2_6:
0xa4: {  	[tilespmem:s26], [sflag:$0x2] =	stream.indirect.gather [hbm4b:s0+s24], $0x80, s7, s24, $0xb8;
	[tilespmem:$0x1D000] =	vst v63  }
0xa5: {  	s7 =	smov.u32 s6  }
0xa6: {  	p0 =	sne.s32 s6, $0x9800;
	s6 =	sadd.s32 $0x400, s6;
	_ =	swait.ge [sflag:s28], $0x2000  }
0xa7: {  	s7 =	sshra.s32 s7, $0x2;
	[sflag:s28] =	ssyncset.done $0x0  }
0xa8: {  	s8 =	sadd.s32 $0x2800, s7;
	[sflag:s28] =	ssyncadd.s32 $0xFFFFE000  }
0xa9: {  	[spmem:s3] =	stream.indirect.scatter.add.f32 [tilespmem:s21], [sflag:$0x3], $0x80, s8, s24, $0xb8;
	[tilespmem:$0x1D000] =	vst v63  }
0xaa: {  	_ =	swait.ge [sflag:s29], $0x2000  }
0xab: {  	[sflag:s29] =	ssyncset.done $0x0  }
0xac: {  	s8 =	sadd.s32 $0x2880, s7;
	[sflag:s29] =	ssyncadd.s32 $0xFFFFE000  }
0xad: {  	[spmem:s3] =	stream.indirect.scatter.add.f32 [tilespmem:s26], [sflag:$0x4], $0x80, s8, s24, $0xb8;
	[tilespmem:$0x1D000] =	vst v63  }
0xae: {  	_ =	swait.ge [sflag:s30], $0x2000  }
0xaf: {  	[sflag:s30] =	ssyncset.done $0x0  }
.Ltmp2:
0xb0: {  	s8 =	sadd.s32 $0x100, s7;
	[sflag:s30] =	ssyncadd.s32 $0xFFFFE000;
	(pc) =	sbr.rel @p0 .LBB2_6-.Ltmp2, $4  }
0xb1: {  	[tilespmem:s21], [sflag:$0x1] =	stream.indirect.gather [hbm4b:s0+s24], $0x80, s8, s24, $0xb8;
	[tilespmem:$0x1D000] =	vst v63  }
0xb2: {  	_ =	swait.ge [sflag:s31], $0x2000  }
0xb3: {  	[sflag:s31] =	ssyncset.done $0x0  }
0xb4: {  	s7 =	sadd.s32 $0x180, s7;
	[sflag:s31] =	ssyncadd.s32 $0xFFFFE000  }
0xb5: {  	[tilespmem:s26], [sflag:$0x2] =	stream.indirect.gather [hbm4b:s0+s24], $0x80, s7, s24, $0xb8;
	[tilespmem:$0x1D000] =	vst v63  }
0xb6: {  	_ =	swait.ge [sflag:s28], $0x2000  }
0xb7: {  	[sflag:s28] =	ssyncset.done $0x0  }
0xb8: {  	[sflag:s28] =	ssyncadd.s32 $0xFFFFE000  }
0xb9: {  	[spmem:s3] =	stream.indirect.scatter.add.f32 [tilespmem:s21], [sflag:$0x3], $0x80, s1, s24, $0xb8;
	[tilespmem:$0x1D000] =	vst v63  }
0xba: {  	_ =	swait.ge [sflag:s29], $0x2000  }
0xbb: {  	[sflag:s29] =	ssyncset.done $0x0  }
0xbc: {  	[sflag:s29] =	ssyncadd.s32 $0xFFFFE000  }
0xbd: {  	[spmem:s3] =	stream.indirect.scatter.add.f32 [tilespmem:s26], [sflag:$0x4], $0x80, s2, s24, $0xb8;
	[tilespmem:$0x1D000] =	vst v63  }
0xbe: {  	_ =	swait.ge [sflag:s30], $0x2000  }
0xbf: {  	[sflag:s30] =	ssyncset.done $0x0  }
0xc0: {  	[sflag:s30] =	ssyncadd.s32 $0xFFFFE000  }
0xc1: {  	s6 =	stileid.u32;
	_ =	swait.ge [sflag:s31], $0x2000  }
0xc2: {  	s8 =	sshrl.u32 s5, $0x3;
	s4 =	sadd.s32 $0x1, s4;
	[sflag:s31] =	ssyncset.done $0x0  }
0xc3: {  	s6 =	sshll.u32 s6, $0x6;
	p0 =	sne.s32 s4, s20;
	[sflag:s31] =	ssyncadd.s32 $0xFFFFE000  }
.Ltmp3:
0xc4: {  	s6 =	sor.u32 $0x1C05, s6;
	[bflag:$0x0] =	sbarrier.arrive $0xFFFF;
	(pc) =	sbr.rel @p0 .LBB2_1-.Ltmp3, $4  }
0xc5: {  	[hbm:s19], [sflag:s6] =	dma.local [spmem:s8], $0x2800  }
0xc6: {  	_ =	swait.ge [sflag:s22], $0x2800  }
0xc7: {  	[sflag:s22] =	ssyncset.done $0x0  }
0xc8: {  	[sflag:s22] =	ssyncadd.s32 $0xFFFFD800  }
0xc9: {  	_ =	sfence.sel $0x180000  }
0xca: {  	[bflag:$0x0] =	sbarrier.arrive $0xFFFF  }
0xcb: {  	_ =	strace $0x9000004A  }
0xcc: {  	s0 =	stileid.u32;
	[bflag:$0x2] =	sbarrier.arrive $0xFFFF  }
0xcd: {  	p0 =	sne.s32 s0, $0x0;
	s0 =	rddreg [dreg:$0x3]  }
0xce: {  	s0 =	sadd.s32 @!p0 $0x100000, s0  }
0xcf: {  	[sflag:s0] =	ssyncadd.tile.s32 @!p0 $0x1;
	_ =	shalt  }
.Lfunc_end2:
_tile_overlayer_lowered:
.L_overlay_start_2:
0xd0: {  	(tag) =	ssettag $0x2  }
0xd1: {  	s0 =	rddreg [dreg:$0x0];
	s2 =	stileid.u32  }
0xd2: {  	s1 =	rddreg [dreg:$0x1];
	p0 =	sne.s32 s2, $0x0  }
0xd3: {  	s3 =	rddreg [dreg:$0x2];
	[bflag:$0x3] =	sbarrier.arrive $0xFFFF;
	s2 =	simm.s32 @!p0 $0x1C05  }
0xd4: {  	[timem:s3], [sflag:s2] =	dma.local @!p0 [hbm:s0], s1  }
0xd5: {  	s0 =	simm.s32 @!p0 $0x5  }
0xd6: {  	_ =	swait.ge @!p0 [sflag:s0], s1  }
0xd7: {  	s1 =	ssub.s32 @!p0 $0x0, s1;
	[sflag:s0] =	ssyncset.done @!p0 $0x0  }
0xd8: {  	[sflag:s0] =	ssyncadd.s32 @!p0 s1  }
0xd9: {  	[bflag:$0x3] =	sbarrier.arrive $0xFFFF  }
0xda: {  	_ =	shalt  }

</sc_bundles>
